<compile_context>
chip_gen: v7x
topology: tpu7x:2x2x1
jax: 0.10.2.dev20260603
libtpu: 0.0.44.dev20260713+nightly
codegen_flags: <defaults>
</compile_context>

<pallas_src>
import functools

import jax
import jax.numpy as jnp
from jax import lax
from jax.experimental import pallas as pl
from jax.experimental.pallas import tpu as pltpu
from jax.experimental.pallas import tpu_sc as plsc

_N = 10000
_D = 128
_H = 8
_HD = 16
_DFF = 512
_EPS = 1e-6

_NPAD = 10240
_ETOT = _N + 320000
_B = 128
_NW = 16
_EPW = 164 * _B
_EPAD = _NW * _EPW
_NH = _NPAD // 2
_NH8 = _NH // 8
_NHP = 5248
_NH8P = 656
_ARPT = _NHP // 16
_DPT2 = _NH8P // 16
_NDG = _NPAD // 8
_DRPT = _NDG // 16
_NBLK = 512
_NGRID = _NPAD // _NBLK


def _prep_body(nf_ref, a1_ref, b1n_ref, wt_ref, asf_ref, adf_ref, p_ref,
               ts_ref, sd_ref, gs_ref, gd_ref, gsum_ref):
    i = pl.program_id(0)
    x = nf_ref[...]
    m = jnp.mean(x, axis=1, keepdims=True)
    xc = x - m
    var = jnp.sum(xc * xc, axis=1, keepdims=True) / (_D - 1)
    h = a1_ref[...] * xc / (jnp.sqrt(var) + _EPS) + b1n_ref[...]
    xp = jnp.dot(h, wt_ref[...], preferred_element_type=jnp.float32)
    a_src = jnp.dot(xp * asf_ref[...], p_ref[...],
                    preferred_element_type=jnp.float32)
    a_dst = jnp.dot(xp * adf_ref[...], p_ref[...],
                    preferred_element_type=jnp.float32)
    ts_ref[...] = jnp.concatenate([xp, a_src], axis=1)
    sd_ref[...] = a_dst

    @pl.when(i == 0)
    def _():
        gs_ref[...] = jnp.full((8, 128), -1e30, jnp.float32)
        gd_ref[...] = jnp.full((8, 128), -1e30, jnp.float32)

    gs_ref[...] = jnp.maximum(gs_ref[...], jnp.max(a_src))
    gd_ref[...] = jnp.maximum(gd_ref[...], jnp.max(a_dst))

    @pl.when(i == _NGRID - 1)
    def _():
        gsum_ref[...] = jnp.maximum(gs_ref[...] + gd_ref[...], 0.0)


def _prep_call(nfp, a1, b1n, watt_t, asf, adf, p16):
    return pl.pallas_call(
        _prep_body,
        grid=(_NGRID,),
        in_specs=[
            pl.BlockSpec((_NBLK, _D), lambda i: (i, 0)),
            pl.BlockSpec((1, _D), lambda i: (0, 0)),
            pl.BlockSpec((1, _D), lambda i: (0, 0)),
            pl.BlockSpec((_D, _D), lambda i: (0, 0)),
            pl.BlockSpec((1, _D), lambda i: (0, 0)),
            pl.BlockSpec((1, _D), lambda i: (0, 0)),
            pl.BlockSpec((_D, _D), lambda i: (0, 0)),
        ],
        out_specs=[
            pl.BlockSpec((_NBLK, 2 * _D), lambda i: (i, 0)),
            pl.BlockSpec((_NBLK, _D), lambda i: (i, 0)),
            pl.BlockSpec((8, 128), lambda i: (0, 0)),
            pl.BlockSpec((8, 128), lambda i: (0, 0)),
            pl.BlockSpec((8, 128), lambda i: (0, 0)),
        ],
        out_shape=[
            jax.ShapeDtypeStruct((_NPAD, 2 * _D), jnp.float32),
            jax.ShapeDtypeStruct((_NPAD, _D), jnp.float32),
            jax.ShapeDtypeStruct((8, 128), jnp.float32),
            jax.ShapeDtypeStruct((8, 128), jnp.float32),
            jax.ShapeDtypeStruct((8, 128), jnp.float32),
        ],
    )(nfp, a1, b1n, watt_t, asf, adf, p16)


def _iota16(v):
    return lax.broadcasted_iota(jnp.int32, (16,), 0) * 0 + v


def _ramp16(v):
    return lax.broadcasted_iota(jnp.int32, (16,), 0) + v


_GATHER_DNUMS = lax.GatherDimensionNumbers(
    offset_dims=(), collapsed_slice_dims=(0,), start_index_map=(0,))


def _lane_splat(vec, lane):
    idx = _iota16(lane)
    return lax.gather(vec, idx[:, None], _GATHER_DNUMS, slice_sizes=(1,),
                      mode=lax.GatherScatterMode.PROMISE_IN_BOUNDS)


_lane_splat_i32 = _lane_splat


def _sc_body(src_hbm, dst_hbm, xp_hbm, sd_hbm, g_hbm,
             acc_hbm, den_hbm,
             sidx, didx, didx8, didxm, didx8m, x_v, sd_v, w_v, m_v,
             g_v, oidx, acc_sh, den_sh, sem1, sem3):
    s = lax.axis_index("s")
    wid = s
    zero16 = jnp.zeros((16,), jnp.float32)
    f32 = jnp.float32

    pltpu.sync_copy(g_hbm.at[0, pl.ds(0, 16)], g_v)
    gvec = g_v[...]

    for ph in range(2):
        def _zm(i, _):
            m_v[i // 8, pl.ds((i % 8) * 16, 16)] = zero16
            return 0
        lax.fori_loop(0, _B * 8, _zm, 0)

        abase = s * _ARPT
        pltpu.sync_copy(m_v, acc_sh.at[pl.ds(abase, _B)])
        pltpu.sync_copy(m_v, acc_sh.at[pl.ds(abase + _B, _B)])
        pltpu.sync_copy(m_v.at[pl.ds(0, _ARPT - 2 * _B)],
                        acc_sh.at[pl.ds(abase + 2 * _B, _ARPT - 2 * _B)])
        pltpu.sync_copy(m_v.at[pl.ds(0, _DPT2)],
                        den_sh.at[pl.ds(s * _DPT2, _DPT2)])
        plsc.subcore_barrier()

        def chunk_body(k, _):
            ebase = wid * _EPW + k * _B
            pltpu.sync_copy(src_hbm.at[pl.ds(ebase, _B)], sidx)
            pltpu.sync_copy(dst_hbm.at[pl.ds(ebase, _B)], didx)
            cp1 = pltpu.async_copy(xp_hbm.at[sidx], x_v, sem1)
            cp3 = pltpu.async_copy(sd_hbm.at[didx], sd_v, sem3)
            for j in range(_B // 16):
                sl16 = pl.ds(j * 16, 16)
                d8v = lax.shift_right_logical(didx[sl16], 3)
                didx8[sl16] = d8v
                lf = (didx[sl16] - ph * _NH).astype(f32)
                ind = jnp.minimum(jnp.maximum(lf + 1.0, 0.0), 1.0) * \
                    jnp.minimum(jnp.maximum(float(_NH) - lf, 0.0), 1.0)
                didxm[sl16] = (lf * ind + float(_NH) * (1.0 - ind)) \
                    .astype(jnp.int32)
                lf8 = (d8v - ph * _NH8).astype(f32)
                ind8 = jnp.minimum(jnp.maximum(lf8 + 1.0, 0.0), 1.0) * \
                    jnp.minimum(jnp.maximum(float(_NH8) - lf8, 0.0), 1.0)
                didx8m[sl16] = (lf8 * ind8 + float(_NH8) * (1.0 - ind8)) \
                    .astype(jnp.int32)
            cp1.wait()
            cp3.wait()

            def grp_body(j, _):
                g16f = (didx[pl.ds(j * 16, 16)] & 7).astype(f32)

                def edge_body(b2, _):
                    b = j * 16 + b2
                    e = x_v[b, pl.ds(_D, 16)] + sd_v[b, pl.ds(0, 16)]
                    el = jnp.where(e >= 0, e, 0.2 * e)
                    w = jnp.exp(el - gvec)
                    gs = _lane_splat(g16f, b2)
                    for hh in range(_H):
                        wb = _lane_splat(w, hh)
                        m_v[b, pl.ds(hh * 16, 16)] = \
                            wb * x_v[b, pl.ds(hh * 16, 16)]
                    for kk in range(8):
                        ind = jnp.maximum(1.0 - jnp.abs(gs - float(kk)), 0.0)
                        w_v[b, pl.ds(kk * 16, 16)] = w * ind
                    return 0

                lax.fori_loop(0, 16, edge_body, 0)
                return 0

            lax.fori_loop(0, _B // 16, grp_body, 0)
            pltpu.sync_copy(m_v, acc_sh.at[didxm], add=True)
            pltpu.sync_copy(w_v, den_sh.at[didx8m], add=True)
            return 0

        lax.fori_loop(0, _EPW // _B, chunk_body, 0)
        plsc.subcore_barrier()

        for q in range(_NH // 16 // 64):
            rbase = s * (_NH // 16) + q * 64
            for t in range(4):
                oidx[pl.ds(t * 16, 16)] = _ramp16(ph * _NH + rbase + t * 16)
            pltpu.sync_copy(acc_sh.at[pl.ds(rbase, 64)], m_v.at[pl.ds(0, 64)])
            pltpu.async_copy(m_v.at[pl.ds(0, 64)], acc_hbm.at[oidx],
                             sem1).wait()

        @pl.when(s < _NH8 // 64)
        def _():
            for t in range(4):
                oidx[pl.ds(t * 16, 16)] = _ramp16(ph * _NH8 + s * 64 + t * 16)
            pltpu.sync_copy(den_sh.at[pl.ds(s * 64, 64)],
                            m_v.at[pl.ds(0, 64)])
            pltpu.async_copy(m_v.at[pl.ds(0, 64)], den_hbm.at[oidx],
                             sem1).wait()

        plsc.subcore_barrier()


_sc_call = functools.partial(
    pl.kernel,
    mesh=plsc.VectorSubcoreMesh(core_axis_name="c", subcore_axis_name="s",
                                num_cores=1),
    out_type=[
        pltpu.HBM((_NPAD, 128), jnp.float32),
        pltpu.HBM((_NDG, 128), jnp.float32),
    ],
    scratch_types=[
        pltpu.VMEM((_B,), jnp.int32),
        pltpu.VMEM((_B,), jnp.int32),
        pltpu.VMEM((_B,), jnp.int32),
        pltpu.VMEM((_B,), jnp.int32),
        pltpu.VMEM((_B,), jnp.int32),
        pltpu.VMEM((_B, 2 * _D), jnp.float32),
        pltpu.VMEM((_B, 128), jnp.float32),
        pltpu.VMEM((_B, 128), jnp.float32),
        pltpu.VMEM((_B, 128), jnp.float32),
        pltpu.VMEM((16,), jnp.float32),
        pltpu.VMEM((64,), jnp.int32),
        pltpu.VMEM_SHARED((_NHP, 128), jnp.float32),
        pltpu.VMEM_SHARED((_NH8P, 128), jnp.float32),
        pltpu.SemaphoreType.DMA,
        pltpu.SemaphoreType.DMA,
    ],
)(_sc_body)


def _ffn_body(nf_ref, acc_ref, den_ref, q_ref, bias_ref,
              a2_ref, b2n_ref, w1_ref, b1_ref, w2_ref, b2_ref, out_ref):
    accs = acc_ref[...]
    dens = den_ref[...]
    den_big = jnp.dot(dens, q_ref[...], preferred_element_type=jnp.float32)
    nf2 = nf_ref[...] + accs / (den_big + 1e-16) + bias_ref[...]
    m = jnp.mean(nf2, axis=1, keepdims=True)
    xc = nf2 - m
    var = jnp.sum(xc * xc, axis=1, keepdims=True) / (_D - 1)
    h2 = a2_ref[...] * xc / (jnp.sqrt(var) + _EPS) + b2n_ref[...]
    ff1 = jnp.maximum(
        jnp.dot(h2, w1_ref[...], preferred_element_type=jnp.float32)
        + b1_ref[...], 0.0)
    ff2 = jnp.dot(ff1, w2_ref[...], preferred_element_type=jnp.float32) \
        + b2_ref[...]
    out_ref[...] = nf2 + ff2


def _ffn_call(nfp, acc, den, q, bias, a2, b2n, w1t, b1, w2t, b2):
    return pl.pallas_call(
        _ffn_body,
        grid=(_NGRID,),
        in_specs=[
            pl.BlockSpec((_NBLK, _D), lambda i: (i, 0)),
            pl.BlockSpec((_NBLK, _D), lambda i: (i, 0)),
            pl.BlockSpec((_NBLK, 16), lambda i: (i, 0)),
            pl.BlockSpec((16, _D), lambda i: (0, 0)),
            pl.BlockSpec((1, _D), lambda i: (0, 0)),
            pl.BlockSpec((1, _D), lambda i: (0, 0)),
            pl.BlockSpec((1, _D), lambda i: (0, 0)),
            pl.BlockSpec((_D, _DFF), lambda i: (0, 0)),
            pl.BlockSpec((1, _DFF), lambda i: (0, 0)),
            pl.BlockSpec((_DFF, _D), lambda i: (0, 0)),
            pl.BlockSpec((1, _D), lambda i: (0, 0)),
        ],
        out_specs=pl.BlockSpec((_NBLK, _D), lambda i: (i, 0)),
        out_shape=jax.ShapeDtypeStruct((_NPAD, _D), jnp.float32),
    )(nfp, acc, den, q, bias, a2, b2n, w1t, b1, w2t, b2)


def kernel(nf, ei, a1, b1n, a2, b2n, W_att, att_src, att_dst, bias_att,
           W1, b1, W2, b2):
    f32 = jnp.float32
    nfp = jnp.pad(nf, ((0, _NPAD - _N), (0, 0)))
    loop = jnp.arange(_N, dtype=jnp.int32)
    src = jnp.concatenate([ei[0].astype(jnp.int32), loop])
    dst = jnp.concatenate([ei[1].astype(jnp.int32), loop])
    src = jnp.pad(src, (0, _EPAD - _ETOT), constant_values=_N)
    dst = jnp.pad(dst, (0, _EPAD - _ETOT), constant_values=_N)

    p128 = (jnp.arange(_D)[:, None] // _HD == jnp.arange(_D)[None, :]) \
        .astype(f32)
    q16 = (jnp.arange(16)[:, None] == jnp.arange(_D)[None, :] // _HD) \
        .astype(f32)

    ts, sd, _, _, gsum = _prep_call(
        nfp, a1.reshape(1, _D), b1n.reshape(1, _D), W_att.T,
        att_src.reshape(1, _D), att_dst.reshape(1, _D), p128)

    acc, den = _sc_call(src, dst, ts, sd, gsum)
    den = den.reshape(_NPAD, 16)

    out = _ffn_call(
        nfp, acc, den, q16, bias_att.reshape(1, _D),
        a2.reshape(1, _D), b2n.reshape(1, _D), W1.T, b1.reshape(1, _DFF),
        W2.T, b2.reshape(1, _D))
    return out[:_N]

# --- scband reference (transcript-rebuilt; emitter-appended) ---
"""Pipeline reference for scband-encoder-layer-73821897884034 (READ-ONLY COPY).

The authoritative reference and input builder live on the scoring server;
editing this copy changes nothing except your own understanding.
"""

import jax, jax.numpy as jnp
import numpy as np

N_NODES = 10000
N_EDGES = 320000
D_MODEL = 128
N_HEADS = 8
HEAD_DIM = D_MODEL // N_HEADS
D_FF = 512
EPS = 1e-06


def layer_norm(x, a, b):
    mean = jnp.mean(x, axis=-1, keepdims=True)
    std = jnp.std(x, axis=-1, keepdims=True, ddof=1)  # torch.std is unbiased
    return a * (x - mean) / (std + EPS) + b


def gat_conv(x, edge_index, W_att, att_src, att_dst, bias_att):
    N = x.shape[0]
    H, C = att_src.shape
    # add self-loops (PyG GATConv default add_self_loops=True)
    loop = jnp.arange(N, dtype=edge_index.dtype)
    src = jnp.concatenate([edge_index[0], loop])
    dst = jnp.concatenate([edge_index[1], loop])
    xp = (x @ W_att.T).reshape(N, H, C)
    a_src = jnp.sum(xp * att_src[None, :, :], axis=-1)  # [N, H]
    a_dst = jnp.sum(xp * att_dst[None, :, :], axis=-1)  # [N, H]
    e = a_src[src] + a_dst[dst]                          # [E, H]
    e = jax.nn.leaky_relu(e, negative_slope=0.2)
    e_max = jax.ops.segment_max(e, dst, num_segments=N)
    e_max = jnp.where(jnp.isfinite(e_max), e_max, 0.0)
    ex = jnp.exp(e - e_max[dst])
    denom = jax.ops.segment_sum(ex, dst, num_segments=N)
    alpha = ex / (denom[dst] + 1e-16)                    # [E, H]
    msg = xp[src] * alpha[:, :, None]                    # [E, H, C]
    out = jax.ops.segment_sum(msg, dst, num_segments=N)  # [N, H, C]
    return out.reshape(N, H * C) + bias_att


def setup_inputs(seed: int = 0):
    key = jax.random.key(seed)
    ks = jax.random.split(key, 10)
    nf = jax.random.normal(ks[0], (N_NODES, D_MODEL), dtype=jnp.float32)
    ei = jax.random.randint(ks[1], (2, N_EDGES), 0, N_NODES)
    a1 = jnp.ones((D_MODEL,), jnp.float32)
    b1n = jnp.zeros((D_MODEL,), jnp.float32)
    a2 = jnp.ones((D_MODEL,), jnp.float32)
    b2n = jnp.zeros((D_MODEL,), jnp.float32)
    W_att = jax.random.normal(ks[2], (N_HEADS * HEAD_DIM, D_MODEL), jnp.float32) * 0.05
    att_src = jax.random.normal(ks[3], (N_HEADS, HEAD_DIM), jnp.float32) * 0.1
    att_dst = jax.random.normal(ks[4], (N_HEADS, HEAD_DIM), jnp.float32) * 0.1
    bias_att = jnp.zeros((N_HEADS * HEAD_DIM,), jnp.float32)
    W1 = jax.random.normal(ks[5], (D_FF, D_MODEL), jnp.float32) * 0.05
    b1 = jnp.zeros((D_FF,), jnp.float32)
    W2 = jax.random.normal(ks[6], (D_MODEL, D_FF), jnp.float32) * 0.05
    b2 = jnp.zeros((D_MODEL,), jnp.float32)
    return {"nf": nf, "ei": ei, "a1": a1, "b1n": b1n, "a2": a2, "b2n": b2n,
            "W_att": W_att, "att_src": att_src, "att_dst": att_dst, "bias_att": bias_att,
            "W1": W1, "b1": b1, "W2": W2, "b2": b2}


def reference(nf, ei, a1, b1n, a2, b2n, W_att, att_src, att_dst, bias_att, W1, b1, W2, b2):
    h = layer_norm(nf, a1, b1n)
    nf = nf + gat_conv(h, ei, W_att, att_src, att_dst, bias_att)  # dropout=0.0
    h2 = layer_norm(nf, a2, b2n)
    ff = jax.nn.relu(h2 @ W1.T + b1) @ W2.T + b2
    nf = nf + ff
    return nf

if __name__ == "__main__":
    import jax
    _d = setup_inputs()
    print(jax.jit(kernel)(*tuple(_d.values())))

</pallas_src>

<mosaic_0001>
#map = affine_map<(d0, d1) -> (0)>
#map1 = affine_map<(d0, d1) -> (0, 0)>
module attributes {stable_mosaic.version = 14 : i64} {
  func.func @_sc_body(%arg0: i32, %arg1: i32, %arg2: memref<335872xi32, #tpu.memory_space<hbm>>, %arg3: memref<335872xi32, #tpu.memory_space<hbm>>, %arg4: memref<10240x256xf32, #tpu.memory_space<hbm>>, %arg5: memref<10240x128xf32, #tpu.memory_space<hbm>>, %arg6: memref<8x128xf32, #tpu.memory_space<hbm>>, %arg7: memref<10240x128xf32, #tpu.memory_space<hbm>>, %arg8: memref<1280x128xf32, #tpu.memory_space<hbm>>, %arg9: memref<128xi32, #tpu.memory_space<vmem>>, %arg10: memref<128xi32, #tpu.memory_space<vmem>>, %arg11: memref<128xi32, #tpu.memory_space<vmem>>, %arg12: memref<128xi32, #tpu.memory_space<vmem>>, %arg13: memref<128xi32, #tpu.memory_space<vmem>>, %arg14: memref<128x256xf32, #tpu.memory_space<vmem>>, %arg15: memref<128x128xf32, #tpu.memory_space<vmem>>, %arg16: memref<128x128xf32, #tpu.memory_space<vmem>>, %arg17: memref<128x128xf32, #tpu.memory_space<vmem>>, %arg18: memref<16xf32, #tpu.memory_space<vmem>>, %arg19: memref<64xi32, #tpu.memory_space<vmem>>, %arg20: memref<5248x128xf32, #tpu.memory_space<vmem_shared>>, %arg21: memref<656x128xf32, #tpu.memory_space<vmem_shared>>, %arg22: memref<!tpu.dma_semaphore, #tpu.memory_space<semaphore_mem>>, %arg23: memref<!tpu.dma_semaphore, #tpu.memory_space<semaphore_mem>>) attributes {dimension_semantics = [#tpu.dimension_semantics<core_parallel>, #tpu.dimension_semantics<subcore_parallel>], iteration_bounds = array<i64: 1, 16>, scalar_prefetch = 0 : i64, scratch_operands = 15 : i64, tpu.core_type = #tpu.core_type<sc_vector_subcore>, window_params = [{transform_indices = #map}, {transform_indices = #map}, {transform_indices = #map1}, {transform_indices = #map1}, {transform_indices = #map1}, {transform_indices = #map1}, {transform_indices = #map1}]} {
    %broadcast_in_dim3A = arith.constant 0.000000e+00 : f32
    %broadcast_in_dim3A_0 = vector.broadcast %broadcast_in_dim3A : f32 to vector<16xf32>
    %run_scoped3A = arith.constant 0 : i32
    "tpu.region"() ({
      %run_scoped3A_652 = tpu.sem_alloc : memref<!tpu.dma_semaphore, #tpu.memory_space<semaphore_mem>>
      %dma_start3A_653 = arith.constant 0 : i32
      %dma_start3A_654 = tpu.memref_slice %arg6[%run_scoped3A, %dma_start3A_653] : memref<8x128xf32, #tpu.memory_space<hbm>> -> memref<1x16xf32, #tpu.memory_space<hbm>>
      %dma_start3A_655 = tpu.memref_squeeze %dma_start3A_654 : memref<1x16xf32, #tpu.memory_space<hbm>> -> memref<16xf32, #tpu.memory_space<hbm>>
      %dma_start3A_656 = arith.constant 0 : i32
      %dma_start3A_657 = tpu.memref_slice %arg6[%run_scoped3A, %dma_start3A_656] : memref<8x128xf32, #tpu.memory_space<hbm>> -> memref<1x16xf32, #tpu.memory_space<hbm>>
      %dma_start3A_658 = tpu.memref_squeeze %dma_start3A_657 : memref<1x16xf32, #tpu.memory_space<hbm>> -> memref<16xf32, #tpu.memory_space<hbm>>
      tpu.enqueue_dma source(%dma_start3A_658 : memref<16xf32, #tpu.memory_space<hbm>>) target(%arg18 : memref<16xf32, #tpu.memory_space<vmem>>) target_semaphore(%run_scoped3A_652 : memref<!tpu.dma_semaphore, #tpu.memory_space<semaphore_mem>>)
      %dma_wait3A_659 = arith.constant 0 : i32
      %dma_wait3A_660 = tpu.memref_slice %arg6[%run_scoped3A, %dma_wait3A_659] : memref<8x128xf32, #tpu.memory_space<hbm>> -> memref<1x16xf32, #tpu.memory_space<hbm>>
      %dma_wait3A_661 = tpu.memref_squeeze %dma_wait3A_660 : memref<1x16xf32, #tpu.memory_space<hbm>> -> memref<16xf32, #tpu.memory_space<hbm>>
      %dma_wait3A_662 = arith.constant 0 : i32
      %dma_wait3A_663 = tpu.memref_slice %arg6[%run_scoped3A, %dma_wait3A_662] : memref<8x128xf32, #tpu.memory_space<hbm>> -> memref<1x16xf32, #tpu.memory_space<hbm>>
      %dma_wait3A_664 = tpu.memref_squeeze %dma_wait3A_663 : memref<1x16xf32, #tpu.memory_space<hbm>> -> memref<16xf32, #tpu.memory_space<hbm>>
      tpu.wait_dma2 semaphore(%run_scoped3A_652 : memref<!tpu.dma_semaphore, #tpu.memory_space<semaphore_mem>>) src(%dma_wait3A_664 : memref<16xf32, #tpu.memory_space<hbm>>) dst(%arg18 : memref<16xf32, #tpu.memory_space<vmem>>)
      tpu.yield
    }) : () -> ()
    %get3A = arith.constant 0 : index
    %get3A_1 = tpu.vector_load %arg18[%get3A] {strides = array<i32>} : memref<16xf32, #tpu.memory_space<vmem>>, vector<16xf32>,
    %get3A_2 = vector.shape_cast %get3A_1 : vector<16xf32> to vector<16xf32>
    %scan3A = arith.constant 0 : i32
    %scan3A_3 = arith.constant 0 : i32
    %scan3A_4 = arith.constant 1024 : i32
    %scan3A_5 = arith.addi %scan3A_3, %scan3A_4 : i32
    %scan3A_6 = arith.constant 1 : i32
    %scan3A_7 = scf.for %scan3A_652 = %scan3A_3 to %scan3A_5 step %scan3A_6 iter_args(%scan3A_653 = %scan3A) -> (i32)  : i32 {
      %jit3A = arith.constant 8 : i32
      %div3A = arith.divsi %scan3A_652, %jit3A : i32
      %sign3A = arith.constant 0 : i32
      %sign3A_654 = arith.cmpi sgt, %scan3A_652, %sign3A : i32
      %sign3A_655 = arith.extui %sign3A_654 : i1 to i32
      %sign3A_656 = arith.constant 0 : i32
      %sign3A_657 = arith.cmpi slt, %scan3A_652, %sign3A_656 : i32
      %sign3A_658 = arith.extui %sign3A_657 : i1 to i32
      %sign3A_659 = arith.subi %sign3A_655, %sign3A_658 : i32
      %sign3A_660 = arith.constant 0 : i32
      %sign3A_661 = arith.cmpi sgt, %jit3A, %sign3A_660 : i32
      %sign3A_662 = arith.extui %sign3A_661 : i1 to i32
      %sign3A_663 = arith.constant 0 : i32
      %sign3A_664 = arith.cmpi slt, %jit3A, %sign3A_663 : i32
      %sign3A_665 = arith.extui %sign3A_664 : i1 to i32
      %sign3A_666 = arith.subi %sign3A_662, %sign3A_665 : i32
      %ne3A = arith.cmpi ne, %sign3A_659, %sign3A_666 : i32
      %rem3A = arith.remsi %scan3A_652, %jit3A : i32
      %ne3A_667 = arith.constant 0 : i32
      %ne3A_668 = arith.cmpi ne, %rem3A, %ne3A_667 : i32
      %and3A = arith.andi %ne3A, %ne3A_668 : i1
      %sub3A = arith.constant 1 : i32
      %sub3A_669 = arith.subi %div3A, %sub3A : i32
      %select_n3A = arith.select %and3A, %sub3A_669, %div3A : i32
      %jit3A_670 = arith.constant 8 : i32
      %eq3A = arith.constant 0 : i32
      %eq3A_671 = arith.cmpi eq, %jit3A_670, %eq3A : i32
      %jit3A_672 = arith.constant 1 : i32
      %select_n3A_673 = arith.select %eq3A_671, %jit3A_672, %jit3A_670 : i32
      %rem3A_674 = arith.remsi %scan3A_652, %select_n3A_673 : i32
      %ne3A_675 = arith.constant 0 : i32
      %ne3A_676 = arith.cmpi ne, %rem3A_674, %ne3A_675 : i32
      %lt3A_677 = arith.constant 0 : i32
      %lt3A_678 = arith.cmpi slt, %rem3A_674, %lt3A_677 : i32
      %lt3A_679 = arith.constant 0 : i32
      %lt3A_680 = arith.cmpi slt, %select_n3A_673, %lt3A_679 : i32
      %ne3A_681 = arith.xori %lt3A_678, %lt3A_680 : i1
      %and3A_682 = arith.andi %ne3A_681, %ne3A_676 : i1
      %add3A_683 = arith.addi %rem3A_674, %select_n3A_673 : i32
      %select_n3A_684 = arith.select %and3A_682, %add3A_683, %rem3A_674 : i32
      %mul3A_685 = arith.constant 16 : i32
      %mul3A_686 = arith.muli %select_n3A_684, %mul3A_685 : i32
      %swap3A_687 = arith.index_cast %select_n3A : i32 to index
      %swap3A_688 = arith.index_cast %mul3A_686 : i32 to index
      %swap3A_689 = tpu.vector_load %arg17[%swap3A_687, %swap3A_688] {strides = array<i32>} : memref<128x128xf32, #tpu.memory_space<vmem>>, vector<1x16xf32>,
      %swap3A_690 = vector.shape_cast %swap3A_689 : vector<1x16xf32> to vector<16xf32>
      %swap3A_691 = vector.shape_cast %broadcast_in_dim3A_0 : vector<16xf32> to vector<1x16xf32>
      tpu.vector_store %arg17[%swap3A_687, %swap3A_688], %swap3A_691 {strides = array<i32>} : memref<128x128xf32, #tpu.memory_space<vmem>>, vector<1x16xf32>,
      %scan3A_692 = arith.constant 0 : i32
      scf.yield %scan3A_692 : i32
    }
    %scan3A_8 = arith.constant 1024 : i32
    %mul3A = arith.constant 328 : i32
    %mul3A_9 = arith.muli %arg1, %mul3A : i32
    "tpu.region"() ({
      %run_scoped3A_652 = tpu.sem_alloc : memref<!tpu.dma_semaphore, #tpu.memory_space<semaphore_mem>>
      %dma_start3A_653 = arith.constant 0 : i32
      %dma_start3A_654 = tpu.memref_slice %arg20[%mul3A_9, %dma_start3A_653] : memref<5248x128xf32, #tpu.memory_space<vmem_shared>> -> memref<128x128xf32, #tpu.memory_space<vmem_shared>>
      %dma_start3A_655 = arith.constant 0 : i32
      %dma_start3A_656 = tpu.memref_slice %arg20[%mul3A_9, %dma_start3A_655] : memref<5248x128xf32, #tpu.memory_space<vmem_shared>> -> memref<128x128xf32, #tpu.memory_space<vmem_shared>>
      tpu.enqueue_dma source(%arg17 : memref<128x128xf32, #tpu.memory_space<vmem>>) target(%dma_start3A_656 : memref<128x128xf32, #tpu.memory_space<vmem_shared>>) target_semaphore(%run_scoped3A_652 : memref<!tpu.dma_semaphore, #tpu.memory_space<semaphore_mem>>)
      %dma_wait3A_657 = arith.constant 0 : i32
      %dma_wait3A_658 = tpu.memref_slice %arg20[%mul3A_9, %dma_wait3A_657] : memref<5248x128xf32, #tpu.memory_space<vmem_shared>> -> memref<128x128xf32, #tpu.memory_space<vmem_shared>>
      %dma_wait3A_659 = arith.constant 0 : i32
      %dma_wait3A_660 = tpu.memref_slice %arg20[%mul3A_9, %dma_wait3A_659] : memref<5248x128xf32, #tpu.memory_space<vmem_shared>> -> memref<128x128xf32, #tpu.memory_space<vmem_shared>>
      tpu.wait_dma2 semaphore(%run_scoped3A_652 : memref<!tpu.dma_semaphore, #tpu.memory_space<semaphore_mem>>) src(%arg17 : memref<128x128xf32, #tpu.memory_space<vmem>>) dst(%dma_wait3A_660 : memref<128x128xf32, #tpu.memory_space<vmem_shared>>)
      tpu.yield
    }) : () -> ()
    %add3A = arith.constant 128 : i32
    %add3A_10 = arith.addi %mul3A_9, %add3A : i32
    "tpu.region"() ({
      %run_scoped3A_652 = tpu.sem_alloc : memref<!tpu.dma_semaphore, #tpu.memory_space<semaphore_mem>>
      %dma_start3A_653 = arith.constant 0 : i32
      %dma_start3A_654 = tpu.memref_slice %arg20[%add3A_10, %dma_start3A_653] : memref<5248x128xf32, #tpu.memory_space<vmem_shared>> -> memref<128x128xf32, #tpu.memory_space<vmem_shared>>
      %dma_start3A_655 = arith.constant 0 : i32
      %dma_start3A_656 = tpu.memref_slice %arg20[%add3A_10, %dma_start3A_655] : memref<5248x128xf32, #tpu.memory_space<vmem_shared>> -> memref<128x128xf32, #tpu.memory_space<vmem_shared>>
      tpu.enqueue_dma source(%arg17 : memref<128x128xf32, #tpu.memory_space<vmem>>) target(%dma_start3A_656 : memref<128x128xf32, #tpu.memory_space<vmem_shared>>) target_semaphore(%run_scoped3A_652 : memref<!tpu.dma_semaphore, #tpu.memory_space<semaphore_mem>>)
      %dma_wait3A_657 = arith.constant 0 : i32
      %dma_wait3A_658 = tpu.memref_slice %arg20[%add3A_10, %dma_wait3A_657] : memref<5248x128xf32, #tpu.memory_space<vmem_shared>> -> memref<128x128xf32, #tpu.memory_space<vmem_shared>>
      %dma_wait3A_659 = arith.constant 0 : i32
      %dma_wait3A_660 = tpu.memref_slice %arg20[%add3A_10, %dma_wait3A_659] : memref<5248x128xf32, #tpu.memory_space<vmem_shared>> -> memref<128x128xf32, #tpu.memory_space<vmem_shared>>
      tpu.wait_dma2 semaphore(%run_scoped3A_652 : memref<!tpu.dma_semaphore, #tpu.memory_space<semaphore_mem>>) src(%arg17 : memref<128x128xf32, #tpu.memory_space<vmem>>) dst(%dma_wait3A_660 : memref<128x128xf32, #tpu.memory_space<vmem_shared>>)
      tpu.yield
    }) : () -> ()
    %add3A_11 = arith.constant 256 : i32
    %add3A_12 = arith.addi %mul3A_9, %add3A_11 : i32
    "tpu.region"() ({
      %run_scoped3A_652 = tpu.sem_alloc : memref<!tpu.dma_semaphore, #tpu.memory_space<semaphore_mem>>
      %dma_start3A_653 = arith.constant 0 : i32
      %dma_start3A_654 = arith.constant 0 : i32
      %dma_start3A_655 = tpu.memref_slice %arg17[%dma_start3A_653, %dma_start3A_654] : memref<128x128xf32, #tpu.memory_space<vmem>> -> memref<72x128xf32, #tpu.memory_space<vmem>>
      %dma_start3A_656 = arith.constant 0 : i32
      %dma_start3A_657 = tpu.memref_slice %arg20[%add3A_12, %dma_start3A_656] : memref<5248x128xf32, #tpu.memory_space<vmem_shared>> -> memref<72x128xf32, #tpu.memory_space<vmem_shared>>
      %dma_start3A_658 = arith.constant 0 : i32
      %dma_start3A_659 = tpu.memref_slice %arg20[%add3A_12, %dma_start3A_658] : memref<5248x128xf32, #tpu.memory_space<vmem_shared>> -> memref<72x128xf32, #tpu.memory_space<vmem_shared>>
      %dma_start3A_660 = arith.constant 0 : i32
      %dma_start3A_661 = arith.constant 0 : i32
      %dma_start3A_662 = tpu.memref_slice %arg17[%dma_start3A_660, %dma_start3A_661] : memref<128x128xf32, #tpu.memory_space<vmem>> -> memref<72x128xf32, #tpu.memory_space<vmem>>
      tpu.enqueue_dma source(%dma_start3A_662 : memref<72x128xf32, #tpu.memory_space<vmem>>) target(%dma_start3A_659 : memref<72x128xf32, #tpu.memory_space<vmem_shared>>) target_semaphore(%run_scoped3A_652 : memref<!tpu.dma_semaphore, #tpu.memory_space<semaphore_mem>>)
      %dma_wait3A_663 = arith.constant 0 : i32
      %dma_wait3A_664 = arith.constant 0 : i32
      %dma_wait3A_665 = tpu.memref_slice %arg17[%dma_wait3A_663, %dma_wait3A_664] : memref<128x128xf32, #tpu.memory_space<vmem>> -> memref<72x128xf32, #tpu.memory_space<vmem>>
      %dma_wait3A_666 = arith.constant 0 : i32
      %dma_wait3A_667 = tpu.memref_slice %arg20[%add3A_12, %dma_wait3A_666] : memref<5248x128xf32, #tpu.memory_space<vmem_shared>> -> memref<72x128xf32, #tpu.memory_space<vmem_shared>>
      %dma_wait3A_668 = arith.constant 0 : i32
      %dma_wait3A_669 = tpu.memref_slice %arg20[%add3A_12, %dma_wait3A_668] : memref<5248x128xf32, #tpu.memory_space<vmem_shared>> -> memref<72x128xf32, #tpu.memory_space<vmem_shared>>
      %dma_wait3A_670 = arith.constant 0 : i32
      %dma_wait3A_671 = arith.constant 0 : i32
      %dma_wait3A_672 = tpu.memref_slice %arg17[%dma_wait3A_670, %dma_wait3A_671] : memref<128x128xf32, #tpu.memory_space<vmem>> -> memref<72x128xf32, #tpu.memory_space<vmem>>
      tpu.wait_dma2 semaphore(%run_scoped3A_652 : memref<!tpu.dma_semaphore, #tpu.memory_space<semaphore_mem>>) src(%dma_wait3A_672 : memref<72x128xf32, #tpu.memory_space<vmem>>) dst(%dma_wait3A_669 : memref<72x128xf32, #tpu.memory_space<vmem_shared>>)
      tpu.yield
    }) : () -> ()
    %mul3A_13 = arith.constant 41 : i32
    %mul3A_14 = arith.muli %arg1, %mul3A_13 : i32
    "tpu.region"() ({
      %run_scoped3A_652 = tpu.sem_alloc : memref<!tpu.dma_semaphore, #tpu.memory_space<semaphore_mem>>
      %dma_start3A_653 = arith.constant 0 : i32
      %dma_start3A_654 = arith.constant 0 : i32
      %dma_start3A_655 = tpu.memref_slice %arg17[%dma_start3A_653, %dma_start3A_654] : memref<128x128xf32, #tpu.memory_space<vmem>> -> memref<41x128xf32, #tpu.memory_space<vmem>>
      %dma_start3A_656 = arith.constant 0 : i32
      %dma_start3A_657 = tpu.memref_slice %arg21[%mul3A_14, %dma_start3A_656] : memref<656x128xf32, #tpu.memory_space<vmem_shared>> -> memref<41x128xf32, #tpu.memory_space<vmem_shared>>
      %dma_start3A_658 = arith.constant 0 : i32
      %dma_start3A_659 = tpu.memref_slice %arg21[%mul3A_14, %dma_start3A_658] : memref<656x128xf32, #tpu.memory_space<vmem_shared>> -> memref<41x128xf32, #tpu.memory_space<vmem_shared>>
      %dma_start3A_660 = arith.constant 0 : i32
      %dma_start3A_661 = arith.constant 0 : i32
      %dma_start3A_662 = tpu.memref_slice %arg17[%dma_start3A_660, %dma_start3A_661] : memref<128x128xf32, #tpu.memory_space<vmem>> -> memref<41x128xf32, #tpu.memory_space<vmem>>
      tpu.enqueue_dma source(%dma_start3A_662 : memref<41x128xf32, #tpu.memory_space<vmem>>) target(%dma_start3A_659 : memref<41x128xf32, #tpu.memory_space<vmem_shared>>) target_semaphore(%run_scoped3A_652 : memref<!tpu.dma_semaphore, #tpu.memory_space<semaphore_mem>>)
      %dma_wait3A_663 = arith.constant 0 : i32
      %dma_wait3A_664 = arith.constant 0 : i32
      %dma_wait3A_665 = tpu.memref_slice %arg17[%dma_wait3A_663, %dma_wait3A_664] : memref<128x128xf32, #tpu.memory_space<vmem>> -> memref<41x128xf32, #tpu.memory_space<vmem>>
      %dma_wait3A_666 = arith.constant 0 : i32
      %dma_wait3A_667 = tpu.memref_slice %arg21[%mul3A_14, %dma_wait3A_666] : memref<656x128xf32, #tpu.memory_space<vmem_shared>> -> memref<41x128xf32, #tpu.memory_space<vmem_shared>>
      %dma_wait3A_668 = arith.constant 0 : i32
      %dma_wait3A_669 = tpu.memref_slice %arg21[%mul3A_14, %dma_wait3A_668] : memref<656x128xf32, #tpu.memory_space<vmem_shared>> -> memref<41x128xf32, #tpu.memory_space<vmem_shared>>
      %dma_wait3A_670 = arith.constant 0 : i32
      %dma_wait3A_671 = arith.constant 0 : i32
      %dma_wait3A_672 = tpu.memref_slice %arg17[%dma_wait3A_670, %dma_wait3A_671] : memref<128x128xf32, #tpu.memory_space<vmem>> -> memref<41x128xf32, #tpu.memory_space<vmem>>
      tpu.wait_dma2 semaphore(%run_scoped3A_652 : memref<!tpu.dma_semaphore, #tpu.memory_space<semaphore_mem>>) src(%dma_wait3A_672 : memref<41x128xf32, #tpu.memory_space<vmem>>) dst(%dma_wait3A_669 : memref<41x128xf32, #tpu.memory_space<vmem_shared>>)
      tpu.yield
    }) : () -> ()
    %barrier3A = arith.constant 0 : index
    tpu.barrier barrier_id(%barrier3A)
    %scan3A_15 = arith.constant 0 : i32
    %scan3A_16 = arith.constant 0 : i32
    %scan3A_17 = arith.constant 164 : i32
    %scan3A_18 = arith.addi %scan3A_16, %scan3A_17 : i32
    %scan3A_19 = arith.constant 1 : i32
    %scan3A_20 = scf.for %scan3A_652 = %scan3A_16 to %scan3A_18 step %scan3A_19 iter_args(%scan3A_653 = %scan3A_15) -> (i32)  : i32 {
      %mul3A_654 = arith.constant 20992 : i32
      %mul3A_655 = arith.muli %arg1, %mul3A_654 : i32
      %mul3A_656 = arith.constant 128 : i32
      %mul3A_657 = arith.muli %scan3A_652, %mul3A_656 : i32
      %add3A_658 = arith.addi %mul3A_655, %mul3A_657 : i32
      "tpu.region"() ({
        %run_scoped3A_1355 = tpu.sem_alloc : memref<!tpu.dma_semaphore, #tpu.memory_space<semaphore_mem>>
        %dma_start3A_1356 = tpu.memref_slice %arg2[%add3A_658] : memref<335872xi32, #tpu.memory_space<hbm>> -> memref<128xi32, #tpu.memory_space<hbm>>
        %dma_start3A_1357 = tpu.memref_slice %arg2[%add3A_658] : memref<335872xi32, #tpu.memory_space<hbm>> -> memref<128xi32, #tpu.memory_space<hbm>>
        tpu.enqueue_dma source(%dma_start3A_1357 : memref<128xi32, #tpu.memory_space<hbm>>) target(%arg9 : memref<128xi32, #tpu.memory_space<vmem>>) target_semaphore(%run_scoped3A_1355 : memref<!tpu.dma_semaphore, #tpu.memory_space<semaphore_mem>>)
        %dma_wait3A_1358 = tpu.memref_slice %arg2[%add3A_658] : memref<335872xi32, #tpu.memory_space<hbm>> -> memref<128xi32, #tpu.memory_space<hbm>>
        %dma_wait3A_1359 = tpu.memref_slice %arg2[%add3A_658] : memref<335872xi32, #tpu.memory_space<hbm>> -> memref<128xi32, #tpu.memory_space<hbm>>
        tpu.wait_dma2 semaphore(%run_scoped3A_1355 : memref<!tpu.dma_semaphore, #tpu.memory_space<semaphore_mem>>) src(%dma_wait3A_1359 : memref<128xi32, #tpu.memory_space<hbm>>) dst(%arg9 : memref<128xi32, #tpu.memory_space<vmem>>)
        tpu.yield
      }) : () -> ()
      "tpu.region"() ({
        %run_scoped3A_1355 = tpu.sem_alloc : memref<!tpu.dma_semaphore, #tpu.memory_space<semaphore_mem>>
        %dma_start3A_1356 = tpu.memref_slice %arg3[%add3A_658] : memref<335872xi32, #tpu.memory_space<hbm>> -> memref<128xi32, #tpu.memory_space<hbm>>
        %dma_start3A_1357 = tpu.memref_slice %arg3[%add3A_658] : memref<335872xi32, #tpu.memory_space<hbm>> -> memref<128xi32, #tpu.memory_space<hbm>>
        tpu.enqueue_dma source(%dma_start3A_1357 : memref<128xi32, #tpu.memory_space<hbm>>) target(%arg10 : memref<128xi32, #tpu.memory_space<vmem>>) target_semaphore(%run_scoped3A_1355 : memref<!tpu.dma_semaphore, #tpu.memory_space<semaphore_mem>>)
        %dma_wait3A_1358 = tpu.memref_slice %arg3[%add3A_658] : memref<335872xi32, #tpu.memory_space<hbm>> -> memref<128xi32, #tpu.memory_space<hbm>>
        %dma_wait3A_1359 = tpu.memref_slice %arg3[%add3A_658] : memref<335872xi32, #tpu.memory_space<hbm>> -> memref<128xi32, #tpu.memory_space<hbm>>
        tpu.wait_dma2 semaphore(%run_scoped3A_1355 : memref<!tpu.dma_semaphore, #tpu.memory_space<semaphore_mem>>) src(%dma_wait3A_1359 : memref<128xi32, #tpu.memory_space<hbm>>) dst(%arg10 : memref<128xi32, #tpu.memory_space<vmem>>)
        tpu.yield
      }) : () -> ()
      %dma_start3A_659 = arith.constant 0 : i32
      %dma_start3A_660 = arith.constant 0 : i32
      %dma_start3A_661 = tpu.memref_slice %arg4[%dma_start3A_659, %dma_start3A_660] : memref<10240x256xf32, #tpu.memory_space<hbm>> -> memref<10240x256xf32, #tpu.memory_space<hbm>>
      tpu.enqueue_indirect_dma source(%dma_start3A_661 : memref<10240x256xf32, #tpu.memory_space<hbm>>) target(%arg14 : memref<128x256xf32, #tpu.memory_space<vmem>>) offsets(%arg9 : memref<128xi32, #tpu.memory_space<vmem>>) semaphore(%arg22 : memref<!tpu.dma_semaphore, #tpu.memory_space<semaphore_mem>>)
      %dma_start3A_662 = arith.constant 0 : i32
      %dma_start3A_663 = arith.constant 0 : i32
      %dma_start3A_664 = tpu.memref_slice %arg5[%dma_start3A_662, %dma_start3A_663] : memref<10240x128xf32, #tpu.memory_space<hbm>> -> memref<10240x128xf32, #tpu.memory_space<hbm>>
      tpu.enqueue_indirect_dma source(%dma_start3A_664 : memref<10240x128xf32, #tpu.memory_space<hbm>>) target(%arg15 : memref<128x128xf32, #tpu.memory_space<vmem>>) offsets(%arg10 : memref<128xi32, #tpu.memory_space<vmem>>) semaphore(%arg23 : memref<!tpu.dma_semaphore, #tpu.memory_space<semaphore_mem>>)
      %get3A_665 = arith.constant 0 : index
      %get3A_666 = tpu.vector_load %arg10[%get3A_665] {strides = array<i32>} : memref<128xi32, #tpu.memory_space<vmem>>, vector<16xi32>,
      %get3A_667 = vector.shape_cast %get3A_666 : vector<16xi32> to vector<16xi32>
      %shift_right_logical3A = arith.constant 3 : i32
      %shift_right_logical3A_668 = vector.broadcast %shift_right_logical3A : i32 to vector<16xi32>
      %shift_right_logical3A_669 = arith.shrui %get3A_667, %shift_right_logical3A_668 : vector<16xi32>
      %swap3A_670 = arith.constant 0 : index
      %swap3A_671 = tpu.vector_load %arg11[%swap3A_670] {strides = array<i32>} : memref<128xi32, #tpu.memory_space<vmem>>, vector<16xi32>,
      %swap3A_672 = vector.shape_cast %swap3A_671 : vector<16xi32> to vector<16xi32>
      %swap3A_673 = vector.shape_cast %shift_right_logical3A_669 : vector<16xi32> to vector<16xi32>
      tpu.vector_store %arg11[%swap3A_670], %swap3A_673 {strides = array<i32>} : memref<128xi32, #tpu.memory_space<vmem>>, vector<16xi32>,
      %get3A_674 = arith.constant 0 : index
      %get3A_675 = tpu.vector_load %arg10[%get3A_674] {strides = array<i32>} : memref<128xi32, #tpu.memory_space<vmem>>, vector<16xi32>,
      %get3A_676 = vector.shape_cast %get3A_675 : vector<16xi32> to vector<16xi32>
      %sub3A = arith.constant 0 : i32
      %sub3A_677 = vector.broadcast %sub3A : i32 to vector<16xi32>
      %sub3A_678 = arith.subi %get3A_676, %sub3A_677 : vector<16xi32>
      %convert_element_type3A_679 = arith.sitofp %sub3A_678 : vector<16xi32> to vector<16xf32>
      %add3A_680 = arith.constant 1.000000e+00 : f32
      %add3A_681 = vector.broadcast %add3A_680 : f32 to vector<16xf32>
      %add3A_682 = arith.addf %convert_element_type3A_679, %add3A_681 : vector<16xf32>
      %max3A = arith.constant 0.000000e+00 : f32
      %max3A_683 = vector.broadcast %max3A : f32 to vector<16xf32>
      %max3A_684 = arith.maximumf %add3A_682, %max3A_683 : vector<16xf32>
      %min3A = arith.constant 1.000000e+00 : f32
      %min3A_685 = vector.broadcast %min3A : f32 to vector<16xf32>
      %min3A_686 = arith.minimumf %max3A_684, %min3A_685 : vector<16xf32>
      %sub3A_687 = arith.constant 5.120000e+03 : f32
      %sub3A_688 = vector.broadcast %sub3A_687 : f32 to vector<16xf32>
      %sub3A_689 = arith.subf %sub3A_688, %convert_element_type3A_679 : vector<16xf32>
      %max3A_690 = arith.constant 0.000000e+00 : f32
      %max3A_691 = vector.broadcast %max3A_690 : f32 to vector<16xf32>
      %max3A_692 = arith.maximumf %sub3A_689, %max3A_691 : vector<16xf32>
      %min3A_693 = arith.constant 1.000000e+00 : f32
      %min3A_694 = vector.broadcast %min3A_693 : f32 to vector<16xf32>
      %min3A_695 = arith.minimumf %max3A_692, %min3A_694 : vector<16xf32>
      %mul3A_696 = arith.mulf %min3A_686, %min3A_695 : vector<16xf32>
      %mul3A_697 = arith.mulf %convert_element_type3A_679, %mul3A_696 : vector<16xf32>
      %sub3A_698 = arith.constant 1.000000e+00 : f32
      %sub3A_699 = vector.broadcast %sub3A_698 : f32 to vector<16xf32>
      %sub3A_700 = arith.subf %sub3A_699, %mul3A_696 : vector<16xf32>
      %mul3A_701 = arith.constant 5.120000e+03 : f32
      %mul3A_702 = vector.broadcast %mul3A_701 : f32 to vector<16xf32>
      %mul3A_703 = arith.mulf %mul3A_702, %sub3A_700 : vector<16xf32>
      %add3A_704 = arith.addf %mul3A_697, %mul3A_703 : vector<16xf32>
      %convert_element_type3A_705 = arith.fptosi %add3A_704 : vector<16xf32> to vector<16xi32>
      %swap3A_706 = arith.constant 0 : index
      %swap3A_707 = tpu.vector_load %arg12[%swap3A_706] {strides = array<i32>} : memref<128xi32, #tpu.memory_space<vmem>>, vector<16xi32>,
      %swap3A_708 = vector.shape_cast %swap3A_707 : vector<16xi32> to vector<16xi32>
      %swap3A_709 = vector.shape_cast %convert_element_type3A_705 : vector<16xi32> to vector<16xi32>
      tpu.vector_store %arg12[%swap3A_706], %swap3A_709 {strides = array<i32>} : memref<128xi32, #tpu.memory_space<vmem>>, vector<16xi32>,
      %sub3A_710 = arith.constant 0 : i32
      %sub3A_711 = vector.broadcast %sub3A_710 : i32 to vector<16xi32>
      %sub3A_712 = arith.subi %shift_right_logical3A_669, %sub3A_711 : vector<16xi32>
      %convert_element_type3A_713 = arith.sitofp %sub3A_712 : vector<16xi32> to vector<16xf32>
      %add3A_714 = arith.constant 1.000000e+00 : f32
      %add3A_715 = vector.broadcast %add3A_714 : f32 to vector<16xf32>
      %add3A_716 = arith.addf %convert_element_type3A_713, %add3A_715 : vector<16xf32>
      %max3A_717 = arith.constant 0.000000e+00 : f32
      %max3A_718 = vector.broadcast %max3A_717 : f32 to vector<16xf32>
      %max3A_719 = arith.maximumf %add3A_716, %max3A_718 : vector<16xf32>
      %min3A_720 = arith.constant 1.000000e+00 : f32
      %min3A_721 = vector.broadcast %min3A_720 : f32 to vector<16xf32>
      %min3A_722 = arith.minimumf %max3A_719, %min3A_721 : vector<16xf32>
      %sub3A_723 = arith.constant 6.400000e+02 : f32
      %sub3A_724 = vector.broadcast %sub3A_723 : f32 to vector<16xf32>
      %sub3A_725 = arith.subf %sub3A_724, %convert_element_type3A_713 : vector<16xf32>
      %max3A_726 = arith.constant 0.000000e+00 : f32
      %max3A_727 = vector.broadcast %max3A_726 : f32 to vector<16xf32>
      %max3A_728 = arith.maximumf %sub3A_725, %max3A_727 : vector<16xf32>
      %min3A_729 = arith.constant 1.000000e+00 : f32
      %min3A_730 = vector.broadcast %min3A_729 : f32 to vector<16xf32>
      %min3A_731 = arith.minimumf %max3A_728, %min3A_730 : vector<16xf32>
      %mul3A_732 = arith.mulf %min3A_722, %min3A_731 : vector<16xf32>
      %mul3A_733 = arith.mulf %convert_element_type3A_713, %mul3A_732 : vector<16xf32>
      %sub3A_734 = arith.constant 1.000000e+00 : f32
      %sub3A_735 = vector.broadcast %sub3A_734 : f32 to vector<16xf32>
      %sub3A_736 = arith.subf %sub3A_735, %mul3A_732 : vector<16xf32>
      %mul3A_737 = arith.constant 6.400000e+02 : f32
      %mul3A_738 = vector.broadcast %mul3A_737 : f32 to vector<16xf32>
      %mul3A_739 = arith.mulf %mul3A_738, %sub3A_736 : vector<16xf32>
      %add3A_740 = arith.addf %mul3A_733, %mul3A_739 : vector<16xf32>
      %convert_element_type3A_741 = arith.fptosi %add3A_740 : vector<16xf32> to vector<16xi32>
      %swap3A_742 = arith.constant 0 : index
      %swap3A_743 = tpu.vector_load %arg13[%swap3A_742] {strides = array<i32>} : memref<128xi32, #tpu.memory_space<vmem>>, vector<16xi32>,
      %swap3A_744 = vector.shape_cast %swap3A_743 : vector<16xi32> to vector<16xi32>
      %swap3A_745 = vector.shape_cast %convert_element_type3A_741 : vector<16xi32> to vector<16xi32>
      tpu.vector_store %arg13[%swap3A_742], %swap3A_745 {strides = array<i32>} : memref<128xi32, #tpu.memory_space<vmem>>, vector<16xi32>,
      %get3A_746 = arith.constant 16 : index
      %get3A_747 = tpu.vector_load %arg10[%get3A_746] {strides = array<i32>} : memref<128xi32, #tpu.memory_space<vmem>>, vector<16xi32>,
      %get3A_748 = vector.shape_cast %get3A_747 : vector<16xi32> to vector<16xi32>
      %shift_right_logical3A_749 = arith.constant 3 : i32
      %shift_right_logical3A_750 = vector.broadcast %shift_right_logical3A_749 : i32 to vector<16xi32>
      %shift_right_logical3A_751 = arith.shrui %get3A_748, %shift_right_logical3A_750 : vector<16xi32>
      %swap3A_752 = arith.constant 16 : index
      %swap3A_753 = tpu.vector_load %arg11[%swap3A_752] {strides = array<i32>} : memref<128xi32, #tpu.memory_space<vmem>>, vector<16xi32>,
      %swap3A_754 = vector.shape_cast %swap3A_753 : vector<16xi32> to vector<16xi32>
      %swap3A_755 = vector.shape_cast %shift_right_logical3A_751 : vector<16xi32> to vector<16xi32>
      tpu.vector_store %arg11[%swap3A_752], %swap3A_755 {strides = array<i32>} : memref<128xi32, #tpu.memory_space<vmem>>, vector<16xi32>,
      %get3A_756 = arith.constant 16 : index
      %get3A_757 = tpu.vector_load %arg10[%get3A_756] {strides = array<i32>} : memref<128xi32, #tpu.memory_space<vmem>>, vector<16xi32>,
      %get3A_758 = vector.shape_cast %get3A_757 : vector<16xi32> to vector<16xi32>
      %sub3A_759 = arith.constant 0 : i32
      %sub3A_760 = vector.broadcast %sub3A_759 : i32 to vector<16xi32>
      %sub3A_761 = arith.subi %get3A_758, %sub3A_760 : vector<16xi32>
      %convert_element_type3A_762 = arith.sitofp %sub3A_761 : vector<16xi32> to vector<16xf32>
      %add3A_763 = arith.constant 1.000000e+00 : f32
      %add3A_764 = vector.broadcast %add3A_763 : f32 to vector<16xf32>
      %add3A_765 = arith.addf %convert_element_type3A_762, %add3A_764 : vector<16xf32>
      %max3A_766 = arith.constant 0.000000e+00 : f32
      %max3A_767 = vector.broadcast %max3A_766 : f32 to vector<16xf32>
      %max3A_768 = arith.maximumf %add3A_765, %max3A_767 : vector<16xf32>
      %min3A_769 = arith.constant 1.000000e+00 : f32
      %min3A_770 = vector.broadcast %min3A_769 : f32 to vector<16xf32>
      %min3A_771 = arith.minimumf %max3A_768, %min3A_770 : vector<16xf32>
      %sub3A_772 = arith.constant 5.120000e+03 : f32
      %sub3A_773 = vector.broadcast %sub3A_772 : f32 to vector<16xf32>
      %sub3A_774 = arith.subf %sub3A_773, %convert_element_type3A_762 : vector<16xf32>
      %max3A_775 = arith.constant 0.000000e+00 : f32
      %max3A_776 = vector.broadcast %max3A_775 : f32 to vector<16xf32>
      %max3A_777 = arith.maximumf %sub3A_774, %max3A_776 : vector<16xf32>
      %min3A_778 = arith.constant 1.000000e+00 : f32
      %min3A_779 = vector.broadcast %min3A_778 : f32 to vector<16xf32>
      %min3A_780 = arith.minimumf %max3A_777, %min3A_779 : vector<16xf32>
      %mul3A_781 = arith.mulf %min3A_771, %min3A_780 : vector<16xf32>
      %mul3A_782 = arith.mulf %convert_element_type3A_762, %mul3A_781 : vector<16xf32>
      %sub3A_783 = arith.constant 1.000000e+00 : f32
      %sub3A_784 = vector.broadcast %sub3A_783 : f32 to vector<16xf32>
      %sub3A_785 = arith.subf %sub3A_784, %mul3A_781 : vector<16xf32>
      %mul3A_786 = arith.constant 5.120000e+03 : f32
      %mul3A_787 = vector.broadcast %mul3A_786 : f32 to vector<16xf32>
      %mul3A_788 = arith.mulf %mul3A_787, %sub3A_785 : vector<16xf32>
      %add3A_789 = arith.addf %mul3A_782, %mul3A_788 : vector<16xf32>
      %convert_element_type3A_790 = arith.fptosi %add3A_789 : vector<16xf32> to vector<16xi32>
      %swap3A_791 = arith.constant 16 : index
      %swap3A_792 = tpu.vector_load %arg12[%swap3A_791] {strides = array<i32>} : memref<128xi32, #tpu.memory_space<vmem>>, vector<16xi32>,
      %swap3A_793 = vector.shape_cast %swap3A_792 : vector<16xi32> to vector<16xi32>
      %swap3A_794 = vector.shape_cast %convert_element_type3A_790 : vector<16xi32> to vector<16xi32>
      tpu.vector_store %arg12[%swap3A_791], %swap3A_794 {strides = array<i32>} : memref<128xi32, #tpu.memory_space<vmem>>, vector<16xi32>,
      %sub3A_795 = arith.constant 0 : i32
      %sub3A_796 = vector.broadcast %sub3A_795 : i32 to vector<16xi32>
      %sub3A_797 = arith.subi %shift_right_logical3A_751, %sub3A_796 : vector<16xi32>
      %convert_element_type3A_798 = arith.sitofp %sub3A_797 : vector<16xi32> to vector<16xf32>
      %add3A_799 = arith.constant 1.000000e+00 : f32
      %add3A_800 = vector.broadcast %add3A_799 : f32 to vector<16xf32>
      %add3A_801 = arith.addf %convert_element_type3A_798, %add3A_800 : vector<16xf32>
      %max3A_802 = arith.constant 0.000000e+00 : f32
      %max3A_803 = vector.broadcast %max3A_802 : f32 to vector<16xf32>
      %max3A_804 = arith.maximumf %add3A_801, %max3A_803 : vector<16xf32>
      %min3A_805 = arith.constant 1.000000e+00 : f32
      %min3A_806 = vector.broadcast %min3A_805 : f32 to vector<16xf32>
      %min3A_807 = arith.minimumf %max3A_804, %min3A_806 : vector<16xf32>
      %sub3A_808 = arith.constant 6.400000e+02 : f32
      %sub3A_809 = vector.broadcast %sub3A_808 : f32 to vector<16xf32>
      %sub3A_810 = arith.subf %sub3A_809, %convert_element_type3A_798 : vector<16xf32>
      %max3A_811 = arith.constant 0.000000e+00 : f32
      %max3A_812 = vector.broadcast %max3A_811 : f32 to vector<16xf32>
      %max3A_813 = arith.maximumf %sub3A_810, %max3A_812 : vector<16xf32>
      %min3A_814 = arith.constant 1.000000e+00 : f32
      %min3A_815 = vector.broadcast %min3A_814 : f32 to vector<16xf32>
      %min3A_816 = arith.minimumf %max3A_813, %min3A_815 : vector<16xf32>
      %mul3A_817 = arith.mulf %min3A_807, %min3A_816 : vector<16xf32>
      %mul3A_818 = arith.mulf %convert_element_type3A_798, %mul3A_817 : vector<16xf32>
      %sub3A_819 = arith.constant 1.000000e+00 : f32
      %sub3A_820 = vector.broadcast %sub3A_819 : f32 to vector<16xf32>
      %sub3A_821 = arith.subf %sub3A_820, %mul3A_817 : vector<16xf32>
      %mul3A_822 = arith.constant 6.400000e+02 : f32
      %mul3A_823 = vector.broadcast %mul3A_822 : f32 to vector<16xf32>
      %mul3A_824 = arith.mulf %mul3A_823, %sub3A_821 : vector<16xf32>
      %add3A_825 = arith.addf %mul3A_818, %mul3A_824 : vector<16xf32>
      %convert_element_type3A_826 = arith.fptosi %add3A_825 : vector<16xf32> to vector<16xi32>
      %swap3A_827 = arith.constant 16 : index
      %swap3A_828 = tpu.vector_load %arg13[%swap3A_827] {strides = array<i32>} : memref<128xi32, #tpu.memory_space<vmem>>, vector<16xi32>,
      %swap3A_829 = vector.shape_cast %swap3A_828 : vector<16xi32> to vector<16xi32>
      %swap3A_830 = vector.shape_cast %convert_element_type3A_826 : vector<16xi32> to vector<16xi32>
      tpu.vector_store %arg13[%swap3A_827], %swap3A_830 {strides = array<i32>} : memref<128xi32, #tpu.memory_space<vmem>>, vector<16xi32>,
      %get3A_831 = arith.constant 32 : index
      %get3A_832 = tpu.vector_load %arg10[%get3A_831] {strides = array<i32>} : memref<128xi32, #tpu.memory_space<vmem>>, vector<16xi32>,
      %get3A_833 = vector.shape_cast %get3A_832 : vector<16xi32> to vector<16xi32>
      %shift_right_logical3A_834 = arith.constant 3 : i32
      %shift_right_logical3A_835 = vector.broadcast %shift_right_logical3A_834 : i32 to vector<16xi32>
      %shift_right_logical3A_836 = arith.shrui %get3A_833, %shift_right_logical3A_835 : vector<16xi32>
      %swap3A_837 = arith.constant 32 : index
      %swap3A_838 = tpu.vector_load %arg11[%swap3A_837] {strides = array<i32>} : memref<128xi32, #tpu.memory_space<vmem>>, vector<16xi32>,
      %swap3A_839 = vector.shape_cast %swap3A_838 : vector<16xi32> to vector<16xi32>
      %swap3A_840 = vector.shape_cast %shift_right_logical3A_836 : vector<16xi32> to vector<16xi32>
      tpu.vector_store %arg11[%swap3A_837], %swap3A_840 {strides = array<i32>} : memref<128xi32, #tpu.memory_space<vmem>>, vector<16xi32>,
      %get3A_841 = arith.constant 32 : index
      %get3A_842 = tpu.vector_load %arg10[%get3A_841] {strides = array<i32>} : memref<128xi32, #tpu.memory_space<vmem>>, vector<16xi32>,
      %get3A_843 = vector.shape_cast %get3A_842 : vector<16xi32> to vector<16xi32>
      %sub3A_844 = arith.constant 0 : i32
      %sub3A_845 = vector.broadcast %sub3A_844 : i32 to vector<16xi32>
      %sub3A_846 = arith.subi %get3A_843, %sub3A_845 : vector<16xi32>
      %convert_element_type3A_847 = arith.sitofp %sub3A_846 : vector<16xi32> to vector<16xf32>
      %add3A_848 = arith.constant 1.000000e+00 : f32
      %add3A_849 = vector.broadcast %add3A_848 : f32 to vector<16xf32>
      %add3A_850 = arith.addf %convert_element_type3A_847, %add3A_849 : vector<16xf32>
      %max3A_851 = arith.constant 0.000000e+00 : f32
      %max3A_852 = vector.broadcast %max3A_851 : f32 to vector<16xf32>
      %max3A_853 = arith.maximumf %add3A_850, %max3A_852 : vector<16xf32>
      %min3A_854 = arith.constant 1.000000e+00 : f32
      %min3A_855 = vector.broadcast %min3A_854 : f32 to vector<16xf32>
      %min3A_856 = arith.minimumf %max3A_853, %min3A_855 : vector<16xf32>
      %sub3A_857 = arith.constant 5.120000e+03 : f32
      %sub3A_858 = vector.broadcast %sub3A_857 : f32 to vector<16xf32>
      %sub3A_859 = arith.subf %sub3A_858, %convert_element_type3A_847 : vector<16xf32>
      %max3A_860 = arith.constant 0.000000e+00 : f32
      %max3A_861 = vector.broadcast %max3A_860 : f32 to vector<16xf32>
      %max3A_862 = arith.maximumf %sub3A_859, %max3A_861 : vector<16xf32>
      %min3A_863 = arith.constant 1.000000e+00 : f32
      %min3A_864 = vector.broadcast %min3A_863 : f32 to vector<16xf32>
      %min3A_865 = arith.minimumf %max3A_862, %min3A_864 : vector<16xf32>
      %mul3A_866 = arith.mulf %min3A_856, %min3A_865 : vector<16xf32>
      %mul3A_867 = arith.mulf %convert_element_type3A_847, %mul3A_866 : vector<16xf32>
      %sub3A_868 = arith.constant 1.000000e+00 : f32
      %sub3A_869 = vector.broadcast %sub3A_868 : f32 to vector<16xf32>
      %sub3A_870 = arith.subf %sub3A_869, %mul3A_866 : vector<16xf32>
      %mul3A_871 = arith.constant 5.120000e+03 : f32
      %mul3A_872 = vector.broadcast %mul3A_871 : f32 to vector<16xf32>
      %mul3A_873 = arith.mulf %mul3A_872, %sub3A_870 : vector<16xf32>
      %add3A_874 = arith.addf %mul3A_867, %mul3A_873 : vector<16xf32>
      %convert_element_type3A_875 = arith.fptosi %add3A_874 : vector<16xf32> to vector<16xi32>
      %swap3A_876 = arith.constant 32 : index
      %swap3A_877 = tpu.vector_load %arg12[%swap3A_876] {strides = array<i32>} : memref<128xi32, #tpu.memory_space<vmem>>, vector<16xi32>,
      %swap3A_878 = vector.shape_cast %swap3A_877 : vector<16xi32> to vector<16xi32>
      %swap3A_879 = vector.shape_cast %convert_element_type3A_875 : vector<16xi32> to vector<16xi32>
      tpu.vector_store %arg12[%swap3A_876], %swap3A_879 {strides = array<i32>} : memref<128xi32, #tpu.memory_space<vmem>>, vector<16xi32>,
      %sub3A_880 = arith.constant 0 : i32
      %sub3A_881 = vector.broadcast %sub3A_880 : i32 to vector<16xi32>
      %sub3A_882 = arith.subi %shift_right_logical3A_836, %sub3A_881 : vector<16xi32>
      %convert_element_type3A_883 = arith.sitofp %sub3A_882 : vector<16xi32> to vector<16xf32>
      %add3A_884 = arith.constant 1.000000e+00 : f32
      %add3A_885 = vector.broadcast %add3A_884 : f32 to vector<16xf32>
      %add3A_886 = arith.addf %convert_element_type3A_883, %add3A_885 : vector<16xf32>
      %max3A_887 = arith.constant 0.000000e+00 : f32
      %max3A_888 = vector.broadcast %max3A_887 : f32 to vector<16xf32>
      %max3A_889 = arith.maximumf %add3A_886, %max3A_888 : vector<16xf32>
      %min3A_890 = arith.constant 1.000000e+00 : f32
      %min3A_891 = vector.broadcast %min3A_890 : f32 to vector<16xf32>
      %min3A_892 = arith.minimumf %max3A_889, %min3A_891 : vector<16xf32>
      %sub3A_893 = arith.constant 6.400000e+02 : f32
      %sub3A_894 = vector.broadcast %sub3A_893 : f32 to vector<16xf32>
      %sub3A_895 = arith.subf %sub3A_894, %convert_element_type3A_883 : vector<16xf32>
      %max3A_896 = arith.constant 0.000000e+00 : f32
      %max3A_897 = vector.broadcast %max3A_896 : f32 to vector<16xf32>
      %max3A_898 = arith.maximumf %sub3A_895, %max3A_897 : vector<16xf32>
      %min3A_899 = arith.constant 1.000000e+00 : f32
      %min3A_900 = vector.broadcast %min3A_899 : f32 to vector<16xf32>
      %min3A_901 = arith.minimumf %max3A_898, %min3A_900 : vector<16xf32>
      %mul3A_902 = arith.mulf %min3A_892, %min3A_901 : vector<16xf32>
      %mul3A_903 = arith.mulf %convert_element_type3A_883, %mul3A_902 : vector<16xf32>
      %sub3A_904 = arith.constant 1.000000e+00 : f32
      %sub3A_905 = vector.broadcast %sub3A_904 : f32 to vector<16xf32>
      %sub3A_906 = arith.subf %sub3A_905, %mul3A_902 : vector<16xf32>
      %mul3A_907 = arith.constant 6.400000e+02 : f32
      %mul3A_908 = vector.broadcast %mul3A_907 : f32 to vector<16xf32>
      %mul3A_909 = arith.mulf %mul3A_908, %sub3A_906 : vector<16xf32>
      %add3A_910 = arith.addf %mul3A_903, %mul3A_909 : vector<16xf32>
      %convert_element_type3A_911 = arith.fptosi %add3A_910 : vector<16xf32> to vector<16xi32>
      %swap3A_912 = arith.constant 32 : index
      %swap3A_913 = tpu.vector_load %arg13[%swap3A_912] {strides = array<i32>} : memref<128xi32, #tpu.memory_space<vmem>>, vector<16xi32>,
      %swap3A_914 = vector.shape_cast %swap3A_913 : vector<16xi32> to vector<16xi32>
      %swap3A_915 = vector.shape_cast %convert_element_type3A_911 : vector<16xi32> to vector<16xi32>
      tpu.vector_store %arg13[%swap3A_912], %swap3A_915 {strides = array<i32>} : memref<128xi32, #tpu.memory_space<vmem>>, vector<16xi32>,
      %get3A_916 = arith.constant 48 : index
      %get3A_917 = tpu.vector_load %arg10[%get3A_916] {strides = array<i32>} : memref<128xi32, #tpu.memory_space<vmem>>, vector<16xi32>,
      %get3A_918 = vector.shape_cast %get3A_917 : vector<16xi32> to vector<16xi32>
      %shift_right_logical3A_919 = arith.constant 3 : i32
      %shift_right_logical3A_920 = vector.broadcast %shift_right_logical3A_919 : i32 to vector<16xi32>
      %shift_right_logical3A_921 = arith.shrui %get3A_918, %shift_right_logical3A_920 : vector<16xi32>
      %swap3A_922 = arith.constant 48 : index
      %swap3A_923 = tpu.vector_load %arg11[%swap3A_922] {strides = array<i32>} : memref<128xi32, #tpu.memory_space<vmem>>, vector<16xi32>,
      %swap3A_924 = vector.shape_cast %swap3A_923 : vector<16xi32> to vector<16xi32>
      %swap3A_925 = vector.shape_cast %shift_right_logical3A_921 : vector<16xi32> to vector<16xi32>
      tpu.vector_store %arg11[%swap3A_922], %swap3A_925 {strides = array<i32>} : memref<128xi32, #tpu.memory_space<vmem>>, vector<16xi32>,
      %get3A_926 = arith.constant 48 : index
      %get3A_927 = tpu.vector_load %arg10[%get3A_926] {strides = array<i32>} : memref<128xi32, #tpu.memory_space<vmem>>, vector<16xi32>,
      %get3A_928 = vector.shape_cast %get3A_927 : vector<16xi32> to vector<16xi32>
      %sub3A_929 = arith.constant 0 : i32
      %sub3A_930 = vector.broadcast %sub3A_929 : i32 to vector<16xi32>
      %sub3A_931 = arith.subi %get3A_928, %sub3A_930 : vector<16xi32>
      %convert_element_type3A_932 = arith.sitofp %sub3A_931 : vector<16xi32> to vector<16xf32>
      %add3A_933 = arith.constant 1.000000e+00 : f32
      %add3A_934 = vector.broadcast %add3A_933 : f32 to vector<16xf32>
      %add3A_935 = arith.addf %convert_element_type3A_932, %add3A_934 : vector<16xf32>
      %max3A_936 = arith.constant 0.000000e+00 : f32
      %max3A_937 = vector.broadcast %max3A_936 : f32 to vector<16xf32>
      %max3A_938 = arith.maximumf %add3A_935, %max3A_937 : vector<16xf32>
      %min3A_939 = arith.constant 1.000000e+00 : f32
      %min3A_940 = vector.broadcast %min3A_939 : f32 to vector<16xf32>
      %min3A_941 = arith.minimumf %max3A_938, %min3A_940 : vector<16xf32>
      %sub3A_942 = arith.constant 5.120000e+03 : f32
      %sub3A_943 = vector.broadcast %sub3A_942 : f32 to vector<16xf32>
      %sub3A_944 = arith.subf %sub3A_943, %convert_element_type3A_932 : vector<16xf32>
      %max3A_945 = arith.constant 0.000000e+00 : f32
      %max3A_946 = vector.broadcast %max3A_945 : f32 to vector<16xf32>
      %max3A_947 = arith.maximumf %sub3A_944, %max3A_946 : vector<16xf32>
      %min3A_948 = arith.constant 1.000000e+00 : f32
      %min3A_949 = vector.broadcast %min3A_948 : f32 to vector<16xf32>
      %min3A_950 = arith.minimumf %max3A_947, %min3A_949 : vector<16xf32>
      %mul3A_951 = arith.mulf %min3A_941, %min3A_950 : vector<16xf32>
      %mul3A_952 = arith.mulf %convert_element_type3A_932, %mul3A_951 : vector<16xf32>
      %sub3A_953 = arith.constant 1.000000e+00 : f32
      %sub3A_954 = vector.broadcast %sub3A_953 : f32 to vector<16xf32>
      %sub3A_955 = arith.subf %sub3A_954, %mul3A_951 : vector<16xf32>
      %mul3A_956 = arith.constant 5.120000e+03 : f32
      %mul3A_957 = vector.broadcast %mul3A_956 : f32 to vector<16xf32>
      %mul3A_958 = arith.mulf %mul3A_957, %sub3A_955 : vector<16xf32>
      %add3A_959 = arith.addf %mul3A_952, %mul3A_958 : vector<16xf32>
      %convert_element_type3A_960 = arith.fptosi %add3A_959 : vector<16xf32> to vector<16xi32>
      %swap3A_961 = arith.constant 48 : index
      %swap3A_962 = tpu.vector_load %arg12[%swap3A_961] {strides = array<i32>} : memref<128xi32, #tpu.memory_space<vmem>>, vector<16xi32>,
      %swap3A_963 = vector.shape_cast %swap3A_962 : vector<16xi32> to vector<16xi32>
      %swap3A_964 = vector.shape_cast %convert_element_type3A_960 : vector<16xi32> to vector<16xi32>
      tpu.vector_store %arg12[%swap3A_961], %swap3A_964 {strides = array<i32>} : memref<128xi32, #tpu.memory_space<vmem>>, vector<16xi32>,
      %sub3A_965 = arith.constant 0 : i32
      %sub3A_966 = vector.broadcast %sub3A_965 : i32 to vector<16xi32>
      %sub3A_967 = arith.subi %shift_right_logical3A_921, %sub3A_966 : vector<16xi32>
      %convert_element_type3A_968 = arith.sitofp %sub3A_967 : vector<16xi32> to vector<16xf32>
      %add3A_969 = arith.constant 1.000000e+00 : f32
      %add3A_970 = vector.broadcast %add3A_969 : f32 to vector<16xf32>
      %add3A_971 = arith.addf %convert_element_type3A_968, %add3A_970 : vector<16xf32>
      %max3A_972 = arith.constant 0.000000e+00 : f32
      %max3A_973 = vector.broadcast %max3A_972 : f32 to vector<16xf32>
      %max3A_974 = arith.maximumf %add3A_971, %max3A_973 : vector<16xf32>
      %min3A_975 = arith.constant 1.000000e+00 : f32
      %min3A_976 = vector.broadcast %min3A_975 : f32 to vector<16xf32>
      %min3A_977 = arith.minimumf %max3A_974, %min3A_976 : vector<16xf32>
      %sub3A_978 = arith.constant 6.400000e+02 : f32
      %sub3A_979 = vector.broadcast %sub3A_978 : f32 to vector<16xf32>
      %sub3A_980 = arith.subf %sub3A_979, %convert_element_type3A_968 : vector<16xf32>
      %max3A_981 = arith.constant 0.000000e+00 : f32
      %max3A_982 = vector.broadcast %max3A_981 : f32 to vector<16xf32>
      %max3A_983 = arith.maximumf %sub3A_980, %max3A_982 : vector<16xf32>
      %min3A_984 = arith.constant 1.000000e+00 : f32
      %min3A_985 = vector.broadcast %min3A_984 : f32 to vector<16xf32>
      %min3A_986 = arith.minimumf %max3A_983, %min3A_985 : vector<16xf32>
      %mul3A_987 = arith.mulf %min3A_977, %min3A_986 : vector<16xf32>
      %mul3A_988 = arith.mulf %convert_element_type3A_968, %mul3A_987 : vector<16xf32>
      %sub3A_989 = arith.constant 1.000000e+00 : f32
      %sub3A_990 = vector.broadcast %sub3A_989 : f32 to vector<16xf32>
      %sub3A_991 = arith.subf %sub3A_990, %mul3A_987 : vector<16xf32>
      %mul3A_992 = arith.constant 6.400000e+02 : f32
      %mul3A_993 = vector.broadcast %mul3A_992 : f32 to vector<16xf32>
      %mul3A_994 = arith.mulf %mul3A_993, %sub3A_991 : vector<16xf32>
      %add3A_995 = arith.addf %mul3A_988, %mul3A_994 : vector<16xf32>
      %convert_element_type3A_996 = arith.fptosi %add3A_995 : vector<16xf32> to vector<16xi32>
      %swap3A_997 = arith.constant 48 : index
      %swap3A_998 = tpu.vector_load %arg13[%swap3A_997] {strides = array<i32>} : memref<128xi32, #tpu.memory_space<vmem>>, vector<16xi32>,
      %swap3A_999 = vector.shape_cast %swap3A_998 : vector<16xi32> to vector<16xi32>
      %swap3A_1000 = vector.shape_cast %convert_element_type3A_996 : vector<16xi32> to vector<16xi32>
      tpu.vector_store %arg13[%swap3A_997], %swap3A_1000 {strides = array<i32>} : memref<128xi32, #tpu.memory_space<vmem>>, vector<16xi32>,
      %get3A_1001 = arith.constant 64 : index
      %get3A_1002 = tpu.vector_load %arg10[%get3A_1001] {strides = array<i32>} : memref<128xi32, #tpu.memory_space<vmem>>, vector<16xi32>,
      %get3A_1003 = vector.shape_cast %get3A_1002 : vector<16xi32> to vector<16xi32>
      %shift_right_logical3A_1004 = arith.constant 3 : i32
      %shift_right_logical3A_1005 = vector.broadcast %shift_right_logical3A_1004 : i32 to vector<16xi32>
      %shift_right_logical3A_1006 = arith.shrui %get3A_1003, %shift_right_logical3A_1005 : vector<16xi32>
      %swap3A_1007 = arith.constant 64 : index
      %swap3A_1008 = tpu.vector_load %arg11[%swap3A_1007] {strides = array<i32>} : memref<128xi32, #tpu.memory_space<vmem>>, vector<16xi32>,
      %swap3A_1009 = vector.shape_cast %swap3A_1008 : vector<16xi32> to vector<16xi32>
      %swap3A_1010 = vector.shape_cast %shift_right_logical3A_1006 : vector<16xi32> to vector<16xi32>
      tpu.vector_store %arg11[%swap3A_1007], %swap3A_1010 {strides = array<i32>} : memref<128xi32, #tpu.memory_space<vmem>>, vector<16xi32>,
      %get3A_1011 = arith.constant 64 : index
      %get3A_1012 = tpu.vector_load %arg10[%get3A_1011] {strides = array<i32>} : memref<128xi32, #tpu.memory_space<vmem>>, vector<16xi32>,
      %get3A_1013 = vector.shape_cast %get3A_1012 : vector<16xi32> to vector<16xi32>
      %sub3A_1014 = arith.constant 0 : i32
      %sub3A_1015 = vector.broadcast %sub3A_1014 : i32 to vector<16xi32>
      %sub3A_1016 = arith.subi %get3A_1013, %sub3A_1015 : vector<16xi32>
      %convert_element_type3A_1017 = arith.sitofp %sub3A_1016 : vector<16xi32> to vector<16xf32>
      %add3A_1018 = arith.constant 1.000000e+00 : f32
      %add3A_1019 = vector.broadcast %add3A_1018 : f32 to vector<16xf32>
      %add3A_1020 = arith.addf %convert_element_type3A_1017, %add3A_1019 : vector<16xf32>
      %max3A_1021 = arith.constant 0.000000e+00 : f32
      %max3A_1022 = vector.broadcast %max3A_1021 : f32 to vector<16xf32>
      %max3A_1023 = arith.maximumf %add3A_1020, %max3A_1022 : vector<16xf32>
      %min3A_1024 = arith.constant 1.000000e+00 : f32
      %min3A_1025 = vector.broadcast %min3A_1024 : f32 to vector<16xf32>
      %min3A_1026 = arith.minimumf %max3A_1023, %min3A_1025 : vector<16xf32>
      %sub3A_1027 = arith.constant 5.120000e+03 : f32
      %sub3A_1028 = vector.broadcast %sub3A_1027 : f32 to vector<16xf32>
      %sub3A_1029 = arith.subf %sub3A_1028, %convert_element_type3A_1017 : vector<16xf32>
      %max3A_1030 = arith.constant 0.000000e+00 : f32
      %max3A_1031 = vector.broadcast %max3A_1030 : f32 to vector<16xf32>
      %max3A_1032 = arith.maximumf %sub3A_1029, %max3A_1031 : vector<16xf32>
      %min3A_1033 = arith.constant 1.000000e+00 : f32
      %min3A_1034 = vector.broadcast %min3A_1033 : f32 to vector<16xf32>
      %min3A_1035 = arith.minimumf %max3A_1032, %min3A_1034 : vector<16xf32>
      %mul3A_1036 = arith.mulf %min3A_1026, %min3A_1035 : vector<16xf32>
      %mul3A_1037 = arith.mulf %convert_element_type3A_1017, %mul3A_1036 : vector<16xf32>
      %sub3A_1038 = arith.constant 1.000000e+00 : f32
      %sub3A_1039 = vector.broadcast %sub3A_1038 : f32 to vector<16xf32>
      %sub3A_1040 = arith.subf %sub3A_1039, %mul3A_1036 : vector<16xf32>
      %mul3A_1041 = arith.constant 5.120000e+03 : f32
      %mul3A_1042 = vector.broadcast %mul3A_1041 : f32 to vector<16xf32>
      %mul3A_1043 = arith.mulf %mul3A_1042, %sub3A_1040 : vector<16xf32>
      %add3A_1044 = arith.addf %mul3A_1037, %mul3A_1043 : vector<16xf32>
      %convert_element_type3A_1045 = arith.fptosi %add3A_1044 : vector<16xf32> to vector<16xi32>
      %swap3A_1046 = arith.constant 64 : index
      %swap3A_1047 = tpu.vector_load %arg12[%swap3A_1046] {strides = array<i32>} : memref<128xi32, #tpu.memory_space<vmem>>, vector<16xi32>,
      %swap3A_1048 = vector.shape_cast %swap3A_1047 : vector<16xi32> to vector<16xi32>
      %swap3A_1049 = vector.shape_cast %convert_element_type3A_1045 : vector<16xi32> to vector<16xi32>
      tpu.vector_store %arg12[%swap3A_1046], %swap3A_1049 {strides = array<i32>} : memref<128xi32, #tpu.memory_space<vmem>>, vector<16xi32>,
      %sub3A_1050 = arith.constant 0 : i32
      %sub3A_1051 = vector.broadcast %sub3A_1050 : i32 to vector<16xi32>
      %sub3A_1052 = arith.subi %shift_right_logical3A_1006, %sub3A_1051 : vector<16xi32>
      %convert_element_type3A_1053 = arith.sitofp %sub3A_1052 : vector<16xi32> to vector<16xf32>
      %add3A_1054 = arith.constant 1.000000e+00 : f32
      %add3A_1055 = vector.broadcast %add3A_1054 : f32 to vector<16xf32>
      %add3A_1056 = arith.addf %convert_element_type3A_1053, %add3A_1055 : vector<16xf32>
      %max3A_1057 = arith.constant 0.000000e+00 : f32
      %max3A_1058 = vector.broadcast %max3A_1057 : f32 to vector<16xf32>
      %max3A_1059 = arith.maximumf %add3A_1056, %max3A_1058 : vector<16xf32>
      %min3A_1060 = arith.constant 1.000000e+00 : f32
      %min3A_1061 = vector.broadcast %min3A_1060 : f32 to vector<16xf32>
      %min3A_1062 = arith.minimumf %max3A_1059, %min3A_1061 : vector<16xf32>
      %sub3A_1063 = arith.constant 6.400000e+02 : f32
      %sub3A_1064 = vector.broadcast %sub3A_1063 : f32 to vector<16xf32>
      %sub3A_1065 = arith.subf %sub3A_1064, %convert_element_type3A_1053 : vector<16xf32>
      %max3A_1066 = arith.constant 0.000000e+00 : f32
      %max3A_1067 = vector.broadcast %max3A_1066 : f32 to vector<16xf32>
      %max3A_1068 = arith.maximumf %sub3A_1065, %max3A_1067 : vector<16xf32>
      %min3A_1069 = arith.constant 1.000000e+00 : f32
      %min3A_1070 = vector.broadcast %min3A_1069 : f32 to vector<16xf32>
      %min3A_1071 = arith.minimumf %max3A_1068, %min3A_1070 : vector<16xf32>
      %mul3A_1072 = arith.mulf %min3A_1062, %min3A_1071 : vector<16xf32>
      %mul3A_1073 = arith.mulf %convert_element_type3A_1053, %mul3A_1072 : vector<16xf32>
      %sub3A_1074 = arith.constant 1.000000e+00 : f32
      %sub3A_1075 = vector.broadcast %sub3A_1074 : f32 to vector<16xf32>
      %sub3A_1076 = arith.subf %sub3A_1075, %mul3A_1072 : vector<16xf32>
      %mul3A_1077 = arith.constant 6.400000e+02 : f32
      %mul3A_1078 = vector.broadcast %mul3A_1077 : f32 to vector<16xf32>
      %mul3A_1079 = arith.mulf %mul3A_1078, %sub3A_1076 : vector<16xf32>
      %add3A_1080 = arith.addf %mul3A_1073, %mul3A_1079 : vector<16xf32>
      %convert_element_type3A_1081 = arith.fptosi %add3A_1080 : vector<16xf32> to vector<16xi32>
      %swap3A_1082 = arith.constant 64 : index
      %swap3A_1083 = tpu.vector_load %arg13[%swap3A_1082] {strides = array<i32>} : memref<128xi32, #tpu.memory_space<vmem>>, vector<16xi32>,
      %swap3A_1084 = vector.shape_cast %swap3A_1083 : vector<16xi32> to vector<16xi32>
      %swap3A_1085 = vector.shape_cast %convert_element_type3A_1081 : vector<16xi32> to vector<16xi32>
      tpu.vector_store %arg13[%swap3A_1082], %swap3A_1085 {strides = array<i32>} : memref<128xi32, #tpu.memory_space<vmem>>, vector<16xi32>,
      %get3A_1086 = arith.constant 80 : index
      %get3A_1087 = tpu.vector_load %arg10[%get3A_1086] {strides = array<i32>} : memref<128xi32, #tpu.memory_space<vmem>>, vector<16xi32>,
      %get3A_1088 = vector.shape_cast %get3A_1087 : vector<16xi32> to vector<16xi32>
      %shift_right_logical3A_1089 = arith.constant 3 : i32
      %shift_right_logical3A_1090 = vector.broadcast %shift_right_logical3A_1089 : i32 to vector<16xi32>
      %shift_right_logical3A_1091 = arith.shrui %get3A_1088, %shift_right_logical3A_1090 : vector<16xi32>
      %swap3A_1092 = arith.constant 80 : index
      %swap3A_1093 = tpu.vector_load %arg11[%swap3A_1092] {strides = array<i32>} : memref<128xi32, #tpu.memory_space<vmem>>, vector<16xi32>,
      %swap3A_1094 = vector.shape_cast %swap3A_1093 : vector<16xi32> to vector<16xi32>
      %swap3A_1095 = vector.shape_cast %shift_right_logical3A_1091 : vector<16xi32> to vector<16xi32>
      tpu.vector_store %arg11[%swap3A_1092], %swap3A_1095 {strides = array<i32>} : memref<128xi32, #tpu.memory_space<vmem>>, vector<16xi32>,
      %get3A_1096 = arith.constant 80 : index
      %get3A_1097 = tpu.vector_load %arg10[%get3A_1096] {strides = array<i32>} : memref<128xi32, #tpu.memory_space<vmem>>, vector<16xi32>,
      %get3A_1098 = vector.shape_cast %get3A_1097 : vector<16xi32> to vector<16xi32>
      %sub3A_1099 = arith.constant 0 : i32
      %sub3A_1100 = vector.broadcast %sub3A_1099 : i32 to vector<16xi32>
      %sub3A_1101 = arith.subi %get3A_1098, %sub3A_1100 : vector<16xi32>
      %convert_element_type3A_1102 = arith.sitofp %sub3A_1101 : vector<16xi32> to vector<16xf32>
      %add3A_1103 = arith.constant 1.000000e+00 : f32
      %add3A_1104 = vector.broadcast %add3A_1103 : f32 to vector<16xf32>
      %add3A_1105 = arith.addf %convert_element_type3A_1102, %add3A_1104 : vector<16xf32>
      %max3A_1106 = arith.constant 0.000000e+00 : f32
      %max3A_1107 = vector.broadcast %max3A_1106 : f32 to vector<16xf32>
      %max3A_1108 = arith.maximumf %add3A_1105, %max3A_1107 : vector<16xf32>
      %min3A_1109 = arith.constant 1.000000e+00 : f32
      %min3A_1110 = vector.broadcast %min3A_1109 : f32 to vector<16xf32>
      %min3A_1111 = arith.minimumf %max3A_1108, %min3A_1110 : vector<16xf32>
      %sub3A_1112 = arith.constant 5.120000e+03 : f32
      %sub3A_1113 = vector.broadcast %sub3A_1112 : f32 to vector<16xf32>
      %sub3A_1114 = arith.subf %sub3A_1113, %convert_element_type3A_1102 : vector<16xf32>
      %max3A_1115 = arith.constant 0.000000e+00 : f32
      %max3A_1116 = vector.broadcast %max3A_1115 : f32 to vector<16xf32>
      %max3A_1117 = arith.maximumf %sub3A_1114, %max3A_1116 : vector<16xf32>
      %min3A_1118 = arith.constant 1.000000e+00 : f32
      %min3A_1119 = vector.broadcast %min3A_1118 : f32 to vector<16xf32>
      %min3A_1120 = arith.minimumf %max3A_1117, %min3A_1119 : vector<16xf32>
      %mul3A_1121 = arith.mulf %min3A_1111, %min3A_1120 : vector<16xf32>
      %mul3A_1122 = arith.mulf %convert_element_type3A_1102, %mul3A_1121 : vector<16xf32>
      %sub3A_1123 = arith.constant 1.000000e+00 : f32
      %sub3A_1124 = vector.broadcast %sub3A_1123 : f32 to vector<16xf32>
      %sub3A_1125 = arith.subf %sub3A_1124, %mul3A_1121 : vector<16xf32>
      %mul3A_1126 = arith.constant 5.120000e+03 : f32
      %mul3A_1127 = vector.broadcast %mul3A_1126 : f32 to vector<16xf32>
      %mul3A_1128 = arith.mulf %mul3A_1127, %sub3A_1125 : vector<16xf32>
      %add3A_1129 = arith.addf %mul3A_1122, %mul3A_1128 : vector<16xf32>
      %convert_element_type3A_1130 = arith.fptosi %add3A_1129 : vector<16xf32> to vector<16xi32>
      %swap3A_1131 = arith.constant 80 : index
      %swap3A_1132 = tpu.vector_load %arg12[%swap3A_1131] {strides = array<i32>} : memref<128xi32, #tpu.memory_space<vmem>>, vector<16xi32>,
      %swap3A_1133 = vector.shape_cast %swap3A_1132 : vector<16xi32> to vector<16xi32>
      %swap3A_1134 = vector.shape_cast %convert_element_type3A_1130 : vector<16xi32> to vector<16xi32>
      tpu.vector_store %arg12[%swap3A_1131], %swap3A_1134 {strides = array<i32>} : memref<128xi32, #tpu.memory_space<vmem>>, vector<16xi32>,
      %sub3A_1135 = arith.constant 0 : i32
      %sub3A_1136 = vector.broadcast %sub3A_1135 : i32 to vector<16xi32>
      %sub3A_1137 = arith.subi %shift_right_logical3A_1091, %sub3A_1136 : vector<16xi32>
      %convert_element_type3A_1138 = arith.sitofp %sub3A_1137 : vector<16xi32> to vector<16xf32>
      %add3A_1139 = arith.constant 1.000000e+00 : f32
      %add3A_1140 = vector.broadcast %add3A_1139 : f32 to vector<16xf32>
      %add3A_1141 = arith.addf %convert_element_type3A_1138, %add3A_1140 : vector<16xf32>
      %max3A_1142 = arith.constant 0.000000e+00 : f32
      %max3A_1143 = vector.broadcast %max3A_1142 : f32 to vector<16xf32>
      %max3A_1144 = arith.maximumf %add3A_1141, %max3A_1143 : vector<16xf32>
      %min3A_1145 = arith.constant 1.000000e+00 : f32
      %min3A_1146 = vector.broadcast %min3A_1145 : f32 to vector<16xf32>
      %min3A_1147 = arith.minimumf %max3A_1144, %min3A_1146 : vector<16xf32>
      %sub3A_1148 = arith.constant 6.400000e+02 : f32
      %sub3A_1149 = vector.broadcast %sub3A_1148 : f32 to vector<16xf32>
      %sub3A_1150 = arith.subf %sub3A_1149, %convert_element_type3A_1138 : vector<16xf32>
      %max3A_1151 = arith.constant 0.000000e+00 : f32
      %max3A_1152 = vector.broadcast %max3A_1151 : f32 to vector<16xf32>
      %max3A_1153 = arith.maximumf %sub3A_1150, %max3A_1152 : vector<16xf32>
      %min3A_1154 = arith.constant 1.000000e+00 : f32
      %min3A_1155 = vector.broadcast %min3A_1154 : f32 to vector<16xf32>
      %min3A_1156 = arith.minimumf %max3A_1153, %min3A_1155 : vector<16xf32>
      %mul3A_1157 = arith.mulf %min3A_1147, %min3A_1156 : vector<16xf32>
      %mul3A_1158 = arith.mulf %convert_element_type3A_1138, %mul3A_1157 : vector<16xf32>
      %sub3A_1159 = arith.constant 1.000000e+00 : f32
      %sub3A_1160 = vector.broadcast %sub3A_1159 : f32 to vector<16xf32>
      %sub3A_1161 = arith.subf %sub3A_1160, %mul3A_1157 : vector<16xf32>
      %mul3A_1162 = arith.constant 6.400000e+02 : f32
      %mul3A_1163 = vector.broadcast %mul3A_1162 : f32 to vector<16xf32>
      %mul3A_1164 = arith.mulf %mul3A_1163, %sub3A_1161 : vector<16xf32>
      %add3A_1165 = arith.addf %mul3A_1158, %mul3A_1164 : vector<16xf32>
      %convert_element_type3A_1166 = arith.fptosi %add3A_1165 : vector<16xf32> to vector<16xi32>
      %swap3A_1167 = arith.constant 80 : index
      %swap3A_1168 = tpu.vector_load %arg13[%swap3A_1167] {strides = array<i32>} : memref<128xi32, #tpu.memory_space<vmem>>, vector<16xi32>,
      %swap3A_1169 = vector.shape_cast %swap3A_1168 : vector<16xi32> to vector<16xi32>
      %swap3A_1170 = vector.shape_cast %convert_element_type3A_1166 : vector<16xi32> to vector<16xi32>
      tpu.vector_store %arg13[%swap3A_1167], %swap3A_1170 {strides = array<i32>} : memref<128xi32, #tpu.memory_space<vmem>>, vector<16xi32>,
      %get3A_1171 = arith.constant 96 : index
      %get3A_1172 = tpu.vector_load %arg10[%get3A_1171] {strides = array<i32>} : memref<128xi32, #tpu.memory_space<vmem>>, vector<16xi32>,
      %get3A_1173 = vector.shape_cast %get3A_1172 : vector<16xi32> to vector<16xi32>
      %shift_right_logical3A_1174 = arith.constant 3 : i32
      %shift_right_logical3A_1175 = vector.broadcast %shift_right_logical3A_1174 : i32 to vector<16xi32>
      %shift_right_logical3A_1176 = arith.shrui %get3A_1173, %shift_right_logical3A_1175 : vector<16xi32>
      %swap3A_1177 = arith.constant 96 : index
      %swap3A_1178 = tpu.vector_load %arg11[%swap3A_1177] {strides = array<i32>} : memref<128xi32, #tpu.memory_space<vmem>>, vector<16xi32>,
      %swap3A_1179 = vector.shape_cast %swap3A_1178 : vector<16xi32> to vector<16xi32>
      %swap3A_1180 = vector.shape_cast %shift_right_logical3A_1176 : vector<16xi32> to vector<16xi32>
      tpu.vector_store %arg11[%swap3A_1177], %swap3A_1180 {strides = array<i32>} : memref<128xi32, #tpu.memory_space<vmem>>, vector<16xi32>,
      %get3A_1181 = arith.constant 96 : index
      %get3A_1182 = tpu.vector_load %arg10[%get3A_1181] {strides = array<i32>} : memref<128xi32, #tpu.memory_space<vmem>>, vector<16xi32>,
      %get3A_1183 = vector.shape_cast %get3A_1182 : vector<16xi32> to vector<16xi32>
      %sub3A_1184 = arith.constant 0 : i32
      %sub3A_1185 = vector.broadcast %sub3A_1184 : i32 to vector<16xi32>
      %sub3A_1186 = arith.subi %get3A_1183, %sub3A_1185 : vector<16xi32>
      %convert_element_type3A_1187 = arith.sitofp %sub3A_1186 : vector<16xi32> to vector<16xf32>
      %add3A_1188 = arith.constant 1.000000e+00 : f32
      %add3A_1189 = vector.broadcast %add3A_1188 : f32 to vector<16xf32>
      %add3A_1190 = arith.addf %convert_element_type3A_1187, %add3A_1189 : vector<16xf32>
      %max3A_1191 = arith.constant 0.000000e+00 : f32
      %max3A_1192 = vector.broadcast %max3A_1191 : f32 to vector<16xf32>
      %max3A_1193 = arith.maximumf %add3A_1190, %max3A_1192 : vector<16xf32>
      %min3A_1194 = arith.constant 1.000000e+00 : f32
      %min3A_1195 = vector.broadcast %min3A_1194 : f32 to vector<16xf32>
      %min3A_1196 = arith.minimumf %max3A_1193, %min3A_1195 : vector<16xf32>
      %sub3A_1197 = arith.constant 5.120000e+03 : f32
      %sub3A_1198 = vector.broadcast %sub3A_1197 : f32 to vector<16xf32>
      %sub3A_1199 = arith.subf %sub3A_1198, %convert_element_type3A_1187 : vector<16xf32>
      %max3A_1200 = arith.constant 0.000000e+00 : f32
      %max3A_1201 = vector.broadcast %max3A_1200 : f32 to vector<16xf32>
      %max3A_1202 = arith.maximumf %sub3A_1199, %max3A_1201 : vector<16xf32>
      %min3A_1203 = arith.constant 1.000000e+00 : f32
      %min3A_1204 = vector.broadcast %min3A_1203 : f32 to vector<16xf32>
      %min3A_1205 = arith.minimumf %max3A_1202, %min3A_1204 : vector<16xf32>
      %mul3A_1206 = arith.mulf %min3A_1196, %min3A_1205 : vector<16xf32>
      %mul3A_1207 = arith.mulf %convert_element_type3A_1187, %mul3A_1206 : vector<16xf32>
      %sub3A_1208 = arith.constant 1.000000e+00 : f32
      %sub3A_1209 = vector.broadcast %sub3A_1208 : f32 to vector<16xf32>
      %sub3A_1210 = arith.subf %sub3A_1209, %mul3A_1206 : vector<16xf32>
      %mul3A_1211 = arith.constant 5.120000e+03 : f32
      %mul3A_1212 = vector.broadcast %mul3A_1211 : f32 to vector<16xf32>
      %mul3A_1213 = arith.mulf %mul3A_1212, %sub3A_1210 : vector<16xf32>
      %add3A_1214 = arith.addf %mul3A_1207, %mul3A_1213 : vector<16xf32>
      %convert_element_type3A_1215 = arith.fptosi %add3A_1214 : vector<16xf32> to vector<16xi32>
      %swap3A_1216 = arith.constant 96 : index
      %swap3A_1217 = tpu.vector_load %arg12[%swap3A_1216] {strides = array<i32>} : memref<128xi32, #tpu.memory_space<vmem>>, vector<16xi32>,
      %swap3A_1218 = vector.shape_cast %swap3A_1217 : vector<16xi32> to vector<16xi32>
      %swap3A_1219 = vector.shape_cast %convert_element_type3A_1215 : vector<16xi32> to vector<16xi32>
      tpu.vector_store %arg12[%swap3A_1216], %swap3A_1219 {strides = array<i32>} : memref<128xi32, #tpu.memory_space<vmem>>, vector<16xi32>,
      %sub3A_1220 = arith.constant 0 : i32
      %sub3A_1221 = vector.broadcast %sub3A_1220 : i32 to vector<16xi32>
      %sub3A_1222 = arith.subi %shift_right_logical3A_1176, %sub3A_1221 : vector<16xi32>
      %convert_element_type3A_1223 = arith.sitofp %sub3A_1222 : vector<16xi32> to vector<16xf32>
      %add3A_1224 = arith.constant 1.000000e+00 : f32
      %add3A_1225 = vector.broadcast %add3A_1224 : f32 to vector<16xf32>
      %add3A_1226 = arith.addf %convert_element_type3A_1223, %add3A_1225 : vector<16xf32>
      %max3A_1227 = arith.constant 0.000000e+00 : f32
      %max3A_1228 = vector.broadcast %max3A_1227 : f32 to vector<16xf32>
      %max3A_1229 = arith.maximumf %add3A_1226, %max3A_1228 : vector<16xf32>
      %min3A_1230 = arith.constant 1.000000e+00 : f32
      %min3A_1231 = vector.broadcast %min3A_1230 : f32 to vector<16xf32>
      %min3A_1232 = arith.minimumf %max3A_1229, %min3A_1231 : vector<16xf32>
      %sub3A_1233 = arith.constant 6.400000e+02 : f32
      %sub3A_1234 = vector.broadcast %sub3A_1233 : f32 to vector<16xf32>
      %sub3A_1235 = arith.subf %sub3A_1234, %convert_element_type3A_1223 : vector<16xf32>
      %max3A_1236 = arith.constant 0.000000e+00 : f32
      %max3A_1237 = vector.broadcast %max3A_1236 : f32 to vector<16xf32>
      %max3A_1238 = arith.maximumf %sub3A_1235, %max3A_1237 : vector<16xf32>
      %min3A_1239 = arith.constant 1.000000e+00 : f32
      %min3A_1240 = vector.broadcast %min3A_1239 : f32 to vector<16xf32>
      %min3A_1241 = arith.minimumf %max3A_1238, %min3A_1240 : vector<16xf32>
      %mul3A_1242 = arith.mulf %min3A_1232, %min3A_1241 : vector<16xf32>
      %mul3A_1243 = arith.mulf %convert_element_type3A_1223, %mul3A_1242 : vector<16xf32>
      %sub3A_1244 = arith.constant 1.000000e+00 : f32
      %sub3A_1245 = vector.broadcast %sub3A_1244 : f32 to vector<16xf32>
      %sub3A_1246 = arith.subf %sub3A_1245, %mul3A_1242 : vector<16xf32>
      %mul3A_1247 = arith.constant 6.400000e+02 : f32
      %mul3A_1248 = vector.broadcast %mul3A_1247 : f32 to vector<16xf32>
      %mul3A_1249 = arith.mulf %mul3A_1248, %sub3A_1246 : vector<16xf32>
      %add3A_1250 = arith.addf %mul3A_1243, %mul3A_1249 : vector<16xf32>
      %convert_element_type3A_1251 = arith.fptosi %add3A_1250 : vector<16xf32> to vector<16xi32>
      %swap3A_1252 = arith.constant 96 : index
      %swap3A_1253 = tpu.vector_load %arg13[%swap3A_1252] {strides = array<i32>} : memref<128xi32, #tpu.memory_space<vmem>>, vector<16xi32>,
      %swap3A_1254 = vector.shape_cast %swap3A_1253 : vector<16xi32> to vector<16xi32>
      %swap3A_1255 = vector.shape_cast %convert_element_type3A_1251 : vector<16xi32> to vector<16xi32>
      tpu.vector_store %arg13[%swap3A_1252], %swap3A_1255 {strides = array<i32>} : memref<128xi32, #tpu.memory_space<vmem>>, vector<16xi32>,
      %get3A_1256 = arith.constant 112 : index
      %get3A_1257 = tpu.vector_load %arg10[%get3A_1256] {strides = array<i32>} : memref<128xi32, #tpu.memory_space<vmem>>, vector<16xi32>,
      %get3A_1258 = vector.shape_cast %get3A_1257 : vector<16xi32> to vector<16xi32>
      %shift_right_logical3A_1259 = arith.constant 3 : i32
      %shift_right_logical3A_1260 = vector.broadcast %shift_right_logical3A_1259 : i32 to vector<16xi32>
      %shift_right_logical3A_1261 = arith.shrui %get3A_1258, %shift_right_logical3A_1260 : vector<16xi32>
      %swap3A_1262 = arith.constant 112 : index
      %swap3A_1263 = tpu.vector_load %arg11[%swap3A_1262] {strides = array<i32>} : memref<128xi32, #tpu.memory_space<vmem>>, vector<16xi32>,
      %swap3A_1264 = vector.shape_cast %swap3A_1263 : vector<16xi32> to vector<16xi32>
      %swap3A_1265 = vector.shape_cast %shift_right_logical3A_1261 : vector<16xi32> to vector<16xi32>
      tpu.vector_store %arg11[%swap3A_1262], %swap3A_1265 {strides = array<i32>} : memref<128xi32, #tpu.memory_space<vmem>>, vector<16xi32>,
      %get3A_1266 = arith.constant 112 : index
      %get3A_1267 = tpu.vector_load %arg10[%get3A_1266] {strides = array<i32>} : memref<128xi32, #tpu.memory_space<vmem>>, vector<16xi32>,
      %get3A_1268 = vector.shape_cast %get3A_1267 : vector<16xi32> to vector<16xi32>
      %sub3A_1269 = arith.constant 0 : i32
      %sub3A_1270 = vector.broadcast %sub3A_1269 : i32 to vector<16xi32>
      %sub3A_1271 = arith.subi %get3A_1268, %sub3A_1270 : vector<16xi32>
      %convert_element_type3A_1272 = arith.sitofp %sub3A_1271 : vector<16xi32> to vector<16xf32>
      %add3A_1273 = arith.constant 1.000000e+00 : f32
      %add3A_1274 = vector.broadcast %add3A_1273 : f32 to vector<16xf32>
      %add3A_1275 = arith.addf %convert_element_type3A_1272, %add3A_1274 : vector<16xf32>
      %max3A_1276 = arith.constant 0.000000e+00 : f32
      %max3A_1277 = vector.broadcast %max3A_1276 : f32 to vector<16xf32>
      %max3A_1278 = arith.maximumf %add3A_1275, %max3A_1277 : vector<16xf32>
      %min3A_1279 = arith.constant 1.000000e+00 : f32
      %min3A_1280 = vector.broadcast %min3A_1279 : f32 to vector<16xf32>
      %min3A_1281 = arith.minimumf %max3A_1278, %min3A_1280 : vector<16xf32>
      %sub3A_1282 = arith.constant 5.120000e+03 : f32
      %sub3A_1283 = vector.broadcast %sub3A_1282 : f32 to vector<16xf32>
      %sub3A_1284 = arith.subf %sub3A_1283, %convert_element_type3A_1272 : vector<16xf32>
      %max3A_1285 = arith.constant 0.000000e+00 : f32
      %max3A_1286 = vector.broadcast %max3A_1285 : f32 to vector<16xf32>
      %max3A_1287 = arith.maximumf %sub3A_1284, %max3A_1286 : vector<16xf32>
      %min3A_1288 = arith.constant 1.000000e+00 : f32
      %min3A_1289 = vector.broadcast %min3A_1288 : f32 to vector<16xf32>
      %min3A_1290 = arith.minimumf %max3A_1287, %min3A_1289 : vector<16xf32>
      %mul3A_1291 = arith.mulf %min3A_1281, %min3A_1290 : vector<16xf32>
      %mul3A_1292 = arith.mulf %convert_element_type3A_1272, %mul3A_1291 : vector<16xf32>
      %sub3A_1293 = arith.constant 1.000000e+00 : f32
      %sub3A_1294 = vector.broadcast %sub3A_1293 : f32 to vector<16xf32>
      %sub3A_1295 = arith.subf %sub3A_1294, %mul3A_1291 : vector<16xf32>
      %mul3A_1296 = arith.constant 5.120000e+03 : f32
      %mul3A_1297 = vector.broadcast %mul3A_1296 : f32 to vector<16xf32>
      %mul3A_1298 = arith.mulf %mul3A_1297, %sub3A_1295 : vector<16xf32>
      %add3A_1299 = arith.addf %mul3A_1292, %mul3A_1298 : vector<16xf32>
      %convert_element_type3A_1300 = arith.fptosi %add3A_1299 : vector<16xf32> to vector<16xi32>
      %swap3A_1301 = arith.constant 112 : index
      %swap3A_1302 = tpu.vector_load %arg12[%swap3A_1301] {strides = array<i32>} : memref<128xi32, #tpu.memory_space<vmem>>, vector<16xi32>,
      %swap3A_1303 = vector.shape_cast %swap3A_1302 : vector<16xi32> to vector<16xi32>
      %swap3A_1304 = vector.shape_cast %convert_element_type3A_1300 : vector<16xi32> to vector<16xi32>
      tpu.vector_store %arg12[%swap3A_1301], %swap3A_1304 {strides = array<i32>} : memref<128xi32, #tpu.memory_space<vmem>>, vector<16xi32>,
      %sub3A_1305 = arith.constant 0 : i32
      %sub3A_1306 = vector.broadcast %sub3A_1305 : i32 to vector<16xi32>
      %sub3A_1307 = arith.subi %shift_right_logical3A_1261, %sub3A_1306 : vector<16xi32>
      %convert_element_type3A_1308 = arith.sitofp %sub3A_1307 : vector<16xi32> to vector<16xf32>
      %add3A_1309 = arith.constant 1.000000e+00 : f32
      %add3A_1310 = vector.broadcast %add3A_1309 : f32 to vector<16xf32>
      %add3A_1311 = arith.addf %convert_element_type3A_1308, %add3A_1310 : vector<16xf32>
      %max3A_1312 = arith.constant 0.000000e+00 : f32
      %max3A_1313 = vector.broadcast %max3A_1312 : f32 to vector<16xf32>
      %max3A_1314 = arith.maximumf %add3A_1311, %max3A_1313 : vector<16xf32>
      %min3A_1315 = arith.constant 1.000000e+00 : f32
      %min3A_1316 = vector.broadcast %min3A_1315 : f32 to vector<16xf32>
      %min3A_1317 = arith.minimumf %max3A_1314, %min3A_1316 : vector<16xf32>
      %sub3A_1318 = arith.constant 6.400000e+02 : f32
      %sub3A_1319 = vector.broadcast %sub3A_1318 : f32 to vector<16xf32>
      %sub3A_1320 = arith.subf %sub3A_1319, %convert_element_type3A_1308 : vector<16xf32>
      %max3A_1321 = arith.constant 0.000000e+00 : f32
      %max3A_1322 = vector.broadcast %max3A_1321 : f32 to vector<16xf32>
      %max3A_1323 = arith.maximumf %sub3A_1320, %max3A_1322 : vector<16xf32>
      %min3A_1324 = arith.constant 1.000000e+00 : f32
      %min3A_1325 = vector.broadcast %min3A_1324 : f32 to vector<16xf32>
      %min3A_1326 = arith.minimumf %max3A_1323, %min3A_1325 : vector<16xf32>
      %mul3A_1327 = arith.mulf %min3A_1317, %min3A_1326 : vector<16xf32>
      %mul3A_1328 = arith.mulf %convert_element_type3A_1308, %mul3A_1327 : vector<16xf32>
      %sub3A_1329 = arith.constant 1.000000e+00 : f32
      %sub3A_1330 = vector.broadcast %sub3A_1329 : f32 to vector<16xf32>
      %sub3A_1331 = arith.subf %sub3A_1330, %mul3A_1327 : vector<16xf32>
      %mul3A_1332 = arith.constant 6.400000e+02 : f32
      %mul3A_1333 = vector.broadcast %mul3A_1332 : f32 to vector<16xf32>
      %mul3A_1334 = arith.mulf %mul3A_1333, %sub3A_1331 : vector<16xf32>
      %add3A_1335 = arith.addf %mul3A_1328, %mul3A_1334 : vector<16xf32>
      %convert_element_type3A_1336 = arith.fptosi %add3A_1335 : vector<16xf32> to vector<16xi32>
      %swap3A_1337 = arith.constant 112 : index
      %swap3A_1338 = tpu.vector_load %arg13[%swap3A_1337] {strides = array<i32>} : memref<128xi32, #tpu.memory_space<vmem>>, vector<16xi32>,
      %swap3A_1339 = vector.shape_cast %swap3A_1338 : vector<16xi32> to vector<16xi32>
      %swap3A_1340 = vector.shape_cast %convert_element_type3A_1336 : vector<16xi32> to vector<16xi32>
      tpu.vector_store %arg13[%swap3A_1337], %swap3A_1340 {strides = array<i32>} : memref<128xi32, #tpu.memory_space<vmem>>, vector<16xi32>,
      %dma_wait3A_1341 = arith.constant 0 : i32
      %dma_wait3A_1342 = arith.constant 0 : i32
      %dma_wait3A_1343 = tpu.memref_slice %arg4[%dma_wait3A_1341, %dma_wait3A_1342] : memref<10240x256xf32, #tpu.memory_space<hbm>> -> memref<10240x256xf32, #tpu.memory_space<hbm>>
      tpu.wait_indirect_dma semaphore(%arg22 : memref<!tpu.dma_semaphore, #tpu.memory_space<semaphore_mem>>) src(%dma_wait3A_1343 : memref<10240x256xf32, #tpu.memory_space<hbm>>) dst(%arg14 : memref<128x256xf32, #tpu.memory_space<vmem>>)
      %dma_wait3A_1344 = arith.constant 0 : i32
      %dma_wait3A_1345 = arith.constant 0 : i32
      %dma_wait3A_1346 = tpu.memref_slice %arg5[%dma_wait3A_1344, %dma_wait3A_1345] : memref<10240x128xf32, #tpu.memory_space<hbm>> -> memref<10240x128xf32, #tpu.memory_space<hbm>>
      tpu.wait_indirect_dma semaphore(%arg23 : memref<!tpu.dma_semaphore, #tpu.memory_space<semaphore_mem>>) src(%dma_wait3A_1346 : memref<10240x128xf32, #tpu.memory_space<hbm>>) dst(%arg15 : memref<128x128xf32, #tpu.memory_space<vmem>>)
      %scan3A_1347 = arith.constant 0 : i32
      %scan3A_1348 = arith.constant 0 : i32
      %scan3A_1349 = arith.constant 8 : i32
      %scan3A_1350 = arith.addi %scan3A_1348, %scan3A_1349 : i32
      %scan3A_1351 = arith.constant 1 : i32
      %scan3A_1352 = scf.for %scan3A_1355 = %scan3A_1348 to %scan3A_1350 step %scan3A_1351 iter_args(%scan3A_1356 = %scan3A_1347) -> (i32)  : i32 {
        %mul3A_1357 = arith.constant 16 : i32
        %mul3A_1358 = arith.muli %scan3A_1355, %mul3A_1357 : i32
        %get3A_1359 = arith.index_cast %mul3A_1358 : i32 to index
        %get3A_1360 = tpu.vector_load %arg10[%get3A_1359] {strides = array<i32>} : memref<128xi32, #tpu.memory_space<vmem>>, vector<16xi32>,
        %get3A_1361 = vector.shape_cast %get3A_1360 : vector<16xi32> to vector<16xi32>
        %and3A = arith.constant 7 : i32
        %and3A_1362 = vector.broadcast %and3A : i32 to vector<16xi32>
        %and3A_1363 = arith.andi %get3A_1361, %and3A_1362 : vector<16xi32>
        %convert_element_type3A_1364 = arith.sitofp %and3A_1363 : vector<16xi32> to vector<16xf32>
        %scan3A_1365 = arith.constant 0 : i32
        %scan3A_1366 = arith.constant 0 : i32
        %scan3A_1367 = arith.constant 16 : i32
        %scan3A_1368 = arith.addi %scan3A_1366, %scan3A_1367 : i32
        %scan3A_1369 = arith.constant 1 : i32
        %scan3A_1370 = scf.for %scan3A_1373 = %scan3A_1366 to %scan3A_1368 step %scan3A_1369 iter_args(%scan3A_1374 = %scan3A_1365) -> (i32)  : i32 {
          %mul3A_1375 = arith.constant 16 : i32
          %mul3A_1376 = arith.muli %scan3A_1355, %mul3A_1375 : i32
          %add3A_1377 = arith.addi %mul3A_1376, %scan3A_1373 : i32
          %get3A_1378 = arith.index_cast %add3A_1377 : i32 to index
          %get3A_1379 = arith.constant 128 : index
          %get3A_1380 = tpu.vector_load %arg14[%get3A_1378, %get3A_1379] {strides = array<i32>} : memref<128x256xf32, #tpu.memory_space<vmem>>, vector<1x16xf32>,
          %get3A_1381 = vector.shape_cast %get3A_1380 : vector<1x16xf32> to vector<16xf32>
          %get3A_1382 = arith.index_cast %add3A_1377 : i32 to index
          %get3A_1383 = arith.constant 0 : index
          %get3A_1384 = tpu.vector_load %arg15[%get3A_1382, %get3A_1383] {strides = array<i32>} : memref<128x128xf32, #tpu.memory_space<vmem>>, vector<1x16xf32>,
          %get3A_1385 = vector.shape_cast %get3A_1384 : vector<1x16xf32> to vector<16xf32>
          %add3A_1386 = arith.addf %get3A_1381, %get3A_1385 : vector<16xf32>
          %ge3A = arith.constant 0.000000e+00 : f32
          %ge3A_1387 = vector.broadcast %ge3A : f32 to vector<16xf32>
          %ge3A_1388 = arith.cmpf oge, %add3A_1386, %ge3A_1387 : vector<16xf32>
          %mul3A_1389 = arith.constant 2.000000e-01 : f32
          %mul3A_1390 = vector.broadcast %mul3A_1389 : f32 to vector<16xf32>
          %mul3A_1391 = arith.mulf %mul3A_1390, %add3A_1386 : vector<16xf32>
          %select_n3A = arith.select %ge3A_1388, %add3A_1386, %mul3A_1391 : vector<16xi1>, vector<16xf32>
          %sub3A_1392 = arith.subf %select_n3A, %get3A_2 : vector<16xf32>
          %exp3A = math.exp %sub3A_1392 : vector<16xf32>
          %iota3A_1393 = tpu.iota {dimensions = array<i32: 0>} : vector<16xi32>
          %mul3A_1394 = arith.constant 0 : i32
          %mul3A_1395 = vector.broadcast %mul3A_1394 : i32 to vector<16xi32>
          %mul3A_1396 = arith.muli %iota3A_1393, %mul3A_1395 : vector<16xi32>
          %add3A_1397 = vector.broadcast %scan3A_1373 : i32 to vector<16xi32>
          %add3A_1398 = arith.addi %mul3A_1396, %add3A_1397 : vector<16xi32>
          %broadcast_in_dim3A_1399 = vector.shape_cast %add3A_1398 : vector<16xi32> to vector<16x1xi32>
          %gather3A = vector.shape_cast %broadcast_in_dim3A_1399 : vector<16x1xi32> to vector<16xi32>
          %gather3A_1400 = tpu.dynamic_gather %convert_element_type3A_1364[%gather3A] in [0] : vector<16xf32>, vector<16xi32> -> vector<16xf32>
          %iota3A_1401 = tpu.iota {dimensions = array<i32: 0>} : vector<16xi32>
          %mul3A_1402 = arith.constant 0 : i32
          %mul3A_1403 = vector.broadcast %mul3A_1402 : i32 to vector<16xi32>
          %mul3A_1404 = arith.muli %iota3A_1401, %mul3A_1403 : vector<16xi32>
          %add3A_1405 = arith.constant 0 : i32
          %add3A_1406 = vector.broadcast %add3A_1405 : i32 to vector<16xi32>
          %add3A_1407 = arith.addi %mul3A_1404, %add3A_1406 : vector<16xi32>
          %broadcast_in_dim3A_1408 = vector.shape_cast %add3A_1407 : vector<16xi32> to vector<16x1xi32>
          %gather3A_1409 = vector.shape_cast %broadcast_in_dim3A_1408 : vector<16x1xi32> to vector<16xi32>
          %gather3A_1410 = tpu.dynamic_gather %exp3A[%gather3A_1409] in [0] : vector<16xf32>, vector<16xi32> -> vector<16xf32>
          %get3A_1411 = arith.index_cast %add3A_1377 : i32 to index
          %get3A_1412 = arith.constant 0 : index
          %get3A_1413 = tpu.vector_load %arg14[%get3A_1411, %get3A_1412] {strides = array<i32>} : memref<128x256xf32, #tpu.memory_space<vmem>>, vector<1x16xf32>,
          %get3A_1414 = vector.shape_cast %get3A_1413 : vector<1x16xf32> to vector<16xf32>
          %mul3A_1415 = arith.mulf %gather3A_1410, %get3A_1414 : vector<16xf32>
          %swap3A_1416 = arith.index_cast %add3A_1377 : i32 to index
          %swap3A_1417 = arith.constant 0 : index
          %swap3A_1418 = tpu.vector_load %arg17[%swap3A_1416, %swap3A_1417] {strides = array<i32>} : memref<128x128xf32, #tpu.memory_space<vmem>>, vector<1x16xf32>,
          %swap3A_1419 = vector.shape_cast %swap3A_1418 : vector<1x16xf32> to vector<16xf32>
          %swap3A_1420 = vector.shape_cast %mul3A_1415 : vector<16xf32> to vector<1x16xf32>
          tpu.vector_store %arg17[%swap3A_1416, %swap3A_1417], %swap3A_1420 {strides = array<i32>} : memref<128x128xf32, #tpu.memory_space<vmem>>, vector<1x16xf32>,
          %iota3A_1421 = tpu.iota {dimensions = array<i32: 0>} : vector<16xi32>
          %mul3A_1422 = arith.constant 0 : i32
          %mul3A_1423 = vector.broadcast %mul3A_1422 : i32 to vector<16xi32>
          %mul3A_1424 = arith.muli %iota3A_1421, %mul3A_1423 : vector<16xi32>
          %add3A_1425 = arith.constant 1 : i32
          %add3A_1426 = vector.broadcast %add3A_1425 : i32 to vector<16xi32>
          %add3A_1427 = arith.addi %mul3A_1424, %add3A_1426 : vector<16xi32>
          %broadcast_in_dim3A_1428 = vector.shape_cast %add3A_1427 : vector<16xi32> to vector<16x1xi32>
          %gather3A_1429 = vector.shape_cast %broadcast_in_dim3A_1428 : vector<16x1xi32> to vector<16xi32>
          %gather3A_1430 = tpu.dynamic_gather %exp3A[%gather3A_1429] in [0] : vector<16xf32>, vector<16xi32> -> vector<16xf32>
          %get3A_1431 = arith.index_cast %add3A_1377 : i32 to index
          %get3A_1432 = arith.constant 16 : index
          %get3A_1433 = tpu.vector_load %arg14[%get3A_1431, %get3A_1432] {strides = array<i32>} : memref<128x256xf32, #tpu.memory_space<vmem>>, vector<1x16xf32>,
          %get3A_1434 = vector.shape_cast %get3A_1433 : vector<1x16xf32> to vector<16xf32>
          %mul3A_1435 = arith.mulf %gather3A_1430, %get3A_1434 : vector<16xf32>
          %swap3A_1436 = arith.index_cast %add3A_1377 : i32 to index
          %swap3A_1437 = arith.constant 16 : index
          %swap3A_1438 = tpu.vector_load %arg17[%swap3A_1436, %swap3A_1437] {strides = array<i32>} : memref<128x128xf32, #tpu.memory_space<vmem>>, vector<1x16xf32>,
          %swap3A_1439 = vector.shape_cast %swap3A_1438 : vector<1x16xf32> to vector<16xf32>
          %swap3A_1440 = vector.shape_cast %mul3A_1435 : vector<16xf32> to vector<1x16xf32>
          tpu.vector_store %arg17[%swap3A_1436, %swap3A_1437], %swap3A_1440 {strides = array<i32>} : memref<128x128xf32, #tpu.memory_space<vmem>>, vector<1x16xf32>,
          %iota3A_1441 = tpu.iota {dimensions = array<i32: 0>} : vector<16xi32>
          %mul3A_1442 = arith.constant 0 : i32
          %mul3A_1443 = vector.broadcast %mul3A_1442 : i32 to vector<16xi32>
          %mul3A_1444 = arith.muli %iota3A_1441, %mul3A_1443 : vector<16xi32>
          %add3A_1445 = arith.constant 2 : i32
          %add3A_1446 = vector.broadcast %add3A_1445 : i32 to vector<16xi32>
          %add3A_1447 = arith.addi %mul3A_1444, %add3A_1446 : vector<16xi32>
          %broadcast_in_dim3A_1448 = vector.shape_cast %add3A_1447 : vector<16xi32> to vector<16x1xi32>
          %gather3A_1449 = vector.shape_cast %broadcast_in_dim3A_1448 : vector<16x1xi32> to vector<16xi32>
          %gather3A_1450 = tpu.dynamic_gather %exp3A[%gather3A_1449] in [0] : vector<16xf32>, vector<16xi32> -> vector<16xf32>
          %get3A_1451 = arith.index_cast %add3A_1377 : i32 to index
          %get3A_1452 = arith.constant 32 : index
          %get3A_1453 = tpu.vector_load %arg14[%get3A_1451, %get3A_1452] {strides = array<i32>} : memref<128x256xf32, #tpu.memory_space<vmem>>, vector<1x16xf32>,
          %get3A_1454 = vector.shape_cast %get3A_1453 : vector<1x16xf32> to vector<16xf32>
          %mul3A_1455 = arith.mulf %gather3A_1450, %get3A_1454 : vector<16xf32>
          %swap3A_1456 = arith.index_cast %add3A_1377 : i32 to index
          %swap3A_1457 = arith.constant 32 : index
          %swap3A_1458 = tpu.vector_load %arg17[%swap3A_1456, %swap3A_1457] {strides = array<i32>} : memref<128x128xf32, #tpu.memory_space<vmem>>, vector<1x16xf32>,
          %swap3A_1459 = vector.shape_cast %swap3A_1458 : vector<1x16xf32> to vector<16xf32>
          %swap3A_1460 = vector.shape_cast %mul3A_1455 : vector<16xf32> to vector<1x16xf32>
          tpu.vector_store %arg17[%swap3A_1456, %swap3A_1457], %swap3A_1460 {strides = array<i32>} : memref<128x128xf32, #tpu.memory_space<vmem>>, vector<1x16xf32>,
          %iota3A_1461 = tpu.iota {dimensions = array<i32: 0>} : vector<16xi32>
          %mul3A_1462 = arith.constant 0 : i32
          %mul3A_1463 = vector.broadcast %mul3A_1462 : i32 to vector<16xi32>
          %mul3A_1464 = arith.muli %iota3A_1461, %mul3A_1463 : vector<16xi32>
          %add3A_1465 = arith.constant 3 : i32
          %add3A_1466 = vector.broadcast %add3A_1465 : i32 to vector<16xi32>
          %add3A_1467 = arith.addi %mul3A_1464, %add3A_1466 : vector<16xi32>
          %broadcast_in_dim3A_1468 = vector.shape_cast %add3A_1467 : vector<16xi32> to vector<16x1xi32>
          %gather3A_1469 = vector.shape_cast %broadcast_in_dim3A_1468 : vector<16x1xi32> to vector<16xi32>
          %gather3A_1470 = tpu.dynamic_gather %exp3A[%gather3A_1469] in [0] : vector<16xf32>, vector<16xi32> -> vector<16xf32>
          %get3A_1471 = arith.index_cast %add3A_1377 : i32 to index
          %get3A_1472 = arith.constant 48 : index
          %get3A_1473 = tpu.vector_load %arg14[%get3A_1471, %get3A_1472] {strides = array<i32>} : memref<128x256xf32, #tpu.memory_space<vmem>>, vector<1x16xf32>,
          %get3A_1474 = vector.shape_cast %get3A_1473 : vector<1x16xf32> to vector<16xf32>
          %mul3A_1475 = arith.mulf %gather3A_1470, %get3A_1474 : vector<16xf32>
          %swap3A_1476 = arith.index_cast %add3A_1377 : i32 to index
          %swap3A_1477 = arith.constant 48 : index
          %swap3A_1478 = tpu.vector_load %arg17[%swap3A_1476, %swap3A_1477] {strides = array<i32>} : memref<128x128xf32, #tpu.memory_space<vmem>>, vector<1x16xf32>,
          %swap3A_1479 = vector.shape_cast %swap3A_1478 : vector<1x16xf32> to vector<16xf32>
          %swap3A_1480 = vector.shape_cast %mul3A_1475 : vector<16xf32> to vector<1x16xf32>
          tpu.vector_store %arg17[%swap3A_1476, %swap3A_1477], %swap3A_1480 {strides = array<i32>} : memref<128x128xf32, #tpu.memory_space<vmem>>, vector<1x16xf32>,
          %iota3A_1481 = tpu.iota {dimensions = array<i32: 0>} : vector<16xi32>
          %mul3A_1482 = arith.constant 0 : i32
          %mul3A_1483 = vector.broadcast %mul3A_1482 : i32 to vector<16xi32>
          %mul3A_1484 = arith.muli %iota3A_1481, %mul3A_1483 : vector<16xi32>
          %add3A_1485 = arith.constant 4 : i32
          %add3A_1486 = vector.broadcast %add3A_1485 : i32 to vector<16xi32>
          %add3A_1487 = arith.addi %mul3A_1484, %add3A_1486 : vector<16xi32>
          %broadcast_in_dim3A_1488 = vector.shape_cast %add3A_1487 : vector<16xi32> to vector<16x1xi32>
          %gather3A_1489 = vector.shape_cast %broadcast_in_dim3A_1488 : vector<16x1xi32> to vector<16xi32>
          %gather3A_1490 = tpu.dynamic_gather %exp3A[%gather3A_1489] in [0] : vector<16xf32>, vector<16xi32> -> vector<16xf32>
          %get3A_1491 = arith.index_cast %add3A_1377 : i32 to index
          %get3A_1492 = arith.constant 64 : index
          %get3A_1493 = tpu.vector_load %arg14[%get3A_1491, %get3A_1492] {strides = array<i32>} : memref<128x256xf32, #tpu.memory_space<vmem>>, vector<1x16xf32>,
          %get3A_1494 = vector.shape_cast %get3A_1493 : vector<1x16xf32> to vector<16xf32>
          %mul3A_1495 = arith.mulf %gather3A_1490, %get3A_1494 : vector<16xf32>
          %swap3A_1496 = arith.index_cast %add3A_1377 : i32 to index
          %swap3A_1497 = arith.constant 64 : index
          %swap3A_1498 = tpu.vector_load %arg17[%swap3A_1496, %swap3A_1497] {strides = array<i32>} : memref<128x128xf32, #tpu.memory_space<vmem>>, vector<1x16xf32>,
          %swap3A_1499 = vector.shape_cast %swap3A_1498 : vector<1x16xf32> to vector<16xf32>
          %swap3A_1500 = vector.shape_cast %mul3A_1495 : vector<16xf32> to vector<1x16xf32>
          tpu.vector_store %arg17[%swap3A_1496, %swap3A_1497], %swap3A_1500 {strides = array<i32>} : memref<128x128xf32, #tpu.memory_space<vmem>>, vector<1x16xf32>,
          %iota3A_1501 = tpu.iota {dimensions = array<i32: 0>} : vector<16xi32>
          %mul3A_1502 = arith.constant 0 : i32
          %mul3A_1503 = vector.broadcast %mul3A_1502 : i32 to vector<16xi32>
          %mul3A_1504 = arith.muli %iota3A_1501, %mul3A_1503 : vector<16xi32>
          %add3A_1505 = arith.constant 5 : i32
          %add3A_1506 = vector.broadcast %add3A_1505 : i32 to vector<16xi32>
          %add3A_1507 = arith.addi %mul3A_1504, %add3A_1506 : vector<16xi32>
          %broadcast_in_dim3A_1508 = vector.shape_cast %add3A_1507 : vector<16xi32> to vector<16x1xi32>
          %gather3A_1509 = vector.shape_cast %broadcast_in_dim3A_1508 : vector<16x1xi32> to vector<16xi32>
          %gather3A_1510 = tpu.dynamic_gather %exp3A[%gather3A_1509] in [0] : vector<16xf32>, vector<16xi32> -> vector<16xf32>
          %get3A_1511 = arith.index_cast %add3A_1377 : i32 to index
          %get3A_1512 = arith.constant 80 : index
          %get3A_1513 = tpu.vector_load %arg14[%get3A_1511, %get3A_1512] {strides = array<i32>} : memref<128x256xf32, #tpu.memory_space<vmem>>, vector<1x16xf32>,
          %get3A_1514 = vector.shape_cast %get3A_1513 : vector<1x16xf32> to vector<16xf32>
          %mul3A_1515 = arith.mulf %gather3A_1510, %get3A_1514 : vector<16xf32>
          %swap3A_1516 = arith.index_cast %add3A_1377 : i32 to index
          %swap3A_1517 = arith.constant 80 : index
          %swap3A_1518 = tpu.vector_load %arg17[%swap3A_1516, %swap3A_1517] {strides = array<i32>} : memref<128x128xf32, #tpu.memory_space<vmem>>, vector<1x16xf32>,
          %swap3A_1519 = vector.shape_cast %swap3A_1518 : vector<1x16xf32> to vector<16xf32>
          %swap3A_1520 = vector.shape_cast %mul3A_1515 : vector<16xf32> to vector<1x16xf32>
          tpu.vector_store %arg17[%swap3A_1516, %swap3A_1517], %swap3A_1520 {strides = array<i32>} : memref<128x128xf32, #tpu.memory_space<vmem>>, vector<1x16xf32>,
          %iota3A_1521 = tpu.iota {dimensions = array<i32: 0>} : vector<16xi32>
          %mul3A_1522 = arith.constant 0 : i32
          %mul3A_1523 = vector.broadcast %mul3A_1522 : i32 to vector<16xi32>
          %mul3A_1524 = arith.muli %iota3A_1521, %mul3A_1523 : vector<16xi32>
          %add3A_1525 = arith.constant 6 : i32
          %add3A_1526 = vector.broadcast %add3A_1525 : i32 to vector<16xi32>
          %add3A_1527 = arith.addi %mul3A_1524, %add3A_1526 : vector<16xi32>
          %broadcast_in_dim3A_1528 = vector.shape_cast %add3A_1527 : vector<16xi32> to vector<16x1xi32>
          %gather3A_1529 = vector.shape_cast %broadcast_in_dim3A_1528 : vector<16x1xi32> to vector<16xi32>
          %gather3A_1530 = tpu.dynamic_gather %exp3A[%gather3A_1529] in [0] : vector<16xf32>, vector<16xi32> -> vector<16xf32>
          %get3A_1531 = arith.index_cast %add3A_1377 : i32 to index
          %get3A_1532 = arith.constant 96 : index
          %get3A_1533 = tpu.vector_load %arg14[%get3A_1531, %get3A_1532] {strides = array<i32>} : memref<128x256xf32, #tpu.memory_space<vmem>>, vector<1x16xf32>,
          %get3A_1534 = vector.shape_cast %get3A_1533 : vector<1x16xf32> to vector<16xf32>
          %mul3A_1535 = arith.mulf %gather3A_1530, %get3A_1534 : vector<16xf32>
          %swap3A_1536 = arith.index_cast %add3A_1377 : i32 to index
          %swap3A_1537 = arith.constant 96 : index
          %swap3A_1538 = tpu.vector_load %arg17[%swap3A_1536, %swap3A_1537] {strides = array<i32>} : memref<128x128xf32, #tpu.memory_space<vmem>>, vector<1x16xf32>,
          %swap3A_1539 = vector.shape_cast %swap3A_1538 : vector<1x16xf32> to vector<16xf32>
          %swap3A_1540 = vector.shape_cast %mul3A_1535 : vector<16xf32> to vector<1x16xf32>
          tpu.vector_store %arg17[%swap3A_1536, %swap3A_1537], %swap3A_1540 {strides = array<i32>} : memref<128x128xf32, #tpu.memory_space<vmem>>, vector<1x16xf32>,
          %iota3A_1541 = tpu.iota {dimensions = array<i32: 0>} : vector<16xi32>
          %mul3A_1542 = arith.constant 0 : i32
          %mul3A_1543 = vector.broadcast %mul3A_1542 : i32 to vector<16xi32>
          %mul3A_1544 = arith.muli %iota3A_1541, %mul3A_1543 : vector<16xi32>
          %add3A_1545 = arith.constant 7 : i32
          %add3A_1546 = vector.broadcast %add3A_1545 : i32 to vector<16xi32>
          %add3A_1547 = arith.addi %mul3A_1544, %add3A_1546 : vector<16xi32>
          %broadcast_in_dim3A_1548 = vector.shape_cast %add3A_1547 : vector<16xi32> to vector<16x1xi32>
          %gather3A_1549 = vector.shape_cast %broadcast_in_dim3A_1548 : vector<16x1xi32> to vector<16xi32>
          %gather3A_1550 = tpu.dynamic_gather %exp3A[%gather3A_1549] in [0] : vector<16xf32>, vector<16xi32> -> vector<16xf32>
          %get3A_1551 = arith.index_cast %add3A_1377 : i32 to index
          %get3A_1552 = arith.constant 112 : index
          %get3A_1553 = tpu.vector_load %arg14[%get3A_1551, %get3A_1552] {strides = array<i32>} : memref<128x256xf32, #tpu.memory_space<vmem>>, vector<1x16xf32>,
          %get3A_1554 = vector.shape_cast %get3A_1553 : vector<1x16xf32> to vector<16xf32>
          %mul3A_1555 = arith.mulf %gather3A_1550, %get3A_1554 : vector<16xf32>
          %swap3A_1556 = arith.index_cast %add3A_1377 : i32 to index
          %swap3A_1557 = arith.constant 112 : index
          %swap3A_1558 = tpu.vector_load %arg17[%swap3A_1556, %swap3A_1557] {strides = array<i32>} : memref<128x128xf32, #tpu.memory_space<vmem>>, vector<1x16xf32>,
          %swap3A_1559 = vector.shape_cast %swap3A_1558 : vector<1x16xf32> to vector<16xf32>
          %swap3A_1560 = vector.shape_cast %mul3A_1555 : vector<16xf32> to vector<1x16xf32>
          tpu.vector_store %arg17[%swap3A_1556, %swap3A_1557], %swap3A_1560 {strides = array<i32>} : memref<128x128xf32, #tpu.memory_space<vmem>>, vector<1x16xf32>,
          %sub3A_1561 = arith.constant 0.000000e+00 : f32
          %sub3A_1562 = vector.broadcast %sub3A_1561 : f32 to vector<16xf32>
          %sub3A_1563 = arith.subf %gather3A_1400, %sub3A_1562 : vector<16xf32>
          %abs3A = math.absf %sub3A_1563 : vector<16xf32>
          %sub3A_1564 = arith.constant 1.000000e+00 : f32
          %sub3A_1565 = vector.broadcast %sub3A_1564 : f32 to vector<16xf32>
          %sub3A_1566 = arith.subf %sub3A_1565, %abs3A : vector<16xf32>
          %max3A_1567 = arith.constant 0.000000e+00 : f32
          %max3A_1568 = vector.broadcast %max3A_1567 : f32 to vector<16xf32>
          %max3A_1569 = arith.maximumf %sub3A_1566, %max3A_1568 : vector<16xf32>
          %mul3A_1570 = arith.mulf %exp3A, %max3A_1569 : vector<16xf32>
          %swap3A_1571 = arith.index_cast %add3A_1377 : i32 to index
          %swap3A_1572 = arith.constant 0 : index
          %swap3A_1573 = tpu.vector_load %arg16[%swap3A_1571, %swap3A_1572] {strides = array<i32>} : memref<128x128xf32, #tpu.memory_space<vmem>>, vector<1x16xf32>,
          %swap3A_1574 = vector.shape_cast %swap3A_1573 : vector<1x16xf32> to vector<16xf32>
          %swap3A_1575 = vector.shape_cast %mul3A_1570 : vector<16xf32> to vector<1x16xf32>
          tpu.vector_store %arg16[%swap3A_1571, %swap3A_1572], %swap3A_1575 {strides = array<i32>} : memref<128x128xf32, #tpu.memory_space<vmem>>, vector<1x16xf32>,
          %sub3A_1576 = arith.constant 1.000000e+00 : f32
          %sub3A_1577 = vector.broadcast %sub3A_1576 : f32 to vector<16xf32>
          %sub3A_1578 = arith.subf %gather3A_1400, %sub3A_1577 : vector<16xf32>
          %abs3A_1579 = math.absf %sub3A_1578 : vector<16xf32>
          %sub3A_1580 = arith.constant 1.000000e+00 : f32
          %sub3A_1581 = vector.broadcast %sub3A_1580 : f32 to vector<16xf32>
          %sub3A_1582 = arith.subf %sub3A_1581, %abs3A_1579 : vector<16xf32>
          %max3A_1583 = arith.constant 0.000000e+00 : f32
          %max3A_1584 = vector.broadcast %max3A_1583 : f32 to vector<16xf32>
          %max3A_1585 = arith.maximumf %sub3A_1582, %max3A_1584 : vector<16xf32>
          %mul3A_1586 = arith.mulf %exp3A, %max3A_1585 : vector<16xf32>
          %swap3A_1587 = arith.index_cast %add3A_1377 : i32 to index
          %swap3A_1588 = arith.constant 16 : index
          %swap3A_1589 = tpu.vector_load %arg16[%swap3A_1587, %swap3A_1588] {strides = array<i32>} : memref<128x128xf32, #tpu.memory_space<vmem>>, vector<1x16xf32>,
          %swap3A_1590 = vector.shape_cast %swap3A_1589 : vector<1x16xf32> to vector<16xf32>
          %swap3A_1591 = vector.shape_cast %mul3A_1586 : vector<16xf32> to vector<1x16xf32>
          tpu.vector_store %arg16[%swap3A_1587, %swap3A_1588], %swap3A_1591 {strides = array<i32>} : memref<128x128xf32, #tpu.memory_space<vmem>>, vector<1x16xf32>,
          %sub3A_1592 = arith.constant 2.000000e+00 : f32
          %sub3A_1593 = vector.broadcast %sub3A_1592 : f32 to vector<16xf32>
          %sub3A_1594 = arith.subf %gather3A_1400, %sub3A_1593 : vector<16xf32>
          %abs3A_1595 = math.absf %sub3A_1594 : vector<16xf32>
          %sub3A_1596 = arith.constant 1.000000e+00 : f32
          %sub3A_1597 = vector.broadcast %sub3A_1596 : f32 to vector<16xf32>
          %sub3A_1598 = arith.subf %sub3A_1597, %abs3A_1595 : vector<16xf32>
          %max3A_1599 = arith.constant 0.000000e+00 : f32
          %max3A_1600 = vector.broadcast %max3A_1599 : f32 to vector<16xf32>
          %max3A_1601 = arith.maximumf %sub3A_1598, %max3A_1600 : vector<16xf32>
          %mul3A_1602 = arith.mulf %exp3A, %max3A_1601 : vector<16xf32>
          %swap3A_1603 = arith.index_cast %add3A_1377 : i32 to index
          %swap3A_1604 = arith.constant 32 : index
          %swap3A_1605 = tpu.vector_load %arg16[%swap3A_1603, %swap3A_1604] {strides = array<i32>} : memref<128x128xf32, #tpu.memory_space<vmem>>, vector<1x16xf32>,
          %swap3A_1606 = vector.shape_cast %swap3A_1605 : vector<1x16xf32> to vector<16xf32>
          %swap3A_1607 = vector.shape_cast %mul3A_1602 : vector<16xf32> to vector<1x16xf32>
          tpu.vector_store %arg16[%swap3A_1603, %swap3A_1604], %swap3A_1607 {strides = array<i32>} : memref<128x128xf32, #tpu.memory_space<vmem>>, vector<1x16xf32>,
          %sub3A_1608 = arith.constant 3.000000e+00 : f32
          %sub3A_1609 = vector.broadcast %sub3A_1608 : f32 to vector<16xf32>
          %sub3A_1610 = arith.subf %gather3A_1400, %sub3A_1609 : vector<16xf32>
          %abs3A_1611 = math.absf %sub3A_1610 : vector<16xf32>
          %sub3A_1612 = arith.constant 1.000000e+00 : f32
          %sub3A_1613 = vector.broadcast %sub3A_1612 : f32 to vector<16xf32>
          %sub3A_1614 = arith.subf %sub3A_1613, %abs3A_1611 : vector<16xf32>
          %max3A_1615 = arith.constant 0.000000e+00 : f32
          %max3A_1616 = vector.broadcast %max3A_1615 : f32 to vector<16xf32>
          %max3A_1617 = arith.maximumf %sub3A_1614, %max3A_1616 : vector<16xf32>
          %mul3A_1618 = arith.mulf %exp3A, %max3A_1617 : vector<16xf32>
          %swap3A_1619 = arith.index_cast %add3A_1377 : i32 to index
          %swap3A_1620 = arith.constant 48 : index
          %swap3A_1621 = tpu.vector_load %arg16[%swap3A_1619, %swap3A_1620] {strides = array<i32>} : memref<128x128xf32, #tpu.memory_space<vmem>>, vector<1x16xf32>,
          %swap3A_1622 = vector.shape_cast %swap3A_1621 : vector<1x16xf32> to vector<16xf32>
          %swap3A_1623 = vector.shape_cast %mul3A_1618 : vector<16xf32> to vector<1x16xf32>
          tpu.vector_store %arg16[%swap3A_1619, %swap3A_1620], %swap3A_1623 {strides = array<i32>} : memref<128x128xf32, #tpu.memory_space<vmem>>, vector<1x16xf32>,
          %sub3A_1624 = arith.constant 4.000000e+00 : f32
          %sub3A_1625 = vector.broadcast %sub3A_1624 : f32 to vector<16xf32>
          %sub3A_1626 = arith.subf %gather3A_1400, %sub3A_1625 : vector<16xf32>
          %abs3A_1627 = math.absf %sub3A_1626 : vector<16xf32>
          %sub3A_1628 = arith.constant 1.000000e+00 : f32
          %sub3A_1629 = vector.broadcast %sub3A_1628 : f32 to vector<16xf32>
          %sub3A_1630 = arith.subf %sub3A_1629, %abs3A_1627 : vector<16xf32>
          %max3A_1631 = arith.constant 0.000000e+00 : f32
          %max3A_1632 = vector.broadcast %max3A_1631 : f32 to vector<16xf32>
          %max3A_1633 = arith.maximumf %sub3A_1630, %max3A_1632 : vector<16xf32>
          %mul3A_1634 = arith.mulf %exp3A, %max3A_1633 : vector<16xf32>
          %swap3A_1635 = arith.index_cast %add3A_1377 : i32 to index
          %swap3A_1636 = arith.constant 64 : index
          %swap3A_1637 = tpu.vector_load %arg16[%swap3A_1635, %swap3A_1636] {strides = array<i32>} : memref<128x128xf32, #tpu.memory_space<vmem>>, vector<1x16xf32>,
          %swap3A_1638 = vector.shape_cast %swap3A_1637 : vector<1x16xf32> to vector<16xf32>
          %swap3A_1639 = vector.shape_cast %mul3A_1634 : vector<16xf32> to vector<1x16xf32>
          tpu.vector_store %arg16[%swap3A_1635, %swap3A_1636], %swap3A_1639 {strides = array<i32>} : memref<128x128xf32, #tpu.memory_space<vmem>>, vector<1x16xf32>,
          %sub3A_1640 = arith.constant 5.000000e+00 : f32
          %sub3A_1641 = vector.broadcast %sub3A_1640 : f32 to vector<16xf32>
          %sub3A_1642 = arith.subf %gather3A_1400, %sub3A_1641 : vector<16xf32>
          %abs3A_1643 = math.absf %sub3A_1642 : vector<16xf32>
          %sub3A_1644 = arith.constant 1.000000e+00 : f32
          %sub3A_1645 = vector.broadcast %sub3A_1644 : f32 to vector<16xf32>
          %sub3A_1646 = arith.subf %sub3A_1645, %abs3A_1643 : vector<16xf32>
          %max3A_1647 = arith.constant 0.000000e+00 : f32
          %max3A_1648 = vector.broadcast %max3A_1647 : f32 to vector<16xf32>
          %max3A_1649 = arith.maximumf %sub3A_1646, %max3A_1648 : vector<16xf32>
          %mul3A_1650 = arith.mulf %exp3A, %max3A_1649 : vector<16xf32>
          %swap3A_1651 = arith.index_cast %add3A_1377 : i32 to index
          %swap3A_1652 = arith.constant 80 : index
          %swap3A_1653 = tpu.vector_load %arg16[%swap3A_1651, %swap3A_1652] {strides = array<i32>} : memref<128x128xf32, #tpu.memory_space<vmem>>, vector<1x16xf32>,
          %swap3A_1654 = vector.shape_cast %swap3A_1653 : vector<1x16xf32> to vector<16xf32>
          %swap3A_1655 = vector.shape_cast %mul3A_1650 : vector<16xf32> to vector<1x16xf32>
          tpu.vector_store %arg16[%swap3A_1651, %swap3A_1652], %swap3A_1655 {strides = array<i32>} : memref<128x128xf32, #tpu.memory_space<vmem>>, vector<1x16xf32>,
          %sub3A_1656 = arith.constant 6.000000e+00 : f32
          %sub3A_1657 = vector.broadcast %sub3A_1656 : f32 to vector<16xf32>
          %sub3A_1658 = arith.subf %gather3A_1400, %sub3A_1657 : vector<16xf32>
          %abs3A_1659 = math.absf %sub3A_1658 : vector<16xf32>
          %sub3A_1660 = arith.constant 1.000000e+00 : f32
          %sub3A_1661 = vector.broadcast %sub3A_1660 : f32 to vector<16xf32>
          %sub3A_1662 = arith.subf %sub3A_1661, %abs3A_1659 : vector<16xf32>
          %max3A_1663 = arith.constant 0.000000e+00 : f32
          %max3A_1664 = vector.broadcast %max3A_1663 : f32 to vector<16xf32>
          %max3A_1665 = arith.maximumf %sub3A_1662, %max3A_1664 : vector<16xf32>
          %mul3A_1666 = arith.mulf %exp3A, %max3A_1665 : vector<16xf32>
          %swap3A_1667 = arith.index_cast %add3A_1377 : i32 to index
          %swap3A_1668 = arith.constant 96 : index
          %swap3A_1669 = tpu.vector_load %arg16[%swap3A_1667, %swap3A_1668] {strides = array<i32>} : memref<128x128xf32, #tpu.memory_space<vmem>>, vector<1x16xf32>,
          %swap3A_1670 = vector.shape_cast %swap3A_1669 : vector<1x16xf32> to vector<16xf32>
          %swap3A_1671 = vector.shape_cast %mul3A_1666 : vector<16xf32> to vector<1x16xf32>
          tpu.vector_store %arg16[%swap3A_1667, %swap3A_1668], %swap3A_1671 {strides = array<i32>} : memref<128x128xf32, #tpu.memory_space<vmem>>, vector<1x16xf32>,
          %sub3A_1672 = arith.constant 7.000000e+00 : f32
          %sub3A_1673 = vector.broadcast %sub3A_1672 : f32 to vector<16xf32>
          %sub3A_1674 = arith.subf %gather3A_1400, %sub3A_1673 : vector<16xf32>
          %abs3A_1675 = math.absf %sub3A_1674 : vector<16xf32>
          %sub3A_1676 = arith.constant 1.000000e+00 : f32
          %sub3A_1677 = vector.broadcast %sub3A_1676 : f32 to vector<16xf32>
          %sub3A_1678 = arith.subf %sub3A_1677, %abs3A_1675 : vector<16xf32>
          %max3A_1679 = arith.constant 0.000000e+00 : f32
          %max3A_1680 = vector.broadcast %max3A_1679 : f32 to vector<16xf32>
          %max3A_1681 = arith.maximumf %sub3A_1678, %max3A_1680 : vector<16xf32>
          %mul3A_1682 = arith.mulf %exp3A, %max3A_1681 : vector<16xf32>
          %swap3A_1683 = arith.index_cast %add3A_1377 : i32 to index
          %swap3A_1684 = arith.constant 112 : index
          %swap3A_1685 = tpu.vector_load %arg16[%swap3A_1683, %swap3A_1684] {strides = array<i32>} : memref<128x128xf32, #tpu.memory_space<vmem>>, vector<1x16xf32>,
          %swap3A_1686 = vector.shape_cast %swap3A_1685 : vector<1x16xf32> to vector<16xf32>
          %swap3A_1687 = vector.shape_cast %mul3A_1682 : vector<16xf32> to vector<1x16xf32>
          tpu.vector_store %arg16[%swap3A_1683, %swap3A_1684], %swap3A_1687 {strides = array<i32>} : memref<128x128xf32, #tpu.memory_space<vmem>>, vector<1x16xf32>,
          %scan3A_1688 = arith.constant 0 : i32
          scf.yield %scan3A_1688 : i32
        }
        %scan3A_1371 = arith.constant 16 : i32
        %scan3A_1372 = arith.constant 0 : i32
        scf.yield %scan3A_1372 : i32
      }
      %scan3A_1353 = arith.constant 8 : i32
      "tpu.region"() ({
        %run_scoped3A_1355 = tpu.sem_alloc : memref<!tpu.dma_semaphore, #tpu.memory_space<semaphore_mem>>
        %dma_start3A_1356 = arith.constant 0 : i32
        %dma_start3A_1357 = arith.constant 0 : i32
        %dma_start3A_1358 = tpu.memref_slice %arg20[%dma_start3A_1356, %dma_start3A_1357] : memref<5248x128xf32, #tpu.memory_space<vmem_shared>> -> memref<5248x128xf32, #tpu.memory_space<vmem_shared>>
        tpu.enqueue_indirect_dma source(%arg17 : memref<128x128xf32, #tpu.memory_space<vmem>>) target(%dma_start3A_1358 : memref<5248x128xf32, #tpu.memory_space<vmem_shared>>) offsets(%arg12 : memref<128xi32, #tpu.memory_space<vmem>>) semaphore(%run_scoped3A_1355 : memref<!tpu.dma_semaphore, #tpu.memory_space<semaphore_mem>>) {add = true}
        %dma_wait3A_1359 = arith.constant 0 : i32
        %dma_wait3A_1360 = arith.constant 0 : i32
        %dma_wait3A_1361 = tpu.memref_slice %arg20[%dma_wait3A_1359, %dma_wait3A_1360] : memref<5248x128xf32, #tpu.memory_space<vmem_shared>> -> memref<5248x128xf32, #tpu.memory_space<vmem_shared>>
        tpu.wait_indirect_dma semaphore(%run_scoped3A_1355 : memref<!tpu.dma_semaphore, #tpu.memory_space<semaphore_mem>>) src(%arg17 : memref<128x128xf32, #tpu.memory_space<vmem>>) dst(%dma_wait3A_1361 : memref<5248x128xf32, #tpu.memory_space<vmem_shared>>)
        tpu.yield
      }) : () -> ()
      "tpu.region"() ({
        %run_scoped3A_1355 = tpu.sem_alloc : memref<!tpu.dma_semaphore, #tpu.memory_space<semaphore_mem>>
        %dma_start3A_1356 = arith.constant 0 : i32
        %dma_start3A_1357 = arith.constant 0 : i32
        %dma_start3A_1358 = tpu.memref_slice %arg21[%dma_start3A_1356, %dma_start3A_1357] : memref<656x128xf32, #tpu.memory_space<vmem_shared>> -> memref<656x128xf32, #tpu.memory_space<vmem_shared>>
        tpu.enqueue_indirect_dma source(%arg16 : memref<128x128xf32, #tpu.memory_space<vmem>>) target(%dma_start3A_1358 : memref<656x128xf32, #tpu.memory_space<vmem_shared>>) offsets(%arg13 : memref<128xi32, #tpu.memory_space<vmem>>) semaphore(%run_scoped3A_1355 : memref<!tpu.dma_semaphore, #tpu.memory_space<semaphore_mem>>) {add = true}
        %dma_wait3A_1359 = arith.constant 0 : i32
        %dma_wait3A_1360 = arith.constant 0 : i32
        %dma_wait3A_1361 = tpu.memref_slice %arg21[%dma_wait3A_1359, %dma_wait3A_1360] : memref<656x128xf32, #tpu.memory_space<vmem_shared>> -> memref<656x128xf32, #tpu.memory_space<vmem_shared>>
        tpu.wait_indirect_dma semaphore(%run_scoped3A_1355 : memref<!tpu.dma_semaphore, #tpu.memory_space<semaphore_mem>>) src(%arg16 : memref<128x128xf32, #tpu.memory_space<vmem>>) dst(%dma_wait3A_1361 : memref<656x128xf32, #tpu.memory_space<vmem_shared>>)
        tpu.yield
      }) : () -> ()
      %scan3A_1354 = arith.constant 0 : i32
      scf.yield %scan3A_1354 : i32
    }
    %scan3A_21 = arith.constant 164 : i32
    %barrier3A_22 = arith.constant 0 : index
    tpu.barrier barrier_id(%barrier3A_22)
    %mul3A_23 = arith.constant 320 : i32
    %mul3A_24 = arith.muli %arg1, %mul3A_23 : i32
    %add3A_25 = arith.constant 0 : i32
    %add3A_26 = arith.addi %mul3A_24, %add3A_25 : i32
    %add3A_27 = arith.constant 0 : i32
    %add3A_28 = arith.addi %add3A_27, %add3A_26 : i32
    %add3A_29 = arith.constant 0 : i32
    %add3A_30 = arith.addi %add3A_28, %add3A_29 : i32
    %iota3A = tpu.iota {dimensions = array<i32: 0>} : vector<16xi32>
    %add3A_31 = vector.broadcast %add3A_30 : i32 to vector<16xi32>
    %add3A_32 = arith.addi %iota3A, %add3A_31 : vector<16xi32>
    %swap3A = arith.constant 0 : index
    %swap3A_33 = tpu.vector_load %arg19[%swap3A] {strides = array<i32>} : memref<64xi32, #tpu.memory_space<vmem>>, vector<16xi32>,
    %swap3A_34 = vector.shape_cast %swap3A_33 : vector<16xi32> to vector<16xi32>
    %swap3A_35 = vector.shape_cast %add3A_32 : vector<16xi32> to vector<16xi32>
    tpu.vector_store %arg19[%swap3A], %swap3A_35 {strides = array<i32>} : memref<64xi32, #tpu.memory_space<vmem>>, vector<16xi32>,
    %add3A_36 = arith.constant 0 : i32
    %add3A_37 = arith.addi %add3A_36, %add3A_26 : i32
    %add3A_38 = arith.constant 16 : i32
    %add3A_39 = arith.addi %add3A_37, %add3A_38 : i32
    %iota3A_40 = tpu.iota {dimensions = array<i32: 0>} : vector<16xi32>
    %add3A_41 = vector.broadcast %add3A_39 : i32 to vector<16xi32>
    %add3A_42 = arith.addi %iota3A_40, %add3A_41 : vector<16xi32>
    %swap3A_43 = arith.constant 16 : index
    %swap3A_44 = tpu.vector_load %arg19[%swap3A_43] {strides = array<i32>} : memref<64xi32, #tpu.memory_space<vmem>>, vector<16xi32>,
    %swap3A_45 = vector.shape_cast %swap3A_44 : vector<16xi32> to vector<16xi32>
    %swap3A_46 = vector.shape_cast %add3A_42 : vector<16xi32> to vector<16xi32>
    tpu.vector_store %arg19[%swap3A_43], %swap3A_46 {strides = array<i32>} : memref<64xi32, #tpu.memory_space<vmem>>, vector<16xi32>,
    %add3A_47 = arith.constant 0 : i32
    %add3A_48 = arith.addi %add3A_47, %add3A_26 : i32
    %add3A_49 = arith.constant 32 : i32
    %add3A_50 = arith.addi %add3A_48, %add3A_49 : i32
    %iota3A_51 = tpu.iota {dimensions = array<i32: 0>} : vector<16xi32>
    %add3A_52 = vector.broadcast %add3A_50 : i32 to vector<16xi32>
    %add3A_53 = arith.addi %iota3A_51, %add3A_52 : vector<16xi32>
    %swap3A_54 = arith.constant 32 : index
    %swap3A_55 = tpu.vector_load %arg19[%swap3A_54] {strides = array<i32>} : memref<64xi32, #tpu.memory_space<vmem>>, vector<16xi32>,
    %swap3A_56 = vector.shape_cast %swap3A_55 : vector<16xi32> to vector<16xi32>
    %swap3A_57 = vector.shape_cast %add3A_53 : vector<16xi32> to vector<16xi32>
    tpu.vector_store %arg19[%swap3A_54], %swap3A_57 {strides = array<i32>} : memref<64xi32, #tpu.memory_space<vmem>>, vector<16xi32>,
    %add3A_58 = arith.constant 0 : i32
    %add3A_59 = arith.addi %add3A_58, %add3A_26 : i32
    %add3A_60 = arith.constant 48 : i32
    %add3A_61 = arith.addi %add3A_59, %add3A_60 : i32
    %iota3A_62 = tpu.iota {dimensions = array<i32: 0>} : vector<16xi32>
    %add3A_63 = vector.broadcast %add3A_61 : i32 to vector<16xi32>
    %add3A_64 = arith.addi %iota3A_62, %add3A_63 : vector<16xi32>
    %swap3A_65 = arith.constant 48 : index
    %swap3A_66 = tpu.vector_load %arg19[%swap3A_65] {strides = array<i32>} : memref<64xi32, #tpu.memory_space<vmem>>, vector<16xi32>,
    %swap3A_67 = vector.shape_cast %swap3A_66 : vector<16xi32> to vector<16xi32>
    %swap3A_68 = vector.shape_cast %add3A_64 : vector<16xi32> to vector<16xi32>
    tpu.vector_store %arg19[%swap3A_65], %swap3A_68 {strides = array<i32>} : memref<64xi32, #tpu.memory_space<vmem>>, vector<16xi32>,
    "tpu.region"() ({
      %run_scoped3A_652 = tpu.sem_alloc : memref<!tpu.dma_semaphore, #tpu.memory_space<semaphore_mem>>
      %dma_start3A_653 = arith.constant 0 : i32
      %dma_start3A_654 = arith.constant 0 : i32
      %dma_start3A_655 = tpu.memref_slice %arg17[%dma_start3A_653, %dma_start3A_654] : memref<128x128xf32, #tpu.memory_space<vmem>> -> memref<64x128xf32, #tpu.memory_space<vmem>>
      %dma_start3A_656 = arith.constant 0 : i32
      %dma_start3A_657 = tpu.memref_slice %arg20[%add3A_26, %dma_start3A_656] : memref<5248x128xf32, #tpu.memory_space<vmem_shared>> -> memref<64x128xf32, #tpu.memory_space<vmem_shared>>
      %dma_start3A_658 = arith.constant 0 : i32
      %dma_start3A_659 = arith.constant 0 : i32
      %dma_start3A_660 = tpu.memref_slice %arg17[%dma_start3A_658, %dma_start3A_659] : memref<128x128xf32, #tpu.memory_space<vmem>> -> memref<64x128xf32, #tpu.memory_space<vmem>>
      %dma_start3A_661 = arith.constant 0 : i32
      %dma_start3A_662 = tpu.memref_slice %arg20[%add3A_26, %dma_start3A_661] : memref<5248x128xf32, #tpu.memory_space<vmem_shared>> -> memref<64x128xf32, #tpu.memory_space<vmem_shared>>
      tpu.enqueue_dma source(%dma_start3A_662 : memref<64x128xf32, #tpu.memory_space<vmem_shared>>) target(%dma_start3A_660 : memref<64x128xf32, #tpu.memory_space<vmem>>) target_semaphore(%run_scoped3A_652 : memref<!tpu.dma_semaphore, #tpu.memory_space<semaphore_mem>>)
      %dma_wait3A_663 = arith.constant 0 : i32
      %dma_wait3A_664 = arith.constant 0 : i32
      %dma_wait3A_665 = tpu.memref_slice %arg17[%dma_wait3A_663, %dma_wait3A_664] : memref<128x128xf32, #tpu.memory_space<vmem>> -> memref<64x128xf32, #tpu.memory_space<vmem>>
      %dma_wait3A_666 = arith.constant 0 : i32
      %dma_wait3A_667 = tpu.memref_slice %arg20[%add3A_26, %dma_wait3A_666] : memref<5248x128xf32, #tpu.memory_space<vmem_shared>> -> memref<64x128xf32, #tpu.memory_space<vmem_shared>>
      %dma_wait3A_668 = arith.constant 0 : i32
      %dma_wait3A_669 = arith.constant 0 : i32
      %dma_wait3A_670 = tpu.memref_slice %arg17[%dma_wait3A_668, %dma_wait3A_669] : memref<128x128xf32, #tpu.memory_space<vmem>> -> memref<64x128xf32, #tpu.memory_space<vmem>>
      %dma_wait3A_671 = arith.constant 0 : i32
      %dma_wait3A_672 = tpu.memref_slice %arg20[%add3A_26, %dma_wait3A_671] : memref<5248x128xf32, #tpu.memory_space<vmem_shared>> -> memref<64x128xf32, #tpu.memory_space<vmem_shared>>
      tpu.wait_dma2 semaphore(%run_scoped3A_652 : memref<!tpu.dma_semaphore, #tpu.memory_space<semaphore_mem>>) src(%dma_wait3A_672 : memref<64x128xf32, #tpu.memory_space<vmem_shared>>) dst(%dma_wait3A_670 : memref<64x128xf32, #tpu.memory_space<vmem>>)
      tpu.yield
    }) : () -> ()
    %dma_start3A = arith.constant 0 : i32
    %dma_start3A_69 = arith.constant 0 : i32
    %dma_start3A_70 = tpu.memref_slice %arg17[%dma_start3A, %dma_start3A_69] : memref<128x128xf32, #tpu.memory_space<vmem>> -> memref<64x128xf32, #tpu.memory_space<vmem>>
    %dma_start3A_71 = arith.constant 0 : i32
    %dma_start3A_72 = arith.constant 0 : i32
    %dma_start3A_73 = tpu.memref_slice %arg7[%dma_start3A_71, %dma_start3A_72] : memref<10240x128xf32, #tpu.memory_space<hbm>> -> memref<10240x128xf32, #tpu.memory_space<hbm>>
    tpu.enqueue_indirect_dma source(%dma_start3A_70 : memref<64x128xf32, #tpu.memory_space<vmem>>) target(%dma_start3A_73 : memref<10240x128xf32, #tpu.memory_space<hbm>>) offsets(%arg19 : memref<64xi32, #tpu.memory_space<vmem>>) semaphore(%arg22 : memref<!tpu.dma_semaphore, #tpu.memory_space<semaphore_mem>>)
    %dma_wait3A = arith.constant 0 : i32
    %dma_wait3A_74 = arith.constant 0 : i32
    %dma_wait3A_75 = tpu.memref_slice %arg17[%dma_wait3A, %dma_wait3A_74] : memref<128x128xf32, #tpu.memory_space<vmem>> -> memref<64x128xf32, #tpu.memory_space<vmem>>
    %dma_wait3A_76 = arith.constant 0 : i32
    %dma_wait3A_77 = arith.constant 0 : i32
    %dma_wait3A_78 = tpu.memref_slice %arg7[%dma_wait3A_76, %dma_wait3A_77] : memref<10240x128xf32, #tpu.memory_space<hbm>> -> memref<10240x128xf32, #tpu.memory_space<hbm>>
    tpu.wait_indirect_dma semaphore(%arg22 : memref<!tpu.dma_semaphore, #tpu.memory_space<semaphore_mem>>) src(%dma_wait3A_75 : memref<64x128xf32, #tpu.memory_space<vmem>>) dst(%dma_wait3A_78 : memref<10240x128xf32, #tpu.memory_space<hbm>>)
    %mul3A_79 = arith.constant 320 : i32
    %mul3A_80 = arith.muli %arg1, %mul3A_79 : i32
    %add3A_81 = arith.constant 64 : i32
    %add3A_82 = arith.addi %mul3A_80, %add3A_81 : i32
    %add3A_83 = arith.constant 0 : i32
    %add3A_84 = arith.addi %add3A_83, %add3A_82 : i32
    %add3A_85 = arith.constant 0 : i32
    %add3A_86 = arith.addi %add3A_84, %add3A_85 : i32
    %iota3A_87 = tpu.iota {dimensions = array<i32: 0>} : vector<16xi32>
    %add3A_88 = vector.broadcast %add3A_86 : i32 to vector<16xi32>
    %add3A_89 = arith.addi %iota3A_87, %add3A_88 : vector<16xi32>
    %swap3A_90 = arith.constant 0 : index
    %swap3A_91 = tpu.vector_load %arg19[%swap3A_90] {strides = array<i32>} : memref<64xi32, #tpu.memory_space<vmem>>, vector<16xi32>,
    %swap3A_92 = vector.shape_cast %swap3A_91 : vector<16xi32> to vector<16xi32>
    %swap3A_93 = vector.shape_cast %add3A_89 : vector<16xi32> to vector<16xi32>
    tpu.vector_store %arg19[%swap3A_90], %swap3A_93 {strides = array<i32>} : memref<64xi32, #tpu.memory_space<vmem>>, vector<16xi32>,
    %add3A_94 = arith.constant 0 : i32
    %add3A_95 = arith.addi %add3A_94, %add3A_82 : i32
    %add3A_96 = arith.constant 16 : i32
    %add3A_97 = arith.addi %add3A_95, %add3A_96 : i32
    %iota3A_98 = tpu.iota {dimensions = array<i32: 0>} : vector<16xi32>
    %add3A_99 = vector.broadcast %add3A_97 : i32 to vector<16xi32>
    %add3A_100 = arith.addi %iota3A_98, %add3A_99 : vector<16xi32>
    %swap3A_101 = arith.constant 16 : index
    %swap3A_102 = tpu.vector_load %arg19[%swap3A_101] {strides = array<i32>} : memref<64xi32, #tpu.memory_space<vmem>>, vector<16xi32>,
    %swap3A_103 = vector.shape_cast %swap3A_102 : vector<16xi32> to vector<16xi32>
    %swap3A_104 = vector.shape_cast %add3A_100 : vector<16xi32> to vector<16xi32>
    tpu.vector_store %arg19[%swap3A_101], %swap3A_104 {strides = array<i32>} : memref<64xi32, #tpu.memory_space<vmem>>, vector<16xi32>,
    %add3A_105 = arith.constant 0 : i32
    %add3A_106 = arith.addi %add3A_105, %add3A_82 : i32
    %add3A_107 = arith.constant 32 : i32
    %add3A_108 = arith.addi %add3A_106, %add3A_107 : i32
    %iota3A_109 = tpu.iota {dimensions = array<i32: 0>} : vector<16xi32>
    %add3A_110 = vector.broadcast %add3A_108 : i32 to vector<16xi32>
    %add3A_111 = arith.addi %iota3A_109, %add3A_110 : vector<16xi32>
    %swap3A_112 = arith.constant 32 : index
    %swap3A_113 = tpu.vector_load %arg19[%swap3A_112] {strides = array<i32>} : memref<64xi32, #tpu.memory_space<vmem>>, vector<16xi32>,
    %swap3A_114 = vector.shape_cast %swap3A_113 : vector<16xi32> to vector<16xi32>
    %swap3A_115 = vector.shape_cast %add3A_111 : vector<16xi32> to vector<16xi32>
    tpu.vector_store %arg19[%swap3A_112], %swap3A_115 {strides = array<i32>} : memref<64xi32, #tpu.memory_space<vmem>>, vector<16xi32>,
    %add3A_116 = arith.constant 0 : i32
    %add3A_117 = arith.addi %add3A_116, %add3A_82 : i32
    %add3A_118 = arith.constant 48 : i32
    %add3A_119 = arith.addi %add3A_117, %add3A_118 : i32
    %iota3A_120 = tpu.iota {dimensions = array<i32: 0>} : vector<16xi32>
    %add3A_121 = vector.broadcast %add3A_119 : i32 to vector<16xi32>
    %add3A_122 = arith.addi %iota3A_120, %add3A_121 : vector<16xi32>
    %swap3A_123 = arith.constant 48 : index
    %swap3A_124 = tpu.vector_load %arg19[%swap3A_123] {strides = array<i32>} : memref<64xi32, #tpu.memory_space<vmem>>, vector<16xi32>,
    %swap3A_125 = vector.shape_cast %swap3A_124 : vector<16xi32> to vector<16xi32>
    %swap3A_126 = vector.shape_cast %add3A_122 : vector<16xi32> to vector<16xi32>
    tpu.vector_store %arg19[%swap3A_123], %swap3A_126 {strides = array<i32>} : memref<64xi32, #tpu.memory_space<vmem>>, vector<16xi32>,
    "tpu.region"() ({
      %run_scoped3A_652 = tpu.sem_alloc : memref<!tpu.dma_semaphore, #tpu.memory_space<semaphore_mem>>
      %dma_start3A_653 = arith.constant 0 : i32
      %dma_start3A_654 = arith.constant 0 : i32
      %dma_start3A_655 = tpu.memref_slice %arg17[%dma_start3A_653, %dma_start3A_654] : memref<128x128xf32, #tpu.memory_space<vmem>> -> memref<64x128xf32, #tpu.memory_space<vmem>>
      %dma_start3A_656 = arith.constant 0 : i32
      %dma_start3A_657 = tpu.memref_slice %arg20[%add3A_82, %dma_start3A_656] : memref<5248x128xf32, #tpu.memory_space<vmem_shared>> -> memref<64x128xf32, #tpu.memory_space<vmem_shared>>
      %dma_start3A_658 = arith.constant 0 : i32
      %dma_start3A_659 = arith.constant 0 : i32
      %dma_start3A_660 = tpu.memref_slice %arg17[%dma_start3A_658, %dma_start3A_659] : memref<128x128xf32, #tpu.memory_space<vmem>> -> memref<64x128xf32, #tpu.memory_space<vmem>>
      %dma_start3A_661 = arith.constant 0 : i32
      %dma_start3A_662 = tpu.memref_slice %arg20[%add3A_82, %dma_start3A_661] : memref<5248x128xf32, #tpu.memory_space<vmem_shared>> -> memref<64x128xf32, #tpu.memory_space<vmem_shared>>
      tpu.enqueue_dma source(%dma_start3A_662 : memref<64x128xf32, #tpu.memory_space<vmem_shared>>) target(%dma_start3A_660 : memref<64x128xf32, #tpu.memory_space<vmem>>) target_semaphore(%run_scoped3A_652 : memref<!tpu.dma_semaphore, #tpu.memory_space<semaphore_mem>>)
      %dma_wait3A_663 = arith.constant 0 : i32
      %dma_wait3A_664 = arith.constant 0 : i32
      %dma_wait3A_665 = tpu.memref_slice %arg17[%dma_wait3A_663, %dma_wait3A_664] : memref<128x128xf32, #tpu.memory_space<vmem>> -> memref<64x128xf32, #tpu.memory_space<vmem>>
      %dma_wait3A_666 = arith.constant 0 : i32
      %dma_wait3A_667 = tpu.memref_slice %arg20[%add3A_82, %dma_wait3A_666] : memref<5248x128xf32, #tpu.memory_space<vmem_shared>> -> memref<64x128xf32, #tpu.memory_space<vmem_shared>>
      %dma_wait3A_668 = arith.constant 0 : i32
      %dma_wait3A_669 = arith.constant 0 : i32
      %dma_wait3A_670 = tpu.memref_slice %arg17[%dma_wait3A_668, %dma_wait3A_669] : memref<128x128xf32, #tpu.memory_space<vmem>> -> memref<64x128xf32, #tpu.memory_space<vmem>>
      %dma_wait3A_671 = arith.constant 0 : i32
      %dma_wait3A_672 = tpu.memref_slice %arg20[%add3A_82, %dma_wait3A_671] : memref<5248x128xf32, #tpu.memory_space<vmem_shared>> -> memref<64x128xf32, #tpu.memory_space<vmem_shared>>
      tpu.wait_dma2 semaphore(%run_scoped3A_652 : memref<!tpu.dma_semaphore, #tpu.memory_space<semaphore_mem>>) src(%dma_wait3A_672 : memref<64x128xf32, #tpu.memory_space<vmem_shared>>) dst(%dma_wait3A_670 : memref<64x128xf32, #tpu.memory_space<vmem>>)
      tpu.yield
    }) : () -> ()
    %dma_start3A_127 = arith.constant 0 : i32
    %dma_start3A_128 = arith.constant 0 : i32
    %dma_start3A_129 = tpu.memref_slice %arg17[%dma_start3A_127, %dma_start3A_128] : memref<128x128xf32, #tpu.memory_space<vmem>> -> memref<64x128xf32, #tpu.memory_space<vmem>>
    %dma_start3A_130 = arith.constant 0 : i32
    %dma_start3A_131 = arith.constant 0 : i32
    %dma_start3A_132 = tpu.memref_slice %arg7[%dma_start3A_130, %dma_start3A_131] : memref<10240x128xf32, #tpu.memory_space<hbm>> -> memref<10240x128xf32, #tpu.memory_space<hbm>>
    tpu.enqueue_indirect_dma source(%dma_start3A_129 : memref<64x128xf32, #tpu.memory_space<vmem>>) target(%dma_start3A_132 : memref<10240x128xf32, #tpu.memory_space<hbm>>) offsets(%arg19 : memref<64xi32, #tpu.memory_space<vmem>>) semaphore(%arg22 : memref<!tpu.dma_semaphore, #tpu.memory_space<semaphore_mem>>)
    %dma_wait3A_133 = arith.constant 0 : i32
    %dma_wait3A_134 = arith.constant 0 : i32
    %dma_wait3A_135 = tpu.memref_slice %arg17[%dma_wait3A_133, %dma_wait3A_134] : memref<128x128xf32, #tpu.memory_space<vmem>> -> memref<64x128xf32, #tpu.memory_space<vmem>>
    %dma_wait3A_136 = arith.constant 0 : i32
    %dma_wait3A_137 = arith.constant 0 : i32
    %dma_wait3A_138 = tpu.memref_slice %arg7[%dma_wait3A_136, %dma_wait3A_137] : memref<10240x128xf32, #tpu.memory_space<hbm>> -> memref<10240x128xf32, #tpu.memory_space<hbm>>
    tpu.wait_indirect_dma semaphore(%arg22 : memref<!tpu.dma_semaphore, #tpu.memory_space<semaphore_mem>>) src(%dma_wait3A_135 : memref<64x128xf32, #tpu.memory_space<vmem>>) dst(%dma_wait3A_138 : memref<10240x128xf32, #tpu.memory_space<hbm>>)
    %mul3A_139 = arith.constant 320 : i32
    %mul3A_140 = arith.muli %arg1, %mul3A_139 : i32
    %add3A_141 = arith.constant 128 : i32
    %add3A_142 = arith.addi %mul3A_140, %add3A_141 : i32
    %add3A_143 = arith.constant 0 : i32
    %add3A_144 = arith.addi %add3A_143, %add3A_142 : i32
    %add3A_145 = arith.constant 0 : i32
    %add3A_146 = arith.addi %add3A_144, %add3A_145 : i32
    %iota3A_147 = tpu.iota {dimensions = array<i32: 0>} : vector<16xi32>
    %add3A_148 = vector.broadcast %add3A_146 : i32 to vector<16xi32>
    %add3A_149 = arith.addi %iota3A_147, %add3A_148 : vector<16xi32>
    %swap3A_150 = arith.constant 0 : index
    %swap3A_151 = tpu.vector_load %arg19[%swap3A_150] {strides = array<i32>} : memref<64xi32, #tpu.memory_space<vmem>>, vector<16xi32>,
    %swap3A_152 = vector.shape_cast %swap3A_151 : vector<16xi32> to vector<16xi32>
    %swap3A_153 = vector.shape_cast %add3A_149 : vector<16xi32> to vector<16xi32>
    tpu.vector_store %arg19[%swap3A_150], %swap3A_153 {strides = array<i32>} : memref<64xi32, #tpu.memory_space<vmem>>, vector<16xi32>,
    %add3A_154 = arith.constant 0 : i32
    %add3A_155 = arith.addi %add3A_154, %add3A_142 : i32
    %add3A_156 = arith.constant 16 : i32
    %add3A_157 = arith.addi %add3A_155, %add3A_156 : i32
    %iota3A_158 = tpu.iota {dimensions = array<i32: 0>} : vector<16xi32>
    %add3A_159 = vector.broadcast %add3A_157 : i32 to vector<16xi32>
    %add3A_160 = arith.addi %iota3A_158, %add3A_159 : vector<16xi32>
    %swap3A_161 = arith.constant 16 : index
    %swap3A_162 = tpu.vector_load %arg19[%swap3A_161] {strides = array<i32>} : memref<64xi32, #tpu.memory_space<vmem>>, vector<16xi32>,
    %swap3A_163 = vector.shape_cast %swap3A_162 : vector<16xi32> to vector<16xi32>
    %swap3A_164 = vector.shape_cast %add3A_160 : vector<16xi32> to vector<16xi32>
    tpu.vector_store %arg19[%swap3A_161], %swap3A_164 {strides = array<i32>} : memref<64xi32, #tpu.memory_space<vmem>>, vector<16xi32>,
    %add3A_165 = arith.constant 0 : i32
    %add3A_166 = arith.addi %add3A_165, %add3A_142 : i32
    %add3A_167 = arith.constant 32 : i32
    %add3A_168 = arith.addi %add3A_166, %add3A_167 : i32
    %iota3A_169 = tpu.iota {dimensions = array<i32: 0>} : vector<16xi32>
    %add3A_170 = vector.broadcast %add3A_168 : i32 to vector<16xi32>
    %add3A_171 = arith.addi %iota3A_169, %add3A_170 : vector<16xi32>
    %swap3A_172 = arith.constant 32 : index
    %swap3A_173 = tpu.vector_load %arg19[%swap3A_172] {strides = array<i32>} : memref<64xi32, #tpu.memory_space<vmem>>, vector<16xi32>,
    %swap3A_174 = vector.shape_cast %swap3A_173 : vector<16xi32> to vector<16xi32>
    %swap3A_175 = vector.shape_cast %add3A_171 : vector<16xi32> to vector<16xi32>
    tpu.vector_store %arg19[%swap3A_172], %swap3A_175 {strides = array<i32>} : memref<64xi32, #tpu.memory_space<vmem>>, vector<16xi32>,
    %add3A_176 = arith.constant 0 : i32
    %add3A_177 = arith.addi %add3A_176, %add3A_142 : i32
    %add3A_178 = arith.constant 48 : i32
    %add3A_179 = arith.addi %add3A_177, %add3A_178 : i32
    %iota3A_180 = tpu.iota {dimensions = array<i32: 0>} : vector<16xi32>
    %add3A_181 = vector.broadcast %add3A_179 : i32 to vector<16xi32>
    %add3A_182 = arith.addi %iota3A_180, %add3A_181 : vector<16xi32>
    %swap3A_183 = arith.constant 48 : index
    %swap3A_184 = tpu.vector_load %arg19[%swap3A_183] {strides = array<i32>} : memref<64xi32, #tpu.memory_space<vmem>>, vector<16xi32>,
    %swap3A_185 = vector.shape_cast %swap3A_184 : vector<16xi32> to vector<16xi32>
    %swap3A_186 = vector.shape_cast %add3A_182 : vector<16xi32> to vector<16xi32>
    tpu.vector_store %arg19[%swap3A_183], %swap3A_186 {strides = array<i32>} : memref<64xi32, #tpu.memory_space<vmem>>, vector<16xi32>,
    "tpu.region"() ({
      %run_scoped3A_652 = tpu.sem_alloc : memref<!tpu.dma_semaphore, #tpu.memory_space<semaphore_mem>>
      %dma_start3A_653 = arith.constant 0 : i32
      %dma_start3A_654 = arith.constant 0 : i32
      %dma_start3A_655 = tpu.memref_slice %arg17[%dma_start3A_653, %dma_start3A_654] : memref<128x128xf32, #tpu.memory_space<vmem>> -> memref<64x128xf32, #tpu.memory_space<vmem>>
      %dma_start3A_656 = arith.constant 0 : i32
      %dma_start3A_657 = tpu.memref_slice %arg20[%add3A_142, %dma_start3A_656] : memref<5248x128xf32, #tpu.memory_space<vmem_shared>> -> memref<64x128xf32, #tpu.memory_space<vmem_shared>>
      %dma_start3A_658 = arith.constant 0 : i32
      %dma_start3A_659 = arith.constant 0 : i32
      %dma_start3A_660 = tpu.memref_slice %arg17[%dma_start3A_658, %dma_start3A_659] : memref<128x128xf32, #tpu.memory_space<vmem>> -> memref<64x128xf32, #tpu.memory_space<vmem>>
      %dma_start3A_661 = arith.constant 0 : i32
      %dma_start3A_662 = tpu.memref_slice %arg20[%add3A_142, %dma_start3A_661] : memref<5248x128xf32, #tpu.memory_space<vmem_shared>> -> memref<64x128xf32, #tpu.memory_space<vmem_shared>>
      tpu.enqueue_dma source(%dma_start3A_662 : memref<64x128xf32, #tpu.memory_space<vmem_shared>>) target(%dma_start3A_660 : memref<64x128xf32, #tpu.memory_space<vmem>>) target_semaphore(%run_scoped3A_652 : memref<!tpu.dma_semaphore, #tpu.memory_space<semaphore_mem>>)
      %dma_wait3A_663 = arith.constant 0 : i32
      %dma_wait3A_664 = arith.constant 0 : i32
      %dma_wait3A_665 = tpu.memref_slice %arg17[%dma_wait3A_663, %dma_wait3A_664] : memref<128x128xf32, #tpu.memory_space<vmem>> -> memref<64x128xf32, #tpu.memory_space<vmem>>
      %dma_wait3A_666 = arith.constant 0 : i32
      %dma_wait3A_667 = tpu.memref_slice %arg20[%add3A_142, %dma_wait3A_666] : memref<5248x128xf32, #tpu.memory_space<vmem_shared>> -> memref<64x128xf32, #tpu.memory_space<vmem_shared>>
      %dma_wait3A_668 = arith.constant 0 : i32
      %dma_wait3A_669 = arith.constant 0 : i32
      %dma_wait3A_670 = tpu.memref_slice %arg17[%dma_wait3A_668, %dma_wait3A_669] : memref<128x128xf32, #tpu.memory_space<vmem>> -> memref<64x128xf32, #tpu.memory_space<vmem>>
      %dma_wait3A_671 = arith.constant 0 : i32
      %dma_wait3A_672 = tpu.memref_slice %arg20[%add3A_142, %dma_wait3A_671] : memref<5248x128xf32, #tpu.memory_space<vmem_shared>> -> memref<64x128xf32, #tpu.memory_space<vmem_shared>>
      tpu.wait_dma2 semaphore(%run_scoped3A_652 : memref<!tpu.dma_semaphore, #tpu.memory_space<semaphore_mem>>) src(%dma_wait3A_672 : memref<64x128xf32, #tpu.memory_space<vmem_shared>>) dst(%dma_wait3A_670 : memref<64x128xf32, #tpu.memory_space<vmem>>)
      tpu.yield
    }) : () -> ()
    %dma_start3A_187 = arith.constant 0 : i32
    %dma_start3A_188 = arith.constant 0 : i32
    %dma_start3A_189 = tpu.memref_slice %arg17[%dma_start3A_187, %dma_start3A_188] : memref<128x128xf32, #tpu.memory_space<vmem>> -> memref<64x128xf32, #tpu.memory_space<vmem>>
    %dma_start3A_190 = arith.constant 0 : i32
    %dma_start3A_191 = arith.constant 0 : i32
    %dma_start3A_192 = tpu.memref_slice %arg7[%dma_start3A_190, %dma_start3A_191] : memref<10240x128xf32, #tpu.memory_space<hbm>> -> memref<10240x128xf32, #tpu.memory_space<hbm>>
    tpu.enqueue_indirect_dma source(%dma_start3A_189 : memref<64x128xf32, #tpu.memory_space<vmem>>) target(%dma_start3A_192 : memref<10240x128xf32, #tpu.memory_space<hbm>>) offsets(%arg19 : memref<64xi32, #tpu.memory_space<vmem>>) semaphore(%arg22 : memref<!tpu.dma_semaphore, #tpu.memory_space<semaphore_mem>>)
    %dma_wait3A_193 = arith.constant 0 : i32
    %dma_wait3A_194 = arith.constant 0 : i32
    %dma_wait3A_195 = tpu.memref_slice %arg17[%dma_wait3A_193, %dma_wait3A_194] : memref<128x128xf32, #tpu.memory_space<vmem>> -> memref<64x128xf32, #tpu.memory_space<vmem>>
    %dma_wait3A_196 = arith.constant 0 : i32
    %dma_wait3A_197 = arith.constant 0 : i32
    %dma_wait3A_198 = tpu.memref_slice %arg7[%dma_wait3A_196, %dma_wait3A_197] : memref<10240x128xf32, #tpu.memory_space<hbm>> -> memref<10240x128xf32, #tpu.memory_space<hbm>>
    tpu.wait_indirect_dma semaphore(%arg22 : memref<!tpu.dma_semaphore, #tpu.memory_space<semaphore_mem>>) src(%dma_wait3A_195 : memref<64x128xf32, #tpu.memory_space<vmem>>) dst(%dma_wait3A_198 : memref<10240x128xf32, #tpu.memory_space<hbm>>)
    %mul3A_199 = arith.constant 320 : i32
    %mul3A_200 = arith.muli %arg1, %mul3A_199 : i32
    %add3A_201 = arith.constant 192 : i32
    %add3A_202 = arith.addi %mul3A_200, %add3A_201 : i32
    %add3A_203 = arith.constant 0 : i32
    %add3A_204 = arith.addi %add3A_203, %add3A_202 : i32
    %add3A_205 = arith.constant 0 : i32
    %add3A_206 = arith.addi %add3A_204, %add3A_205 : i32
    %iota3A_207 = tpu.iota {dimensions = array<i32: 0>} : vector<16xi32>
    %add3A_208 = vector.broadcast %add3A_206 : i32 to vector<16xi32>
    %add3A_209 = arith.addi %iota3A_207, %add3A_208 : vector<16xi32>
    %swap3A_210 = arith.constant 0 : index
    %swap3A_211 = tpu.vector_load %arg19[%swap3A_210] {strides = array<i32>} : memref<64xi32, #tpu.memory_space<vmem>>, vector<16xi32>,
    %swap3A_212 = vector.shape_cast %swap3A_211 : vector<16xi32> to vector<16xi32>
    %swap3A_213 = vector.shape_cast %add3A_209 : vector<16xi32> to vector<16xi32>
    tpu.vector_store %arg19[%swap3A_210], %swap3A_213 {strides = array<i32>} : memref<64xi32, #tpu.memory_space<vmem>>, vector<16xi32>,
    %add3A_214 = arith.constant 0 : i32
    %add3A_215 = arith.addi %add3A_214, %add3A_202 : i32
    %add3A_216 = arith.constant 16 : i32
    %add3A_217 = arith.addi %add3A_215, %add3A_216 : i32
    %iota3A_218 = tpu.iota {dimensions = array<i32: 0>} : vector<16xi32>
    %add3A_219 = vector.broadcast %add3A_217 : i32 to vector<16xi32>
    %add3A_220 = arith.addi %iota3A_218, %add3A_219 : vector<16xi32>
    %swap3A_221 = arith.constant 16 : index
    %swap3A_222 = tpu.vector_load %arg19[%swap3A_221] {strides = array<i32>} : memref<64xi32, #tpu.memory_space<vmem>>, vector<16xi32>,
    %swap3A_223 = vector.shape_cast %swap3A_222 : vector<16xi32> to vector<16xi32>
    %swap3A_224 = vector.shape_cast %add3A_220 : vector<16xi32> to vector<16xi32>
    tpu.vector_store %arg19[%swap3A_221], %swap3A_224 {strides = array<i32>} : memref<64xi32, #tpu.memory_space<vmem>>, vector<16xi32>,
    %add3A_225 = arith.constant 0 : i32
    %add3A_226 = arith.addi %add3A_225, %add3A_202 : i32
    %add3A_227 = arith.constant 32 : i32
    %add3A_228 = arith.addi %add3A_226, %add3A_227 : i32
    %iota3A_229 = tpu.iota {dimensions = array<i32: 0>} : vector<16xi32>
    %add3A_230 = vector.broadcast %add3A_228 : i32 to vector<16xi32>
    %add3A_231 = arith.addi %iota3A_229, %add3A_230 : vector<16xi32>
    %swap3A_232 = arith.constant 32 : index
    %swap3A_233 = tpu.vector_load %arg19[%swap3A_232] {strides = array<i32>} : memref<64xi32, #tpu.memory_space<vmem>>, vector<16xi32>,
    %swap3A_234 = vector.shape_cast %swap3A_233 : vector<16xi32> to vector<16xi32>
    %swap3A_235 = vector.shape_cast %add3A_231 : vector<16xi32> to vector<16xi32>
    tpu.vector_store %arg19[%swap3A_232], %swap3A_235 {strides = array<i32>} : memref<64xi32, #tpu.memory_space<vmem>>, vector<16xi32>,
    %add3A_236 = arith.constant 0 : i32
    %add3A_237 = arith.addi %add3A_236, %add3A_202 : i32
    %add3A_238 = arith.constant 48 : i32
    %add3A_239 = arith.addi %add3A_237, %add3A_238 : i32
    %iota3A_240 = tpu.iota {dimensions = array<i32: 0>} : vector<16xi32>
    %add3A_241 = vector.broadcast %add3A_239 : i32 to vector<16xi32>
    %add3A_242 = arith.addi %iota3A_240, %add3A_241 : vector<16xi32>
    %swap3A_243 = arith.constant 48 : index
    %swap3A_244 = tpu.vector_load %arg19[%swap3A_243] {strides = array<i32>} : memref<64xi32, #tpu.memory_space<vmem>>, vector<16xi32>,
    %swap3A_245 = vector.shape_cast %swap3A_244 : vector<16xi32> to vector<16xi32>
    %swap3A_246 = vector.shape_cast %add3A_242 : vector<16xi32> to vector<16xi32>
    tpu.vector_store %arg19[%swap3A_243], %swap3A_246 {strides = array<i32>} : memref<64xi32, #tpu.memory_space<vmem>>, vector<16xi32>,
    "tpu.region"() ({
      %run_scoped3A_652 = tpu.sem_alloc : memref<!tpu.dma_semaphore, #tpu.memory_space<semaphore_mem>>
      %dma_start3A_653 = arith.constant 0 : i32
      %dma_start3A_654 = arith.constant 0 : i32
      %dma_start3A_655 = tpu.memref_slice %arg17[%dma_start3A_653, %dma_start3A_654] : memref<128x128xf32, #tpu.memory_space<vmem>> -> memref<64x128xf32, #tpu.memory_space<vmem>>
      %dma_start3A_656 = arith.constant 0 : i32
      %dma_start3A_657 = tpu.memref_slice %arg20[%add3A_202, %dma_start3A_656] : memref<5248x128xf32, #tpu.memory_space<vmem_shared>> -> memref<64x128xf32, #tpu.memory_space<vmem_shared>>
      %dma_start3A_658 = arith.constant 0 : i32
      %dma_start3A_659 = arith.constant 0 : i32
      %dma_start3A_660 = tpu.memref_slice %arg17[%dma_start3A_658, %dma_start3A_659] : memref<128x128xf32, #tpu.memory_space<vmem>> -> memref<64x128xf32, #tpu.memory_space<vmem>>
      %dma_start3A_661 = arith.constant 0 : i32
      %dma_start3A_662 = tpu.memref_slice %arg20[%add3A_202, %dma_start3A_661] : memref<5248x128xf32, #tpu.memory_space<vmem_shared>> -> memref<64x128xf32, #tpu.memory_space<vmem_shared>>
      tpu.enqueue_dma source(%dma_start3A_662 : memref<64x128xf32, #tpu.memory_space<vmem_shared>>) target(%dma_start3A_660 : memref<64x128xf32, #tpu.memory_space<vmem>>) target_semaphore(%run_scoped3A_652 : memref<!tpu.dma_semaphore, #tpu.memory_space<semaphore_mem>>)
      %dma_wait3A_663 = arith.constant 0 : i32
      %dma_wait3A_664 = arith.constant 0 : i32
      %dma_wait3A_665 = tpu.memref_slice %arg17[%dma_wait3A_663, %dma_wait3A_664] : memref<128x128xf32, #tpu.memory_space<vmem>> -> memref<64x128xf32, #tpu.memory_space<vmem>>
      %dma_wait3A_666 = arith.constant 0 : i32
      %dma_wait3A_667 = tpu.memref_slice %arg20[%add3A_202, %dma_wait3A_666] : memref<5248x128xf32, #tpu.memory_space<vmem_shared>> -> memref<64x128xf32, #tpu.memory_space<vmem_shared>>
      %dma_wait3A_668 = arith.constant 0 : i32
      %dma_wait3A_669 = arith.constant 0 : i32
      %dma_wait3A_670 = tpu.memref_slice %arg17[%dma_wait3A_668, %dma_wait3A_669] : memref<128x128xf32, #tpu.memory_space<vmem>> -> memref<64x128xf32, #tpu.memory_space<vmem>>
      %dma_wait3A_671 = arith.constant 0 : i32
      %dma_wait3A_672 = tpu.memref_slice %arg20[%add3A_202, %dma_wait3A_671] : memref<5248x128xf32, #tpu.memory_space<vmem_shared>> -> memref<64x128xf32, #tpu.memory_space<vmem_shared>>
      tpu.wait_dma2 semaphore(%run_scoped3A_652 : memref<!tpu.dma_semaphore, #tpu.memory_space<semaphore_mem>>) src(%dma_wait3A_672 : memref<64x128xf32, #tpu.memory_space<vmem_shared>>) dst(%dma_wait3A_670 : memref<64x128xf32, #tpu.memory_space<vmem>>)
      tpu.yield
    }) : () -> ()
    %dma_start3A_247 = arith.constant 0 : i32
    %dma_start3A_248 = arith.constant 0 : i32
    %dma_start3A_249 = tpu.memref_slice %arg17[%dma_start3A_247, %dma_start3A_248] : memref<128x128xf32, #tpu.memory_space<vmem>> -> memref<64x128xf32, #tpu.memory_space<vmem>>
    %dma_start3A_250 = arith.constant 0 : i32
    %dma_start3A_251 = arith.constant 0 : i32
    %dma_start3A_252 = tpu.memref_slice %arg7[%dma_start3A_250, %dma_start3A_251] : memref<10240x128xf32, #tpu.memory_space<hbm>> -> memref<10240x128xf32, #tpu.memory_space<hbm>>
    tpu.enqueue_indirect_dma source(%dma_start3A_249 : memref<64x128xf32, #tpu.memory_space<vmem>>) target(%dma_start3A_252 : memref<10240x128xf32, #tpu.memory_space<hbm>>) offsets(%arg19 : memref<64xi32, #tpu.memory_space<vmem>>) semaphore(%arg22 : memref<!tpu.dma_semaphore, #tpu.memory_space<semaphore_mem>>)
    %dma_wait3A_253 = arith.constant 0 : i32
    %dma_wait3A_254 = arith.constant 0 : i32
    %dma_wait3A_255 = tpu.memref_slice %arg17[%dma_wait3A_253, %dma_wait3A_254] : memref<128x128xf32, #tpu.memory_space<vmem>> -> memref<64x128xf32, #tpu.memory_space<vmem>>
    %dma_wait3A_256 = arith.constant 0 : i32
    %dma_wait3A_257 = arith.constant 0 : i32
    %dma_wait3A_258 = tpu.memref_slice %arg7[%dma_wait3A_256, %dma_wait3A_257] : memref<10240x128xf32, #tpu.memory_space<hbm>> -> memref<10240x128xf32, #tpu.memory_space<hbm>>
    tpu.wait_indirect_dma semaphore(%arg22 : memref<!tpu.dma_semaphore, #tpu.memory_space<semaphore_mem>>) src(%dma_wait3A_255 : memref<64x128xf32, #tpu.memory_space<vmem>>) dst(%dma_wait3A_258 : memref<10240x128xf32, #tpu.memory_space<hbm>>)
    %mul3A_259 = arith.constant 320 : i32
    %mul3A_260 = arith.muli %arg1, %mul3A_259 : i32
    %add3A_261 = arith.constant 256 : i32
    %add3A_262 = arith.addi %mul3A_260, %add3A_261 : i32
    %add3A_263 = arith.constant 0 : i32
    %add3A_264 = arith.addi %add3A_263, %add3A_262 : i32
    %add3A_265 = arith.constant 0 : i32
    %add3A_266 = arith.addi %add3A_264, %add3A_265 : i32
    %iota3A_267 = tpu.iota {dimensions = array<i32: 0>} : vector<16xi32>
    %add3A_268 = vector.broadcast %add3A_266 : i32 to vector<16xi32>
    %add3A_269 = arith.addi %iota3A_267, %add3A_268 : vector<16xi32>
    %swap3A_270 = arith.constant 0 : index
    %swap3A_271 = tpu.vector_load %arg19[%swap3A_270] {strides = array<i32>} : memref<64xi32, #tpu.memory_space<vmem>>, vector<16xi32>,
    %swap3A_272 = vector.shape_cast %swap3A_271 : vector<16xi32> to vector<16xi32>
    %swap3A_273 = vector.shape_cast %add3A_269 : vector<16xi32> to vector<16xi32>
    tpu.vector_store %arg19[%swap3A_270], %swap3A_273 {strides = array<i32>} : memref<64xi32, #tpu.memory_space<vmem>>, vector<16xi32>,
    %add3A_274 = arith.constant 0 : i32
    %add3A_275 = arith.addi %add3A_274, %add3A_262 : i32
    %add3A_276 = arith.constant 16 : i32
    %add3A_277 = arith.addi %add3A_275, %add3A_276 : i32
    %iota3A_278 = tpu.iota {dimensions = array<i32: 0>} : vector<16xi32>
    %add3A_279 = vector.broadcast %add3A_277 : i32 to vector<16xi32>
    %add3A_280 = arith.addi %iota3A_278, %add3A_279 : vector<16xi32>
    %swap3A_281 = arith.constant 16 : index
    %swap3A_282 = tpu.vector_load %arg19[%swap3A_281] {strides = array<i32>} : memref<64xi32, #tpu.memory_space<vmem>>, vector<16xi32>,
    %swap3A_283 = vector.shape_cast %swap3A_282 : vector<16xi32> to vector<16xi32>
    %swap3A_284 = vector.shape_cast %add3A_280 : vector<16xi32> to vector<16xi32>
    tpu.vector_store %arg19[%swap3A_281], %swap3A_284 {strides = array<i32>} : memref<64xi32, #tpu.memory_space<vmem>>, vector<16xi32>,
    %add3A_285 = arith.constant 0 : i32
    %add3A_286 = arith.addi %add3A_285, %add3A_262 : i32
    %add3A_287 = arith.constant 32 : i32
    %add3A_288 = arith.addi %add3A_286, %add3A_287 : i32
    %iota3A_289 = tpu.iota {dimensions = array<i32: 0>} : vector<16xi32>
    %add3A_290 = vector.broadcast %add3A_288 : i32 to vector<16xi32>
    %add3A_291 = arith.addi %iota3A_289, %add3A_290 : vector<16xi32>
    %swap3A_292 = arith.constant 32 : index
    %swap3A_293 = tpu.vector_load %arg19[%swap3A_292] {strides = array<i32>} : memref<64xi32, #tpu.memory_space<vmem>>, vector<16xi32>,
    %swap3A_294 = vector.shape_cast %swap3A_293 : vector<16xi32> to vector<16xi32>
    %swap3A_295 = vector.shape_cast %add3A_291 : vector<16xi32> to vector<16xi32>
    tpu.vector_store %arg19[%swap3A_292], %swap3A_295 {strides = array<i32>} : memref<64xi32, #tpu.memory_space<vmem>>, vector<16xi32>,
    %add3A_296 = arith.constant 0 : i32
    %add3A_297 = arith.addi %add3A_296, %add3A_262 : i32
    %add3A_298 = arith.constant 48 : i32
    %add3A_299 = arith.addi %add3A_297, %add3A_298 : i32
    %iota3A_300 = tpu.iota {dimensions = array<i32: 0>} : vector<16xi32>
    %add3A_301 = vector.broadcast %add3A_299 : i32 to vector<16xi32>
    %add3A_302 = arith.addi %iota3A_300, %add3A_301 : vector<16xi32>
    %swap3A_303 = arith.constant 48 : index
    %swap3A_304 = tpu.vector_load %arg19[%swap3A_303] {strides = array<i32>} : memref<64xi32, #tpu.memory_space<vmem>>, vector<16xi32>,
    %swap3A_305 = vector.shape_cast %swap3A_304 : vector<16xi32> to vector<16xi32>
    %swap3A_306 = vector.shape_cast %add3A_302 : vector<16xi32> to vector<16xi32>
    tpu.vector_store %arg19[%swap3A_303], %swap3A_306 {strides = array<i32>} : memref<64xi32, #tpu.memory_space<vmem>>, vector<16xi32>,
    "tpu.region"() ({
      %run_scoped3A_652 = tpu.sem_alloc : memref<!tpu.dma_semaphore, #tpu.memory_space<semaphore_mem>>
      %dma_start3A_653 = arith.constant 0 : i32
      %dma_start3A_654 = arith.constant 0 : i32
      %dma_start3A_655 = tpu.memref_slice %arg17[%dma_start3A_653, %dma_start3A_654] : memref<128x128xf32, #tpu.memory_space<vmem>> -> memref<64x128xf32, #tpu.memory_space<vmem>>
      %dma_start3A_656 = arith.constant 0 : i32
      %dma_start3A_657 = tpu.memref_slice %arg20[%add3A_262, %dma_start3A_656] : memref<5248x128xf32, #tpu.memory_space<vmem_shared>> -> memref<64x128xf32, #tpu.memory_space<vmem_shared>>
      %dma_start3A_658 = arith.constant 0 : i32
      %dma_start3A_659 = arith.constant 0 : i32
      %dma_start3A_660 = tpu.memref_slice %arg17[%dma_start3A_658, %dma_start3A_659] : memref<128x128xf32, #tpu.memory_space<vmem>> -> memref<64x128xf32, #tpu.memory_space<vmem>>
      %dma_start3A_661 = arith.constant 0 : i32
      %dma_start3A_662 = tpu.memref_slice %arg20[%add3A_262, %dma_start3A_661] : memref<5248x128xf32, #tpu.memory_space<vmem_shared>> -> memref<64x128xf32, #tpu.memory_space<vmem_shared>>
      tpu.enqueue_dma source(%dma_start3A_662 : memref<64x128xf32, #tpu.memory_space<vmem_shared>>) target(%dma_start3A_660 : memref<64x128xf32, #tpu.memory_space<vmem>>) target_semaphore(%run_scoped3A_652 : memref<!tpu.dma_semaphore, #tpu.memory_space<semaphore_mem>>)
      %dma_wait3A_663 = arith.constant 0 : i32
      %dma_wait3A_664 = arith.constant 0 : i32
      %dma_wait3A_665 = tpu.memref_slice %arg17[%dma_wait3A_663, %dma_wait3A_664] : memref<128x128xf32, #tpu.memory_space<vmem>> -> memref<64x128xf32, #tpu.memory_space<vmem>>
      %dma_wait3A_666 = arith.constant 0 : i32
      %dma_wait3A_667 = tpu.memref_slice %arg20[%add3A_262, %dma_wait3A_666] : memref<5248x128xf32, #tpu.memory_space<vmem_shared>> -> memref<64x128xf32, #tpu.memory_space<vmem_shared>>
      %dma_wait3A_668 = arith.constant 0 : i32
      %dma_wait3A_669 = arith.constant 0 : i32
      %dma_wait3A_670 = tpu.memref_slice %arg17[%dma_wait3A_668, %dma_wait3A_669] : memref<128x128xf32, #tpu.memory_space<vmem>> -> memref<64x128xf32, #tpu.memory_space<vmem>>
      %dma_wait3A_671 = arith.constant 0 : i32
      %dma_wait3A_672 = tpu.memref_slice %arg20[%add3A_262, %dma_wait3A_671] : memref<5248x128xf32, #tpu.memory_space<vmem_shared>> -> memref<64x128xf32, #tpu.memory_space<vmem_shared>>
      tpu.wait_dma2 semaphore(%run_scoped3A_652 : memref<!tpu.dma_semaphore, #tpu.memory_space<semaphore_mem>>) src(%dma_wait3A_672 : memref<64x128xf32, #tpu.memory_space<vmem_shared>>) dst(%dma_wait3A_670 : memref<64x128xf32, #tpu.memory_space<vmem>>)
      tpu.yield
    }) : () -> ()
    %dma_start3A_307 = arith.constant 0 : i32
    %dma_start3A_308 = arith.constant 0 : i32
    %dma_start3A_309 = tpu.memref_slice %arg17[%dma_start3A_307, %dma_start3A_308] : memref<128x128xf32, #tpu.memory_space<vmem>> -> memref<64x128xf32, #tpu.memory_space<vmem>>
    %dma_start3A_310 = arith.constant 0 : i32
    %dma_start3A_311 = arith.constant 0 : i32
    %dma_start3A_312 = tpu.memref_slice %arg7[%dma_start3A_310, %dma_start3A_311] : memref<10240x128xf32, #tpu.memory_space<hbm>> -> memref<10240x128xf32, #tpu.memory_space<hbm>>
    tpu.enqueue_indirect_dma source(%dma_start3A_309 : memref<64x128xf32, #tpu.memory_space<vmem>>) target(%dma_start3A_312 : memref<10240x128xf32, #tpu.memory_space<hbm>>) offsets(%arg19 : memref<64xi32, #tpu.memory_space<vmem>>) semaphore(%arg22 : memref<!tpu.dma_semaphore, #tpu.memory_space<semaphore_mem>>)
    %dma_wait3A_313 = arith.constant 0 : i32
    %dma_wait3A_314 = arith.constant 0 : i32
    %dma_wait3A_315 = tpu.memref_slice %arg17[%dma_wait3A_313, %dma_wait3A_314] : memref<128x128xf32, #tpu.memory_space<vmem>> -> memref<64x128xf32, #tpu.memory_space<vmem>>
    %dma_wait3A_316 = arith.constant 0 : i32
    %dma_wait3A_317 = arith.constant 0 : i32
    %dma_wait3A_318 = tpu.memref_slice %arg7[%dma_wait3A_316, %dma_wait3A_317] : memref<10240x128xf32, #tpu.memory_space<hbm>> -> memref<10240x128xf32, #tpu.memory_space<hbm>>
    tpu.wait_indirect_dma semaphore(%arg22 : memref<!tpu.dma_semaphore, #tpu.memory_space<semaphore_mem>>) src(%dma_wait3A_315 : memref<64x128xf32, #tpu.memory_space<vmem>>) dst(%dma_wait3A_318 : memref<10240x128xf32, #tpu.memory_space<hbm>>)
    %lt3A = arith.constant 10 : i32
    %lt3A_319 = arith.cmpi slt, %arg1, %lt3A : i32
    %convert_element_type3A = arith.extui %lt3A_319 : i1 to i32
    %cond3A = arith.constant 0 : i32
    %cond3A_320 = arith.cmpi ne, %convert_element_type3A, %cond3A : i32
    scf.if %cond3A_320 {
      %mul3A_652 = arith.constant 64 : i32
      %mul3A_653 = arith.muli %arg1, %mul3A_652 : i32
      %add3A_654 = arith.constant 0 : i32
      %add3A_655 = arith.addi %add3A_654, %mul3A_653 : i32
      %add3A_656 = arith.constant 0 : i32
      %add3A_657 = arith.addi %add3A_655, %add3A_656 : i32
      %iota3A_658 = tpu.iota {dimensions = array<i32: 0>} : vector<16xi32>
      %add3A_659 = vector.broadcast %add3A_657 : i32 to vector<16xi32>
      %add3A_660 = arith.addi %iota3A_658, %add3A_659 : vector<16xi32>
      %swap3A_661 = arith.constant 0 : index
      %swap3A_662 = tpu.vector_load %arg19[%swap3A_661] {strides = array<i32>} : memref<64xi32, #tpu.memory_space<vmem>>, vector<16xi32>,
      %swap3A_663 = vector.shape_cast %swap3A_662 : vector<16xi32> to vector<16xi32>
      %swap3A_664 = vector.shape_cast %add3A_660 : vector<16xi32> to vector<16xi32>
      tpu.vector_store %arg19[%swap3A_661], %swap3A_664 {strides = array<i32>} : memref<64xi32, #tpu.memory_space<vmem>>, vector<16xi32>,
      %mul3A_665 = arith.constant 64 : i32
      %mul3A_666 = arith.muli %arg1, %mul3A_665 : i32
      %add3A_667 = arith.constant 0 : i32
      %add3A_668 = arith.addi %add3A_667, %mul3A_666 : i32
      %add3A_669 = arith.constant 16 : i32
      %add3A_670 = arith.addi %add3A_668, %add3A_669 : i32
      %iota3A_671 = tpu.iota {dimensions = array<i32: 0>} : vector<16xi32>
      %add3A_672 = vector.broadcast %add3A_670 : i32 to vector<16xi32>
      %add3A_673 = arith.addi %iota3A_671, %add3A_672 : vector<16xi32>
      %swap3A_674 = arith.constant 16 : index
      %swap3A_675 = tpu.vector_load %arg19[%swap3A_674] {strides = array<i32>} : memref<64xi32, #tpu.memory_space<vmem>>, vector<16xi32>,
      %swap3A_676 = vector.shape_cast %swap3A_675 : vector<16xi32> to vector<16xi32>
      %swap3A_677 = vector.shape_cast %add3A_673 : vector<16xi32> to vector<16xi32>
      tpu.vector_store %arg19[%swap3A_674], %swap3A_677 {strides = array<i32>} : memref<64xi32, #tpu.memory_space<vmem>>, vector<16xi32>,
      %mul3A_678 = arith.constant 64 : i32
      %mul3A_679 = arith.muli %arg1, %mul3A_678 : i32
      %add3A_680 = arith.constant 0 : i32
      %add3A_681 = arith.addi %add3A_680, %mul3A_679 : i32
      %add3A_682 = arith.constant 32 : i32
      %add3A_683 = arith.addi %add3A_681, %add3A_682 : i32
      %iota3A_684 = tpu.iota {dimensions = array<i32: 0>} : vector<16xi32>
      %add3A_685 = vector.broadcast %add3A_683 : i32 to vector<16xi32>
      %add3A_686 = arith.addi %iota3A_684, %add3A_685 : vector<16xi32>
      %swap3A_687 = arith.constant 32 : index
      %swap3A_688 = tpu.vector_load %arg19[%swap3A_687] {strides = array<i32>} : memref<64xi32, #tpu.memory_space<vmem>>, vector<16xi32>,
      %swap3A_689 = vector.shape_cast %swap3A_688 : vector<16xi32> to vector<16xi32>
      %swap3A_690 = vector.shape_cast %add3A_686 : vector<16xi32> to vector<16xi32>
      tpu.vector_store %arg19[%swap3A_687], %swap3A_690 {strides = array<i32>} : memref<64xi32, #tpu.memory_space<vmem>>, vector<16xi32>,
      %mul3A_691 = arith.constant 64 : i32
      %mul3A_692 = arith.muli %arg1, %mul3A_691 : i32
      %add3A_693 = arith.constant 0 : i32
      %add3A_694 = arith.addi %add3A_693, %mul3A_692 : i32
      %add3A_695 = arith.constant 48 : i32
      %add3A_696 = arith.addi %add3A_694, %add3A_695 : i32
      %iota3A_697 = tpu.iota {dimensions = array<i32: 0>} : vector<16xi32>
      %add3A_698 = vector.broadcast %add3A_696 : i32 to vector<16xi32>
      %add3A_699 = arith.addi %iota3A_697, %add3A_698 : vector<16xi32>
      %swap3A_700 = arith.constant 48 : index
      %swap3A_701 = tpu.vector_load %arg19[%swap3A_700] {strides = array<i32>} : memref<64xi32, #tpu.memory_space<vmem>>, vector<16xi32>,
      %swap3A_702 = vector.shape_cast %swap3A_701 : vector<16xi32> to vector<16xi32>
      %swap3A_703 = vector.shape_cast %add3A_699 : vector<16xi32> to vector<16xi32>
      tpu.vector_store %arg19[%swap3A_700], %swap3A_703 {strides = array<i32>} : memref<64xi32, #tpu.memory_space<vmem>>, vector<16xi32>,
      %mul3A_704 = arith.constant 64 : i32
      %mul3A_705 = arith.muli %arg1, %mul3A_704 : i32
      "tpu.region"() ({
        %run_scoped3A_718 = tpu.sem_alloc : memref<!tpu.dma_semaphore, #tpu.memory_space<semaphore_mem>>
        %dma_start3A_719 = arith.constant 0 : i32
        %dma_start3A_720 = arith.constant 0 : i32
        %dma_start3A_721 = tpu.memref_slice %arg17[%dma_start3A_719, %dma_start3A_720] : memref<128x128xf32, #tpu.memory_space<vmem>> -> memref<64x128xf32, #tpu.memory_space<vmem>>
        %dma_start3A_722 = arith.constant 0 : i32
        %dma_start3A_723 = tpu.memref_slice %arg21[%mul3A_705, %dma_start3A_722] : memref<656x128xf32, #tpu.memory_space<vmem_shared>> -> memref<64x128xf32, #tpu.memory_space<vmem_shared>>
        %dma_start3A_724 = arith.constant 0 : i32
        %dma_start3A_725 = arith.constant 0 : i32
        %dma_start3A_726 = tpu.memref_slice %arg17[%dma_start3A_724, %dma_start3A_725] : memref<128x128xf32, #tpu.memory_space<vmem>> -> memref<64x128xf32, #tpu.memory_space<vmem>>
        %dma_start3A_727 = arith.constant 0 : i32
        %dma_start3A_728 = tpu.memref_slice %arg21[%mul3A_705, %dma_start3A_727] : memref<656x128xf32, #tpu.memory_space<vmem_shared>> -> memref<64x128xf32, #tpu.memory_space<vmem_shared>>
        tpu.enqueue_dma source(%dma_start3A_728 : memref<64x128xf32, #tpu.memory_space<vmem_shared>>) target(%dma_start3A_726 : memref<64x128xf32, #tpu.memory_space<vmem>>) target_semaphore(%run_scoped3A_718 : memref<!tpu.dma_semaphore, #tpu.memory_space<semaphore_mem>>)
        %dma_wait3A_729 = arith.constant 0 : i32
        %dma_wait3A_730 = arith.constant 0 : i32
        %dma_wait3A_731 = tpu.memref_slice %arg17[%dma_wait3A_729, %dma_wait3A_730] : memref<128x128xf32, #tpu.memory_space<vmem>> -> memref<64x128xf32, #tpu.memory_space<vmem>>
        %dma_wait3A_732 = arith.constant 0 : i32
        %dma_wait3A_733 = tpu.memref_slice %arg21[%mul3A_705, %dma_wait3A_732] : memref<656x128xf32, #tpu.memory_space<vmem_shared>> -> memref<64x128xf32, #tpu.memory_space<vmem_shared>>
        %dma_wait3A_734 = arith.constant 0 : i32
        %dma_wait3A_735 = arith.constant 0 : i32
        %dma_wait3A_736 = tpu.memref_slice %arg17[%dma_wait3A_734, %dma_wait3A_735] : memref<128x128xf32, #tpu.memory_space<vmem>> -> memref<64x128xf32, #tpu.memory_space<vmem>>
        %dma_wait3A_737 = arith.constant 0 : i32
        %dma_wait3A_738 = tpu.memref_slice %arg21[%mul3A_705, %dma_wait3A_737] : memref<656x128xf32, #tpu.memory_space<vmem_shared>> -> memref<64x128xf32, #tpu.memory_space<vmem_shared>>
        tpu.wait_dma2 semaphore(%run_scoped3A_718 : memref<!tpu.dma_semaphore, #tpu.memory_space<semaphore_mem>>) src(%dma_wait3A_738 : memref<64x128xf32, #tpu.memory_space<vmem_shared>>) dst(%dma_wait3A_736 : memref<64x128xf32, #tpu.memory_space<vmem>>)
        tpu.yield
      }) : () -> ()
      %dma_start3A_706 = arith.constant 0 : i32
      %dma_start3A_707 = arith.constant 0 : i32
      %dma_start3A_708 = tpu.memref_slice %arg17[%dma_start3A_706, %dma_start3A_707] : memref<128x128xf32, #tpu.memory_space<vmem>> -> memref<64x128xf32, #tpu.memory_space<vmem>>
      %dma_start3A_709 = arith.constant 0 : i32
      %dma_start3A_710 = arith.constant 0 : i32
      %dma_start3A_711 = tpu.memref_slice %arg8[%dma_start3A_709, %dma_start3A_710] : memref<1280x128xf32, #tpu.memory_space<hbm>> -> memref<1280x128xf32, #tpu.memory_space<hbm>>
      tpu.enqueue_indirect_dma source(%dma_start3A_708 : memref<64x128xf32, #tpu.memory_space<vmem>>) target(%dma_start3A_711 : memref<1280x128xf32, #tpu.memory_space<hbm>>) offsets(%arg19 : memref<64xi32, #tpu.memory_space<vmem>>) semaphore(%arg22 : memref<!tpu.dma_semaphore, #tpu.memory_space<semaphore_mem>>)
      %dma_wait3A_712 = arith.constant 0 : i32
      %dma_wait3A_713 = arith.constant 0 : i32
      %dma_wait3A_714 = tpu.memref_slice %arg17[%dma_wait3A_712, %dma_wait3A_713] : memref<128x128xf32, #tpu.memory_space<vmem>> -> memref<64x128xf32, #tpu.memory_space<vmem>>
      %dma_wait3A_715 = arith.constant 0 : i32
      %dma_wait3A_716 = arith.constant 0 : i32
      %dma_wait3A_717 = tpu.memref_slice %arg8[%dma_wait3A_715, %dma_wait3A_716] : memref<1280x128xf32, #tpu.memory_space<hbm>> -> memref<1280x128xf32, #tpu.memory_space<hbm>>
      tpu.wait_indirect_dma semaphore(%arg22 : memref<!tpu.dma_semaphore, #tpu.memory_space<semaphore_mem>>) src(%dma_wait3A_714 : memref<64x128xf32, #tpu.memory_space<vmem>>) dst(%dma_wait3A_717 : memref<1280x128xf32, #tpu.memory_space<hbm>>)
    } else {
    }
    %barrier3A_321 = arith.constant 0 : index
    tpu.barrier barrier_id(%barrier3A_321)
    %scan3A_322 = arith.constant 0 : i32
    %scan3A_323 = arith.constant 0 : i32
    %scan3A_324 = arith.constant 1024 : i32
    %scan3A_325 = arith.addi %scan3A_323, %scan3A_324 : i32
    %scan3A_326 = arith.constant 1 : i32
    %scan3A_327 = scf.for %scan3A_652 = %scan3A_323 to %scan3A_325 step %scan3A_326 iter_args(%scan3A_653 = %scan3A_322) -> (i32)  : i32 {
      %jit3A = arith.constant 8 : i32
      %div3A = arith.divsi %scan3A_652, %jit3A : i32
      %sign3A = arith.constant 0 : i32
      %sign3A_654 = arith.cmpi sgt, %scan3A_652, %sign3A : i32
      %sign3A_655 = arith.extui %sign3A_654 : i1 to i32
      %sign3A_656 = arith.constant 0 : i32
      %sign3A_657 = arith.cmpi slt, %scan3A_652, %sign3A_656 : i32
      %sign3A_658 = arith.extui %sign3A_657 : i1 to i32
      %sign3A_659 = arith.subi %sign3A_655, %sign3A_658 : i32
      %sign3A_660 = arith.constant 0 : i32
      %sign3A_661 = arith.cmpi sgt, %jit3A, %sign3A_660 : i32
      %sign3A_662 = arith.extui %sign3A_661 : i1 to i32
      %sign3A_663 = arith.constant 0 : i32
      %sign3A_664 = arith.cmpi slt, %jit3A, %sign3A_663 : i32
      %sign3A_665 = arith.extui %sign3A_664 : i1 to i32
      %sign3A_666 = arith.subi %sign3A_662, %sign3A_665 : i32
      %ne3A = arith.cmpi ne, %sign3A_659, %sign3A_666 : i32
      %rem3A = arith.remsi %scan3A_652, %jit3A : i32
      %ne3A_667 = arith.constant 0 : i32
      %ne3A_668 = arith.cmpi ne, %rem3A, %ne3A_667 : i32
      %and3A = arith.andi %ne3A, %ne3A_668 : i1
      %sub3A = arith.constant 1 : i32
      %sub3A_669 = arith.subi %div3A, %sub3A : i32
      %select_n3A = arith.select %and3A, %sub3A_669, %div3A : i32
      %jit3A_670 = arith.constant 8 : i32
      %eq3A = arith.constant 0 : i32
      %eq3A_671 = arith.cmpi eq, %jit3A_670, %eq3A : i32
      %jit3A_672 = arith.constant 1 : i32
      %select_n3A_673 = arith.select %eq3A_671, %jit3A_672, %jit3A_670 : i32
      %rem3A_674 = arith.remsi %scan3A_652, %select_n3A_673 : i32
      %ne3A_675 = arith.constant 0 : i32
      %ne3A_676 = arith.cmpi ne, %rem3A_674, %ne3A_675 : i32
      %lt3A_677 = arith.constant 0 : i32
      %lt3A_678 = arith.cmpi slt, %rem3A_674, %lt3A_677 : i32
      %lt3A_679 = arith.constant 0 : i32
      %lt3A_680 = arith.cmpi slt, %select_n3A_673, %lt3A_679 : i32
      %ne3A_681 = arith.xori %lt3A_678, %lt3A_680 : i1
      %and3A_682 = arith.andi %ne3A_681, %ne3A_676 : i1
      %add3A_683 = arith.addi %rem3A_674, %select_n3A_673 : i32
      %select_n3A_684 = arith.select %and3A_682, %add3A_683, %rem3A_674 : i32
      %mul3A_685 = arith.constant 16 : i32
      %mul3A_686 = arith.muli %select_n3A_684, %mul3A_685 : i32
      %swap3A_687 = arith.index_cast %select_n3A : i32 to index
      %swap3A_688 = arith.index_cast %mul3A_686 : i32 to index
      %swap3A_689 = tpu.vector_load %arg17[%swap3A_687, %swap3A_688] {strides = array<i32>} : memref<128x128xf32, #tpu.memory_space<vmem>>, vector<1x16xf32>,
      %swap3A_690 = vector.shape_cast %swap3A_689 : vector<1x16xf32> to vector<16xf32>
      %swap3A_691 = vector.shape_cast %broadcast_in_dim3A_0 : vector<16xf32> to vector<1x16xf32>
      tpu.vector_store %arg17[%swap3A_687, %swap3A_688], %swap3A_691 {strides = array<i32>} : memref<128x128xf32, #tpu.memory_space<vmem>>, vector<1x16xf32>,
      %scan3A_692 = arith.constant 0 : i32
      scf.yield %scan3A_692 : i32
    }
    %scan3A_328 = arith.constant 1024 : i32
    %mul3A_329 = arith.constant 328 : i32
    %mul3A_330 = arith.muli %arg1, %mul3A_329 : i32
    "tpu.region"() ({
      %run_scoped3A_652 = tpu.sem_alloc : memref<!tpu.dma_semaphore, #tpu.memory_space<semaphore_mem>>
      %dma_start3A_653 = arith.constant 0 : i32
      %dma_start3A_654 = tpu.memref_slice %arg20[%mul3A_330, %dma_start3A_653] : memref<5248x128xf32, #tpu.memory_space<vmem_shared>> -> memref<128x128xf32, #tpu.memory_space<vmem_shared>>
      %dma_start3A_655 = arith.constant 0 : i32
      %dma_start3A_656 = tpu.memref_slice %arg20[%mul3A_330, %dma_start3A_655] : memref<5248x128xf32, #tpu.memory_space<vmem_shared>> -> memref<128x128xf32, #tpu.memory_space<vmem_shared>>
      tpu.enqueue_dma source(%arg17 : memref<128x128xf32, #tpu.memory_space<vmem>>) target(%dma_start3A_656 : memref<128x128xf32, #tpu.memory_space<vmem_shared>>) target_semaphore(%run_scoped3A_652 : memref<!tpu.dma_semaphore, #tpu.memory_space<semaphore_mem>>)
      %dma_wait3A_657 = arith.constant 0 : i32
      %dma_wait3A_658 = tpu.memref_slice %arg20[%mul3A_330, %dma_wait3A_657] : memref<5248x128xf32, #tpu.memory_space<vmem_shared>> -> memref<128x128xf32, #tpu.memory_space<vmem_shared>>
      %dma_wait3A_659 = arith.constant 0 : i32
      %dma_wait3A_660 = tpu.memref_slice %arg20[%mul3A_330, %dma_wait3A_659] : memref<5248x128xf32, #tpu.memory_space<vmem_shared>> -> memref<128x128xf32, #tpu.memory_space<vmem_shared>>
      tpu.wait_dma2 semaphore(%run_scoped3A_652 : memref<!tpu.dma_semaphore, #tpu.memory_space<semaphore_mem>>) src(%arg17 : memref<128x128xf32, #tpu.memory_space<vmem>>) dst(%dma_wait3A_660 : memref<128x128xf32, #tpu.memory_space<vmem_shared>>)
      tpu.yield
    }) : () -> ()
    %add3A_331 = arith.constant 128 : i32
    %add3A_332 = arith.addi %mul3A_330, %add3A_331 : i32
    "tpu.region"() ({
      %run_scoped3A_652 = tpu.sem_alloc : memref<!tpu.dma_semaphore, #tpu.memory_space<semaphore_mem>>
      %dma_start3A_653 = arith.constant 0 : i32
      %dma_start3A_654 = tpu.memref_slice %arg20[%add3A_332, %dma_start3A_653] : memref<5248x128xf32, #tpu.memory_space<vmem_shared>> -> memref<128x128xf32, #tpu.memory_space<vmem_shared>>
      %dma_start3A_655 = arith.constant 0 : i32
      %dma_start3A_656 = tpu.memref_slice %arg20[%add3A_332, %dma_start3A_655] : memref<5248x128xf32, #tpu.memory_space<vmem_shared>> -> memref<128x128xf32, #tpu.memory_space<vmem_shared>>
      tpu.enqueue_dma source(%arg17 : memref<128x128xf32, #tpu.memory_space<vmem>>) target(%dma_start3A_656 : memref<128x128xf32, #tpu.memory_space<vmem_shared>>) target_semaphore(%run_scoped3A_652 : memref<!tpu.dma_semaphore, #tpu.memory_space<semaphore_mem>>)
      %dma_wait3A_657 = arith.constant 0 : i32
      %dma_wait3A_658 = tpu.memref_slice %arg20[%add3A_332, %dma_wait3A_657] : memref<5248x128xf32, #tpu.memory_space<vmem_shared>> -> memref<128x128xf32, #tpu.memory_space<vmem_shared>>
      %dma_wait3A_659 = arith.constant 0 : i32
      %dma_wait3A_660 = tpu.memref_slice %arg20[%add3A_332, %dma_wait3A_659] : memref<5248x128xf32, #tpu.memory_space<vmem_shared>> -> memref<128x128xf32, #tpu.memory_space<vmem_shared>>
      tpu.wait_dma2 semaphore(%run_scoped3A_652 : memref<!tpu.dma_semaphore, #tpu.memory_space<semaphore_mem>>) src(%arg17 : memref<128x128xf32, #tpu.memory_space<vmem>>) dst(%dma_wait3A_660 : memref<128x128xf32, #tpu.memory_space<vmem_shared>>)
      tpu.yield
    }) : () -> ()
    %add3A_333 = arith.constant 256 : i32
    %add3A_334 = arith.addi %mul3A_330, %add3A_333 : i32
    "tpu.region"() ({
      %run_scoped3A_652 = tpu.sem_alloc : memref<!tpu.dma_semaphore, #tpu.memory_space<semaphore_mem>>
      %dma_start3A_653 = arith.constant 0 : i32
      %dma_start3A_654 = arith.constant 0 : i32
      %dma_start3A_655 = tpu.memref_slice %arg17[%dma_start3A_653, %dma_start3A_654] : memref<128x128xf32, #tpu.memory_space<vmem>> -> memref<72x128xf32, #tpu.memory_space<vmem>>
      %dma_start3A_656 = arith.constant 0 : i32
      %dma_start3A_657 = tpu.memref_slice %arg20[%add3A_334, %dma_start3A_656] : memref<5248x128xf32, #tpu.memory_space<vmem_shared>> -> memref<72x128xf32, #tpu.memory_space<vmem_shared>>
      %dma_start3A_658 = arith.constant 0 : i32
      %dma_start3A_659 = tpu.memref_slice %arg20[%add3A_334, %dma_start3A_658] : memref<5248x128xf32, #tpu.memory_space<vmem_shared>> -> memref<72x128xf32, #tpu.memory_space<vmem_shared>>
      %dma_start3A_660 = arith.constant 0 : i32
      %dma_start3A_661 = arith.constant 0 : i32
      %dma_start3A_662 = tpu.memref_slice %arg17[%dma_start3A_660, %dma_start3A_661] : memref<128x128xf32, #tpu.memory_space<vmem>> -> memref<72x128xf32, #tpu.memory_space<vmem>>
      tpu.enqueue_dma source(%dma_start3A_662 : memref<72x128xf32, #tpu.memory_space<vmem>>) target(%dma_start3A_659 : memref<72x128xf32, #tpu.memory_space<vmem_shared>>) target_semaphore(%run_scoped3A_652 : memref<!tpu.dma_semaphore, #tpu.memory_space<semaphore_mem>>)
      %dma_wait3A_663 = arith.constant 0 : i32
      %dma_wait3A_664 = arith.constant 0 : i32
      %dma_wait3A_665 = tpu.memref_slice %arg17[%dma_wait3A_663, %dma_wait3A_664] : memref<128x128xf32, #tpu.memory_space<vmem>> -> memref<72x128xf32, #tpu.memory_space<vmem>>
      %dma_wait3A_666 = arith.constant 0 : i32
      %dma_wait3A_667 = tpu.memref_slice %arg20[%add3A_334, %dma_wait3A_666] : memref<5248x128xf32, #tpu.memory_space<vmem_shared>> -> memref<72x128xf32, #tpu.memory_space<vmem_shared>>
      %dma_wait3A_668 = arith.constant 0 : i32
      %dma_wait3A_669 = tpu.memref_slice %arg20[%add3A_334, %dma_wait3A_668] : memref<5248x128xf32, #tpu.memory_space<vmem_shared>> -> memref<72x128xf32, #tpu.memory_space<vmem_shared>>
      %dma_wait3A_670 = arith.constant 0 : i32
      %dma_wait3A_671 = arith.constant 0 : i32
      %dma_wait3A_672 = tpu.memref_slice %arg17[%dma_wait3A_670, %dma_wait3A_671] : memref<128x128xf32, #tpu.memory_space<vmem>> -> memref<72x128xf32, #tpu.memory_space<vmem>>
      tpu.wait_dma2 semaphore(%run_scoped3A_652 : memref<!tpu.dma_semaphore, #tpu.memory_space<semaphore_mem>>) src(%dma_wait3A_672 : memref<72x128xf32, #tpu.memory_space<vmem>>) dst(%dma_wait3A_669 : memref<72x128xf32, #tpu.memory_space<vmem_shared>>)
      tpu.yield
    }) : () -> ()
    %mul3A_335 = arith.constant 41 : i32
    %mul3A_336 = arith.muli %arg1, %mul3A_335 : i32
    "tpu.region"() ({
      %run_scoped3A_652 = tpu.sem_alloc : memref<!tpu.dma_semaphore, #tpu.memory_space<semaphore_mem>>
      %dma_start3A_653 = arith.constant 0 : i32
      %dma_start3A_654 = arith.constant 0 : i32
      %dma_start3A_655 = tpu.memref_slice %arg17[%dma_start3A_653, %dma_start3A_654] : memref<128x128xf32, #tpu.memory_space<vmem>> -> memref<41x128xf32, #tpu.memory_space<vmem>>
      %dma_start3A_656 = arith.constant 0 : i32
      %dma_start3A_657 = tpu.memref_slice %arg21[%mul3A_336, %dma_start3A_656] : memref<656x128xf32, #tpu.memory_space<vmem_shared>> -> memref<41x128xf32, #tpu.memory_space<vmem_shared>>
      %dma_start3A_658 = arith.constant 0 : i32
      %dma_start3A_659 = tpu.memref_slice %arg21[%mul3A_336, %dma_start3A_658] : memref<656x128xf32, #tpu.memory_space<vmem_shared>> -> memref<41x128xf32, #tpu.memory_space<vmem_shared>>
      %dma_start3A_660 = arith.constant 0 : i32
      %dma_start3A_661 = arith.constant 0 : i32
      %dma_start3A_662 = tpu.memref_slice %arg17[%dma_start3A_660, %dma_start3A_661] : memref<128x128xf32, #tpu.memory_space<vmem>> -> memref<41x128xf32, #tpu.memory_space<vmem>>
      tpu.enqueue_dma source(%dma_start3A_662 : memref<41x128xf32, #tpu.memory_space<vmem>>) target(%dma_start3A_659 : memref<41x128xf32, #tpu.memory_space<vmem_shared>>) target_semaphore(%run_scoped3A_652 : memref<!tpu.dma_semaphore, #tpu.memory_space<semaphore_mem>>)
      %dma_wait3A_663 = arith.constant 0 : i32
      %dma_wait3A_664 = arith.constant 0 : i32
      %dma_wait3A_665 = tpu.memref_slice %arg17[%dma_wait3A_663, %dma_wait3A_664] : memref<128x128xf32, #tpu.memory_space<vmem>> -> memref<41x128xf32, #tpu.memory_space<vmem>>
      %dma_wait3A_666 = arith.constant 0 : i32
      %dma_wait3A_667 = tpu.memref_slice %arg21[%mul3A_336, %dma_wait3A_666] : memref<656x128xf32, #tpu.memory_space<vmem_shared>> -> memref<41x128xf32, #tpu.memory_space<vmem_shared>>
      %dma_wait3A_668 = arith.constant 0 : i32
      %dma_wait3A_669 = tpu.memref_slice %arg21[%mul3A_336, %dma_wait3A_668] : memref<656x128xf32, #tpu.memory_space<vmem_shared>> -> memref<41x128xf32, #tpu.memory_space<vmem_shared>>
      %dma_wait3A_670 = arith.constant 0 : i32
      %dma_wait3A_671 = arith.constant 0 : i32
      %dma_wait3A_672 = tpu.memref_slice %arg17[%dma_wait3A_670, %dma_wait3A_671] : memref<128x128xf32, #tpu.memory_space<vmem>> -> memref<41x128xf32, #tpu.memory_space<vmem>>
      tpu.wait_dma2 semaphore(%run_scoped3A_652 : memref<!tpu.dma_semaphore, #tpu.memory_space<semaphore_mem>>) src(%dma_wait3A_672 : memref<41x128xf32, #tpu.memory_space<vmem>>) dst(%dma_wait3A_669 : memref<41x128xf32, #tpu.memory_space<vmem_shared>>)
      tpu.yield
    }) : () -> ()
    %barrier3A_337 = arith.constant 0 : index
    tpu.barrier barrier_id(%barrier3A_337)
    %scan3A_338 = arith.constant 0 : i32
    %scan3A_339 = arith.constant 0 : i32
    %scan3A_340 = arith.constant 164 : i32
    %scan3A_341 = arith.addi %scan3A_339, %scan3A_340 : i32
    %scan3A_342 = arith.constant 1 : i32
    %scan3A_343 = scf.for %scan3A_652 = %scan3A_339 to %scan3A_341 step %scan3A_342 iter_args(%scan3A_653 = %scan3A_338) -> (i32)  : i32 {
      %mul3A_654 = arith.constant 20992 : i32
      %mul3A_655 = arith.muli %arg1, %mul3A_654 : i32
      %mul3A_656 = arith.constant 128 : i32
      %mul3A_657 = arith.muli %scan3A_652, %mul3A_656 : i32
      %add3A_658 = arith.addi %mul3A_655, %mul3A_657 : i32
      "tpu.region"() ({
        %run_scoped3A_1355 = tpu.sem_alloc : memref<!tpu.dma_semaphore, #tpu.memory_space<semaphore_mem>>
        %dma_start3A_1356 = tpu.memref_slice %arg2[%add3A_658] : memref<335872xi32, #tpu.memory_space<hbm>> -> memref<128xi32, #tpu.memory_space<hbm>>
        %dma_start3A_1357 = tpu.memref_slice %arg2[%add3A_658] : memref<335872xi32, #tpu.memory_space<hbm>> -> memref<128xi32, #tpu.memory_space<hbm>>
        tpu.enqueue_dma source(%dma_start3A_1357 : memref<128xi32, #tpu.memory_space<hbm>>) target(%arg9 : memref<128xi32, #tpu.memory_space<vmem>>) target_semaphore(%run_scoped3A_1355 : memref<!tpu.dma_semaphore, #tpu.memory_space<semaphore_mem>>)
        %dma_wait3A_1358 = tpu.memref_slice %arg2[%add3A_658] : memref<335872xi32, #tpu.memory_space<hbm>> -> memref<128xi32, #tpu.memory_space<hbm>>
        %dma_wait3A_1359 = tpu.memref_slice %arg2[%add3A_658] : memref<335872xi32, #tpu.memory_space<hbm>> -> memref<128xi32, #tpu.memory_space<hbm>>
        tpu.wait_dma2 semaphore(%run_scoped3A_1355 : memref<!tpu.dma_semaphore, #tpu.memory_space<semaphore_mem>>) src(%dma_wait3A_1359 : memref<128xi32, #tpu.memory_space<hbm>>) dst(%arg9 : memref<128xi32, #tpu.memory_space<vmem>>)
        tpu.yield
      }) : () -> ()
      "tpu.region"() ({
        %run_scoped3A_1355 = tpu.sem_alloc : memref<!tpu.dma_semaphore, #tpu.memory_space<semaphore_mem>>
        %dma_start3A_1356 = tpu.memref_slice %arg3[%add3A_658] : memref<335872xi32, #tpu.memory_space<hbm>> -> memref<128xi32, #tpu.memory_space<hbm>>
        %dma_start3A_1357 = tpu.memref_slice %arg3[%add3A_658] : memref<335872xi32, #tpu.memory_space<hbm>> -> memref<128xi32, #tpu.memory_space<hbm>>
        tpu.enqueue_dma source(%dma_start3A_1357 : memref<128xi32, #tpu.memory_space<hbm>>) target(%arg10 : memref<128xi32, #tpu.memory_space<vmem>>) target_semaphore(%run_scoped3A_1355 : memref<!tpu.dma_semaphore, #tpu.memory_space<semaphore_mem>>)
        %dma_wait3A_1358 = tpu.memref_slice %arg3[%add3A_658] : memref<335872xi32, #tpu.memory_space<hbm>> -> memref<128xi32, #tpu.memory_space<hbm>>
        %dma_wait3A_1359 = tpu.memref_slice %arg3[%add3A_658] : memref<335872xi32, #tpu.memory_space<hbm>> -> memref<128xi32, #tpu.memory_space<hbm>>
        tpu.wait_dma2 semaphore(%run_scoped3A_1355 : memref<!tpu.dma_semaphore, #tpu.memory_space<semaphore_mem>>) src(%dma_wait3A_1359 : memref<128xi32, #tpu.memory_space<hbm>>) dst(%arg10 : memref<128xi32, #tpu.memory_space<vmem>>)
        tpu.yield
      }) : () -> ()
      %dma_start3A_659 = arith.constant 0 : i32
      %dma_start3A_660 = arith.constant 0 : i32
      %dma_start3A_661 = tpu.memref_slice %arg4[%dma_start3A_659, %dma_start3A_660] : memref<10240x256xf32, #tpu.memory_space<hbm>> -> memref<10240x256xf32, #tpu.memory_space<hbm>>
      tpu.enqueue_indirect_dma source(%dma_start3A_661 : memref<10240x256xf32, #tpu.memory_space<hbm>>) target(%arg14 : memref<128x256xf32, #tpu.memory_space<vmem>>) offsets(%arg9 : memref<128xi32, #tpu.memory_space<vmem>>) semaphore(%arg22 : memref<!tpu.dma_semaphore, #tpu.memory_space<semaphore_mem>>)
      %dma_start3A_662 = arith.constant 0 : i32
      %dma_start3A_663 = arith.constant 0 : i32
      %dma_start3A_664 = tpu.memref_slice %arg5[%dma_start3A_662, %dma_start3A_663] : memref<10240x128xf32, #tpu.memory_space<hbm>> -> memref<10240x128xf32, #tpu.memory_space<hbm>>
      tpu.enqueue_indirect_dma source(%dma_start3A_664 : memref<10240x128xf32, #tpu.memory_space<hbm>>) target(%arg15 : memref<128x128xf32, #tpu.memory_space<vmem>>) offsets(%arg10 : memref<128xi32, #tpu.memory_space<vmem>>) semaphore(%arg23 : memref<!tpu.dma_semaphore, #tpu.memory_space<semaphore_mem>>)
      %get3A_665 = arith.constant 0 : index
      %get3A_666 = tpu.vector_load %arg10[%get3A_665] {strides = array<i32>} : memref<128xi32, #tpu.memory_space<vmem>>, vector<16xi32>,
      %get3A_667 = vector.shape_cast %get3A_666 : vector<16xi32> to vector<16xi32>
      %shift_right_logical3A = arith.constant 3 : i32
      %shift_right_logical3A_668 = vector.broadcast %shift_right_logical3A : i32 to vector<16xi32>
      %shift_right_logical3A_669 = arith.shrui %get3A_667, %shift_right_logical3A_668 : vector<16xi32>
      %swap3A_670 = arith.constant 0 : index
      %swap3A_671 = tpu.vector_load %arg11[%swap3A_670] {strides = array<i32>} : memref<128xi32, #tpu.memory_space<vmem>>, vector<16xi32>,
      %swap3A_672 = vector.shape_cast %swap3A_671 : vector<16xi32> to vector<16xi32>
      %swap3A_673 = vector.shape_cast %shift_right_logical3A_669 : vector<16xi32> to vector<16xi32>
      tpu.vector_store %arg11[%swap3A_670], %swap3A_673 {strides = array<i32>} : memref<128xi32, #tpu.memory_space<vmem>>, vector<16xi32>,
      %get3A_674 = arith.constant 0 : index
      %get3A_675 = tpu.vector_load %arg10[%get3A_674] {strides = array<i32>} : memref<128xi32, #tpu.memory_space<vmem>>, vector<16xi32>,
      %get3A_676 = vector.shape_cast %get3A_675 : vector<16xi32> to vector<16xi32>
      %sub3A = arith.constant 5120 : i32
      %sub3A_677 = vector.broadcast %sub3A : i32 to vector<16xi32>
      %sub3A_678 = arith.subi %get3A_676, %sub3A_677 : vector<16xi32>
      %convert_element_type3A_679 = arith.sitofp %sub3A_678 : vector<16xi32> to vector<16xf32>
      %add3A_680 = arith.constant 1.000000e+00 : f32
      %add3A_681 = vector.broadcast %add3A_680 : f32 to vector<16xf32>
      %add3A_682 = arith.addf %convert_element_type3A_679, %add3A_681 : vector<16xf32>
      %max3A = arith.constant 0.000000e+00 : f32
      %max3A_683 = vector.broadcast %max3A : f32 to vector<16xf32>
      %max3A_684 = arith.maximumf %add3A_682, %max3A_683 : vector<16xf32>
      %min3A = arith.constant 1.000000e+00 : f32
      %min3A_685 = vector.broadcast %min3A : f32 to vector<16xf32>
      %min3A_686 = arith.minimumf %max3A_684, %min3A_685 : vector<16xf32>
      %sub3A_687 = arith.constant 5.120000e+03 : f32
      %sub3A_688 = vector.broadcast %sub3A_687 : f32 to vector<16xf32>
      %sub3A_689 = arith.subf %sub3A_688, %convert_element_type3A_679 : vector<16xf32>
      %max3A_690 = arith.constant 0.000000e+00 : f32
      %max3A_691 = vector.broadcast %max3A_690 : f32 to vector<16xf32>
      %max3A_692 = arith.maximumf %sub3A_689, %max3A_691 : vector<16xf32>
      %min3A_693 = arith.constant 1.000000e+00 : f32
      %min3A_694 = vector.broadcast %min3A_693 : f32 to vector<16xf32>
      %min3A_695 = arith.minimumf %max3A_692, %min3A_694 : vector<16xf32>
      %mul3A_696 = arith.mulf %min3A_686, %min3A_695 : vector<16xf32>
      %mul3A_697 = arith.mulf %convert_element_type3A_679, %mul3A_696 : vector<16xf32>
      %sub3A_698 = arith.constant 1.000000e+00 : f32
      %sub3A_699 = vector.broadcast %sub3A_698 : f32 to vector<16xf32>
      %sub3A_700 = arith.subf %sub3A_699, %mul3A_696 : vector<16xf32>
      %mul3A_701 = arith.constant 5.120000e+03 : f32
      %mul3A_702 = vector.broadcast %mul3A_701 : f32 to vector<16xf32>
      %mul3A_703 = arith.mulf %mul3A_702, %sub3A_700 : vector<16xf32>
      %add3A_704 = arith.addf %mul3A_697, %mul3A_703 : vector<16xf32>
      %convert_element_type3A_705 = arith.fptosi %add3A_704 : vector<16xf32> to vector<16xi32>
      %swap3A_706 = arith.constant 0 : index
      %swap3A_707 = tpu.vector_load %arg12[%swap3A_706] {strides = array<i32>} : memref<128xi32, #tpu.memory_space<vmem>>, vector<16xi32>,
      %swap3A_708 = vector.shape_cast %swap3A_707 : vector<16xi32> to vector<16xi32>
      %swap3A_709 = vector.shape_cast %convert_element_type3A_705 : vector<16xi32> to vector<16xi32>
      tpu.vector_store %arg12[%swap3A_706], %swap3A_709 {strides = array<i32>} : memref<128xi32, #tpu.memory_space<vmem>>, vector<16xi32>,
      %sub3A_710 = arith.constant 640 : i32
      %sub3A_711 = vector.broadcast %sub3A_710 : i32 to vector<16xi32>
      %sub3A_712 = arith.subi %shift_right_logical3A_669, %sub3A_711 : vector<16xi32>
      %convert_element_type3A_713 = arith.sitofp %sub3A_712 : vector<16xi32> to vector<16xf32>
      %add3A_714 = arith.constant 1.000000e+00 : f32
      %add3A_715 = vector.broadcast %add3A_714 : f32 to vector<16xf32>
      %add3A_716 = arith.addf %convert_element_type3A_713, %add3A_715 : vector<16xf32>
      %max3A_717 = arith.constant 0.000000e+00 : f32
      %max3A_718 = vector.broadcast %max3A_717 : f32 to vector<16xf32>
      %max3A_719 = arith.maximumf %add3A_716, %max3A_718 : vector<16xf32>
      %min3A_720 = arith.constant 1.000000e+00 : f32
      %min3A_721 = vector.broadcast %min3A_720 : f32 to vector<16xf32>
      %min3A_722 = arith.minimumf %max3A_719, %min3A_721 : vector<16xf32>
      %sub3A_723 = arith.constant 6.400000e+02 : f32
      %sub3A_724 = vector.broadcast %sub3A_723 : f32 to vector<16xf32>
      %sub3A_725 = arith.subf %sub3A_724, %convert_element_type3A_713 : vector<16xf32>
      %max3A_726 = arith.constant 0.000000e+00 : f32
      %max3A_727 = vector.broadcast %max3A_726 : f32 to vector<16xf32>
      %max3A_728 = arith.maximumf %sub3A_725, %max3A_727 : vector<16xf32>
      %min3A_729 = arith.constant 1.000000e+00 : f32
      %min3A_730 = vector.broadcast %min3A_729 : f32 to vector<16xf32>
      %min3A_731 = arith.minimumf %max3A_728, %min3A_730 : vector<16xf32>
      %mul3A_732 = arith.mulf %min3A_722, %min3A_731 : vector<16xf32>
      %mul3A_733 = arith.mulf %convert_element_type3A_713, %mul3A_732 : vector<16xf32>
      %sub3A_734 = arith.constant 1.000000e+00 : f32
      %sub3A_735 = vector.broadcast %sub3A_734 : f32 to vector<16xf32>
      %sub3A_736 = arith.subf %sub3A_735, %mul3A_732 : vector<16xf32>
      %mul3A_737 = arith.constant 6.400000e+02 : f32
      %mul3A_738 = vector.broadcast %mul3A_737 : f32 to vector<16xf32>
      %mul3A_739 = arith.mulf %mul3A_738, %sub3A_736 : vector<16xf32>
      %add3A_740 = arith.addf %mul3A_733, %mul3A_739 : vector<16xf32>
      %convert_element_type3A_741 = arith.fptosi %add3A_740 : vector<16xf32> to vector<16xi32>
      %swap3A_742 = arith.constant 0 : index
      %swap3A_743 = tpu.vector_load %arg13[%swap3A_742] {strides = array<i32>} : memref<128xi32, #tpu.memory_space<vmem>>, vector<16xi32>,
      %swap3A_744 = vector.shape_cast %swap3A_743 : vector<16xi32> to vector<16xi32>
      %swap3A_745 = vector.shape_cast %convert_element_type3A_741 : vector<16xi32> to vector<16xi32>
      tpu.vector_store %arg13[%swap3A_742], %swap3A_745 {strides = array<i32>} : memref<128xi32, #tpu.memory_space<vmem>>, vector<16xi32>,
      %get3A_746 = arith.constant 16 : index
      %get3A_747 = tpu.vector_load %arg10[%get3A_746] {strides = array<i32>} : memref<128xi32, #tpu.memory_space<vmem>>, vector<16xi32>,
      %get3A_748 = vector.shape_cast %get3A_747 : vector<16xi32> to vector<16xi32>
      %shift_right_logical3A_749 = arith.constant 3 : i32
      %shift_right_logical3A_750 = vector.broadcast %shift_right_logical3A_749 : i32 to vector<16xi32>
      %shift_right_logical3A_751 = arith.shrui %get3A_748, %shift_right_logical3A_750 : vector<16xi32>
      %swap3A_752 = arith.constant 16 : index
      %swap3A_753 = tpu.vector_load %arg11[%swap3A_752] {strides = array<i32>} : memref<128xi32, #tpu.memory_space<vmem>>, vector<16xi32>,
      %swap3A_754 = vector.shape_cast %swap3A_753 : vector<16xi32> to vector<16xi32>
      %swap3A_755 = vector.shape_cast %shift_right_logical3A_751 : vector<16xi32> to vector<16xi32>
      tpu.vector_store %arg11[%swap3A_752], %swap3A_755 {strides = array<i32>} : memref<128xi32, #tpu.memory_space<vmem>>, vector<16xi32>,
      %get3A_756 = arith.constant 16 : index
      %get3A_757 = tpu.vector_load %arg10[%get3A_756] {strides = array<i32>} : memref<128xi32, #tpu.memory_space<vmem>>, vector<16xi32>,
      %get3A_758 = vector.shape_cast %get3A_757 : vector<16xi32> to vector<16xi32>
      %sub3A_759 = arith.constant 5120 : i32
      %sub3A_760 = vector.broadcast %sub3A_759 : i32 to vector<16xi32>
      %sub3A_761 = arith.subi %get3A_758, %sub3A_760 : vector<16xi32>
      %convert_element_type3A_762 = arith.sitofp %sub3A_761 : vector<16xi32> to vector<16xf32>
      %add3A_763 = arith.constant 1.000000e+00 : f32
      %add3A_764 = vector.broadcast %add3A_763 : f32 to vector<16xf32>
      %add3A_765 = arith.addf %convert_element_type3A_762, %add3A_764 : vector<16xf32>
      %max3A_766 = arith.constant 0.000000e+00 : f32
      %max3A_767 = vector.broadcast %max3A_766 : f32 to vector<16xf32>
      %max3A_768 = arith.maximumf %add3A_765, %max3A_767 : vector<16xf32>
      %min3A_769 = arith.constant 1.000000e+00 : f32
      %min3A_770 = vector.broadcast %min3A_769 : f32 to vector<16xf32>
      %min3A_771 = arith.minimumf %max3A_768, %min3A_770 : vector<16xf32>
      %sub3A_772 = arith.constant 5.120000e+03 : f32
      %sub3A_773 = vector.broadcast %sub3A_772 : f32 to vector<16xf32>
      %sub3A_774 = arith.subf %sub3A_773, %convert_element_type3A_762 : vector<16xf32>
      %max3A_775 = arith.constant 0.000000e+00 : f32
      %max3A_776 = vector.broadcast %max3A_775 : f32 to vector<16xf32>
      %max3A_777 = arith.maximumf %sub3A_774, %max3A_776 : vector<16xf32>
      %min3A_778 = arith.constant 1.000000e+00 : f32
      %min3A_779 = vector.broadcast %min3A_778 : f32 to vector<16xf32>
      %min3A_780 = arith.minimumf %max3A_777, %min3A_779 : vector<16xf32>
      %mul3A_781 = arith.mulf %min3A_771, %min3A_780 : vector<16xf32>
      %mul3A_782 = arith.mulf %convert_element_type3A_762, %mul3A_781 : vector<16xf32>
      %sub3A_783 = arith.constant 1.000000e+00 : f32
      %sub3A_784 = vector.broadcast %sub3A_783 : f32 to vector<16xf32>
      %sub3A_785 = arith.subf %sub3A_784, %mul3A_781 : vector<16xf32>
      %mul3A_786 = arith.constant 5.120000e+03 : f32
      %mul3A_787 = vector.broadcast %mul3A_786 : f32 to vector<16xf32>
      %mul3A_788 = arith.mulf %mul3A_787, %sub3A_785 : vector<16xf32>
      %add3A_789 = arith.addf %mul3A_782, %mul3A_788 : vector<16xf32>
      %convert_element_type3A_790 = arith.fptosi %add3A_789 : vector<16xf32> to vector<16xi32>
      %swap3A_791 = arith.constant 16 : index
      %swap3A_792 = tpu.vector_load %arg12[%swap3A_791] {strides = array<i32>} : memref<128xi32, #tpu.memory_space<vmem>>, vector<16xi32>,
      %swap3A_793 = vector.shape_cast %swap3A_792 : vector<16xi32> to vector<16xi32>
      %swap3A_794 = vector.shape_cast %convert_element_type3A_790 : vector<16xi32> to vector<16xi32>
      tpu.vector_store %arg12[%swap3A_791], %swap3A_794 {strides = array<i32>} : memref<128xi32, #tpu.memory_space<vmem>>, vector<16xi32>,
      %sub3A_795 = arith.constant 640 : i32
      %sub3A_796 = vector.broadcast %sub3A_795 : i32 to vector<16xi32>
      %sub3A_797 = arith.subi %shift_right_logical3A_751, %sub3A_796 : vector<16xi32>
      %convert_element_type3A_798 = arith.sitofp %sub3A_797 : vector<16xi32> to vector<16xf32>
      %add3A_799 = arith.constant 1.000000e+00 : f32
      %add3A_800 = vector.broadcast %add3A_799 : f32 to vector<16xf32>
      %add3A_801 = arith.addf %convert_element_type3A_798, %add3A_800 : vector<16xf32>
      %max3A_802 = arith.constant 0.000000e+00 : f32
      %max3A_803 = vector.broadcast %max3A_802 : f32 to vector<16xf32>
      %max3A_804 = arith.maximumf %add3A_801, %max3A_803 : vector<16xf32>
      %min3A_805 = arith.constant 1.000000e+00 : f32
      %min3A_806 = vector.broadcast %min3A_805 : f32 to vector<16xf32>
      %min3A_807 = arith.minimumf %max3A_804, %min3A_806 : vector<16xf32>
      %sub3A_808 = arith.constant 6.400000e+02 : f32
      %sub3A_809 = vector.broadcast %sub3A_808 : f32 to vector<16xf32>
      %sub3A_810 = arith.subf %sub3A_809, %convert_element_type3A_798 : vector<16xf32>
      %max3A_811 = arith.constant 0.000000e+00 : f32
      %max3A_812 = vector.broadcast %max3A_811 : f32 to vector<16xf32>
      %max3A_813 = arith.maximumf %sub3A_810, %max3A_812 : vector<16xf32>
      %min3A_814 = arith.constant 1.000000e+00 : f32
      %min3A_815 = vector.broadcast %min3A_814 : f32 to vector<16xf32>
      %min3A_816 = arith.minimumf %max3A_813, %min3A_815 : vector<16xf32>
      %mul3A_817 = arith.mulf %min3A_807, %min3A_816 : vector<16xf32>
      %mul3A_818 = arith.mulf %convert_element_type3A_798, %mul3A_817 : vector<16xf32>
      %sub3A_819 = arith.constant 1.000000e+00 : f32
      %sub3A_820 = vector.broadcast %sub3A_819 : f32 to vector<16xf32>
      %sub3A_821 = arith.subf %sub3A_820, %mul3A_817 : vector<16xf32>
      %mul3A_822 = arith.constant 6.400000e+02 : f32
      %mul3A_823 = vector.broadcast %mul3A_822 : f32 to vector<16xf32>
      %mul3A_824 = arith.mulf %mul3A_823, %sub3A_821 : vector<16xf32>
      %add3A_825 = arith.addf %mul3A_818, %mul3A_824 : vector<16xf32>
      %convert_element_type3A_826 = arith.fptosi %add3A_825 : vector<16xf32> to vector<16xi32>
      %swap3A_827 = arith.constant 16 : index
      %swap3A_828 = tpu.vector_load %arg13[%swap3A_827] {strides = array<i32>} : memref<128xi32, #tpu.memory_space<vmem>>, vector<16xi32>,
      %swap3A_829 = vector.shape_cast %swap3A_828 : vector<16xi32> to vector<16xi32>
      %swap3A_830 = vector.shape_cast %convert_element_type3A_826 : vector<16xi32> to vector<16xi32>
      tpu.vector_store %arg13[%swap3A_827], %swap3A_830 {strides = array<i32>} : memref<128xi32, #tpu.memory_space<vmem>>, vector<16xi32>,
      %get3A_831 = arith.constant 32 : index
      %get3A_832 = tpu.vector_load %arg10[%get3A_831] {strides = array<i32>} : memref<128xi32, #tpu.memory_space<vmem>>, vector<16xi32>,
      %get3A_833 = vector.shape_cast %get3A_832 : vector<16xi32> to vector<16xi32>
      %shift_right_logical3A_834 = arith.constant 3 : i32
      %shift_right_logical3A_835 = vector.broadcast %shift_right_logical3A_834 : i32 to vector<16xi32>
      %shift_right_logical3A_836 = arith.shrui %get3A_833, %shift_right_logical3A_835 : vector<16xi32>
      %swap3A_837 = arith.constant 32 : index
      %swap3A_838 = tpu.vector_load %arg11[%swap3A_837] {strides = array<i32>} : memref<128xi32, #tpu.memory_space<vmem>>, vector<16xi32>,
      %swap3A_839 = vector.shape_cast %swap3A_838 : vector<16xi32> to vector<16xi32>
      %swap3A_840 = vector.shape_cast %shift_right_logical3A_836 : vector<16xi32> to vector<16xi32>
      tpu.vector_store %arg11[%swap3A_837], %swap3A_840 {strides = array<i32>} : memref<128xi32, #tpu.memory_space<vmem>>, vector<16xi32>,
      %get3A_841 = arith.constant 32 : index
      %get3A_842 = tpu.vector_load %arg10[%get3A_841] {strides = array<i32>} : memref<128xi32, #tpu.memory_space<vmem>>, vector<16xi32>,
      %get3A_843 = vector.shape_cast %get3A_842 : vector<16xi32> to vector<16xi32>
      %sub3A_844 = arith.constant 5120 : i32
      %sub3A_845 = vector.broadcast %sub3A_844 : i32 to vector<16xi32>
      %sub3A_846 = arith.subi %get3A_843, %sub3A_845 : vector<16xi32>
      %convert_element_type3A_847 = arith.sitofp %sub3A_846 : vector<16xi32> to vector<16xf32>
      %add3A_848 = arith.constant 1.000000e+00 : f32
      %add3A_849 = vector.broadcast %add3A_848 : f32 to vector<16xf32>
      %add3A_850 = arith.addf %convert_element_type3A_847, %add3A_849 : vector<16xf32>
      %max3A_851 = arith.constant 0.000000e+00 : f32
      %max3A_852 = vector.broadcast %max3A_851 : f32 to vector<16xf32>
      %max3A_853 = arith.maximumf %add3A_850, %max3A_852 : vector<16xf32>
      %min3A_854 = arith.constant 1.000000e+00 : f32
      %min3A_855 = vector.broadcast %min3A_854 : f32 to vector<16xf32>
      %min3A_856 = arith.minimumf %max3A_853, %min3A_855 : vector<16xf32>
      %sub3A_857 = arith.constant 5.120000e+03 : f32
      %sub3A_858 = vector.broadcast %sub3A_857 : f32 to vector<16xf32>
      %sub3A_859 = arith.subf %sub3A_858, %convert_element_type3A_847 : vector<16xf32>
      %max3A_860 = arith.constant 0.000000e+00 : f32
      %max3A_861 = vector.broadcast %max3A_860 : f32 to vector<16xf32>
      %max3A_862 = arith.maximumf %sub3A_859, %max3A_861 : vector<16xf32>
      %min3A_863 = arith.constant 1.000000e+00 : f32
      %min3A_864 = vector.broadcast %min3A_863 : f32 to vector<16xf32>
      %min3A_865 = arith.minimumf %max3A_862, %min3A_864 : vector<16xf32>
      %mul3A_866 = arith.mulf %min3A_856, %min3A_865 : vector<16xf32>
      %mul3A_867 = arith.mulf %convert_element_type3A_847, %mul3A_866 : vector<16xf32>
      %sub3A_868 = arith.constant 1.000000e+00 : f32
      %sub3A_869 = vector.broadcast %sub3A_868 : f32 to vector<16xf32>
      %sub3A_870 = arith.subf %sub3A_869, %mul3A_866 : vector<16xf32>
      %mul3A_871 = arith.constant 5.120000e+03 : f32
      %mul3A_872 = vector.broadcast %mul3A_871 : f32 to vector<16xf32>
      %mul3A_873 = arith.mulf %mul3A_872, %sub3A_870 : vector<16xf32>
      %add3A_874 = arith.addf %mul3A_867, %mul3A_873 : vector<16xf32>
      %convert_element_type3A_875 = arith.fptosi %add3A_874 : vector<16xf32> to vector<16xi32>
      %swap3A_876 = arith.constant 32 : index
      %swap3A_877 = tpu.vector_load %arg12[%swap3A_876] {strides = array<i32>} : memref<128xi32, #tpu.memory_space<vmem>>, vector<16xi32>,
      %swap3A_878 = vector.shape_cast %swap3A_877 : vector<16xi32> to vector<16xi32>
      %swap3A_879 = vector.shape_cast %convert_element_type3A_875 : vector<16xi32> to vector<16xi32>
      tpu.vector_store %arg12[%swap3A_876], %swap3A_879 {strides = array<i32>} : memref<128xi32, #tpu.memory_space<vmem>>, vector<16xi32>,
      %sub3A_880 = arith.constant 640 : i32
      %sub3A_881 = vector.broadcast %sub3A_880 : i32 to vector<16xi32>
      %sub3A_882 = arith.subi %shift_right_logical3A_836, %sub3A_881 : vector<16xi32>
      %convert_element_type3A_883 = arith.sitofp %sub3A_882 : vector<16xi32> to vector<16xf32>
      %add3A_884 = arith.constant 1.000000e+00 : f32
      %add3A_885 = vector.broadcast %add3A_884 : f32 to vector<16xf32>
      %add3A_886 = arith.addf %convert_element_type3A_883, %add3A_885 : vector<16xf32>
      %max3A_887 = arith.constant 0.000000e+00 : f32
      %max3A_888 = vector.broadcast %max3A_887 : f32 to vector<16xf32>
      %max3A_889 = arith.maximumf %add3A_886, %max3A_888 : vector<16xf32>
      %min3A_890 = arith.constant 1.000000e+00 : f32
      %min3A_891 = vector.broadcast %min3A_890 : f32 to vector<16xf32>
      %min3A_892 = arith.minimumf %max3A_889, %min3A_891 : vector<16xf32>
      %sub3A_893 = arith.constant 6.400000e+02 : f32
      %sub3A_894 = vector.broadcast %sub3A_893 : f32 to vector<16xf32>
      %sub3A_895 = arith.subf %sub3A_894, %convert_element_type3A_883 : vector<16xf32>
      %max3A_896 = arith.constant 0.000000e+00 : f32
      %max3A_897 = vector.broadcast %max3A_896 : f32 to vector<16xf32>
      %max3A_898 = arith.maximumf %sub3A_895, %max3A_897 : vector<16xf32>
      %min3A_899 = arith.constant 1.000000e+00 : f32
      %min3A_900 = vector.broadcast %min3A_899 : f32 to vector<16xf32>
      %min3A_901 = arith.minimumf %max3A_898, %min3A_900 : vector<16xf32>
      %mul3A_902 = arith.mulf %min3A_892, %min3A_901 : vector<16xf32>
      %mul3A_903 = arith.mulf %convert_element_type3A_883, %mul3A_902 : vector<16xf32>
      %sub3A_904 = arith.constant 1.000000e+00 : f32
      %sub3A_905 = vector.broadcast %sub3A_904 : f32 to vector<16xf32>
      %sub3A_906 = arith.subf %sub3A_905, %mul3A_902 : vector<16xf32>
      %mul3A_907 = arith.constant 6.400000e+02 : f32
      %mul3A_908 = vector.broadcast %mul3A_907 : f32 to vector<16xf32>
      %mul3A_909 = arith.mulf %mul3A_908, %sub3A_906 : vector<16xf32>
      %add3A_910 = arith.addf %mul3A_903, %mul3A_909 : vector<16xf32>
      %convert_element_type3A_911 = arith.fptosi %add3A_910 : vector<16xf32> to vector<16xi32>
      %swap3A_912 = arith.constant 32 : index
      %swap3A_913 = tpu.vector_load %arg13[%swap3A_912] {strides = array<i32>} : memref<128xi32, #tpu.memory_space<vmem>>, vector<16xi32>,
      %swap3A_914 = vector.shape_cast %swap3A_913 : vector<16xi32> to vector<16xi32>
      %swap3A_915 = vector.shape_cast %convert_element_type3A_911 : vector<16xi32> to vector<16xi32>
      tpu.vector_store %arg13[%swap3A_912], %swap3A_915 {strides = array<i32>} : memref<128xi32, #tpu.memory_space<vmem>>, vector<16xi32>,
      %get3A_916 = arith.constant 48 : index
      %get3A_917 = tpu.vector_load %arg10[%get3A_916] {strides = array<i32>} : memref<128xi32, #tpu.memory_space<vmem>>, vector<16xi32>,
      %get3A_918 = vector.shape_cast %get3A_917 : vector<16xi32> to vector<16xi32>
      %shift_right_logical3A_919 = arith.constant 3 : i32
      %shift_right_logical3A_920 = vector.broadcast %shift_right_logical3A_919 : i32 to vector<16xi32>
      %shift_right_logical3A_921 = arith.shrui %get3A_918, %shift_right_logical3A_920 : vector<16xi32>
      %swap3A_922 = arith.constant 48 : index
      %swap3A_923 = tpu.vector_load %arg11[%swap3A_922] {strides = array<i32>} : memref<128xi32, #tpu.memory_space<vmem>>, vector<16xi32>,
      %swap3A_924 = vector.shape_cast %swap3A_923 : vector<16xi32> to vector<16xi32>
      %swap3A_925 = vector.shape_cast %shift_right_logical3A_921 : vector<16xi32> to vector<16xi32>
      tpu.vector_store %arg11[%swap3A_922], %swap3A_925 {strides = array<i32>} : memref<128xi32, #tpu.memory_space<vmem>>, vector<16xi32>,
      %get3A_926 = arith.constant 48 : index
      %get3A_927 = tpu.vector_load %arg10[%get3A_926] {strides = array<i32>} : memref<128xi32, #tpu.memory_space<vmem>>, vector<16xi32>,
      %get3A_928 = vector.shape_cast %get3A_927 : vector<16xi32> to vector<16xi32>
      %sub3A_929 = arith.constant 5120 : i32
      %sub3A_930 = vector.broadcast %sub3A_929 : i32 to vector<16xi32>
      %sub3A_931 = arith.subi %get3A_928, %sub3A_930 : vector<16xi32>
      %convert_element_type3A_932 = arith.sitofp %sub3A_931 : vector<16xi32> to vector<16xf32>
      %add3A_933 = arith.constant 1.000000e+00 : f32
      %add3A_934 = vector.broadcast %add3A_933 : f32 to vector<16xf32>
      %add3A_935 = arith.addf %convert_element_type3A_932, %add3A_934 : vector<16xf32>
      %max3A_936 = arith.constant 0.000000e+00 : f32
      %max3A_937 = vector.broadcast %max3A_936 : f32 to vector<16xf32>
      %max3A_938 = arith.maximumf %add3A_935, %max3A_937 : vector<16xf32>
      %min3A_939 = arith.constant 1.000000e+00 : f32
      %min3A_940 = vector.broadcast %min3A_939 : f32 to vector<16xf32>
      %min3A_941 = arith.minimumf %max3A_938, %min3A_940 : vector<16xf32>
      %sub3A_942 = arith.constant 5.120000e+03 : f32
      %sub3A_943 = vector.broadcast %sub3A_942 : f32 to vector<16xf32>
      %sub3A_944 = arith.subf %sub3A_943, %convert_element_type3A_932 : vector<16xf32>
      %max3A_945 = arith.constant 0.000000e+00 : f32
      %max3A_946 = vector.broadcast %max3A_945 : f32 to vector<16xf32>
      %max3A_947 = arith.maximumf %sub3A_944, %max3A_946 : vector<16xf32>
      %min3A_948 = arith.constant 1.000000e+00 : f32
      %min3A_949 = vector.broadcast %min3A_948 : f32 to vector<16xf32>
      %min3A_950 = arith.minimumf %max3A_947, %min3A_949 : vector<16xf32>
      %mul3A_951 = arith.mulf %min3A_941, %min3A_950 : vector<16xf32>
      %mul3A_952 = arith.mulf %convert_element_type3A_932, %mul3A_951 : vector<16xf32>
      %sub3A_953 = arith.constant 1.000000e+00 : f32
      %sub3A_954 = vector.broadcast %sub3A_953 : f32 to vector<16xf32>
      %sub3A_955 = arith.subf %sub3A_954, %mul3A_951 : vector<16xf32>
      %mul3A_956 = arith.constant 5.120000e+03 : f32
      %mul3A_957 = vector.broadcast %mul3A_956 : f32 to vector<16xf32>
      %mul3A_958 = arith.mulf %mul3A_957, %sub3A_955 : vector<16xf32>
      %add3A_959 = arith.addf %mul3A_952, %mul3A_958 : vector<16xf32>
      %convert_element_type3A_960 = arith.fptosi %add3A_959 : vector<16xf32> to vector<16xi32>
      %swap3A_961 = arith.constant 48 : index
      %swap3A_962 = tpu.vector_load %arg12[%swap3A_961] {strides = array<i32>} : memref<128xi32, #tpu.memory_space<vmem>>, vector<16xi32>,
      %swap3A_963 = vector.shape_cast %swap3A_962 : vector<16xi32> to vector<16xi32>
      %swap3A_964 = vector.shape_cast %convert_element_type3A_960 : vector<16xi32> to vector<16xi32>
      tpu.vector_store %arg12[%swap3A_961], %swap3A_964 {strides = array<i32>} : memref<128xi32, #tpu.memory_space<vmem>>, vector<16xi32>,
      %sub3A_965 = arith.constant 640 : i32
      %sub3A_966 = vector.broadcast %sub3A_965 : i32 to vector<16xi32>
      %sub3A_967 = arith.subi %shift_right_logical3A_921, %sub3A_966 : vector<16xi32>
      %convert_element_type3A_968 = arith.sitofp %sub3A_967 : vector<16xi32> to vector<16xf32>
      %add3A_969 = arith.constant 1.000000e+00 : f32
      %add3A_970 = vector.broadcast %add3A_969 : f32 to vector<16xf32>
      %add3A_971 = arith.addf %convert_element_type3A_968, %add3A_970 : vector<16xf32>
      %max3A_972 = arith.constant 0.000000e+00 : f32
      %max3A_973 = vector.broadcast %max3A_972 : f32 to vector<16xf32>
      %max3A_974 = arith.maximumf %add3A_971, %max3A_973 : vector<16xf32>
      %min3A_975 = arith.constant 1.000000e+00 : f32
      %min3A_976 = vector.broadcast %min3A_975 : f32 to vector<16xf32>
      %min3A_977 = arith.minimumf %max3A_974, %min3A_976 : vector<16xf32>
      %sub3A_978 = arith.constant 6.400000e+02 : f32
      %sub3A_979 = vector.broadcast %sub3A_978 : f32 to vector<16xf32>
      %sub3A_980 = arith.subf %sub3A_979, %convert_element_type3A_968 : vector<16xf32>
      %max3A_981 = arith.constant 0.000000e+00 : f32
      %max3A_982 = vector.broadcast %max3A_981 : f32 to vector<16xf32>
      %max3A_983 = arith.maximumf %sub3A_980, %max3A_982 : vector<16xf32>
      %min3A_984 = arith.constant 1.000000e+00 : f32
      %min3A_985 = vector.broadcast %min3A_984 : f32 to vector<16xf32>
      %min3A_986 = arith.minimumf %max3A_983, %min3A_985 : vector<16xf32>
      %mul3A_987 = arith.mulf %min3A_977, %min3A_986 : vector<16xf32>
      %mul3A_988 = arith.mulf %convert_element_type3A_968, %mul3A_987 : vector<16xf32>
      %sub3A_989 = arith.constant 1.000000e+00 : f32
      %sub3A_990 = vector.broadcast %sub3A_989 : f32 to vector<16xf32>
      %sub3A_991 = arith.subf %sub3A_990, %mul3A_987 : vector<16xf32>
      %mul3A_992 = arith.constant 6.400000e+02 : f32
      %mul3A_993 = vector.broadcast %mul3A_992 : f32 to vector<16xf32>
      %mul3A_994 = arith.mulf %mul3A_993, %sub3A_991 : vector<16xf32>
      %add3A_995 = arith.addf %mul3A_988, %mul3A_994 : vector<16xf32>
      %convert_element_type3A_996 = arith.fptosi %add3A_995 : vector<16xf32> to vector<16xi32>
      %swap3A_997 = arith.constant 48 : index
      %swap3A_998 = tpu.vector_load %arg13[%swap3A_997] {strides = array<i32>} : memref<128xi32, #tpu.memory_space<vmem>>, vector<16xi32>,
      %swap3A_999 = vector.shape_cast %swap3A_998 : vector<16xi32> to vector<16xi32>
      %swap3A_1000 = vector.shape_cast %convert_element_type3A_996 : vector<16xi32> to vector<16xi32>
      tpu.vector_store %arg13[%swap3A_997], %swap3A_1000 {strides = array<i32>} : memref<128xi32, #tpu.memory_space<vmem>>, vector<16xi32>,
      %get3A_1001 = arith.constant 64 : index
      %get3A_1002 = tpu.vector_load %arg10[%get3A_1001] {strides = array<i32>} : memref<128xi32, #tpu.memory_space<vmem>>, vector<16xi32>,
      %get3A_1003 = vector.shape_cast %get3A_1002 : vector<16xi32> to vector<16xi32>
      %shift_right_logical3A_1004 = arith.constant 3 : i32
      %shift_right_logical3A_1005 = vector.broadcast %shift_right_logical3A_1004 : i32 to vector<16xi32>
      %shift_right_logical3A_1006 = arith.shrui %get3A_1003, %shift_right_logical3A_1005 : vector<16xi32>
      %swap3A_1007 = arith.constant 64 : index
      %swap3A_1008 = tpu.vector_load %arg11[%swap3A_1007] {strides = array<i32>} : memref<128xi32, #tpu.memory_space<vmem>>, vector<16xi32>,
      %swap3A_1009 = vector.shape_cast %swap3A_1008 : vector<16xi32> to vector<16xi32>
      %swap3A_1010 = vector.shape_cast %shift_right_logical3A_1006 : vector<16xi32> to vector<16xi32>
      tpu.vector_store %arg11[%swap3A_1007], %swap3A_1010 {strides = array<i32>} : memref<128xi32, #tpu.memory_space<vmem>>, vector<16xi32>,
      %get3A_1011 = arith.constant 64 : index
      %get3A_1012 = tpu.vector_load %arg10[%get3A_1011] {strides = array<i32>} : memref<128xi32, #tpu.memory_space<vmem>>, vector<16xi32>,
      %get3A_1013 = vector.shape_cast %get3A_1012 : vector<16xi32> to vector<16xi32>
      %sub3A_1014 = arith.constant 5120 : i32
      %sub3A_1015 = vector.broadcast %sub3A_1014 : i32 to vector<16xi32>
      %sub3A_1016 = arith.subi %get3A_1013, %sub3A_1015 : vector<16xi32>
      %convert_element_type3A_1017 = arith.sitofp %sub3A_1016 : vector<16xi32> to vector<16xf32>
      %add3A_1018 = arith.constant 1.000000e+00 : f32
      %add3A_1019 = vector.broadcast %add3A_1018 : f32 to vector<16xf32>
      %add3A_1020 = arith.addf %convert_element_type3A_1017, %add3A_1019 : vector<16xf32>
      %max3A_1021 = arith.constant 0.000000e+00 : f32
      %max3A_1022 = vector.broadcast %max3A_1021 : f32 to vector<16xf32>
      %max3A_1023 = arith.maximumf %add3A_1020, %max3A_1022 : vector<16xf32>
      %min3A_1024 = arith.constant 1.000000e+00 : f32
      %min3A_1025 = vector.broadcast %min3A_1024 : f32 to vector<16xf32>
      %min3A_1026 = arith.minimumf %max3A_1023, %min3A_1025 : vector<16xf32>
      %sub3A_1027 = arith.constant 5.120000e+03 : f32
      %sub3A_1028 = vector.broadcast %sub3A_1027 : f32 to vector<16xf32>
      %sub3A_1029 = arith.subf %sub3A_1028, %convert_element_type3A_1017 : vector<16xf32>
      %max3A_1030 = arith.constant 0.000000e+00 : f32
      %max3A_1031 = vector.broadcast %max3A_1030 : f32 to vector<16xf32>
      %max3A_1032 = arith.maximumf %sub3A_1029, %max3A_1031 : vector<16xf32>
      %min3A_1033 = arith.constant 1.000000e+00 : f32
      %min3A_1034 = vector.broadcast %min3A_1033 : f32 to vector<16xf32>
      %min3A_1035 = arith.minimumf %max3A_1032, %min3A_1034 : vector<16xf32>
      %mul3A_1036 = arith.mulf %min3A_1026, %min3A_1035 : vector<16xf32>
      %mul3A_1037 = arith.mulf %convert_element_type3A_1017, %mul3A_1036 : vector<16xf32>
      %sub3A_1038 = arith.constant 1.000000e+00 : f32
      %sub3A_1039 = vector.broadcast %sub3A_1038 : f32 to vector<16xf32>
      %sub3A_1040 = arith.subf %sub3A_1039, %mul3A_1036 : vector<16xf32>
      %mul3A_1041 = arith.constant 5.120000e+03 : f32
      %mul3A_1042 = vector.broadcast %mul3A_1041 : f32 to vector<16xf32>
      %mul3A_1043 = arith.mulf %mul3A_1042, %sub3A_1040 : vector<16xf32>
      %add3A_1044 = arith.addf %mul3A_1037, %mul3A_1043 : vector<16xf32>
      %convert_element_type3A_1045 = arith.fptosi %add3A_1044 : vector<16xf32> to vector<16xi32>
      %swap3A_1046 = arith.constant 64 : index
      %swap3A_1047 = tpu.vector_load %arg12[%swap3A_1046] {strides = array<i32>} : memref<128xi32, #tpu.memory_space<vmem>>, vector<16xi32>,
      %swap3A_1048 = vector.shape_cast %swap3A_1047 : vector<16xi32> to vector<16xi32>
      %swap3A_1049 = vector.shape_cast %convert_element_type3A_1045 : vector<16xi32> to vector<16xi32>
      tpu.vector_store %arg12[%swap3A_1046], %swap3A_1049 {strides = array<i32>} : memref<128xi32, #tpu.memory_space<vmem>>, vector<16xi32>,
      %sub3A_1050 = arith.constant 640 : i32
      %sub3A_1051 = vector.broadcast %sub3A_1050 : i32 to vector<16xi32>
      %sub3A_1052 = arith.subi %shift_right_logical3A_1006, %sub3A_1051 : vector<16xi32>
      %convert_element_type3A_1053 = arith.sitofp %sub3A_1052 : vector<16xi32> to vector<16xf32>
      %add3A_1054 = arith.constant 1.000000e+00 : f32
      %add3A_1055 = vector.broadcast %add3A_1054 : f32 to vector<16xf32>
      %add3A_1056 = arith.addf %convert_element_type3A_1053, %add3A_1055 : vector<16xf32>
      %max3A_1057 = arith.constant 0.000000e+00 : f32
      %max3A_1058 = vector.broadcast %max3A_1057 : f32 to vector<16xf32>
      %max3A_1059 = arith.maximumf %add3A_1056, %max3A_1058 : vector<16xf32>
      %min3A_1060 = arith.constant 1.000000e+00 : f32
      %min3A_1061 = vector.broadcast %min3A_1060 : f32 to vector<16xf32>
      %min3A_1062 = arith.minimumf %max3A_1059, %min3A_1061 : vector<16xf32>
      %sub3A_1063 = arith.constant 6.400000e+02 : f32
      %sub3A_1064 = vector.broadcast %sub3A_1063 : f32 to vector<16xf32>
      %sub3A_1065 = arith.subf %sub3A_1064, %convert_element_type3A_1053 : vector<16xf32>
      %max3A_1066 = arith.constant 0.000000e+00 : f32
      %max3A_1067 = vector.broadcast %max3A_1066 : f32 to vector<16xf32>
      %max3A_1068 = arith.maximumf %sub3A_1065, %max3A_1067 : vector<16xf32>
      %min3A_1069 = arith.constant 1.000000e+00 : f32
      %min3A_1070 = vector.broadcast %min3A_1069 : f32 to vector<16xf32>
      %min3A_1071 = arith.minimumf %max3A_1068, %min3A_1070 : vector<16xf32>
      %mul3A_1072 = arith.mulf %min3A_1062, %min3A_1071 : vector<16xf32>
      %mul3A_1073 = arith.mulf %convert_element_type3A_1053, %mul3A_1072 : vector<16xf32>
      %sub3A_1074 = arith.constant 1.000000e+00 : f32
      %sub3A_1075 = vector.broadcast %sub3A_1074 : f32 to vector<16xf32>
      %sub3A_1076 = arith.subf %sub3A_1075, %mul3A_1072 : vector<16xf32>
      %mul3A_1077 = arith.constant 6.400000e+02 : f32
      %mul3A_1078 = vector.broadcast %mul3A_1077 : f32 to vector<16xf32>
      %mul3A_1079 = arith.mulf %mul3A_1078, %sub3A_1076 : vector<16xf32>
      %add3A_1080 = arith.addf %mul3A_1073, %mul3A_1079 : vector<16xf32>
      %convert_element_type3A_1081 = arith.fptosi %add3A_1080 : vector<16xf32> to vector<16xi32>
      %swap3A_1082 = arith.constant 64 : index
      %swap3A_1083 = tpu.vector_load %arg13[%swap3A_1082] {strides = array<i32>} : memref<128xi32, #tpu.memory_space<vmem>>, vector<16xi32>,
      %swap3A_1084 = vector.shape_cast %swap3A_1083 : vector<16xi32> to vector<16xi32>
      %swap3A_1085 = vector.shape_cast %convert_element_type3A_1081 : vector<16xi32> to vector<16xi32>
      tpu.vector_store %arg13[%swap3A_1082], %swap3A_1085 {strides = array<i32>} : memref<128xi32, #tpu.memory_space<vmem>>, vector<16xi32>,
      %get3A_1086 = arith.constant 80 : index
      %get3A_1087 = tpu.vector_load %arg10[%get3A_1086] {strides = array<i32>} : memref<128xi32, #tpu.memory_space<vmem>>, vector<16xi32>,
      %get3A_1088 = vector.shape_cast %get3A_1087 : vector<16xi32> to vector<16xi32>
      %shift_right_logical3A_1089 = arith.constant 3 : i32
      %shift_right_logical3A_1090 = vector.broadcast %shift_right_logical3A_1089 : i32 to vector<16xi32>
      %shift_right_logical3A_1091 = arith.shrui %get3A_1088, %shift_right_logical3A_1090 : vector<16xi32>
      %swap3A_1092 = arith.constant 80 : index
      %swap3A_1093 = tpu.vector_load %arg11[%swap3A_1092] {strides = array<i32>} : memref<128xi32, #tpu.memory_space<vmem>>, vector<16xi32>,
      %swap3A_1094 = vector.shape_cast %swap3A_1093 : vector<16xi32> to vector<16xi32>
      %swap3A_1095 = vector.shape_cast %shift_right_logical3A_1091 : vector<16xi32> to vector<16xi32>
      tpu.vector_store %arg11[%swap3A_1092], %swap3A_1095 {strides = array<i32>} : memref<128xi32, #tpu.memory_space<vmem>>, vector<16xi32>,
      %get3A_1096 = arith.constant 80 : index
      %get3A_1097 = tpu.vector_load %arg10[%get3A_1096] {strides = array<i32>} : memref<128xi32, #tpu.memory_space<vmem>>, vector<16xi32>,
      %get3A_1098 = vector.shape_cast %get3A_1097 : vector<16xi32> to vector<16xi32>
      %sub3A_1099 = arith.constant 5120 : i32
      %sub3A_1100 = vector.broadcast %sub3A_1099 : i32 to vector<16xi32>
      %sub3A_1101 = arith.subi %get3A_1098, %sub3A_1100 : vector<16xi32>
      %convert_element_type3A_1102 = arith.sitofp %sub3A_1101 : vector<16xi32> to vector<16xf32>
      %add3A_1103 = arith.constant 1.000000e+00 : f32
      %add3A_1104 = vector.broadcast %add3A_1103 : f32 to vector<16xf32>
      %add3A_1105 = arith.addf %convert_element_type3A_1102, %add3A_1104 : vector<16xf32>
      %max3A_1106 = arith.constant 0.000000e+00 : f32
      %max3A_1107 = vector.broadcast %max3A_1106 : f32 to vector<16xf32>
      %max3A_1108 = arith.maximumf %add3A_1105, %max3A_1107 : vector<16xf32>
      %min3A_1109 = arith.constant 1.000000e+00 : f32
      %min3A_1110 = vector.broadcast %min3A_1109 : f32 to vector<16xf32>
      %min3A_1111 = arith.minimumf %max3A_1108, %min3A_1110 : vector<16xf32>
      %sub3A_1112 = arith.constant 5.120000e+03 : f32
      %sub3A_1113 = vector.broadcast %sub3A_1112 : f32 to vector<16xf32>
      %sub3A_1114 = arith.subf %sub3A_1113, %convert_element_type3A_1102 : vector<16xf32>
      %max3A_1115 = arith.constant 0.000000e+00 : f32
      %max3A_1116 = vector.broadcast %max3A_1115 : f32 to vector<16xf32>
      %max3A_1117 = arith.maximumf %sub3A_1114, %max3A_1116 : vector<16xf32>
      %min3A_1118 = arith.constant 1.000000e+00 : f32
      %min3A_1119 = vector.broadcast %min3A_1118 : f32 to vector<16xf32>
      %min3A_1120 = arith.minimumf %max3A_1117, %min3A_1119 : vector<16xf32>
      %mul3A_1121 = arith.mulf %min3A_1111, %min3A_1120 : vector<16xf32>
      %mul3A_1122 = arith.mulf %convert_element_type3A_1102, %mul3A_1121 : vector<16xf32>
      %sub3A_1123 = arith.constant 1.000000e+00 : f32
      %sub3A_1124 = vector.broadcast %sub3A_1123 : f32 to vector<16xf32>
      %sub3A_1125 = arith.subf %sub3A_1124, %mul3A_1121 : vector<16xf32>
      %mul3A_1126 = arith.constant 5.120000e+03 : f32
      %mul3A_1127 = vector.broadcast %mul3A_1126 : f32 to vector<16xf32>
      %mul3A_1128 = arith.mulf %mul3A_1127, %sub3A_1125 : vector<16xf32>
      %add3A_1129 = arith.addf %mul3A_1122, %mul3A_1128 : vector<16xf32>
      %convert_element_type3A_1130 = arith.fptosi %add3A_1129 : vector<16xf32> to vector<16xi32>
      %swap3A_1131 = arith.constant 80 : index
      %swap3A_1132 = tpu.vector_load %arg12[%swap3A_1131] {strides = array<i32>} : memref<128xi32, #tpu.memory_space<vmem>>, vector<16xi32>,
      %swap3A_1133 = vector.shape_cast %swap3A_1132 : vector<16xi32> to vector<16xi32>
      %swap3A_1134 = vector.shape_cast %convert_element_type3A_1130 : vector<16xi32> to vector<16xi32>
      tpu.vector_store %arg12[%swap3A_1131], %swap3A_1134 {strides = array<i32>} : memref<128xi32, #tpu.memory_space<vmem>>, vector<16xi32>,
      %sub3A_1135 = arith.constant 640 : i32
      %sub3A_1136 = vector.broadcast %sub3A_1135 : i32 to vector<16xi32>
      %sub3A_1137 = arith.subi %shift_right_logical3A_1091, %sub3A_1136 : vector<16xi32>
      %convert_element_type3A_1138 = arith.sitofp %sub3A_1137 : vector<16xi32> to vector<16xf32>
      %add3A_1139 = arith.constant 1.000000e+00 : f32
      %add3A_1140 = vector.broadcast %add3A_1139 : f32 to vector<16xf32>
      %add3A_1141 = arith.addf %convert_element_type3A_1138, %add3A_1140 : vector<16xf32>
      %max3A_1142 = arith.constant 0.000000e+00 : f32
      %max3A_1143 = vector.broadcast %max3A_1142 : f32 to vector<16xf32>
      %max3A_1144 = arith.maximumf %add3A_1141, %max3A_1143 : vector<16xf32>
      %min3A_1145 = arith.constant 1.000000e+00 : f32
      %min3A_1146 = vector.broadcast %min3A_1145 : f32 to vector<16xf32>
      %min3A_1147 = arith.minimumf %max3A_1144, %min3A_1146 : vector<16xf32>
      %sub3A_1148 = arith.constant 6.400000e+02 : f32
      %sub3A_1149 = vector.broadcast %sub3A_1148 : f32 to vector<16xf32>
      %sub3A_1150 = arith.subf %sub3A_1149, %convert_element_type3A_1138 : vector<16xf32>
      %max3A_1151 = arith.constant 0.000000e+00 : f32
      %max3A_1152 = vector.broadcast %max3A_1151 : f32 to vector<16xf32>
      %max3A_1153 = arith.maximumf %sub3A_1150, %max3A_1152 : vector<16xf32>
      %min3A_1154 = arith.constant 1.000000e+00 : f32
      %min3A_1155 = vector.broadcast %min3A_1154 : f32 to vector<16xf32>
      %min3A_1156 = arith.minimumf %max3A_1153, %min3A_1155 : vector<16xf32>
      %mul3A_1157 = arith.mulf %min3A_1147, %min3A_1156 : vector<16xf32>
      %mul3A_1158 = arith.mulf %convert_element_type3A_1138, %mul3A_1157 : vector<16xf32>
      %sub3A_1159 = arith.constant 1.000000e+00 : f32
      %sub3A_1160 = vector.broadcast %sub3A_1159 : f32 to vector<16xf32>
      %sub3A_1161 = arith.subf %sub3A_1160, %mul3A_1157 : vector<16xf32>
      %mul3A_1162 = arith.constant 6.400000e+02 : f32
      %mul3A_1163 = vector.broadcast %mul3A_1162 : f32 to vector<16xf32>
      %mul3A_1164 = arith.mulf %mul3A_1163, %sub3A_1161 : vector<16xf32>
      %add3A_1165 = arith.addf %mul3A_1158, %mul3A_1164 : vector<16xf32>
      %convert_element_type3A_1166 = arith.fptosi %add3A_1165 : vector<16xf32> to vector<16xi32>
      %swap3A_1167 = arith.constant 80 : index
      %swap3A_1168 = tpu.vector_load %arg13[%swap3A_1167] {strides = array<i32>} : memref<128xi32, #tpu.memory_space<vmem>>, vector<16xi32>,
      %swap3A_1169 = vector.shape_cast %swap3A_1168 : vector<16xi32> to vector<16xi32>
      %swap3A_1170 = vector.shape_cast %convert_element_type3A_1166 : vector<16xi32> to vector<16xi32>
      tpu.vector_store %arg13[%swap3A_1167], %swap3A_1170 {strides = array<i32>} : memref<128xi32, #tpu.memory_space<vmem>>, vector<16xi32>,
      %get3A_1171 = arith.constant 96 : index
      %get3A_1172 = tpu.vector_load %arg10[%get3A_1171] {strides = array<i32>} : memref<128xi32, #tpu.memory_space<vmem>>, vector<16xi32>,
      %get3A_1173 = vector.shape_cast %get3A_1172 : vector<16xi32> to vector<16xi32>
      %shift_right_logical3A_1174 = arith.constant 3 : i32
      %shift_right_logical3A_1175 = vector.broadcast %shift_right_logical3A_1174 : i32 to vector<16xi32>
      %shift_right_logical3A_1176 = arith.shrui %get3A_1173, %shift_right_logical3A_1175 : vector<16xi32>
      %swap3A_1177 = arith.constant 96 : index
      %swap3A_1178 = tpu.vector_load %arg11[%swap3A_1177] {strides = array<i32>} : memref<128xi32, #tpu.memory_space<vmem>>, vector<16xi32>,
      %swap3A_1179 = vector.shape_cast %swap3A_1178 : vector<16xi32> to vector<16xi32>
      %swap3A_1180 = vector.shape_cast %shift_right_logical3A_1176 : vector<16xi32> to vector<16xi32>
      tpu.vector_store %arg11[%swap3A_1177], %swap3A_1180 {strides = array<i32>} : memref<128xi32, #tpu.memory_space<vmem>>, vector<16xi32>,
      %get3A_1181 = arith.constant 96 : index
      %get3A_1182 = tpu.vector_load %arg10[%get3A_1181] {strides = array<i32>} : memref<128xi32, #tpu.memory_space<vmem>>, vector<16xi32>,
      %get3A_1183 = vector.shape_cast %get3A_1182 : vector<16xi32> to vector<16xi32>
      %sub3A_1184 = arith.constant 5120 : i32
      %sub3A_1185 = vector.broadcast %sub3A_1184 : i32 to vector<16xi32>
      %sub3A_1186 = arith.subi %get3A_1183, %sub3A_1185 : vector<16xi32>
      %convert_element_type3A_1187 = arith.sitofp %sub3A_1186 : vector<16xi32> to vector<16xf32>
      %add3A_1188 = arith.constant 1.000000e+00 : f32
      %add3A_1189 = vector.broadcast %add3A_1188 : f32 to vector<16xf32>
      %add3A_1190 = arith.addf %convert_element_type3A_1187, %add3A_1189 : vector<16xf32>
      %max3A_1191 = arith.constant 0.000000e+00 : f32
      %max3A_1192 = vector.broadcast %max3A_1191 : f32 to vector<16xf32>
      %max3A_1193 = arith.maximumf %add3A_1190, %max3A_1192 : vector<16xf32>
      %min3A_1194 = arith.constant 1.000000e+00 : f32
      %min3A_1195 = vector.broadcast %min3A_1194 : f32 to vector<16xf32>
      %min3A_1196 = arith.minimumf %max3A_1193, %min3A_1195 : vector<16xf32>
      %sub3A_1197 = arith.constant 5.120000e+03 : f32
      %sub3A_1198 = vector.broadcast %sub3A_1197 : f32 to vector<16xf32>
      %sub3A_1199 = arith.subf %sub3A_1198, %convert_element_type3A_1187 : vector<16xf32>
      %max3A_1200 = arith.constant 0.000000e+00 : f32
      %max3A_1201 = vector.broadcast %max3A_1200 : f32 to vector<16xf32>
      %max3A_1202 = arith.maximumf %sub3A_1199, %max3A_1201 : vector<16xf32>
      %min3A_1203 = arith.constant 1.000000e+00 : f32
      %min3A_1204 = vector.broadcast %min3A_1203 : f32 to vector<16xf32>
      %min3A_1205 = arith.minimumf %max3A_1202, %min3A_1204 : vector<16xf32>
      %mul3A_1206 = arith.mulf %min3A_1196, %min3A_1205 : vector<16xf32>
      %mul3A_1207 = arith.mulf %convert_element_type3A_1187, %mul3A_1206 : vector<16xf32>
      %sub3A_1208 = arith.constant 1.000000e+00 : f32
      %sub3A_1209 = vector.broadcast %sub3A_1208 : f32 to vector<16xf32>
      %sub3A_1210 = arith.subf %sub3A_1209, %mul3A_1206 : vector<16xf32>
      %mul3A_1211 = arith.constant 5.120000e+03 : f32
      %mul3A_1212 = vector.broadcast %mul3A_1211 : f32 to vector<16xf32>
      %mul3A_1213 = arith.mulf %mul3A_1212, %sub3A_1210 : vector<16xf32>
      %add3A_1214 = arith.addf %mul3A_1207, %mul3A_1213 : vector<16xf32>
      %convert_element_type3A_1215 = arith.fptosi %add3A_1214 : vector<16xf32> to vector<16xi32>
      %swap3A_1216 = arith.constant 96 : index
      %swap3A_1217 = tpu.vector_load %arg12[%swap3A_1216] {strides = array<i32>} : memref<128xi32, #tpu.memory_space<vmem>>, vector<16xi32>,
      %swap3A_1218 = vector.shape_cast %swap3A_1217 : vector<16xi32> to vector<16xi32>
      %swap3A_1219 = vector.shape_cast %convert_element_type3A_1215 : vector<16xi32> to vector<16xi32>
      tpu.vector_store %arg12[%swap3A_1216], %swap3A_1219 {strides = array<i32>} : memref<128xi32, #tpu.memory_space<vmem>>, vector<16xi32>,
      %sub3A_1220 = arith.constant 640 : i32
      %sub3A_1221 = vector.broadcast %sub3A_1220 : i32 to vector<16xi32>
      %sub3A_1222 = arith.subi %shift_right_logical3A_1176, %sub3A_1221 : vector<16xi32>
      %convert_element_type3A_1223 = arith.sitofp %sub3A_1222 : vector<16xi32> to vector<16xf32>
      %add3A_1224 = arith.constant 1.000000e+00 : f32
      %add3A_1225 = vector.broadcast %add3A_1224 : f32 to vector<16xf32>
      %add3A_1226 = arith.addf %convert_element_type3A_1223, %add3A_1225 : vector<16xf32>
      %max3A_1227 = arith.constant 0.000000e+00 : f32
      %max3A_1228 = vector.broadcast %max3A_1227 : f32 to vector<16xf32>
      %max3A_1229 = arith.maximumf %add3A_1226, %max3A_1228 : vector<16xf32>
      %min3A_1230 = arith.constant 1.000000e+00 : f32
      %min3A_1231 = vector.broadcast %min3A_1230 : f32 to vector<16xf32>
      %min3A_1232 = arith.minimumf %max3A_1229, %min3A_1231 : vector<16xf32>
      %sub3A_1233 = arith.constant 6.400000e+02 : f32
      %sub3A_1234 = vector.broadcast %sub3A_1233 : f32 to vector<16xf32>
      %sub3A_1235 = arith.subf %sub3A_1234, %convert_element_type3A_1223 : vector<16xf32>
      %max3A_1236 = arith.constant 0.000000e+00 : f32
      %max3A_1237 = vector.broadcast %max3A_1236 : f32 to vector<16xf32>
      %max3A_1238 = arith.maximumf %sub3A_1235, %max3A_1237 : vector<16xf32>
      %min3A_1239 = arith.constant 1.000000e+00 : f32
      %min3A_1240 = vector.broadcast %min3A_1239 : f32 to vector<16xf32>
      %min3A_1241 = arith.minimumf %max3A_1238, %min3A_1240 : vector<16xf32>
      %mul3A_1242 = arith.mulf %min3A_1232, %min3A_1241 : vector<16xf32>
      %mul3A_1243 = arith.mulf %convert_element_type3A_1223, %mul3A_1242 : vector<16xf32>
      %sub3A_1244 = arith.constant 1.000000e+00 : f32
      %sub3A_1245 = vector.broadcast %sub3A_1244 : f32 to vector<16xf32>
      %sub3A_1246 = arith.subf %sub3A_1245, %mul3A_1242 : vector<16xf32>
      %mul3A_1247 = arith.constant 6.400000e+02 : f32
      %mul3A_1248 = vector.broadcast %mul3A_1247 : f32 to vector<16xf32>
      %mul3A_1249 = arith.mulf %mul3A_1248, %sub3A_1246 : vector<16xf32>
      %add3A_1250 = arith.addf %mul3A_1243, %mul3A_1249 : vector<16xf32>
      %convert_element_type3A_1251 = arith.fptosi %add3A_1250 : vector<16xf32> to vector<16xi32>
      %swap3A_1252 = arith.constant 96 : index
      %swap3A_1253 = tpu.vector_load %arg13[%swap3A_1252] {strides = array<i32>} : memref<128xi32, #tpu.memory_space<vmem>>, vector<16xi32>,
      %swap3A_1254 = vector.shape_cast %swap3A_1253 : vector<16xi32> to vector<16xi32>
      %swap3A_1255 = vector.shape_cast %convert_element_type3A_1251 : vector<16xi32> to vector<16xi32>
      tpu.vector_store %arg13[%swap3A_1252], %swap3A_1255 {strides = array<i32>} : memref<128xi32, #tpu.memory_space<vmem>>, vector<16xi32>,
      %get3A_1256 = arith.constant 112 : index
      %get3A_1257 = tpu.vector_load %arg10[%get3A_1256] {strides = array<i32>} : memref<128xi32, #tpu.memory_space<vmem>>, vector<16xi32>,
      %get3A_1258 = vector.shape_cast %get3A_1257 : vector<16xi32> to vector<16xi32>
      %shift_right_logical3A_1259 = arith.constant 3 : i32
      %shift_right_logical3A_1260 = vector.broadcast %shift_right_logical3A_1259 : i32 to vector<16xi32>
      %shift_right_logical3A_1261 = arith.shrui %get3A_1258, %shift_right_logical3A_1260 : vector<16xi32>
      %swap3A_1262 = arith.constant 112 : index
      %swap3A_1263 = tpu.vector_load %arg11[%swap3A_1262] {strides = array<i32>} : memref<128xi32, #tpu.memory_space<vmem>>, vector<16xi32>,
      %swap3A_1264 = vector.shape_cast %swap3A_1263 : vector<16xi32> to vector<16xi32>
      %swap3A_1265 = vector.shape_cast %shift_right_logical3A_1261 : vector<16xi32> to vector<16xi32>
      tpu.vector_store %arg11[%swap3A_1262], %swap3A_1265 {strides = array<i32>} : memref<128xi32, #tpu.memory_space<vmem>>, vector<16xi32>,
      %get3A_1266 = arith.constant 112 : index
      %get3A_1267 = tpu.vector_load %arg10[%get3A_1266] {strides = array<i32>} : memref<128xi32, #tpu.memory_space<vmem>>, vector<16xi32>,
      %get3A_1268 = vector.shape_cast %get3A_1267 : vector<16xi32> to vector<16xi32>
      %sub3A_1269 = arith.constant 5120 : i32
      %sub3A_1270 = vector.broadcast %sub3A_1269 : i32 to vector<16xi32>
      %sub3A_1271 = arith.subi %get3A_1268, %sub3A_1270 : vector<16xi32>
      %convert_element_type3A_1272 = arith.sitofp %sub3A_1271 : vector<16xi32> to vector<16xf32>
      %add3A_1273 = arith.constant 1.000000e+00 : f32
      %add3A_1274 = vector.broadcast %add3A_1273 : f32 to vector<16xf32>
      %add3A_1275 = arith.addf %convert_element_type3A_1272, %add3A_1274 : vector<16xf32>
      %max3A_1276 = arith.constant 0.000000e+00 : f32
      %max3A_1277 = vector.broadcast %max3A_1276 : f32 to vector<16xf32>
      %max3A_1278 = arith.maximumf %add3A_1275, %max3A_1277 : vector<16xf32>
      %min3A_1279 = arith.constant 1.000000e+00 : f32
      %min3A_1280 = vector.broadcast %min3A_1279 : f32 to vector<16xf32>
      %min3A_1281 = arith.minimumf %max3A_1278, %min3A_1280 : vector<16xf32>
      %sub3A_1282 = arith.constant 5.120000e+03 : f32
      %sub3A_1283 = vector.broadcast %sub3A_1282 : f32 to vector<16xf32>
      %sub3A_1284 = arith.subf %sub3A_1283, %convert_element_type3A_1272 : vector<16xf32>
      %max3A_1285 = arith.constant 0.000000e+00 : f32
      %max3A_1286 = vector.broadcast %max3A_1285 : f32 to vector<16xf32>
      %max3A_1287 = arith.maximumf %sub3A_1284, %max3A_1286 : vector<16xf32>
      %min3A_1288 = arith.constant 1.000000e+00 : f32
      %min3A_1289 = vector.broadcast %min3A_1288 : f32 to vector<16xf32>
      %min3A_1290 = arith.minimumf %max3A_1287, %min3A_1289 : vector<16xf32>
      %mul3A_1291 = arith.mulf %min3A_1281, %min3A_1290 : vector<16xf32>
      %mul3A_1292 = arith.mulf %convert_element_type3A_1272, %mul3A_1291 : vector<16xf32>
      %sub3A_1293 = arith.constant 1.000000e+00 : f32
      %sub3A_1294 = vector.broadcast %sub3A_1293 : f32 to vector<16xf32>
      %sub3A_1295 = arith.subf %sub3A_1294, %mul3A_1291 : vector<16xf32>
      %mul3A_1296 = arith.constant 5.120000e+03 : f32
      %mul3A_1297 = vector.broadcast %mul3A_1296 : f32 to vector<16xf32>
      %mul3A_1298 = arith.mulf %mul3A_1297, %sub3A_1295 : vector<16xf32>
      %add3A_1299 = arith.addf %mul3A_1292, %mul3A_1298 : vector<16xf32>
      %convert_element_type3A_1300 = arith.fptosi %add3A_1299 : vector<16xf32> to vector<16xi32>
      %swap3A_1301 = arith.constant 112 : index
      %swap3A_1302 = tpu.vector_load %arg12[%swap3A_1301] {strides = array<i32>} : memref<128xi32, #tpu.memory_space<vmem>>, vector<16xi32>,
      %swap3A_1303 = vector.shape_cast %swap3A_1302 : vector<16xi32> to vector<16xi32>
      %swap3A_1304 = vector.shape_cast %convert_element_type3A_1300 : vector<16xi32> to vector<16xi32>
      tpu.vector_store %arg12[%swap3A_1301], %swap3A_1304 {strides = array<i32>} : memref<128xi32, #tpu.memory_space<vmem>>, vector<16xi32>,
      %sub3A_1305 = arith.constant 640 : i32
      %sub3A_1306 = vector.broadcast %sub3A_1305 : i32 to vector<16xi32>
      %sub3A_1307 = arith.subi %shift_right_logical3A_1261, %sub3A_1306 : vector<16xi32>
      %convert_element_type3A_1308 = arith.sitofp %sub3A_1307 : vector<16xi32> to vector<16xf32>
      %add3A_1309 = arith.constant 1.000000e+00 : f32
      %add3A_1310 = vector.broadcast %add3A_1309 : f32 to vector<16xf32>
      %add3A_1311 = arith.addf %convert_element_type3A_1308, %add3A_1310 : vector<16xf32>
      %max3A_1312 = arith.constant 0.000000e+00 : f32
      %max3A_1313 = vector.broadcast %max3A_1312 : f32 to vector<16xf32>
      %max3A_1314 = arith.maximumf %add3A_1311, %max3A_1313 : vector<16xf32>
      %min3A_1315 = arith.constant 1.000000e+00 : f32
      %min3A_1316 = vector.broadcast %min3A_1315 : f32 to vector<16xf32>
      %min3A_1317 = arith.minimumf %max3A_1314, %min3A_1316 : vector<16xf32>
      %sub3A_1318 = arith.constant 6.400000e+02 : f32
      %sub3A_1319 = vector.broadcast %sub3A_1318 : f32 to vector<16xf32>
      %sub3A_1320 = arith.subf %sub3A_1319, %convert_element_type3A_1308 : vector<16xf32>
      %max3A_1321 = arith.constant 0.000000e+00 : f32
      %max3A_1322 = vector.broadcast %max3A_1321 : f32 to vector<16xf32>
      %max3A_1323 = arith.maximumf %sub3A_1320, %max3A_1322 : vector<16xf32>
      %min3A_1324 = arith.constant 1.000000e+00 : f32
      %min3A_1325 = vector.broadcast %min3A_1324 : f32 to vector<16xf32>
      %min3A_1326 = arith.minimumf %max3A_1323, %min3A_1325 : vector<16xf32>
      %mul3A_1327 = arith.mulf %min3A_1317, %min3A_1326 : vector<16xf32>
      %mul3A_1328 = arith.mulf %convert_element_type3A_1308, %mul3A_1327 : vector<16xf32>
      %sub3A_1329 = arith.constant 1.000000e+00 : f32
      %sub3A_1330 = vector.broadcast %sub3A_1329 : f32 to vector<16xf32>
      %sub3A_1331 = arith.subf %sub3A_1330, %mul3A_1327 : vector<16xf32>
      %mul3A_1332 = arith.constant 6.400000e+02 : f32
      %mul3A_1333 = vector.broadcast %mul3A_1332 : f32 to vector<16xf32>
      %mul3A_1334 = arith.mulf %mul3A_1333, %sub3A_1331 : vector<16xf32>
      %add3A_1335 = arith.addf %mul3A_1328, %mul3A_1334 : vector<16xf32>
      %convert_element_type3A_1336 = arith.fptosi %add3A_1335 : vector<16xf32> to vector<16xi32>
      %swap3A_1337 = arith.constant 112 : index
      %swap3A_1338 = tpu.vector_load %arg13[%swap3A_1337] {strides = array<i32>} : memref<128xi32, #tpu.memory_space<vmem>>, vector<16xi32>,
      %swap3A_1339 = vector.shape_cast %swap3A_1338 : vector<16xi32> to vector<16xi32>
      %swap3A_1340 = vector.shape_cast %convert_element_type3A_1336 : vector<16xi32> to vector<16xi32>
      tpu.vector_store %arg13[%swap3A_1337], %swap3A_1340 {strides = array<i32>} : memref<128xi32, #tpu.memory_space<vmem>>, vector<16xi32>,
      %dma_wait3A_1341 = arith.constant 0 : i32
      %dma_wait3A_1342 = arith.constant 0 : i32
      %dma_wait3A_1343 = tpu.memref_slice %arg4[%dma_wait3A_1341, %dma_wait3A_1342] : memref<10240x256xf32, #tpu.memory_space<hbm>> -> memref<10240x256xf32, #tpu.memory_space<hbm>>
      tpu.wait_indirect_dma semaphore(%arg22 : memref<!tpu.dma_semaphore, #tpu.memory_space<semaphore_mem>>) src(%dma_wait3A_1343 : memref<10240x256xf32, #tpu.memory_space<hbm>>) dst(%arg14 : memref<128x256xf32, #tpu.memory_space<vmem>>)
      %dma_wait3A_1344 = arith.constant 0 : i32
      %dma_wait3A_1345 = arith.constant 0 : i32
      %dma_wait3A_1346 = tpu.memref_slice %arg5[%dma_wait3A_1344, %dma_wait3A_1345] : memref<10240x128xf32, #tpu.memory_space<hbm>> -> memref<10240x128xf32, #tpu.memory_space<hbm>>
      tpu.wait_indirect_dma semaphore(%arg23 : memref<!tpu.dma_semaphore, #tpu.memory_space<semaphore_mem>>) src(%dma_wait3A_1346 : memref<10240x128xf32, #tpu.memory_space<hbm>>) dst(%arg15 : memref<128x128xf32, #tpu.memory_space<vmem>>)
      %scan3A_1347 = arith.constant 0 : i32
      %scan3A_1348 = arith.constant 0 : i32
      %scan3A_1349 = arith.constant 8 : i32
      %scan3A_1350 = arith.addi %scan3A_1348, %scan3A_1349 : i32
      %scan3A_1351 = arith.constant 1 : i32
      %scan3A_1352 = scf.for %scan3A_1355 = %scan3A_1348 to %scan3A_1350 step %scan3A_1351 iter_args(%scan3A_1356 = %scan3A_1347) -> (i32)  : i32 {
        %mul3A_1357 = arith.constant 16 : i32
        %mul3A_1358 = arith.muli %scan3A_1355, %mul3A_1357 : i32
        %get3A_1359 = arith.index_cast %mul3A_1358 : i32 to index
        %get3A_1360 = tpu.vector_load %arg10[%get3A_1359] {strides = array<i32>} : memref<128xi32, #tpu.memory_space<vmem>>, vector<16xi32>,
        %get3A_1361 = vector.shape_cast %get3A_1360 : vector<16xi32> to vector<16xi32>
        %and3A = arith.constant 7 : i32
        %and3A_1362 = vector.broadcast %and3A : i32 to vector<16xi32>
        %and3A_1363 = arith.andi %get3A_1361, %and3A_1362 : vector<16xi32>
        %convert_element_type3A_1364 = arith.sitofp %and3A_1363 : vector<16xi32> to vector<16xf32>
        %scan3A_1365 = arith.constant 0 : i32
        %scan3A_1366 = arith.constant 0 : i32
        %scan3A_1367 = arith.constant 16 : i32
        %scan3A_1368 = arith.addi %scan3A_1366, %scan3A_1367 : i32
        %scan3A_1369 = arith.constant 1 : i32
        %scan3A_1370 = scf.for %scan3A_1373 = %scan3A_1366 to %scan3A_1368 step %scan3A_1369 iter_args(%scan3A_1374 = %scan3A_1365) -> (i32)  : i32 {
          %mul3A_1375 = arith.constant 16 : i32
          %mul3A_1376 = arith.muli %scan3A_1355, %mul3A_1375 : i32
          %add3A_1377 = arith.addi %mul3A_1376, %scan3A_1373 : i32
          %get3A_1378 = arith.index_cast %add3A_1377 : i32 to index
          %get3A_1379 = arith.constant 128 : index
          %get3A_1380 = tpu.vector_load %arg14[%get3A_1378, %get3A_1379] {strides = array<i32>} : memref<128x256xf32, #tpu.memory_space<vmem>>, vector<1x16xf32>,
          %get3A_1381 = vector.shape_cast %get3A_1380 : vector<1x16xf32> to vector<16xf32>
          %get3A_1382 = arith.index_cast %add3A_1377 : i32 to index
          %get3A_1383 = arith.constant 0 : index
          %get3A_1384 = tpu.vector_load %arg15[%get3A_1382, %get3A_1383] {strides = array<i32>} : memref<128x128xf32, #tpu.memory_space<vmem>>, vector<1x16xf32>,
          %get3A_1385 = vector.shape_cast %get3A_1384 : vector<1x16xf32> to vector<16xf32>
          %add3A_1386 = arith.addf %get3A_1381, %get3A_1385 : vector<16xf32>
          %ge3A = arith.constant 0.000000e+00 : f32
          %ge3A_1387 = vector.broadcast %ge3A : f32 to vector<16xf32>
          %ge3A_1388 = arith.cmpf oge, %add3A_1386, %ge3A_1387 : vector<16xf32>
          %mul3A_1389 = arith.constant 2.000000e-01 : f32
          %mul3A_1390 = vector.broadcast %mul3A_1389 : f32 to vector<16xf32>
          %mul3A_1391 = arith.mulf %mul3A_1390, %add3A_1386 : vector<16xf32>
          %select_n3A = arith.select %ge3A_1388, %add3A_1386, %mul3A_1391 : vector<16xi1>, vector<16xf32>
          %sub3A_1392 = arith.subf %select_n3A, %get3A_2 : vector<16xf32>
          %exp3A = math.exp %sub3A_1392 : vector<16xf32>
          %iota3A_1393 = tpu.iota {dimensions = array<i32: 0>} : vector<16xi32>
          %mul3A_1394 = arith.constant 0 : i32
          %mul3A_1395 = vector.broadcast %mul3A_1394 : i32 to vector<16xi32>
          %mul3A_1396 = arith.muli %iota3A_1393, %mul3A_1395 : vector<16xi32>
          %add3A_1397 = vector.broadcast %scan3A_1373 : i32 to vector<16xi32>
          %add3A_1398 = arith.addi %mul3A_1396, %add3A_1397 : vector<16xi32>
          %broadcast_in_dim3A_1399 = vector.shape_cast %add3A_1398 : vector<16xi32> to vector<16x1xi32>
          %gather3A = vector.shape_cast %broadcast_in_dim3A_1399 : vector<16x1xi32> to vector<16xi32>
          %gather3A_1400 = tpu.dynamic_gather %convert_element_type3A_1364[%gather3A] in [0] : vector<16xf32>, vector<16xi32> -> vector<16xf32>
          %iota3A_1401 = tpu.iota {dimensions = array<i32: 0>} : vector<16xi32>
          %mul3A_1402 = arith.constant 0 : i32
          %mul3A_1403 = vector.broadcast %mul3A_1402 : i32 to vector<16xi32>
          %mul3A_1404 = arith.muli %iota3A_1401, %mul3A_1403 : vector<16xi32>
          %add3A_1405 = arith.constant 0 : i32
          %add3A_1406 = vector.broadcast %add3A_1405 : i32 to vector<16xi32>
          %add3A_1407 = arith.addi %mul3A_1404, %add3A_1406 : vector<16xi32>
          %broadcast_in_dim3A_1408 = vector.shape_cast %add3A_1407 : vector<16xi32> to vector<16x1xi32>
          %gather3A_1409 = vector.shape_cast %broadcast_in_dim3A_1408 : vector<16x1xi32> to vector<16xi32>
          %gather3A_1410 = tpu.dynamic_gather %exp3A[%gather3A_1409] in [0] : vector<16xf32>, vector<16xi32> -> vector<16xf32>
          %get3A_1411 = arith.index_cast %add3A_1377 : i32 to index
          %get3A_1412 = arith.constant 0 : index
          %get3A_1413 = tpu.vector_load %arg14[%get3A_1411, %get3A_1412] {strides = array<i32>} : memref<128x256xf32, #tpu.memory_space<vmem>>, vector<1x16xf32>,
          %get3A_1414 = vector.shape_cast %get3A_1413 : vector<1x16xf32> to vector<16xf32>
          %mul3A_1415 = arith.mulf %gather3A_1410, %get3A_1414 : vector<16xf32>
          %swap3A_1416 = arith.index_cast %add3A_1377 : i32 to index
          %swap3A_1417 = arith.constant 0 : index
          %swap3A_1418 = tpu.vector_load %arg17[%swap3A_1416, %swap3A_1417] {strides = array<i32>} : memref<128x128xf32, #tpu.memory_space<vmem>>, vector<1x16xf32>,
          %swap3A_1419 = vector.shape_cast %swap3A_1418 : vector<1x16xf32> to vector<16xf32>
          %swap3A_1420 = vector.shape_cast %mul3A_1415 : vector<16xf32> to vector<1x16xf32>
          tpu.vector_store %arg17[%swap3A_1416, %swap3A_1417], %swap3A_1420 {strides = array<i32>} : memref<128x128xf32, #tpu.memory_space<vmem>>, vector<1x16xf32>,
          %iota3A_1421 = tpu.iota {dimensions = array<i32: 0>} : vector<16xi32>
          %mul3A_1422 = arith.constant 0 : i32
          %mul3A_1423 = vector.broadcast %mul3A_1422 : i32 to vector<16xi32>
          %mul3A_1424 = arith.muli %iota3A_1421, %mul3A_1423 : vector<16xi32>
          %add3A_1425 = arith.constant 1 : i32
          %add3A_1426 = vector.broadcast %add3A_1425 : i32 to vector<16xi32>
          %add3A_1427 = arith.addi %mul3A_1424, %add3A_1426 : vector<16xi32>
          %broadcast_in_dim3A_1428 = vector.shape_cast %add3A_1427 : vector<16xi32> to vector<16x1xi32>
          %gather3A_1429 = vector.shape_cast %broadcast_in_dim3A_1428 : vector<16x1xi32> to vector<16xi32>
          %gather3A_1430 = tpu.dynamic_gather %exp3A[%gather3A_1429] in [0] : vector<16xf32>, vector<16xi32> -> vector<16xf32>
          %get3A_1431 = arith.index_cast %add3A_1377 : i32 to index
          %get3A_1432 = arith.constant 16 : index
          %get3A_1433 = tpu.vector_load %arg14[%get3A_1431, %get3A_1432] {strides = array<i32>} : memref<128x256xf32, #tpu.memory_space<vmem>>, vector<1x16xf32>,
          %get3A_1434 = vector.shape_cast %get3A_1433 : vector<1x16xf32> to vector<16xf32>
          %mul3A_1435 = arith.mulf %gather3A_1430, %get3A_1434 : vector<16xf32>
          %swap3A_1436 = arith.index_cast %add3A_1377 : i32 to index
          %swap3A_1437 = arith.constant 16 : index
          %swap3A_1438 = tpu.vector_load %arg17[%swap3A_1436, %swap3A_1437] {strides = array<i32>} : memref<128x128xf32, #tpu.memory_space<vmem>>, vector<1x16xf32>,
          %swap3A_1439 = vector.shape_cast %swap3A_1438 : vector<1x16xf32> to vector<16xf32>
          %swap3A_1440 = vector.shape_cast %mul3A_1435 : vector<16xf32> to vector<1x16xf32>
          tpu.vector_store %arg17[%swap3A_1436, %swap3A_1437], %swap3A_1440 {strides = array<i32>} : memref<128x128xf32, #tpu.memory_space<vmem>>, vector<1x16xf32>,
          %iota3A_1441 = tpu.iota {dimensions = array<i32: 0>} : vector<16xi32>
          %mul3A_1442 = arith.constant 0 : i32
          %mul3A_1443 = vector.broadcast %mul3A_1442 : i32 to vector<16xi32>
          %mul3A_1444 = arith.muli %iota3A_1441, %mul3A_1443 : vector<16xi32>
          %add3A_1445 = arith.constant 2 : i32
          %add3A_1446 = vector.broadcast %add3A_1445 : i32 to vector<16xi32>
          %add3A_1447 = arith.addi %mul3A_1444, %add3A_1446 : vector<16xi32>
          %broadcast_in_dim3A_1448 = vector.shape_cast %add3A_1447 : vector<16xi32> to vector<16x1xi32>
          %gather3A_1449 = vector.shape_cast %broadcast_in_dim3A_1448 : vector<16x1xi32> to vector<16xi32>
          %gather3A_1450 = tpu.dynamic_gather %exp3A[%gather3A_1449] in [0] : vector<16xf32>, vector<16xi32> -> vector<16xf32>
          %get3A_1451 = arith.index_cast %add3A_1377 : i32 to index
          %get3A_1452 = arith.constant 32 : index
          %get3A_1453 = tpu.vector_load %arg14[%get3A_1451, %get3A_1452] {strides = array<i32>} : memref<128x256xf32, #tpu.memory_space<vmem>>, vector<1x16xf32>,
          %get3A_1454 = vector.shape_cast %get3A_1453 : vector<1x16xf32> to vector<16xf32>
          %mul3A_1455 = arith.mulf %gather3A_1450, %get3A_1454 : vector<16xf32>
          %swap3A_1456 = arith.index_cast %add3A_1377 : i32 to index
          %swap3A_1457 = arith.constant 32 : index
          %swap3A_1458 = tpu.vector_load %arg17[%swap3A_1456, %swap3A_1457] {strides = array<i32>} : memref<128x128xf32, #tpu.memory_space<vmem>>, vector<1x16xf32>,
          %swap3A_1459 = vector.shape_cast %swap3A_1458 : vector<1x16xf32> to vector<16xf32>
          %swap3A_1460 = vector.shape_cast %mul3A_1455 : vector<16xf32> to vector<1x16xf32>
          tpu.vector_store %arg17[%swap3A_1456, %swap3A_1457], %swap3A_1460 {strides = array<i32>} : memref<128x128xf32, #tpu.memory_space<vmem>>, vector<1x16xf32>,
          %iota3A_1461 = tpu.iota {dimensions = array<i32: 0>} : vector<16xi32>
          %mul3A_1462 = arith.constant 0 : i32
          %mul3A_1463 = vector.broadcast %mul3A_1462 : i32 to vector<16xi32>
          %mul3A_1464 = arith.muli %iota3A_1461, %mul3A_1463 : vector<16xi32>
          %add3A_1465 = arith.constant 3 : i32
          %add3A_1466 = vector.broadcast %add3A_1465 : i32 to vector<16xi32>
          %add3A_1467 = arith.addi %mul3A_1464, %add3A_1466 : vector<16xi32>
          %broadcast_in_dim3A_1468 = vector.shape_cast %add3A_1467 : vector<16xi32> to vector<16x1xi32>
          %gather3A_1469 = vector.shape_cast %broadcast_in_dim3A_1468 : vector<16x1xi32> to vector<16xi32>
          %gather3A_1470 = tpu.dynamic_gather %exp3A[%gather3A_1469] in [0] : vector<16xf32>, vector<16xi32> -> vector<16xf32>
          %get3A_1471 = arith.index_cast %add3A_1377 : i32 to index
          %get3A_1472 = arith.constant 48 : index
          %get3A_1473 = tpu.vector_load %arg14[%get3A_1471, %get3A_1472] {strides = array<i32>} : memref<128x256xf32, #tpu.memory_space<vmem>>, vector<1x16xf32>,
          %get3A_1474 = vector.shape_cast %get3A_1473 : vector<1x16xf32> to vector<16xf32>
          %mul3A_1475 = arith.mulf %gather3A_1470, %get3A_1474 : vector<16xf32>
          %swap3A_1476 = arith.index_cast %add3A_1377 : i32 to index
          %swap3A_1477 = arith.constant 48 : index
          %swap3A_1478 = tpu.vector_load %arg17[%swap3A_1476, %swap3A_1477] {strides = array<i32>} : memref<128x128xf32, #tpu.memory_space<vmem>>, vector<1x16xf32>,
          %swap3A_1479 = vector.shape_cast %swap3A_1478 : vector<1x16xf32> to vector<16xf32>
          %swap3A_1480 = vector.shape_cast %mul3A_1475 : vector<16xf32> to vector<1x16xf32>
          tpu.vector_store %arg17[%swap3A_1476, %swap3A_1477], %swap3A_1480 {strides = array<i32>} : memref<128x128xf32, #tpu.memory_space<vmem>>, vector<1x16xf32>,
          %iota3A_1481 = tpu.iota {dimensions = array<i32: 0>} : vector<16xi32>
          %mul3A_1482 = arith.constant 0 : i32
          %mul3A_1483 = vector.broadcast %mul3A_1482 : i32 to vector<16xi32>
          %mul3A_1484 = arith.muli %iota3A_1481, %mul3A_1483 : vector<16xi32>
          %add3A_1485 = arith.constant 4 : i32
          %add3A_1486 = vector.broadcast %add3A_1485 : i32 to vector<16xi32>
          %add3A_1487 = arith.addi %mul3A_1484, %add3A_1486 : vector<16xi32>
          %broadcast_in_dim3A_1488 = vector.shape_cast %add3A_1487 : vector<16xi32> to vector<16x1xi32>
          %gather3A_1489 = vector.shape_cast %broadcast_in_dim3A_1488 : vector<16x1xi32> to vector<16xi32>
          %gather3A_1490 = tpu.dynamic_gather %exp3A[%gather3A_1489] in [0] : vector<16xf32>, vector<16xi32> -> vector<16xf32>
          %get3A_1491 = arith.index_cast %add3A_1377 : i32 to index
          %get3A_1492 = arith.constant 64 : index
          %get3A_1493 = tpu.vector_load %arg14[%get3A_1491, %get3A_1492] {strides = array<i32>} : memref<128x256xf32, #tpu.memory_space<vmem>>, vector<1x16xf32>,
          %get3A_1494 = vector.shape_cast %get3A_1493 : vector<1x16xf32> to vector<16xf32>
          %mul3A_1495 = arith.mulf %gather3A_1490, %get3A_1494 : vector<16xf32>
          %swap3A_1496 = arith.index_cast %add3A_1377 : i32 to index
          %swap3A_1497 = arith.constant 64 : index
          %swap3A_1498 = tpu.vector_load %arg17[%swap3A_1496, %swap3A_1497] {strides = array<i32>} : memref<128x128xf32, #tpu.memory_space<vmem>>, vector<1x16xf32>,
          %swap3A_1499 = vector.shape_cast %swap3A_1498 : vector<1x16xf32> to vector<16xf32>
          %swap3A_1500 = vector.shape_cast %mul3A_1495 : vector<16xf32> to vector<1x16xf32>
          tpu.vector_store %arg17[%swap3A_1496, %swap3A_1497], %swap3A_1500 {strides = array<i32>} : memref<128x128xf32, #tpu.memory_space<vmem>>, vector<1x16xf32>,
          %iota3A_1501 = tpu.iota {dimensions = array<i32: 0>} : vector<16xi32>
          %mul3A_1502 = arith.constant 0 : i32
          %mul3A_1503 = vector.broadcast %mul3A_1502 : i32 to vector<16xi32>
          %mul3A_1504 = arith.muli %iota3A_1501, %mul3A_1503 : vector<16xi32>
          %add3A_1505 = arith.constant 5 : i32
          %add3A_1506 = vector.broadcast %add3A_1505 : i32 to vector<16xi32>
          %add3A_1507 = arith.addi %mul3A_1504, %add3A_1506 : vector<16xi32>
          %broadcast_in_dim3A_1508 = vector.shape_cast %add3A_1507 : vector<16xi32> to vector<16x1xi32>
          %gather3A_1509 = vector.shape_cast %broadcast_in_dim3A_1508 : vector<16x1xi32> to vector<16xi32>
          %gather3A_1510 = tpu.dynamic_gather %exp3A[%gather3A_1509] in [0] : vector<16xf32>, vector<16xi32> -> vector<16xf32>
          %get3A_1511 = arith.index_cast %add3A_1377 : i32 to index
          %get3A_1512 = arith.constant 80 : index
          %get3A_1513 = tpu.vector_load %arg14[%get3A_1511, %get3A_1512] {strides = array<i32>} : memref<128x256xf32, #tpu.memory_space<vmem>>, vector<1x16xf32>,
          %get3A_1514 = vector.shape_cast %get3A_1513 : vector<1x16xf32> to vector<16xf32>
          %mul3A_1515 = arith.mulf %gather3A_1510, %get3A_1514 : vector<16xf32>
          %swap3A_1516 = arith.index_cast %add3A_1377 : i32 to index
          %swap3A_1517 = arith.constant 80 : index
          %swap3A_1518 = tpu.vector_load %arg17[%swap3A_1516, %swap3A_1517] {strides = array<i32>} : memref<128x128xf32, #tpu.memory_space<vmem>>, vector<1x16xf32>,
          %swap3A_1519 = vector.shape_cast %swap3A_1518 : vector<1x16xf32> to vector<16xf32>
          %swap3A_1520 = vector.shape_cast %mul3A_1515 : vector<16xf32> to vector<1x16xf32>
          tpu.vector_store %arg17[%swap3A_1516, %swap3A_1517], %swap3A_1520 {strides = array<i32>} : memref<128x128xf32, #tpu.memory_space<vmem>>, vector<1x16xf32>,
          %iota3A_1521 = tpu.iota {dimensions = array<i32: 0>} : vector<16xi32>
          %mul3A_1522 = arith.constant 0 : i32
          %mul3A_1523 = vector.broadcast %mul3A_1522 : i32 to vector<16xi32>
          %mul3A_1524 = arith.muli %iota3A_1521, %mul3A_1523 : vector<16xi32>
          %add3A_1525 = arith.constant 6 : i32
          %add3A_1526 = vector.broadcast %add3A_1525 : i32 to vector<16xi32>
          %add3A_1527 = arith.addi %mul3A_1524, %add3A_1526 : vector<16xi32>
          %broadcast_in_dim3A_1528 = vector.shape_cast %add3A_1527 : vector<16xi32> to vector<16x1xi32>
          %gather3A_1529 = vector.shape_cast %broadcast_in_dim3A_1528 : vector<16x1xi32> to vector<16xi32>
          %gather3A_1530 = tpu.dynamic_gather %exp3A[%gather3A_1529] in [0] : vector<16xf32>, vector<16xi32> -> vector<16xf32>
          %get3A_1531 = arith.index_cast %add3A_1377 : i32 to index
          %get3A_1532 = arith.constant 96 : index
          %get3A_1533 = tpu.vector_load %arg14[%get3A_1531, %get3A_1532] {strides = array<i32>} : memref<128x256xf32, #tpu.memory_space<vmem>>, vector<1x16xf32>,
          %get3A_1534 = vector.shape_cast %get3A_1533 : vector<1x16xf32> to vector<16xf32>
          %mul3A_1535 = arith.mulf %gather3A_1530, %get3A_1534 : vector<16xf32>
          %swap3A_1536 = arith.index_cast %add3A_1377 : i32 to index
          %swap3A_1537 = arith.constant 96 : index
          %swap3A_1538 = tpu.vector_load %arg17[%swap3A_1536, %swap3A_1537] {strides = array<i32>} : memref<128x128xf32, #tpu.memory_space<vmem>>, vector<1x16xf32>,
          %swap3A_1539 = vector.shape_cast %swap3A_1538 : vector<1x16xf32> to vector<16xf32>
          %swap3A_1540 = vector.shape_cast %mul3A_1535 : vector<16xf32> to vector<1x16xf32>
          tpu.vector_store %arg17[%swap3A_1536, %swap3A_1537], %swap3A_1540 {strides = array<i32>} : memref<128x128xf32, #tpu.memory_space<vmem>>, vector<1x16xf32>,
          %iota3A_1541 = tpu.iota {dimensions = array<i32: 0>} : vector<16xi32>
          %mul3A_1542 = arith.constant 0 : i32
          %mul3A_1543 = vector.broadcast %mul3A_1542 : i32 to vector<16xi32>
          %mul3A_1544 = arith.muli %iota3A_1541, %mul3A_1543 : vector<16xi32>
          %add3A_1545 = arith.constant 7 : i32
          %add3A_1546 = vector.broadcast %add3A_1545 : i32 to vector<16xi32>
          %add3A_1547 = arith.addi %mul3A_1544, %add3A_1546 : vector<16xi32>
          %broadcast_in_dim3A_1548 = vector.shape_cast %add3A_1547 : vector<16xi32> to vector<16x1xi32>
          %gather3A_1549 = vector.shape_cast %broadcast_in_dim3A_1548 : vector<16x1xi32> to vector<16xi32>
          %gather3A_1550 = tpu.dynamic_gather %exp3A[%gather3A_1549] in [0] : vector<16xf32>, vector<16xi32> -> vector<16xf32>
          %get3A_1551 = arith.index_cast %add3A_1377 : i32 to index
          %get3A_1552 = arith.constant 112 : index
          %get3A_1553 = tpu.vector_load %arg14[%get3A_1551, %get3A_1552] {strides = array<i32>} : memref<128x256xf32, #tpu.memory_space<vmem>>, vector<1x16xf32>,
          %get3A_1554 = vector.shape_cast %get3A_1553 : vector<1x16xf32> to vector<16xf32>
          %mul3A_1555 = arith.mulf %gather3A_1550, %get3A_1554 : vector<16xf32>
          %swap3A_1556 = arith.index_cast %add3A_1377 : i32 to index
          %swap3A_1557 = arith.constant 112 : index
          %swap3A_1558 = tpu.vector_load %arg17[%swap3A_1556, %swap3A_1557] {strides = array<i32>} : memref<128x128xf32, #tpu.memory_space<vmem>>, vector<1x16xf32>,
          %swap3A_1559 = vector.shape_cast %swap3A_1558 : vector<1x16xf32> to vector<16xf32>
          %swap3A_1560 = vector.shape_cast %mul3A_1555 : vector<16xf32> to vector<1x16xf32>
          tpu.vector_store %arg17[%swap3A_1556, %swap3A_1557], %swap3A_1560 {strides = array<i32>} : memref<128x128xf32, #tpu.memory_space<vmem>>, vector<1x16xf32>,
          %sub3A_1561 = arith.constant 0.000000e+00 : f32
          %sub3A_1562 = vector.broadcast %sub3A_1561 : f32 to vector<16xf32>
          %sub3A_1563 = arith.subf %gather3A_1400, %sub3A_1562 : vector<16xf32>
          %abs3A = math.absf %sub3A_1563 : vector<16xf32>
          %sub3A_1564 = arith.constant 1.000000e+00 : f32
          %sub3A_1565 = vector.broadcast %sub3A_1564 : f32 to vector<16xf32>
          %sub3A_1566 = arith.subf %sub3A_1565, %abs3A : vector<16xf32>
          %max3A_1567 = arith.constant 0.000000e+00 : f32
          %max3A_1568 = vector.broadcast %max3A_1567 : f32 to vector<16xf32>
          %max3A_1569 = arith.maximumf %sub3A_1566, %max3A_1568 : vector<16xf32>
          %mul3A_1570 = arith.mulf %exp3A, %max3A_1569 : vector<16xf32>
          %swap3A_1571 = arith.index_cast %add3A_1377 : i32 to index
          %swap3A_1572 = arith.constant 0 : index
          %swap3A_1573 = tpu.vector_load %arg16[%swap3A_1571, %swap3A_1572] {strides = array<i32>} : memref<128x128xf32, #tpu.memory_space<vmem>>, vector<1x16xf32>,
          %swap3A_1574 = vector.shape_cast %swap3A_1573 : vector<1x16xf32> to vector<16xf32>
          %swap3A_1575 = vector.shape_cast %mul3A_1570 : vector<16xf32> to vector<1x16xf32>
          tpu.vector_store %arg16[%swap3A_1571, %swap3A_1572], %swap3A_1575 {strides = array<i32>} : memref<128x128xf32, #tpu.memory_space<vmem>>, vector<1x16xf32>,
          %sub3A_1576 = arith.constant 1.000000e+00 : f32
          %sub3A_1577 = vector.broadcast %sub3A_1576 : f32 to vector<16xf32>
          %sub3A_1578 = arith.subf %gather3A_1400, %sub3A_1577 : vector<16xf32>
          %abs3A_1579 = math.absf %sub3A_1578 : vector<16xf32>
          %sub3A_1580 = arith.constant 1.000000e+00 : f32
          %sub3A_1581 = vector.broadcast %sub3A_1580 : f32 to vector<16xf32>
          %sub3A_1582 = arith.subf %sub3A_1581, %abs3A_1579 : vector<16xf32>
          %max3A_1583 = arith.constant 0.000000e+00 : f32
          %max3A_1584 = vector.broadcast %max3A_1583 : f32 to vector<16xf32>
          %max3A_1585 = arith.maximumf %sub3A_1582, %max3A_1584 : vector<16xf32>
          %mul3A_1586 = arith.mulf %exp3A, %max3A_1585 : vector<16xf32>
          %swap3A_1587 = arith.index_cast %add3A_1377 : i32 to index
          %swap3A_1588 = arith.constant 16 : index
          %swap3A_1589 = tpu.vector_load %arg16[%swap3A_1587, %swap3A_1588] {strides = array<i32>} : memref<128x128xf32, #tpu.memory_space<vmem>>, vector<1x16xf32>,
          %swap3A_1590 = vector.shape_cast %swap3A_1589 : vector<1x16xf32> to vector<16xf32>
          %swap3A_1591 = vector.shape_cast %mul3A_1586 : vector<16xf32> to vector<1x16xf32>
          tpu.vector_store %arg16[%swap3A_1587, %swap3A_1588], %swap3A_1591 {strides = array<i32>} : memref<128x128xf32, #tpu.memory_space<vmem>>, vector<1x16xf32>,
          %sub3A_1592 = arith.constant 2.000000e+00 : f32
          %sub3A_1593 = vector.broadcast %sub3A_1592 : f32 to vector<16xf32>
          %sub3A_1594 = arith.subf %gather3A_1400, %sub3A_1593 : vector<16xf32>
          %abs3A_1595 = math.absf %sub3A_1594 : vector<16xf32>
          %sub3A_1596 = arith.constant 1.000000e+00 : f32
          %sub3A_1597 = vector.broadcast %sub3A_1596 : f32 to vector<16xf32>
          %sub3A_1598 = arith.subf %sub3A_1597, %abs3A_1595 : vector<16xf32>
          %max3A_1599 = arith.constant 0.000000e+00 : f32
          %max3A_1600 = vector.broadcast %max3A_1599 : f32 to vector<16xf32>
          %max3A_1601 = arith.maximumf %sub3A_1598, %max3A_1600 : vector<16xf32>
          %mul3A_1602 = arith.mulf %exp3A, %max3A_1601 : vector<16xf32>
          %swap3A_1603 = arith.index_cast %add3A_1377 : i32 to index
          %swap3A_1604 = arith.constant 32 : index
          %swap3A_1605 = tpu.vector_load %arg16[%swap3A_1603, %swap3A_1604] {strides = array<i32>} : memref<128x128xf32, #tpu.memory_space<vmem>>, vector<1x16xf32>,
          %swap3A_1606 = vector.shape_cast %swap3A_1605 : vector<1x16xf32> to vector<16xf32>
          %swap3A_1607 = vector.shape_cast %mul3A_1602 : vector<16xf32> to vector<1x16xf32>
          tpu.vector_store %arg16[%swap3A_1603, %swap3A_1604], %swap3A_1607 {strides = array<i32>} : memref<128x128xf32, #tpu.memory_space<vmem>>, vector<1x16xf32>,
          %sub3A_1608 = arith.constant 3.000000e+00 : f32
          %sub3A_1609 = vector.broadcast %sub3A_1608 : f32 to vector<16xf32>
          %sub3A_1610 = arith.subf %gather3A_1400, %sub3A_1609 : vector<16xf32>
          %abs3A_1611 = math.absf %sub3A_1610 : vector<16xf32>
          %sub3A_1612 = arith.constant 1.000000e+00 : f32
          %sub3A_1613 = vector.broadcast %sub3A_1612 : f32 to vector<16xf32>
          %sub3A_1614 = arith.subf %sub3A_1613, %abs3A_1611 : vector<16xf32>
          %max3A_1615 = arith.constant 0.000000e+00 : f32
          %max3A_1616 = vector.broadcast %max3A_1615 : f32 to vector<16xf32>
          %max3A_1617 = arith.maximumf %sub3A_1614, %max3A_1616 : vector<16xf32>
          %mul3A_1618 = arith.mulf %exp3A, %max3A_1617 : vector<16xf32>
          %swap3A_1619 = arith.index_cast %add3A_1377 : i32 to index
          %swap3A_1620 = arith.constant 48 : index
          %swap3A_1621 = tpu.vector_load %arg16[%swap3A_1619, %swap3A_1620] {strides = array<i32>} : memref<128x128xf32, #tpu.memory_space<vmem>>, vector<1x16xf32>,
          %swap3A_1622 = vector.shape_cast %swap3A_1621 : vector<1x16xf32> to vector<16xf32>
          %swap3A_1623 = vector.shape_cast %mul3A_1618 : vector<16xf32> to vector<1x16xf32>
          tpu.vector_store %arg16[%swap3A_1619, %swap3A_1620], %swap3A_1623 {strides = array<i32>} : memref<128x128xf32, #tpu.memory_space<vmem>>, vector<1x16xf32>,
          %sub3A_1624 = arith.constant 4.000000e+00 : f32
          %sub3A_1625 = vector.broadcast %sub3A_1624 : f32 to vector<16xf32>
          %sub3A_1626 = arith.subf %gather3A_1400, %sub3A_1625 : vector<16xf32>
          %abs3A_1627 = math.absf %sub3A_1626 : vector<16xf32>
          %sub3A_1628 = arith.constant 1.000000e+00 : f32
          %sub3A_1629 = vector.broadcast %sub3A_1628 : f32 to vector<16xf32>
          %sub3A_1630 = arith.subf %sub3A_1629, %abs3A_1627 : vector<16xf32>
          %max3A_1631 = arith.constant 0.000000e+00 : f32
          %max3A_1632 = vector.broadcast %max3A_1631 : f32 to vector<16xf32>
          %max3A_1633 = arith.maximumf %sub3A_1630, %max3A_1632 : vector<16xf32>
          %mul3A_1634 = arith.mulf %exp3A, %max3A_1633 : vector<16xf32>
          %swap3A_1635 = arith.index_cast %add3A_1377 : i32 to index
          %swap3A_1636 = arith.constant 64 : index
          %swap3A_1637 = tpu.vector_load %arg16[%swap3A_1635, %swap3A_1636] {strides = array<i32>} : memref<128x128xf32, #tpu.memory_space<vmem>>, vector<1x16xf32>,
          %swap3A_1638 = vector.shape_cast %swap3A_1637 : vector<1x16xf32> to vector<16xf32>
          %swap3A_1639 = vector.shape_cast %mul3A_1634 : vector<16xf32> to vector<1x16xf32>
          tpu.vector_store %arg16[%swap3A_1635, %swap3A_1636], %swap3A_1639 {strides = array<i32>} : memref<128x128xf32, #tpu.memory_space<vmem>>, vector<1x16xf32>,
          %sub3A_1640 = arith.constant 5.000000e+00 : f32
          %sub3A_1641 = vector.broadcast %sub3A_1640 : f32 to vector<16xf32>
          %sub3A_1642 = arith.subf %gather3A_1400, %sub3A_1641 : vector<16xf32>
          %abs3A_1643 = math.absf %sub3A_1642 : vector<16xf32>
          %sub3A_1644 = arith.constant 1.000000e+00 : f32
          %sub3A_1645 = vector.broadcast %sub3A_1644 : f32 to vector<16xf32>
          %sub3A_1646 = arith.subf %sub3A_1645, %abs3A_1643 : vector<16xf32>
          %max3A_1647 = arith.constant 0.000000e+00 : f32
          %max3A_1648 = vector.broadcast %max3A_1647 : f32 to vector<16xf32>
          %max3A_1649 = arith.maximumf %sub3A_1646, %max3A_1648 : vector<16xf32>
          %mul3A_1650 = arith.mulf %exp3A, %max3A_1649 : vector<16xf32>
          %swap3A_1651 = arith.index_cast %add3A_1377 : i32 to index
          %swap3A_1652 = arith.constant 80 : index
          %swap3A_1653 = tpu.vector_load %arg16[%swap3A_1651, %swap3A_1652] {strides = array<i32>} : memref<128x128xf32, #tpu.memory_space<vmem>>, vector<1x16xf32>,
          %swap3A_1654 = vector.shape_cast %swap3A_1653 : vector<1x16xf32> to vector<16xf32>
          %swap3A_1655 = vector.shape_cast %mul3A_1650 : vector<16xf32> to vector<1x16xf32>
          tpu.vector_store %arg16[%swap3A_1651, %swap3A_1652], %swap3A_1655 {strides = array<i32>} : memref<128x128xf32, #tpu.memory_space<vmem>>, vector<1x16xf32>,
          %sub3A_1656 = arith.constant 6.000000e+00 : f32
          %sub3A_1657 = vector.broadcast %sub3A_1656 : f32 to vector<16xf32>
          %sub3A_1658 = arith.subf %gather3A_1400, %sub3A_1657 : vector<16xf32>
          %abs3A_1659 = math.absf %sub3A_1658 : vector<16xf32>
          %sub3A_1660 = arith.constant 1.000000e+00 : f32
          %sub3A_1661 = vector.broadcast %sub3A_1660 : f32 to vector<16xf32>
          %sub3A_1662 = arith.subf %sub3A_1661, %abs3A_1659 : vector<16xf32>
          %max3A_1663 = arith.constant 0.000000e+00 : f32
          %max3A_1664 = vector.broadcast %max3A_1663 : f32 to vector<16xf32>
          %max3A_1665 = arith.maximumf %sub3A_1662, %max3A_1664 : vector<16xf32>
          %mul3A_1666 = arith.mulf %exp3A, %max3A_1665 : vector<16xf32>
          %swap3A_1667 = arith.index_cast %add3A_1377 : i32 to index
          %swap3A_1668 = arith.constant 96 : index
          %swap3A_1669 = tpu.vector_load %arg16[%swap3A_1667, %swap3A_1668] {strides = array<i32>} : memref<128x128xf32, #tpu.memory_space<vmem>>, vector<1x16xf32>,
          %swap3A_1670 = vector.shape_cast %swap3A_1669 : vector<1x16xf32> to vector<16xf32>
          %swap3A_1671 = vector.shape_cast %mul3A_1666 : vector<16xf32> to vector<1x16xf32>
          tpu.vector_store %arg16[%swap3A_1667, %swap3A_1668], %swap3A_1671 {strides = array<i32>} : memref<128x128xf32, #tpu.memory_space<vmem>>, vector<1x16xf32>,
          %sub3A_1672 = arith.constant 7.000000e+00 : f32
          %sub3A_1673 = vector.broadcast %sub3A_1672 : f32 to vector<16xf32>
          %sub3A_1674 = arith.subf %gather3A_1400, %sub3A_1673 : vector<16xf32>
          %abs3A_1675 = math.absf %sub3A_1674 : vector<16xf32>
          %sub3A_1676 = arith.constant 1.000000e+00 : f32
          %sub3A_1677 = vector.broadcast %sub3A_1676 : f32 to vector<16xf32>
          %sub3A_1678 = arith.subf %sub3A_1677, %abs3A_1675 : vector<16xf32>
          %max3A_1679 = arith.constant 0.000000e+00 : f32
          %max3A_1680 = vector.broadcast %max3A_1679 : f32 to vector<16xf32>
          %max3A_1681 = arith.maximumf %sub3A_1678, %max3A_1680 : vector<16xf32>
          %mul3A_1682 = arith.mulf %exp3A, %max3A_1681 : vector<16xf32>
          %swap3A_1683 = arith.index_cast %add3A_1377 : i32 to index
          %swap3A_1684 = arith.constant 112 : index
          %swap3A_1685 = tpu.vector_load %arg16[%swap3A_1683, %swap3A_1684] {strides = array<i32>} : memref<128x128xf32, #tpu.memory_space<vmem>>, vector<1x16xf32>,
          %swap3A_1686 = vector.shape_cast %swap3A_1685 : vector<1x16xf32> to vector<16xf32>
          %swap3A_1687 = vector.shape_cast %mul3A_1682 : vector<16xf32> to vector<1x16xf32>
          tpu.vector_store %arg16[%swap3A_1683, %swap3A_1684], %swap3A_1687 {strides = array<i32>} : memref<128x128xf32, #tpu.memory_space<vmem>>, vector<1x16xf32>,
          %scan3A_1688 = arith.constant 0 : i32
          scf.yield %scan3A_1688 : i32
        }
        %scan3A_1371 = arith.constant 16 : i32
        %scan3A_1372 = arith.constant 0 : i32
        scf.yield %scan3A_1372 : i32
      }
      %scan3A_1353 = arith.constant 8 : i32
      "tpu.region"() ({
        %run_scoped3A_1355 = tpu.sem_alloc : memref<!tpu.dma_semaphore, #tpu.memory_space<semaphore_mem>>
        %dma_start3A_1356 = arith.constant 0 : i32
        %dma_start3A_1357 = arith.constant 0 : i32
        %dma_start3A_1358 = tpu.memref_slice %arg20[%dma_start3A_1356, %dma_start3A_1357] : memref<5248x128xf32, #tpu.memory_space<vmem_shared>> -> memref<5248x128xf32, #tpu.memory_space<vmem_shared>>
        tpu.enqueue_indirect_dma source(%arg17 : memref<128x128xf32, #tpu.memory_space<vmem>>) target(%dma_start3A_1358 : memref<5248x128xf32, #tpu.memory_space<vmem_shared>>) offsets(%arg12 : memref<128xi32, #tpu.memory_space<vmem>>) semaphore(%run_scoped3A_1355 : memref<!tpu.dma_semaphore, #tpu.memory_space<semaphore_mem>>) {add = true}
        %dma_wait3A_1359 = arith.constant 0 : i32
        %dma_wait3A_1360 = arith.constant 0 : i32
        %dma_wait3A_1361 = tpu.memref_slice %arg20[%dma_wait3A_1359, %dma_wait3A_1360] : memref<5248x128xf32, #tpu.memory_space<vmem_shared>> -> memref<5248x128xf32, #tpu.memory_space<vmem_shared>>
        tpu.wait_indirect_dma semaphore(%run_scoped3A_1355 : memref<!tpu.dma_semaphore, #tpu.memory_space<semaphore_mem>>) src(%arg17 : memref<128x128xf32, #tpu.memory_space<vmem>>) dst(%dma_wait3A_1361 : memref<5248x128xf32, #tpu.memory_space<vmem_shared>>)
        tpu.yield
      }) : () -> ()
      "tpu.region"() ({
        %run_scoped3A_1355 = tpu.sem_alloc : memref<!tpu.dma_semaphore, #tpu.memory_space<semaphore_mem>>
        %dma_start3A_1356 = arith.constant 0 : i32
        %dma_start3A_1357 = arith.constant 0 : i32
        %dma_start3A_1358 = tpu.memref_slice %arg21[%dma_start3A_1356, %dma_start3A_1357] : memref<656x128xf32, #tpu.memory_space<vmem_shared>> -> memref<656x128xf32, #tpu.memory_space<vmem_shared>>
        tpu.enqueue_indirect_dma source(%arg16 : memref<128x128xf32, #tpu.memory_space<vmem>>) target(%dma_start3A_1358 : memref<656x128xf32, #tpu.memory_space<vmem_shared>>) offsets(%arg13 : memref<128xi32, #tpu.memory_space<vmem>>) semaphore(%run_scoped3A_1355 : memref<!tpu.dma_semaphore, #tpu.memory_space<semaphore_mem>>) {add = true}
        %dma_wait3A_1359 = arith.constant 0 : i32
        %dma_wait3A_1360 = arith.constant 0 : i32
        %dma_wait3A_1361 = tpu.memref_slice %arg21[%dma_wait3A_1359, %dma_wait3A_1360] : memref<656x128xf32, #tpu.memory_space<vmem_shared>> -> memref<656x128xf32, #tpu.memory_space<vmem_shared>>
        tpu.wait_indirect_dma semaphore(%run_scoped3A_1355 : memref<!tpu.dma_semaphore, #tpu.memory_space<semaphore_mem>>) src(%arg16 : memref<128x128xf32, #tpu.memory_space<vmem>>) dst(%dma_wait3A_1361 : memref<656x128xf32, #tpu.memory_space<vmem_shared>>)
        tpu.yield
      }) : () -> ()
      %scan3A_1354 = arith.constant 0 : i32
      scf.yield %scan3A_1354 : i32
    }
    %scan3A_344 = arith.constant 164 : i32
    %barrier3A_345 = arith.constant 0 : index
    tpu.barrier barrier_id(%barrier3A_345)
    %mul3A_346 = arith.constant 320 : i32
    %mul3A_347 = arith.muli %arg1, %mul3A_346 : i32
    %add3A_348 = arith.constant 0 : i32
    %add3A_349 = arith.addi %mul3A_347, %add3A_348 : i32
    %add3A_350 = arith.constant 5120 : i32
    %add3A_351 = arith.addi %add3A_350, %add3A_349 : i32
    %add3A_352 = arith.constant 0 : i32
    %add3A_353 = arith.addi %add3A_351, %add3A_352 : i32
    %iota3A_354 = tpu.iota {dimensions = array<i32: 0>} : vector<16xi32>
    %add3A_355 = vector.broadcast %add3A_353 : i32 to vector<16xi32>
    %add3A_356 = arith.addi %iota3A_354, %add3A_355 : vector<16xi32>
    %swap3A_357 = arith.constant 0 : index
    %swap3A_358 = tpu.vector_load %arg19[%swap3A_357] {strides = array<i32>} : memref<64xi32, #tpu.memory_space<vmem>>, vector<16xi32>,
    %swap3A_359 = vector.shape_cast %swap3A_358 : vector<16xi32> to vector<16xi32>
    %swap3A_360 = vector.shape_cast %add3A_356 : vector<16xi32> to vector<16xi32>
    tpu.vector_store %arg19[%swap3A_357], %swap3A_360 {strides = array<i32>} : memref<64xi32, #tpu.memory_space<vmem>>, vector<16xi32>,
    %add3A_361 = arith.constant 5120 : i32
    %add3A_362 = arith.addi %add3A_361, %add3A_349 : i32
    %add3A_363 = arith.constant 16 : i32
    %add3A_364 = arith.addi %add3A_362, %add3A_363 : i32
    %iota3A_365 = tpu.iota {dimensions = array<i32: 0>} : vector<16xi32>
    %add3A_366 = vector.broadcast %add3A_364 : i32 to vector<16xi32>
    %add3A_367 = arith.addi %iota3A_365, %add3A_366 : vector<16xi32>
    %swap3A_368 = arith.constant 16 : index
    %swap3A_369 = tpu.vector_load %arg19[%swap3A_368] {strides = array<i32>} : memref<64xi32, #tpu.memory_space<vmem>>, vector<16xi32>,
    %swap3A_370 = vector.shape_cast %swap3A_369 : vector<16xi32> to vector<16xi32>
    %swap3A_371 = vector.shape_cast %add3A_367 : vector<16xi32> to vector<16xi32>
    tpu.vector_store %arg19[%swap3A_368], %swap3A_371 {strides = array<i32>} : memref<64xi32, #tpu.memory_space<vmem>>, vector<16xi32>,
    %add3A_372 = arith.constant 5120 : i32
    %add3A_373 = arith.addi %add3A_372, %add3A_349 : i32
    %add3A_374 = arith.constant 32 : i32
    %add3A_375 = arith.addi %add3A_373, %add3A_374 : i32
    %iota3A_376 = tpu.iota {dimensions = array<i32: 0>} : vector<16xi32>
    %add3A_377 = vector.broadcast %add3A_375 : i32 to vector<16xi32>
    %add3A_378 = arith.addi %iota3A_376, %add3A_377 : vector<16xi32>
    %swap3A_379 = arith.constant 32 : index
    %swap3A_380 = tpu.vector_load %arg19[%swap3A_379] {strides = array<i32>} : memref<64xi32, #tpu.memory_space<vmem>>, vector<16xi32>,
    %swap3A_381 = vector.shape_cast %swap3A_380 : vector<16xi32> to vector<16xi32>
    %swap3A_382 = vector.shape_cast %add3A_378 : vector<16xi32> to vector<16xi32>
    tpu.vector_store %arg19[%swap3A_379], %swap3A_382 {strides = array<i32>} : memref<64xi32, #tpu.memory_space<vmem>>, vector<16xi32>,
    %add3A_383 = arith.constant 5120 : i32
    %add3A_384 = arith.addi %add3A_383, %add3A_349 : i32
    %add3A_385 = arith.constant 48 : i32
    %add3A_386 = arith.addi %add3A_384, %add3A_385 : i32
    %iota3A_387 = tpu.iota {dimensions = array<i32: 0>} : vector<16xi32>
    %add3A_388 = vector.broadcast %add3A_386 : i32 to vector<16xi32>
    %add3A_389 = arith.addi %iota3A_387, %add3A_388 : vector<16xi32>
    %swap3A_390 = arith.constant 48 : index
    %swap3A_391 = tpu.vector_load %arg19[%swap3A_390] {strides = array<i32>} : memref<64xi32, #tpu.memory_space<vmem>>, vector<16xi32>,
    %swap3A_392 = vector.shape_cast %swap3A_391 : vector<16xi32> to vector<16xi32>
    %swap3A_393 = vector.shape_cast %add3A_389 : vector<16xi32> to vector<16xi32>
    tpu.vector_store %arg19[%swap3A_390], %swap3A_393 {strides = array<i32>} : memref<64xi32, #tpu.memory_space<vmem>>, vector<16xi32>,
    "tpu.region"() ({
      %run_scoped3A_652 = tpu.sem_alloc : memref<!tpu.dma_semaphore, #tpu.memory_space<semaphore_mem>>
      %dma_start3A_653 = arith.constant 0 : i32
      %dma_start3A_654 = arith.constant 0 : i32
      %dma_start3A_655 = tpu.memref_slice %arg17[%dma_start3A_653, %dma_start3A_654] : memref<128x128xf32, #tpu.memory_space<vmem>> -> memref<64x128xf32, #tpu.memory_space<vmem>>
      %dma_start3A_656 = arith.constant 0 : i32
      %dma_start3A_657 = tpu.memref_slice %arg20[%add3A_349, %dma_start3A_656] : memref<5248x128xf32, #tpu.memory_space<vmem_shared>> -> memref<64x128xf32, #tpu.memory_space<vmem_shared>>
      %dma_start3A_658 = arith.constant 0 : i32
      %dma_start3A_659 = arith.constant 0 : i32
      %dma_start3A_660 = tpu.memref_slice %arg17[%dma_start3A_658, %dma_start3A_659] : memref<128x128xf32, #tpu.memory_space<vmem>> -> memref<64x128xf32, #tpu.memory_space<vmem>>
      %dma_start3A_661 = arith.constant 0 : i32
      %dma_start3A_662 = tpu.memref_slice %arg20[%add3A_349, %dma_start3A_661] : memref<5248x128xf32, #tpu.memory_space<vmem_shared>> -> memref<64x128xf32, #tpu.memory_space<vmem_shared>>
      tpu.enqueue_dma source(%dma_start3A_662 : memref<64x128xf32, #tpu.memory_space<vmem_shared>>) target(%dma_start3A_660 : memref<64x128xf32, #tpu.memory_space<vmem>>) target_semaphore(%run_scoped3A_652 : memref<!tpu.dma_semaphore, #tpu.memory_space<semaphore_mem>>)
      %dma_wait3A_663 = arith.constant 0 : i32
      %dma_wait3A_664 = arith.constant 0 : i32
      %dma_wait3A_665 = tpu.memref_slice %arg17[%dma_wait3A_663, %dma_wait3A_664] : memref<128x128xf32, #tpu.memory_space<vmem>> -> memref<64x128xf32, #tpu.memory_space<vmem>>
      %dma_wait3A_666 = arith.constant 0 : i32
      %dma_wait3A_667 = tpu.memref_slice %arg20[%add3A_349, %dma_wait3A_666] : memref<5248x128xf32, #tpu.memory_space<vmem_shared>> -> memref<64x128xf32, #tpu.memory_space<vmem_shared>>
      %dma_wait3A_668 = arith.constant 0 : i32
      %dma_wait3A_669 = arith.constant 0 : i32
      %dma_wait3A_670 = tpu.memref_slice %arg17[%dma_wait3A_668, %dma_wait3A_669] : memref<128x128xf32, #tpu.memory_space<vmem>> -> memref<64x128xf32, #tpu.memory_space<vmem>>
      %dma_wait3A_671 = arith.constant 0 : i32
      %dma_wait3A_672 = tpu.memref_slice %arg20[%add3A_349, %dma_wait3A_671] : memref<5248x128xf32, #tpu.memory_space<vmem_shared>> -> memref<64x128xf32, #tpu.memory_space<vmem_shared>>
      tpu.wait_dma2 semaphore(%run_scoped3A_652 : memref<!tpu.dma_semaphore, #tpu.memory_space<semaphore_mem>>) src(%dma_wait3A_672 : memref<64x128xf32, #tpu.memory_space<vmem_shared>>) dst(%dma_wait3A_670 : memref<64x128xf32, #tpu.memory_space<vmem>>)
      tpu.yield
    }) : () -> ()
    %dma_start3A_394 = arith.constant 0 : i32
    %dma_start3A_395 = arith.constant 0 : i32
    %dma_start3A_396 = tpu.memref_slice %arg17[%dma_start3A_394, %dma_start3A_395] : memref<128x128xf32, #tpu.memory_space<vmem>> -> memref<64x128xf32, #tpu.memory_space<vmem>>
    %dma_start3A_397 = arith.constant 0 : i32
    %dma_start3A_398 = arith.constant 0 : i32
    %dma_start3A_399 = tpu.memref_slice %arg7[%dma_start3A_397, %dma_start3A_398] : memref<10240x128xf32, #tpu.memory_space<hbm>> -> memref<10240x128xf32, #tpu.memory_space<hbm>>
    tpu.enqueue_indirect_dma source(%dma_start3A_396 : memref<64x128xf32, #tpu.memory_space<vmem>>) target(%dma_start3A_399 : memref<10240x128xf32, #tpu.memory_space<hbm>>) offsets(%arg19 : memref<64xi32, #tpu.memory_space<vmem>>) semaphore(%arg22 : memref<!tpu.dma_semaphore, #tpu.memory_space<semaphore_mem>>)
    %dma_wait3A_400 = arith.constant 0 : i32
    %dma_wait3A_401 = arith.constant 0 : i32
    %dma_wait3A_402 = tpu.memref_slice %arg17[%dma_wait3A_400, %dma_wait3A_401] : memref<128x128xf32, #tpu.memory_space<vmem>> -> memref<64x128xf32, #tpu.memory_space<vmem>>
    %dma_wait3A_403 = arith.constant 0 : i32
    %dma_wait3A_404 = arith.constant 0 : i32
    %dma_wait3A_405 = tpu.memref_slice %arg7[%dma_wait3A_403, %dma_wait3A_404] : memref<10240x128xf32, #tpu.memory_space<hbm>> -> memref<10240x128xf32, #tpu.memory_space<hbm>>
    tpu.wait_indirect_dma semaphore(%arg22 : memref<!tpu.dma_semaphore, #tpu.memory_space<semaphore_mem>>) src(%dma_wait3A_402 : memref<64x128xf32, #tpu.memory_space<vmem>>) dst(%dma_wait3A_405 : memref<10240x128xf32, #tpu.memory_space<hbm>>)
    %mul3A_406 = arith.constant 320 : i32
    %mul3A_407 = arith.muli %arg1, %mul3A_406 : i32
    %add3A_408 = arith.constant 64 : i32
    %add3A_409 = arith.addi %mul3A_407, %add3A_408 : i32
    %add3A_410 = arith.constant 5120 : i32
    %add3A_411 = arith.addi %add3A_410, %add3A_409 : i32
    %add3A_412 = arith.constant 0 : i32
    %add3A_413 = arith.addi %add3A_411, %add3A_412 : i32
    %iota3A_414 = tpu.iota {dimensions = array<i32: 0>} : vector<16xi32>
    %add3A_415 = vector.broadcast %add3A_413 : i32 to vector<16xi32>
    %add3A_416 = arith.addi %iota3A_414, %add3A_415 : vector<16xi32>
    %swap3A_417 = arith.constant 0 : index
    %swap3A_418 = tpu.vector_load %arg19[%swap3A_417] {strides = array<i32>} : memref<64xi32, #tpu.memory_space<vmem>>, vector<16xi32>,
    %swap3A_419 = vector.shape_cast %swap3A_418 : vector<16xi32> to vector<16xi32>
    %swap3A_420 = vector.shape_cast %add3A_416 : vector<16xi32> to vector<16xi32>
    tpu.vector_store %arg19[%swap3A_417], %swap3A_420 {strides = array<i32>} : memref<64xi32, #tpu.memory_space<vmem>>, vector<16xi32>,
    %add3A_421 = arith.constant 5120 : i32
    %add3A_422 = arith.addi %add3A_421, %add3A_409 : i32
    %add3A_423 = arith.constant 16 : i32
    %add3A_424 = arith.addi %add3A_422, %add3A_423 : i32
    %iota3A_425 = tpu.iota {dimensions = array<i32: 0>} : vector<16xi32>
    %add3A_426 = vector.broadcast %add3A_424 : i32 to vector<16xi32>
    %add3A_427 = arith.addi %iota3A_425, %add3A_426 : vector<16xi32>
    %swap3A_428 = arith.constant 16 : index
    %swap3A_429 = tpu.vector_load %arg19[%swap3A_428] {strides = array<i32>} : memref<64xi32, #tpu.memory_space<vmem>>, vector<16xi32>,
    %swap3A_430 = vector.shape_cast %swap3A_429 : vector<16xi32> to vector<16xi32>
    %swap3A_431 = vector.shape_cast %add3A_427 : vector<16xi32> to vector<16xi32>
    tpu.vector_store %arg19[%swap3A_428], %swap3A_431 {strides = array<i32>} : memref<64xi32, #tpu.memory_space<vmem>>, vector<16xi32>,
    %add3A_432 = arith.constant 5120 : i32
    %add3A_433 = arith.addi %add3A_432, %add3A_409 : i32
    %add3A_434 = arith.constant 32 : i32
    %add3A_435 = arith.addi %add3A_433, %add3A_434 : i32
    %iota3A_436 = tpu.iota {dimensions = array<i32: 0>} : vector<16xi32>
    %add3A_437 = vector.broadcast %add3A_435 : i32 to vector<16xi32>
    %add3A_438 = arith.addi %iota3A_436, %add3A_437 : vector<16xi32>
    %swap3A_439 = arith.constant 32 : index
    %swap3A_440 = tpu.vector_load %arg19[%swap3A_439] {strides = array<i32>} : memref<64xi32, #tpu.memory_space<vmem>>, vector<16xi32>,
    %swap3A_441 = vector.shape_cast %swap3A_440 : vector<16xi32> to vector<16xi32>
    %swap3A_442 = vector.shape_cast %add3A_438 : vector<16xi32> to vector<16xi32>
    tpu.vector_store %arg19[%swap3A_439], %swap3A_442 {strides = array<i32>} : memref<64xi32, #tpu.memory_space<vmem>>, vector<16xi32>,
    %add3A_443 = arith.constant 5120 : i32
    %add3A_444 = arith.addi %add3A_443, %add3A_409 : i32
    %add3A_445 = arith.constant 48 : i32
    %add3A_446 = arith.addi %add3A_444, %add3A_445 : i32
    %iota3A_447 = tpu.iota {dimensions = array<i32: 0>} : vector<16xi32>
    %add3A_448 = vector.broadcast %add3A_446 : i32 to vector<16xi32>
    %add3A_449 = arith.addi %iota3A_447, %add3A_448 : vector<16xi32>
    %swap3A_450 = arith.constant 48 : index
    %swap3A_451 = tpu.vector_load %arg19[%swap3A_450] {strides = array<i32>} : memref<64xi32, #tpu.memory_space<vmem>>, vector<16xi32>,
    %swap3A_452 = vector.shape_cast %swap3A_451 : vector<16xi32> to vector<16xi32>
    %swap3A_453 = vector.shape_cast %add3A_449 : vector<16xi32> to vector<16xi32>
    tpu.vector_store %arg19[%swap3A_450], %swap3A_453 {strides = array<i32>} : memref<64xi32, #tpu.memory_space<vmem>>, vector<16xi32>,
    "tpu.region"() ({
      %run_scoped3A_652 = tpu.sem_alloc : memref<!tpu.dma_semaphore, #tpu.memory_space<semaphore_mem>>
      %dma_start3A_653 = arith.constant 0 : i32
      %dma_start3A_654 = arith.constant 0 : i32
      %dma_start3A_655 = tpu.memref_slice %arg17[%dma_start3A_653, %dma_start3A_654] : memref<128x128xf32, #tpu.memory_space<vmem>> -> memref<64x128xf32, #tpu.memory_space<vmem>>
      %dma_start3A_656 = arith.constant 0 : i32
      %dma_start3A_657 = tpu.memref_slice %arg20[%add3A_409, %dma_start3A_656] : memref<5248x128xf32, #tpu.memory_space<vmem_shared>> -> memref<64x128xf32, #tpu.memory_space<vmem_shared>>
      %dma_start3A_658 = arith.constant 0 : i32
      %dma_start3A_659 = arith.constant 0 : i32
      %dma_start3A_660 = tpu.memref_slice %arg17[%dma_start3A_658, %dma_start3A_659] : memref<128x128xf32, #tpu.memory_space<vmem>> -> memref<64x128xf32, #tpu.memory_space<vmem>>
      %dma_start3A_661 = arith.constant 0 : i32
      %dma_start3A_662 = tpu.memref_slice %arg20[%add3A_409, %dma_start3A_661] : memref<5248x128xf32, #tpu.memory_space<vmem_shared>> -> memref<64x128xf32, #tpu.memory_space<vmem_shared>>
      tpu.enqueue_dma source(%dma_start3A_662 : memref<64x128xf32, #tpu.memory_space<vmem_shared>>) target(%dma_start3A_660 : memref<64x128xf32, #tpu.memory_space<vmem>>) target_semaphore(%run_scoped3A_652 : memref<!tpu.dma_semaphore, #tpu.memory_space<semaphore_mem>>)
      %dma_wait3A_663 = arith.constant 0 : i32
      %dma_wait3A_664 = arith.constant 0 : i32
      %dma_wait3A_665 = tpu.memref_slice %arg17[%dma_wait3A_663, %dma_wait3A_664] : memref<128x128xf32, #tpu.memory_space<vmem>> -> memref<64x128xf32, #tpu.memory_space<vmem>>
      %dma_wait3A_666 = arith.constant 0 : i32
      %dma_wait3A_667 = tpu.memref_slice %arg20[%add3A_409, %dma_wait3A_666] : memref<5248x128xf32, #tpu.memory_space<vmem_shared>> -> memref<64x128xf32, #tpu.memory_space<vmem_shared>>
      %dma_wait3A_668 = arith.constant 0 : i32
      %dma_wait3A_669 = arith.constant 0 : i32
      %dma_wait3A_670 = tpu.memref_slice %arg17[%dma_wait3A_668, %dma_wait3A_669] : memref<128x128xf32, #tpu.memory_space<vmem>> -> memref<64x128xf32, #tpu.memory_space<vmem>>
      %dma_wait3A_671 = arith.constant 0 : i32
      %dma_wait3A_672 = tpu.memref_slice %arg20[%add3A_409, %dma_wait3A_671] : memref<5248x128xf32, #tpu.memory_space<vmem_shared>> -> memref<64x128xf32, #tpu.memory_space<vmem_shared>>
      tpu.wait_dma2 semaphore(%run_scoped3A_652 : memref<!tpu.dma_semaphore, #tpu.memory_space<semaphore_mem>>) src(%dma_wait3A_672 : memref<64x128xf32, #tpu.memory_space<vmem_shared>>) dst(%dma_wait3A_670 : memref<64x128xf32, #tpu.memory_space<vmem>>)
      tpu.yield
    }) : () -> ()
    %dma_start3A_454 = arith.constant 0 : i32
    %dma_start3A_455 = arith.constant 0 : i32
    %dma_start3A_456 = tpu.memref_slice %arg17[%dma_start3A_454, %dma_start3A_455] : memref<128x128xf32, #tpu.memory_space<vmem>> -> memref<64x128xf32, #tpu.memory_space<vmem>>
    %dma_start3A_457 = arith.constant 0 : i32
    %dma_start3A_458 = arith.constant 0 : i32
    %dma_start3A_459 = tpu.memref_slice %arg7[%dma_start3A_457, %dma_start3A_458] : memref<10240x128xf32, #tpu.memory_space<hbm>> -> memref<10240x128xf32, #tpu.memory_space<hbm>>
    tpu.enqueue_indirect_dma source(%dma_start3A_456 : memref<64x128xf32, #tpu.memory_space<vmem>>) target(%dma_start3A_459 : memref<10240x128xf32, #tpu.memory_space<hbm>>) offsets(%arg19 : memref<64xi32, #tpu.memory_space<vmem>>) semaphore(%arg22 : memref<!tpu.dma_semaphore, #tpu.memory_space<semaphore_mem>>)
    %dma_wait3A_460 = arith.constant 0 : i32
    %dma_wait3A_461 = arith.constant 0 : i32
    %dma_wait3A_462 = tpu.memref_slice %arg17[%dma_wait3A_460, %dma_wait3A_461] : memref<128x128xf32, #tpu.memory_space<vmem>> -> memref<64x128xf32, #tpu.memory_space<vmem>>
    %dma_wait3A_463 = arith.constant 0 : i32
    %dma_wait3A_464 = arith.constant 0 : i32
    %dma_wait3A_465 = tpu.memref_slice %arg7[%dma_wait3A_463, %dma_wait3A_464] : memref<10240x128xf32, #tpu.memory_space<hbm>> -> memref<10240x128xf32, #tpu.memory_space<hbm>>
    tpu.wait_indirect_dma semaphore(%arg22 : memref<!tpu.dma_semaphore, #tpu.memory_space<semaphore_mem>>) src(%dma_wait3A_462 : memref<64x128xf32, #tpu.memory_space<vmem>>) dst(%dma_wait3A_465 : memref<10240x128xf32, #tpu.memory_space<hbm>>)
    %mul3A_466 = arith.constant 320 : i32
    %mul3A_467 = arith.muli %arg1, %mul3A_466 : i32
    %add3A_468 = arith.constant 128 : i32
    %add3A_469 = arith.addi %mul3A_467, %add3A_468 : i32
    %add3A_470 = arith.constant 5120 : i32
    %add3A_471 = arith.addi %add3A_470, %add3A_469 : i32
    %add3A_472 = arith.constant 0 : i32
    %add3A_473 = arith.addi %add3A_471, %add3A_472 : i32
    %iota3A_474 = tpu.iota {dimensions = array<i32: 0>} : vector<16xi32>
    %add3A_475 = vector.broadcast %add3A_473 : i32 to vector<16xi32>
    %add3A_476 = arith.addi %iota3A_474, %add3A_475 : vector<16xi32>
    %swap3A_477 = arith.constant 0 : index
    %swap3A_478 = tpu.vector_load %arg19[%swap3A_477] {strides = array<i32>} : memref<64xi32, #tpu.memory_space<vmem>>, vector<16xi32>,
    %swap3A_479 = vector.shape_cast %swap3A_478 : vector<16xi32> to vector<16xi32>
    %swap3A_480 = vector.shape_cast %add3A_476 : vector<16xi32> to vector<16xi32>
    tpu.vector_store %arg19[%swap3A_477], %swap3A_480 {strides = array<i32>} : memref<64xi32, #tpu.memory_space<vmem>>, vector<16xi32>,
    %add3A_481 = arith.constant 5120 : i32
    %add3A_482 = arith.addi %add3A_481, %add3A_469 : i32
    %add3A_483 = arith.constant 16 : i32
    %add3A_484 = arith.addi %add3A_482, %add3A_483 : i32
    %iota3A_485 = tpu.iota {dimensions = array<i32: 0>} : vector<16xi32>
    %add3A_486 = vector.broadcast %add3A_484 : i32 to vector<16xi32>
    %add3A_487 = arith.addi %iota3A_485, %add3A_486 : vector<16xi32>
    %swap3A_488 = arith.constant 16 : index
    %swap3A_489 = tpu.vector_load %arg19[%swap3A_488] {strides = array<i32>} : memref<64xi32, #tpu.memory_space<vmem>>, vector<16xi32>,
    %swap3A_490 = vector.shape_cast %swap3A_489 : vector<16xi32> to vector<16xi32>
    %swap3A_491 = vector.shape_cast %add3A_487 : vector<16xi32> to vector<16xi32>
    tpu.vector_store %arg19[%swap3A_488], %swap3A_491 {strides = array<i32>} : memref<64xi32, #tpu.memory_space<vmem>>, vector<16xi32>,
    %add3A_492 = arith.constant 5120 : i32
    %add3A_493 = arith.addi %add3A_492, %add3A_469 : i32
    %add3A_494 = arith.constant 32 : i32
    %add3A_495 = arith.addi %add3A_493, %add3A_494 : i32
    %iota3A_496 = tpu.iota {dimensions = array<i32: 0>} : vector<16xi32>
    %add3A_497 = vector.broadcast %add3A_495 : i32 to vector<16xi32>
    %add3A_498 = arith.addi %iota3A_496, %add3A_497 : vector<16xi32>
    %swap3A_499 = arith.constant 32 : index
    %swap3A_500 = tpu.vector_load %arg19[%swap3A_499] {strides = array<i32>} : memref<64xi32, #tpu.memory_space<vmem>>, vector<16xi32>,
    %swap3A_501 = vector.shape_cast %swap3A_500 : vector<16xi32> to vector<16xi32>
    %swap3A_502 = vector.shape_cast %add3A_498 : vector<16xi32> to vector<16xi32>
    tpu.vector_store %arg19[%swap3A_499], %swap3A_502 {strides = array<i32>} : memref<64xi32, #tpu.memory_space<vmem>>, vector<16xi32>,
    %add3A_503 = arith.constant 5120 : i32
    %add3A_504 = arith.addi %add3A_503, %add3A_469 : i32
    %add3A_505 = arith.constant 48 : i32
    %add3A_506 = arith.addi %add3A_504, %add3A_505 : i32
    %iota3A_507 = tpu.iota {dimensions = array<i32: 0>} : vector<16xi32>
    %add3A_508 = vector.broadcast %add3A_506 : i32 to vector<16xi32>
    %add3A_509 = arith.addi %iota3A_507, %add3A_508 : vector<16xi32>
    %swap3A_510 = arith.constant 48 : index
    %swap3A_511 = tpu.vector_load %arg19[%swap3A_510] {strides = array<i32>} : memref<64xi32, #tpu.memory_space<vmem>>, vector<16xi32>,
    %swap3A_512 = vector.shape_cast %swap3A_511 : vector<16xi32> to vector<16xi32>
    %swap3A_513 = vector.shape_cast %add3A_509 : vector<16xi32> to vector<16xi32>
    tpu.vector_store %arg19[%swap3A_510], %swap3A_513 {strides = array<i32>} : memref<64xi32, #tpu.memory_space<vmem>>, vector<16xi32>,
    "tpu.region"() ({
      %run_scoped3A_652 = tpu.sem_alloc : memref<!tpu.dma_semaphore, #tpu.memory_space<semaphore_mem>>
      %dma_start3A_653 = arith.constant 0 : i32
      %dma_start3A_654 = arith.constant 0 : i32
      %dma_start3A_655 = tpu.memref_slice %arg17[%dma_start3A_653, %dma_start3A_654] : memref<128x128xf32, #tpu.memory_space<vmem>> -> memref<64x128xf32, #tpu.memory_space<vmem>>
      %dma_start3A_656 = arith.constant 0 : i32
      %dma_start3A_657 = tpu.memref_slice %arg20[%add3A_469, %dma_start3A_656] : memref<5248x128xf32, #tpu.memory_space<vmem_shared>> -> memref<64x128xf32, #tpu.memory_space<vmem_shared>>
      %dma_start3A_658 = arith.constant 0 : i32
      %dma_start3A_659 = arith.constant 0 : i32
      %dma_start3A_660 = tpu.memref_slice %arg17[%dma_start3A_658, %dma_start3A_659] : memref<128x128xf32, #tpu.memory_space<vmem>> -> memref<64x128xf32, #tpu.memory_space<vmem>>
      %dma_start3A_661 = arith.constant 0 : i32
      %dma_start3A_662 = tpu.memref_slice %arg20[%add3A_469, %dma_start3A_661] : memref<5248x128xf32, #tpu.memory_space<vmem_shared>> -> memref<64x128xf32, #tpu.memory_space<vmem_shared>>
      tpu.enqueue_dma source(%dma_start3A_662 : memref<64x128xf32, #tpu.memory_space<vmem_shared>>) target(%dma_start3A_660 : memref<64x128xf32, #tpu.memory_space<vmem>>) target_semaphore(%run_scoped3A_652 : memref<!tpu.dma_semaphore, #tpu.memory_space<semaphore_mem>>)
      %dma_wait3A_663 = arith.constant 0 : i32
      %dma_wait3A_664 = arith.constant 0 : i32
      %dma_wait3A_665 = tpu.memref_slice %arg17[%dma_wait3A_663, %dma_wait3A_664] : memref<128x128xf32, #tpu.memory_space<vmem>> -> memref<64x128xf32, #tpu.memory_space<vmem>>
      %dma_wait3A_666 = arith.constant 0 : i32
      %dma_wait3A_667 = tpu.memref_slice %arg20[%add3A_469, %dma_wait3A_666] : memref<5248x128xf32, #tpu.memory_space<vmem_shared>> -> memref<64x128xf32, #tpu.memory_space<vmem_shared>>
      %dma_wait3A_668 = arith.constant 0 : i32
      %dma_wait3A_669 = arith.constant 0 : i32
      %dma_wait3A_670 = tpu.memref_slice %arg17[%dma_wait3A_668, %dma_wait3A_669] : memref<128x128xf32, #tpu.memory_space<vmem>> -> memref<64x128xf32, #tpu.memory_space<vmem>>
      %dma_wait3A_671 = arith.constant 0 : i32
      %dma_wait3A_672 = tpu.memref_slice %arg20[%add3A_469, %dma_wait3A_671] : memref<5248x128xf32, #tpu.memory_space<vmem_shared>> -> memref<64x128xf32, #tpu.memory_space<vmem_shared>>
      tpu.wait_dma2 semaphore(%run_scoped3A_652 : memref<!tpu.dma_semaphore, #tpu.memory_space<semaphore_mem>>) src(%dma_wait3A_672 : memref<64x128xf32, #tpu.memory_space<vmem_shared>>) dst(%dma_wait3A_670 : memref<64x128xf32, #tpu.memory_space<vmem>>)
      tpu.yield
    }) : () -> ()
    %dma_start3A_514 = arith.constant 0 : i32
    %dma_start3A_515 = arith.constant 0 : i32
    %dma_start3A_516 = tpu.memref_slice %arg17[%dma_start3A_514, %dma_start3A_515] : memref<128x128xf32, #tpu.memory_space<vmem>> -> memref<64x128xf32, #tpu.memory_space<vmem>>
    %dma_start3A_517 = arith.constant 0 : i32
    %dma_start3A_518 = arith.constant 0 : i32
    %dma_start3A_519 = tpu.memref_slice %arg7[%dma_start3A_517, %dma_start3A_518] : memref<10240x128xf32, #tpu.memory_space<hbm>> -> memref<10240x128xf32, #tpu.memory_space<hbm>>
    tpu.enqueue_indirect_dma source(%dma_start3A_516 : memref<64x128xf32, #tpu.memory_space<vmem>>) target(%dma_start3A_519 : memref<10240x128xf32, #tpu.memory_space<hbm>>) offsets(%arg19 : memref<64xi32, #tpu.memory_space<vmem>>) semaphore(%arg22 : memref<!tpu.dma_semaphore, #tpu.memory_space<semaphore_mem>>)
    %dma_wait3A_520 = arith.constant 0 : i32
    %dma_wait3A_521 = arith.constant 0 : i32
    %dma_wait3A_522 = tpu.memref_slice %arg17[%dma_wait3A_520, %dma_wait3A_521] : memref<128x128xf32, #tpu.memory_space<vmem>> -> memref<64x128xf32, #tpu.memory_space<vmem>>
    %dma_wait3A_523 = arith.constant 0 : i32
    %dma_wait3A_524 = arith.constant 0 : i32
    %dma_wait3A_525 = tpu.memref_slice %arg7[%dma_wait3A_523, %dma_wait3A_524] : memref<10240x128xf32, #tpu.memory_space<hbm>> -> memref<10240x128xf32, #tpu.memory_space<hbm>>
    tpu.wait_indirect_dma semaphore(%arg22 : memref<!tpu.dma_semaphore, #tpu.memory_space<semaphore_mem>>) src(%dma_wait3A_522 : memref<64x128xf32, #tpu.memory_space<vmem>>) dst(%dma_wait3A_525 : memref<10240x128xf32, #tpu.memory_space<hbm>>)
    %mul3A_526 = arith.constant 320 : i32
    %mul3A_527 = arith.muli %arg1, %mul3A_526 : i32
    %add3A_528 = arith.constant 192 : i32
    %add3A_529 = arith.addi %mul3A_527, %add3A_528 : i32
    %add3A_530 = arith.constant 5120 : i32
    %add3A_531 = arith.addi %add3A_530, %add3A_529 : i32
    %add3A_532 = arith.constant 0 : i32
    %add3A_533 = arith.addi %add3A_531, %add3A_532 : i32
    %iota3A_534 = tpu.iota {dimensions = array<i32: 0>} : vector<16xi32>
    %add3A_535 = vector.broadcast %add3A_533 : i32 to vector<16xi32>
    %add3A_536 = arith.addi %iota3A_534, %add3A_535 : vector<16xi32>
    %swap3A_537 = arith.constant 0 : index
    %swap3A_538 = tpu.vector_load %arg19[%swap3A_537] {strides = array<i32>} : memref<64xi32, #tpu.memory_space<vmem>>, vector<16xi32>,
    %swap3A_539 = vector.shape_cast %swap3A_538 : vector<16xi32> to vector<16xi32>
    %swap3A_540 = vector.shape_cast %add3A_536 : vector<16xi32> to vector<16xi32>
    tpu.vector_store %arg19[%swap3A_537], %swap3A_540 {strides = array<i32>} : memref<64xi32, #tpu.memory_space<vmem>>, vector<16xi32>,
    %add3A_541 = arith.constant 5120 : i32
    %add3A_542 = arith.addi %add3A_541, %add3A_529 : i32
    %add3A_543 = arith.constant 16 : i32
    %add3A_544 = arith.addi %add3A_542, %add3A_543 : i32
    %iota3A_545 = tpu.iota {dimensions = array<i32: 0>} : vector<16xi32>
    %add3A_546 = vector.broadcast %add3A_544 : i32 to vector<16xi32>
    %add3A_547 = arith.addi %iota3A_545, %add3A_546 : vector<16xi32>
    %swap3A_548 = arith.constant 16 : index
    %swap3A_549 = tpu.vector_load %arg19[%swap3A_548] {strides = array<i32>} : memref<64xi32, #tpu.memory_space<vmem>>, vector<16xi32>,
    %swap3A_550 = vector.shape_cast %swap3A_549 : vector<16xi32> to vector<16xi32>
    %swap3A_551 = vector.shape_cast %add3A_547 : vector<16xi32> to vector<16xi32>
    tpu.vector_store %arg19[%swap3A_548], %swap3A_551 {strides = array<i32>} : memref<64xi32, #tpu.memory_space<vmem>>, vector<16xi32>,
    %add3A_552 = arith.constant 5120 : i32
    %add3A_553 = arith.addi %add3A_552, %add3A_529 : i32
    %add3A_554 = arith.constant 32 : i32
    %add3A_555 = arith.addi %add3A_553, %add3A_554 : i32
    %iota3A_556 = tpu.iota {dimensions = array<i32: 0>} : vector<16xi32>
    %add3A_557 = vector.broadcast %add3A_555 : i32 to vector<16xi32>
    %add3A_558 = arith.addi %iota3A_556, %add3A_557 : vector<16xi32>
    %swap3A_559 = arith.constant 32 : index
    %swap3A_560 = tpu.vector_load %arg19[%swap3A_559] {strides = array<i32>} : memref<64xi32, #tpu.memory_space<vmem>>, vector<16xi32>,
    %swap3A_561 = vector.shape_cast %swap3A_560 : vector<16xi32> to vector<16xi32>
    %swap3A_562 = vector.shape_cast %add3A_558 : vector<16xi32> to vector<16xi32>
    tpu.vector_store %arg19[%swap3A_559], %swap3A_562 {strides = array<i32>} : memref<64xi32, #tpu.memory_space<vmem>>, vector<16xi32>,
    %add3A_563 = arith.constant 5120 : i32
    %add3A_564 = arith.addi %add3A_563, %add3A_529 : i32
    %add3A_565 = arith.constant 48 : i32
    %add3A_566 = arith.addi %add3A_564, %add3A_565 : i32
    %iota3A_567 = tpu.iota {dimensions = array<i32: 0>} : vector<16xi32>
    %add3A_568 = vector.broadcast %add3A_566 : i32 to vector<16xi32>
    %add3A_569 = arith.addi %iota3A_567, %add3A_568 : vector<16xi32>
    %swap3A_570 = arith.constant 48 : index
    %swap3A_571 = tpu.vector_load %arg19[%swap3A_570] {strides = array<i32>} : memref<64xi32, #tpu.memory_space<vmem>>, vector<16xi32>,
    %swap3A_572 = vector.shape_cast %swap3A_571 : vector<16xi32> to vector<16xi32>
    %swap3A_573 = vector.shape_cast %add3A_569 : vector<16xi32> to vector<16xi32>
    tpu.vector_store %arg19[%swap3A_570], %swap3A_573 {strides = array<i32>} : memref<64xi32, #tpu.memory_space<vmem>>, vector<16xi32>,
    "tpu.region"() ({
      %run_scoped3A_652 = tpu.sem_alloc : memref<!tpu.dma_semaphore, #tpu.memory_space<semaphore_mem>>
      %dma_start3A_653 = arith.constant 0 : i32
      %dma_start3A_654 = arith.constant 0 : i32
      %dma_start3A_655 = tpu.memref_slice %arg17[%dma_start3A_653, %dma_start3A_654] : memref<128x128xf32, #tpu.memory_space<vmem>> -> memref<64x128xf32, #tpu.memory_space<vmem>>
      %dma_start3A_656 = arith.constant 0 : i32
      %dma_start3A_657 = tpu.memref_slice %arg20[%add3A_529, %dma_start3A_656] : memref<5248x128xf32, #tpu.memory_space<vmem_shared>> -> memref<64x128xf32, #tpu.memory_space<vmem_shared>>
      %dma_start3A_658 = arith.constant 0 : i32
      %dma_start3A_659 = arith.constant 0 : i32
      %dma_start3A_660 = tpu.memref_slice %arg17[%dma_start3A_658, %dma_start3A_659] : memref<128x128xf32, #tpu.memory_space<vmem>> -> memref<64x128xf32, #tpu.memory_space<vmem>>
      %dma_start3A_661 = arith.constant 0 : i32
      %dma_start3A_662 = tpu.memref_slice %arg20[%add3A_529, %dma_start3A_661] : memref<5248x128xf32, #tpu.memory_space<vmem_shared>> -> memref<64x128xf32, #tpu.memory_space<vmem_shared>>
      tpu.enqueue_dma source(%dma_start3A_662 : memref<64x128xf32, #tpu.memory_space<vmem_shared>>) target(%dma_start3A_660 : memref<64x128xf32, #tpu.memory_space<vmem>>) target_semaphore(%run_scoped3A_652 : memref<!tpu.dma_semaphore, #tpu.memory_space<semaphore_mem>>)
      %dma_wait3A_663 = arith.constant 0 : i32
      %dma_wait3A_664 = arith.constant 0 : i32
      %dma_wait3A_665 = tpu.memref_slice %arg17[%dma_wait3A_663, %dma_wait3A_664] : memref<128x128xf32, #tpu.memory_space<vmem>> -> memref<64x128xf32, #tpu.memory_space<vmem>>
      %dma_wait3A_666 = arith.constant 0 : i32
      %dma_wait3A_667 = tpu.memref_slice %arg20[%add3A_529, %dma_wait3A_666] : memref<5248x128xf32, #tpu.memory_space<vmem_shared>> -> memref<64x128xf32, #tpu.memory_space<vmem_shared>>
      %dma_wait3A_668 = arith.constant 0 : i32
      %dma_wait3A_669 = arith.constant 0 : i32
      %dma_wait3A_670 = tpu.memref_slice %arg17[%dma_wait3A_668, %dma_wait3A_669] : memref<128x128xf32, #tpu.memory_space<vmem>> -> memref<64x128xf32, #tpu.memory_space<vmem>>
      %dma_wait3A_671 = arith.constant 0 : i32
      %dma_wait3A_672 = tpu.memref_slice %arg20[%add3A_529, %dma_wait3A_671] : memref<5248x128xf32, #tpu.memory_space<vmem_shared>> -> memref<64x128xf32, #tpu.memory_space<vmem_shared>>
      tpu.wait_dma2 semaphore(%run_scoped3A_652 : memref<!tpu.dma_semaphore, #tpu.memory_space<semaphore_mem>>) src(%dma_wait3A_672 : memref<64x128xf32, #tpu.memory_space<vmem_shared>>) dst(%dma_wait3A_670 : memref<64x128xf32, #tpu.memory_space<vmem>>)
      tpu.yield
    }) : () -> ()
    %dma_start3A_574 = arith.constant 0 : i32
    %dma_start3A_575 = arith.constant 0 : i32
    %dma_start3A_576 = tpu.memref_slice %arg17[%dma_start3A_574, %dma_start3A_575] : memref<128x128xf32, #tpu.memory_space<vmem>> -> memref<64x128xf32, #tpu.memory_space<vmem>>
    %dma_start3A_577 = arith.constant 0 : i32
    %dma_start3A_578 = arith.constant 0 : i32
    %dma_start3A_579 = tpu.memref_slice %arg7[%dma_start3A_577, %dma_start3A_578] : memref<10240x128xf32, #tpu.memory_space<hbm>> -> memref<10240x128xf32, #tpu.memory_space<hbm>>
    tpu.enqueue_indirect_dma source(%dma_start3A_576 : memref<64x128xf32, #tpu.memory_space<vmem>>) target(%dma_start3A_579 : memref<10240x128xf32, #tpu.memory_space<hbm>>) offsets(%arg19 : memref<64xi32, #tpu.memory_space<vmem>>) semaphore(%arg22 : memref<!tpu.dma_semaphore, #tpu.memory_space<semaphore_mem>>)
    %dma_wait3A_580 = arith.constant 0 : i32
    %dma_wait3A_581 = arith.constant 0 : i32
    %dma_wait3A_582 = tpu.memref_slice %arg17[%dma_wait3A_580, %dma_wait3A_581] : memref<128x128xf32, #tpu.memory_space<vmem>> -> memref<64x128xf32, #tpu.memory_space<vmem>>
    %dma_wait3A_583 = arith.constant 0 : i32
    %dma_wait3A_584 = arith.constant 0 : i32
    %dma_wait3A_585 = tpu.memref_slice %arg7[%dma_wait3A_583, %dma_wait3A_584] : memref<10240x128xf32, #tpu.memory_space<hbm>> -> memref<10240x128xf32, #tpu.memory_space<hbm>>
    tpu.wait_indirect_dma semaphore(%arg22 : memref<!tpu.dma_semaphore, #tpu.memory_space<semaphore_mem>>) src(%dma_wait3A_582 : memref<64x128xf32, #tpu.memory_space<vmem>>) dst(%dma_wait3A_585 : memref<10240x128xf32, #tpu.memory_space<hbm>>)
    %mul3A_586 = arith.constant 320 : i32
    %mul3A_587 = arith.muli %arg1, %mul3A_586 : i32
    %add3A_588 = arith.constant 256 : i32
    %add3A_589 = arith.addi %mul3A_587, %add3A_588 : i32
    %add3A_590 = arith.constant 5120 : i32
    %add3A_591 = arith.addi %add3A_590, %add3A_589 : i32
    %add3A_592 = arith.constant 0 : i32
    %add3A_593 = arith.addi %add3A_591, %add3A_592 : i32
    %iota3A_594 = tpu.iota {dimensions = array<i32: 0>} : vector<16xi32>
    %add3A_595 = vector.broadcast %add3A_593 : i32 to vector<16xi32>
    %add3A_596 = arith.addi %iota3A_594, %add3A_595 : vector<16xi32>
    %swap3A_597 = arith.constant 0 : index
    %swap3A_598 = tpu.vector_load %arg19[%swap3A_597] {strides = array<i32>} : memref<64xi32, #tpu.memory_space<vmem>>, vector<16xi32>,
    %swap3A_599 = vector.shape_cast %swap3A_598 : vector<16xi32> to vector<16xi32>
    %swap3A_600 = vector.shape_cast %add3A_596 : vector<16xi32> to vector<16xi32>
    tpu.vector_store %arg19[%swap3A_597], %swap3A_600 {strides = array<i32>} : memref<64xi32, #tpu.memory_space<vmem>>, vector<16xi32>,
    %add3A_601 = arith.constant 5120 : i32
    %add3A_602 = arith.addi %add3A_601, %add3A_589 : i32
    %add3A_603 = arith.constant 16 : i32
    %add3A_604 = arith.addi %add3A_602, %add3A_603 : i32
    %iota3A_605 = tpu.iota {dimensions = array<i32: 0>} : vector<16xi32>
    %add3A_606 = vector.broadcast %add3A_604 : i32 to vector<16xi32>
    %add3A_607 = arith.addi %iota3A_605, %add3A_606 : vector<16xi32>
    %swap3A_608 = arith.constant 16 : index
    %swap3A_609 = tpu.vector_load %arg19[%swap3A_608] {strides = array<i32>} : memref<64xi32, #tpu.memory_space<vmem>>, vector<16xi32>,
    %swap3A_610 = vector.shape_cast %swap3A_609 : vector<16xi32> to vector<16xi32>
    %swap3A_611 = vector.shape_cast %add3A_607 : vector<16xi32> to vector<16xi32>
    tpu.vector_store %arg19[%swap3A_608], %swap3A_611 {strides = array<i32>} : memref<64xi32, #tpu.memory_space<vmem>>, vector<16xi32>,
    %add3A_612 = arith.constant 5120 : i32
    %add3A_613 = arith.addi %add3A_612, %add3A_589 : i32
    %add3A_614 = arith.constant 32 : i32
    %add3A_615 = arith.addi %add3A_613, %add3A_614 : i32
    %iota3A_616 = tpu.iota {dimensions = array<i32: 0>} : vector<16xi32>
    %add3A_617 = vector.broadcast %add3A_615 : i32 to vector<16xi32>
    %add3A_618 = arith.addi %iota3A_616, %add3A_617 : vector<16xi32>
    %swap3A_619 = arith.constant 32 : index
    %swap3A_620 = tpu.vector_load %arg19[%swap3A_619] {strides = array<i32>} : memref<64xi32, #tpu.memory_space<vmem>>, vector<16xi32>,
    %swap3A_621 = vector.shape_cast %swap3A_620 : vector<16xi32> to vector<16xi32>
    %swap3A_622 = vector.shape_cast %add3A_618 : vector<16xi32> to vector<16xi32>
    tpu.vector_store %arg19[%swap3A_619], %swap3A_622 {strides = array<i32>} : memref<64xi32, #tpu.memory_space<vmem>>, vector<16xi32>,
    %add3A_623 = arith.constant 5120 : i32
    %add3A_624 = arith.addi %add3A_623, %add3A_589 : i32
    %add3A_625 = arith.constant 48 : i32
    %add3A_626 = arith.addi %add3A_624, %add3A_625 : i32
    %iota3A_627 = tpu.iota {dimensions = array<i32: 0>} : vector<16xi32>
    %add3A_628 = vector.broadcast %add3A_626 : i32 to vector<16xi32>
    %add3A_629 = arith.addi %iota3A_627, %add3A_628 : vector<16xi32>
    %swap3A_630 = arith.constant 48 : index
    %swap3A_631 = tpu.vector_load %arg19[%swap3A_630] {strides = array<i32>} : memref<64xi32, #tpu.memory_space<vmem>>, vector<16xi32>,
    %swap3A_632 = vector.shape_cast %swap3A_631 : vector<16xi32> to vector<16xi32>
    %swap3A_633 = vector.shape_cast %add3A_629 : vector<16xi32> to vector<16xi32>
    tpu.vector_store %arg19[%swap3A_630], %swap3A_633 {strides = array<i32>} : memref<64xi32, #tpu.memory_space<vmem>>, vector<16xi32>,
    "tpu.region"() ({
      %run_scoped3A_652 = tpu.sem_alloc : memref<!tpu.dma_semaphore, #tpu.memory_space<semaphore_mem>>
      %dma_start3A_653 = arith.constant 0 : i32
      %dma_start3A_654 = arith.constant 0 : i32
      %dma_start3A_655 = tpu.memref_slice %arg17[%dma_start3A_653, %dma_start3A_654] : memref<128x128xf32, #tpu.memory_space<vmem>> -> memref<64x128xf32, #tpu.memory_space<vmem>>
      %dma_start3A_656 = arith.constant 0 : i32
      %dma_start3A_657 = tpu.memref_slice %arg20[%add3A_589, %dma_start3A_656] : memref<5248x128xf32, #tpu.memory_space<vmem_shared>> -> memref<64x128xf32, #tpu.memory_space<vmem_shared>>
      %dma_start3A_658 = arith.constant 0 : i32
      %dma_start3A_659 = arith.constant 0 : i32
      %dma_start3A_660 = tpu.memref_slice %arg17[%dma_start3A_658, %dma_start3A_659] : memref<128x128xf32, #tpu.memory_space<vmem>> -> memref<64x128xf32, #tpu.memory_space<vmem>>
      %dma_start3A_661 = arith.constant 0 : i32
      %dma_start3A_662 = tpu.memref_slice %arg20[%add3A_589, %dma_start3A_661] : memref<5248x128xf32, #tpu.memory_space<vmem_shared>> -> memref<64x128xf32, #tpu.memory_space<vmem_shared>>
      tpu.enqueue_dma source(%dma_start3A_662 : memref<64x128xf32, #tpu.memory_space<vmem_shared>>) target(%dma_start3A_660 : memref<64x128xf32, #tpu.memory_space<vmem>>) target_semaphore(%run_scoped3A_652 : memref<!tpu.dma_semaphore, #tpu.memory_space<semaphore_mem>>)
      %dma_wait3A_663 = arith.constant 0 : i32
      %dma_wait3A_664 = arith.constant 0 : i32
      %dma_wait3A_665 = tpu.memref_slice %arg17[%dma_wait3A_663, %dma_wait3A_664] : memref<128x128xf32, #tpu.memory_space<vmem>> -> memref<64x128xf32, #tpu.memory_space<vmem>>
      %dma_wait3A_666 = arith.constant 0 : i32
      %dma_wait3A_667 = tpu.memref_slice %arg20[%add3A_589, %dma_wait3A_666] : memref<5248x128xf32, #tpu.memory_space<vmem_shared>> -> memref<64x128xf32, #tpu.memory_space<vmem_shared>>
      %dma_wait3A_668 = arith.constant 0 : i32
      %dma_wait3A_669 = arith.constant 0 : i32
      %dma_wait3A_670 = tpu.memref_slice %arg17[%dma_wait3A_668, %dma_wait3A_669] : memref<128x128xf32, #tpu.memory_space<vmem>> -> memref<64x128xf32, #tpu.memory_space<vmem>>
      %dma_wait3A_671 = arith.constant 0 : i32
      %dma_wait3A_672 = tpu.memref_slice %arg20[%add3A_589, %dma_wait3A_671] : memref<5248x128xf32, #tpu.memory_space<vmem_shared>> -> memref<64x128xf32, #tpu.memory_space<vmem_shared>>
      tpu.wait_dma2 semaphore(%run_scoped3A_652 : memref<!tpu.dma_semaphore, #tpu.memory_space<semaphore_mem>>) src(%dma_wait3A_672 : memref<64x128xf32, #tpu.memory_space<vmem_shared>>) dst(%dma_wait3A_670 : memref<64x128xf32, #tpu.memory_space<vmem>>)
      tpu.yield
    }) : () -> ()
    %dma_start3A_634 = arith.constant 0 : i32
    %dma_start3A_635 = arith.constant 0 : i32
    %dma_start3A_636 = tpu.memref_slice %arg17[%dma_start3A_634, %dma_start3A_635] : memref<128x128xf32, #tpu.memory_space<vmem>> -> memref<64x128xf32, #tpu.memory_space<vmem>>
    %dma_start3A_637 = arith.constant 0 : i32
    %dma_start3A_638 = arith.constant 0 : i32
    %dma_start3A_639 = tpu.memref_slice %arg7[%dma_start3A_637, %dma_start3A_638] : memref<10240x128xf32, #tpu.memory_space<hbm>> -> memref<10240x128xf32, #tpu.memory_space<hbm>>
    tpu.enqueue_indirect_dma source(%dma_start3A_636 : memref<64x128xf32, #tpu.memory_space<vmem>>) target(%dma_start3A_639 : memref<10240x128xf32, #tpu.memory_space<hbm>>) offsets(%arg19 : memref<64xi32, #tpu.memory_space<vmem>>) semaphore(%arg22 : memref<!tpu.dma_semaphore, #tpu.memory_space<semaphore_mem>>)
    %dma_wait3A_640 = arith.constant 0 : i32
    %dma_wait3A_641 = arith.constant 0 : i32
    %dma_wait3A_642 = tpu.memref_slice %arg17[%dma_wait3A_640, %dma_wait3A_641] : memref<128x128xf32, #tpu.memory_space<vmem>> -> memref<64x128xf32, #tpu.memory_space<vmem>>
    %dma_wait3A_643 = arith.constant 0 : i32
    %dma_wait3A_644 = arith.constant 0 : i32
    %dma_wait3A_645 = tpu.memref_slice %arg7[%dma_wait3A_643, %dma_wait3A_644] : memref<10240x128xf32, #tpu.memory_space<hbm>> -> memref<10240x128xf32, #tpu.memory_space<hbm>>
    tpu.wait_indirect_dma semaphore(%arg22 : memref<!tpu.dma_semaphore, #tpu.memory_space<semaphore_mem>>) src(%dma_wait3A_642 : memref<64x128xf32, #tpu.memory_space<vmem>>) dst(%dma_wait3A_645 : memref<10240x128xf32, #tpu.memory_space<hbm>>)
    %lt3A_646 = arith.constant 10 : i32
    %lt3A_647 = arith.cmpi slt, %arg1, %lt3A_646 : i32
    %convert_element_type3A_648 = arith.extui %lt3A_647 : i1 to i32
    %cond3A_649 = arith.constant 0 : i32
    %cond3A_650 = arith.cmpi ne, %convert_element_type3A_648, %cond3A_649 : i32
    scf.if %cond3A_650 {
      %mul3A_652 = arith.constant 64 : i32
      %mul3A_653 = arith.muli %arg1, %mul3A_652 : i32
      %add3A_654 = arith.constant 640 : i32
      %add3A_655 = arith.addi %add3A_654, %mul3A_653 : i32
      %add3A_656 = arith.constant 0 : i32
      %add3A_657 = arith.addi %add3A_655, %add3A_656 : i32
      %iota3A_658 = tpu.iota {dimensions = array<i32: 0>} : vector<16xi32>
      %add3A_659 = vector.broadcast %add3A_657 : i32 to vector<16xi32>
      %add3A_660 = arith.addi %iota3A_658, %add3A_659 : vector<16xi32>
      %swap3A_661 = arith.constant 0 : index
      %swap3A_662 = tpu.vector_load %arg19[%swap3A_661] {strides = array<i32>} : memref<64xi32, #tpu.memory_space<vmem>>, vector<16xi32>,
      %swap3A_663 = vector.shape_cast %swap3A_662 : vector<16xi32> to vector<16xi32>
      %swap3A_664 = vector.shape_cast %add3A_660 : vector<16xi32> to vector<16xi32>
      tpu.vector_store %arg19[%swap3A_661], %swap3A_664 {strides = array<i32>} : memref<64xi32, #tpu.memory_space<vmem>>, vector<16xi32>,
      %mul3A_665 = arith.constant 64 : i32
      %mul3A_666 = arith.muli %arg1, %mul3A_665 : i32
      %add3A_667 = arith.constant 640 : i32
      %add3A_668 = arith.addi %add3A_667, %mul3A_666 : i32
      %add3A_669 = arith.constant 16 : i32
      %add3A_670 = arith.addi %add3A_668, %add3A_669 : i32
      %iota3A_671 = tpu.iota {dimensions = array<i32: 0>} : vector<16xi32>
      %add3A_672 = vector.broadcast %add3A_670 : i32 to vector<16xi32>
      %add3A_673 = arith.addi %iota3A_671, %add3A_672 : vector<16xi32>
      %swap3A_674 = arith.constant 16 : index
      %swap3A_675 = tpu.vector_load %arg19[%swap3A_674] {strides = array<i32>} : memref<64xi32, #tpu.memory_space<vmem>>, vector<16xi32>,
      %swap3A_676 = vector.shape_cast %swap3A_675 : vector<16xi32> to vector<16xi32>
      %swap3A_677 = vector.shape_cast %add3A_673 : vector<16xi32> to vector<16xi32>
      tpu.vector_store %arg19[%swap3A_674], %swap3A_677 {strides = array<i32>} : memref<64xi32, #tpu.memory_space<vmem>>, vector<16xi32>,
      %mul3A_678 = arith.constant 64 : i32
      %mul3A_679 = arith.muli %arg1, %mul3A_678 : i32
      %add3A_680 = arith.constant 640 : i32
      %add3A_681 = arith.addi %add3A_680, %mul3A_679 : i32
      %add3A_682 = arith.constant 32 : i32
      %add3A_683 = arith.addi %add3A_681, %add3A_682 : i32
      %iota3A_684 = tpu.iota {dimensions = array<i32: 0>} : vector<16xi32>
      %add3A_685 = vector.broadcast %add3A_683 : i32 to vector<16xi32>
      %add3A_686 = arith.addi %iota3A_684, %add3A_685 : vector<16xi32>
      %swap3A_687 = arith.constant 32 : index
      %swap3A_688 = tpu.vector_load %arg19[%swap3A_687] {strides = array<i32>} : memref<64xi32, #tpu.memory_space<vmem>>, vector<16xi32>,
      %swap3A_689 = vector.shape_cast %swap3A_688 : vector<16xi32> to vector<16xi32>
      %swap3A_690 = vector.shape_cast %add3A_686 : vector<16xi32> to vector<16xi32>
      tpu.vector_store %arg19[%swap3A_687], %swap3A_690 {strides = array<i32>} : memref<64xi32, #tpu.memory_space<vmem>>, vector<16xi32>,
      %mul3A_691 = arith.constant 64 : i32
      %mul3A_692 = arith.muli %arg1, %mul3A_691 : i32
      %add3A_693 = arith.constant 640 : i32
      %add3A_694 = arith.addi %add3A_693, %mul3A_692 : i32
      %add3A_695 = arith.constant 48 : i32
      %add3A_696 = arith.addi %add3A_694, %add3A_695 : i32
      %iota3A_697 = tpu.iota {dimensions = array<i32: 0>} : vector<16xi32>
      %add3A_698 = vector.broadcast %add3A_696 : i32 to vector<16xi32>
      %add3A_699 = arith.addi %iota3A_697, %add3A_698 : vector<16xi32>
      %swap3A_700 = arith.constant 48 : index
      %swap3A_701 = tpu.vector_load %arg19[%swap3A_700] {strides = array<i32>} : memref<64xi32, #tpu.memory_space<vmem>>, vector<16xi32>,
      %swap3A_702 = vector.shape_cast %swap3A_701 : vector<16xi32> to vector<16xi32>
      %swap3A_703 = vector.shape_cast %add3A_699 : vector<16xi32> to vector<16xi32>
      tpu.vector_store %arg19[%swap3A_700], %swap3A_703 {strides = array<i32>} : memref<64xi32, #tpu.memory_space<vmem>>, vector<16xi32>,
      %mul3A_704 = arith.constant 64 : i32
      %mul3A_705 = arith.muli %arg1, %mul3A_704 : i32
      "tpu.region"() ({
        %run_scoped3A_718 = tpu.sem_alloc : memref<!tpu.dma_semaphore, #tpu.memory_space<semaphore_mem>>
        %dma_start3A_719 = arith.constant 0 : i32
        %dma_start3A_720 = arith.constant 0 : i32
        %dma_start3A_721 = tpu.memref_slice %arg17[%dma_start3A_719, %dma_start3A_720] : memref<128x128xf32, #tpu.memory_space<vmem>> -> memref<64x128xf32, #tpu.memory_space<vmem>>
        %dma_start3A_722 = arith.constant 0 : i32
        %dma_start3A_723 = tpu.memref_slice %arg21[%mul3A_705, %dma_start3A_722] : memref<656x128xf32, #tpu.memory_space<vmem_shared>> -> memref<64x128xf32, #tpu.memory_space<vmem_shared>>
        %dma_start3A_724 = arith.constant 0 : i32
        %dma_start3A_725 = arith.constant 0 : i32
        %dma_start3A_726 = tpu.memref_slice %arg17[%dma_start3A_724, %dma_start3A_725] : memref<128x128xf32, #tpu.memory_space<vmem>> -> memref<64x128xf32, #tpu.memory_space<vmem>>
        %dma_start3A_727 = arith.constant 0 : i32
        %dma_start3A_728 = tpu.memref_slice %arg21[%mul3A_705, %dma_start3A_727] : memref<656x128xf32, #tpu.memory_space<vmem_shared>> -> memref<64x128xf32, #tpu.memory_space<vmem_shared>>
        tpu.enqueue_dma source(%dma_start3A_728 : memref<64x128xf32, #tpu.memory_space<vmem_shared>>) target(%dma_start3A_726 : memref<64x128xf32, #tpu.memory_space<vmem>>) target_semaphore(%run_scoped3A_718 : memref<!tpu.dma_semaphore, #tpu.memory_space<semaphore_mem>>)
        %dma_wait3A_729 = arith.constant 0 : i32
        %dma_wait3A_730 = arith.constant 0 : i32
        %dma_wait3A_731 = tpu.memref_slice %arg17[%dma_wait3A_729, %dma_wait3A_730] : memref<128x128xf32, #tpu.memory_space<vmem>> -> memref<64x128xf32, #tpu.memory_space<vmem>>
        %dma_wait3A_732 = arith.constant 0 : i32
        %dma_wait3A_733 = tpu.memref_slice %arg21[%mul3A_705, %dma_wait3A_732] : memref<656x128xf32, #tpu.memory_space<vmem_shared>> -> memref<64x128xf32, #tpu.memory_space<vmem_shared>>
        %dma_wait3A_734 = arith.constant 0 : i32
        %dma_wait3A_735 = arith.constant 0 : i32
        %dma_wait3A_736 = tpu.memref_slice %arg17[%dma_wait3A_734, %dma_wait3A_735] : memref<128x128xf32, #tpu.memory_space<vmem>> -> memref<64x128xf32, #tpu.memory_space<vmem>>
        %dma_wait3A_737 = arith.constant 0 : i32
        %dma_wait3A_738 = tpu.memref_slice %arg21[%mul3A_705, %dma_wait3A_737] : memref<656x128xf32, #tpu.memory_space<vmem_shared>> -> memref<64x128xf32, #tpu.memory_space<vmem_shared>>
        tpu.wait_dma2 semaphore(%run_scoped3A_718 : memref<!tpu.dma_semaphore, #tpu.memory_space<semaphore_mem>>) src(%dma_wait3A_738 : memref<64x128xf32, #tpu.memory_space<vmem_shared>>) dst(%dma_wait3A_736 : memref<64x128xf32, #tpu.memory_space<vmem>>)
        tpu.yield
      }) : () -> ()
      %dma_start3A_706 = arith.constant 0 : i32
      %dma_start3A_707 = arith.constant 0 : i32
      %dma_start3A_708 = tpu.memref_slice %arg17[%dma_start3A_706, %dma_start3A_707] : memref<128x128xf32, #tpu.memory_space<vmem>> -> memref<64x128xf32, #tpu.memory_space<vmem>>
      %dma_start3A_709 = arith.constant 0 : i32
      %dma_start3A_710 = arith.constant 0 : i32
      %dma_start3A_711 = tpu.memref_slice %arg8[%dma_start3A_709, %dma_start3A_710] : memref<1280x128xf32, #tpu.memory_space<hbm>> -> memref<1280x128xf32, #tpu.memory_space<hbm>>
      tpu.enqueue_indirect_dma source(%dma_start3A_708 : memref<64x128xf32, #tpu.memory_space<vmem>>) target(%dma_start3A_711 : memref<1280x128xf32, #tpu.memory_space<hbm>>) offsets(%arg19 : memref<64xi32, #tpu.memory_space<vmem>>) semaphore(%arg22 : memref<!tpu.dma_semaphore, #tpu.memory_space<semaphore_mem>>)
      %dma_wait3A_712 = arith.constant 0 : i32
      %dma_wait3A_713 = arith.constant 0 : i32
      %dma_wait3A_714 = tpu.memref_slice %arg17[%dma_wait3A_712, %dma_wait3A_713] : memref<128x128xf32, #tpu.memory_space<vmem>> -> memref<64x128xf32, #tpu.memory_space<vmem>>
      %dma_wait3A_715 = arith.constant 0 : i32
      %dma_wait3A_716 = arith.constant 0 : i32
      %dma_wait3A_717 = tpu.memref_slice %arg8[%dma_wait3A_715, %dma_wait3A_716] : memref<1280x128xf32, #tpu.memory_space<hbm>> -> memref<1280x128xf32, #tpu.memory_space<hbm>>
      tpu.wait_indirect_dma semaphore(%arg22 : memref<!tpu.dma_semaphore, #tpu.memory_space<semaphore_mem>>) src(%dma_wait3A_714 : memref<64x128xf32, #tpu.memory_space<vmem>>) dst(%dma_wait3A_717 : memref<1280x128xf32, #tpu.memory_space<hbm>>)
    } else {
    }
    %barrier3A_651 = arith.constant 0 : index
    tpu.barrier barrier_id(%barrier3A_651)
    return
  }
}

module attributes {stable_mosaic.version = 14 : i64} {
  func.func @_prep_body(%arg0: i32, %arg1: memref<512x128xf32, #tpu.memory_space<vmem>>, %arg2: memref<1x128xf32, #tpu.memory_space<vmem>>, %arg3: memref<1x128xf32, #tpu.memory_space<vmem>>, %arg4: memref<128x128xf32, #tpu.memory_space<vmem>>, %arg5: memref<1x128xf32, #tpu.memory_space<vmem>>, %arg6: memref<1x128xf32, #tpu.memory_space<vmem>>, %arg7: memref<128x128xf32, #tpu.memory_space<vmem>>, %arg8: memref<512x256xf32, #tpu.memory_space<vmem>>, %arg9: memref<512x128xf32, #tpu.memory_space<vmem>>, %arg10: memref<8x128xf32, #tpu.memory_space<vmem>>, %arg11: memref<8x128xf32, #tpu.memory_space<vmem>>, %arg12: memref<8x128xf32, #tpu.memory_space<vmem>>) attributes {dimension_semantics = [#tpu.dimension_semantics<arbitrary>], iteration_bounds = array<i64: 20>, scalar_prefetch = 0 : i64, scratch_operands = 0 : i64, tpu.core_type = #tpu.core_type<tc>, window_params = [{transform_indices = @transform_0, window_bounds = array<i64: 512, 128>}, {pipeline_mode = #tpu.pipeline_mode<synchronous>, transform_indices = @transform_1, window_bounds = array<i64: 1, 128>}, {pipeline_mode = #tpu.pipeline_mode<synchronous>, transform_indices = @transform_2, window_bounds = array<i64: 1, 128>}, {pipeline_mode = #tpu.pipeline_mode<synchronous>, transform_indices = @transform_3, window_bounds = array<i64: 128, 128>}, {pipeline_mode = #tpu.pipeline_mode<synchronous>, transform_indices = @transform_4, window_bounds = array<i64: 1, 128>}, {pipeline_mode = #tpu.pipeline_mode<synchronous>, transform_indices = @transform_5, window_bounds = array<i64: 1, 128>}, {pipeline_mode = #tpu.pipeline_mode<synchronous>, transform_indices = @transform_6, window_bounds = array<i64: 128, 128>}, {transform_indices = @transform_7, window_bounds = array<i64: 512, 256>}, {transform_indices = @transform_8, window_bounds = array<i64: 512, 128>}, {pipeline_mode = #tpu.pipeline_mode<synchronous>, transform_indices = @transform_9, window_bounds = array<i64: 8, 128>}, {pipeline_mode = #tpu.pipeline_mode<synchronous>, transform_indices = @transform_10, window_bounds = array<i64: 8, 128>}, {pipeline_mode = #tpu.pipeline_mode<synchronous>, transform_indices = @transform_11, window_bounds = array<i64: 8, 128>}]} {
    %get3A = arith.constant 0 : index
    %get3A_0 = arith.constant 0 : index
    %get3A_1 = vector.load %arg1[%get3A, %get3A_0] : memref<512x128xf32, #tpu.memory_space<vmem>>, vector<512x128xf32>
    %reduce_sum3A = arith.constant dense<0.000000e+00> : vector<512xf32>
    %reduce_sum3A_2 = vector.multi_reduction <add>, %get3A_1, %reduce_sum3A [1] : vector<512x128xf32> to vector<512xf32>
    %broadcast_in_dim3A = vector.shape_cast %reduce_sum3A_2 : vector<512xf32> to vector<512x1xf32>
    %div3A = arith.constant 1.280000e+02 : f32
    %div3A_3 = vector.broadcast %div3A : f32 to vector<512x1xf32>
    %div3A_4 = arith.divf %broadcast_in_dim3A, %div3A_3 : vector<512x1xf32>
    %sub3A = vector.broadcast %div3A_4 : vector<512x1xf32> to vector<512x128xf32>
    %sub3A_5 = arith.subf %get3A_1, %sub3A : vector<512x128xf32>
    %mul3A = arith.mulf %sub3A_5, %sub3A_5 : vector<512x128xf32>
    %reduce_sum3A_6 = arith.constant dense<0.000000e+00> : vector<512xf32>
    %reduce_sum3A_7 = vector.multi_reduction <add>, %mul3A, %reduce_sum3A_6 [1] : vector<512x128xf32> to vector<512xf32>
    %broadcast_in_dim3A_8 = vector.shape_cast %reduce_sum3A_7 : vector<512xf32> to vector<512x1xf32>
    %div3A_9 = arith.constant 1.270000e+02 : f32
    %div3A_10 = vector.broadcast %div3A_9 : f32 to vector<512x1xf32>
    %div3A_11 = arith.divf %broadcast_in_dim3A_8, %div3A_10 : vector<512x1xf32>
    %get3A_12 = arith.constant 0 : index
    %get3A_13 = arith.constant 0 : index
    %get3A_14 = vector.load %arg2[%get3A_12, %get3A_13] : memref<1x128xf32, #tpu.memory_space<vmem>>, vector<1x128xf32>
    %mul3A_15 = vector.broadcast %get3A_14 : vector<1x128xf32> to vector<512x128xf32>
    %mul3A_16 = arith.mulf %mul3A_15, %sub3A_5 : vector<512x128xf32>
    %sqrt3A = math.sqrt %div3A_11 : vector<512x1xf32>
    %add3A = arith.constant 9.99999997E-7 : f32
    %add3A_17 = vector.broadcast %add3A : f32 to vector<512x1xf32>
    %add3A_18 = arith.addf %sqrt3A, %add3A_17 : vector<512x1xf32>
    %div3A_19 = vector.broadcast %add3A_18 : vector<512x1xf32> to vector<512x128xf32>
    %div3A_20 = arith.divf %mul3A_16, %div3A_19 : vector<512x128xf32>
    %get3A_21 = arith.constant 0 : index
    %get3A_22 = arith.constant 0 : index
    %get3A_23 = vector.load %arg3[%get3A_21, %get3A_22] : memref<1x128xf32, #tpu.memory_space<vmem>>, vector<1x128xf32>
    %add3A_24 = vector.broadcast %get3A_23 : vector<1x128xf32> to vector<512x128xf32>
    %add3A_25 = arith.addf %div3A_20, %add3A_24 : vector<512x128xf32>
    %get3A_26 = arith.constant 0 : index
    %get3A_27 = arith.constant 0 : index
    %get3A_28 = vector.load %arg4[%get3A_26, %get3A_27] : memref<128x128xf32, #tpu.memory_space<vmem>>, vector<128x128xf32>
    %dot_general3A = arith.constant dense<0.000000e+00> : vector<512x128xf32>
    %dot_general3A_29 = tpu.matmul %add3A_25, %get3A_28, %dot_general3A {dimension_numbers = #tpu.dot_dimension_numbers<[1], [0], [0], [1], [0, 0, 1, 1], [], []>, transpose_lhs_hint = false} : vector<512x128xf32>, vector<128x128xf32>, vector<512x128xf32> -> vector<512x128xf32>
    %get3A_30 = arith.constant 0 : index
    %get3A_31 = arith.constant 0 : index
    %get3A_32 = vector.load %arg5[%get3A_30, %get3A_31] : memref<1x128xf32, #tpu.memory_space<vmem>>, vector<1x128xf32>
    %mul3A_33 = vector.broadcast %get3A_32 : vector<1x128xf32> to vector<512x128xf32>
    %mul3A_34 = arith.mulf %dot_general3A_29, %mul3A_33 : vector<512x128xf32>
    %get3A_35 = arith.constant 0 : index
    %get3A_36 = arith.constant 0 : index
    %get3A_37 = vector.load %arg7[%get3A_35, %get3A_36] : memref<128x128xf32, #tpu.memory_space<vmem>>, vector<128x128xf32>
    %dot_general3A_38 = arith.constant dense<0.000000e+00> : vector<512x128xf32>
    %dot_general3A_39 = tpu.matmul %mul3A_34, %get3A_37, %dot_general3A_38 {dimension_numbers = #tpu.dot_dimension_numbers<[1], [0], [0], [1], [0, 0, 1, 1], [], []>, transpose_lhs_hint = false} : vector<512x128xf32>, vector<128x128xf32>, vector<512x128xf32> -> vector<512x128xf32>
    %get3A_40 = arith.constant 0 : index
    %get3A_41 = arith.constant 0 : index
    %get3A_42 = vector.load %arg6[%get3A_40, %get3A_41] : memref<1x128xf32, #tpu.memory_space<vmem>>, vector<1x128xf32>
    %mul3A_43 = vector.broadcast %get3A_42 : vector<1x128xf32> to vector<512x128xf32>
    %mul3A_44 = arith.mulf %dot_general3A_29, %mul3A_43 : vector<512x128xf32>
    %get3A_45 = arith.constant 0 : index
    %get3A_46 = arith.constant 0 : index
    %get3A_47 = vector.load %arg7[%get3A_45, %get3A_46] : memref<128x128xf32, #tpu.memory_space<vmem>>, vector<128x128xf32>
    %dot_general3A_48 = arith.constant dense<0.000000e+00> : vector<512x128xf32>
    %dot_general3A_49 = tpu.matmul %mul3A_44, %get3A_47, %dot_general3A_48 {dimension_numbers = #tpu.dot_dimension_numbers<[1], [0], [0], [1], [0, 0, 1, 1], [], []>, transpose_lhs_hint = false} : vector<512x128xf32>, vector<128x128xf32>, vector<512x128xf32> -> vector<512x128xf32>
    %concatenate3A = tpu.concatenate %dot_general3A_29, %dot_general3A_39 in 1 : vector<512x128xf32>, vector<512x128xf32> -> vector<512x256xf32>
    %swap3A = arith.constant 0 : index
    %swap3A_50 = arith.constant 0 : index
    %swap3A_51 = vector.load %arg8[%swap3A, %swap3A_50] : memref<512x256xf32, #tpu.memory_space<vmem>>, vector<512x256xf32>
    tpu.vector_store %arg8[%swap3A, %swap3A_50], %concatenate3A {strides = array<i32>} : memref<512x256xf32, #tpu.memory_space<vmem>>, vector<512x256xf32>,
    %swap3A_52 = arith.constant 0 : index
    %swap3A_53 = arith.constant 0 : index
    %swap3A_54 = vector.load %arg9[%swap3A_52, %swap3A_53] : memref<512x128xf32, #tpu.memory_space<vmem>>, vector<512x128xf32>
    tpu.vector_store %arg9[%swap3A_52, %swap3A_53], %dot_general3A_49 {strides = array<i32>} : memref<512x128xf32, #tpu.memory_space<vmem>>, vector<512x128xf32>,
    %eq3A = arith.constant 0 : i32
    %eq3A_55 = arith.cmpi eq, %arg0, %eq3A : i32
    %convert_element_type3A = arith.extui %eq3A_55 : i1 to i32
    %cond3A = arith.constant 0 : i32
    %cond3A_56 = arith.cmpi ne, %convert_element_type3A, %cond3A : i32
    scf.if %cond3A_56 {
      %broadcast_in_dim3A_86 = arith.constant -1.000000e+30 : f32
      %broadcast_in_dim3A_87 = vector.broadcast %broadcast_in_dim3A_86 : f32 to vector<8x128xf32>
      %swap3A_88 = arith.constant 0 : index
      %swap3A_89 = arith.constant 0 : index
      %swap3A_90 = vector.load %arg10[%swap3A_88, %swap3A_89] : memref<8x128xf32, #tpu.memory_space<vmem>>, vector<8x128xf32>
      tpu.vector_store %arg10[%swap3A_88, %swap3A_89], %broadcast_in_dim3A_87 {strides = array<i32>} : memref<8x128xf32, #tpu.memory_space<vmem>>, vector<8x128xf32>,
      %broadcast_in_dim3A_91 = arith.constant -1.000000e+30 : f32
      %broadcast_in_dim3A_92 = vector.broadcast %broadcast_in_dim3A_91 : f32 to vector<8x128xf32>
      %swap3A_93 = arith.constant 0 : index
      %swap3A_94 = arith.constant 0 : index
      %swap3A_95 = vector.load %arg11[%swap3A_93, %swap3A_94] : memref<8x128xf32, #tpu.memory_space<vmem>>, vector<8x128xf32>
      tpu.vector_store %arg11[%swap3A_93, %swap3A_94], %broadcast_in_dim3A_92 {strides = array<i32>} : memref<8x128xf32, #tpu.memory_space<vmem>>, vector<8x128xf32>,
    } else {
    }
    %get3A_57 = arith.constant 0 : index
    %get3A_58 = arith.constant 0 : index
    %get3A_59 = vector.load %arg10[%get3A_57, %get3A_58] : memref<8x128xf32, #tpu.memory_space<vmem>>, vector<8x128xf32>
    %reduce_max3A = vector.shape_cast %dot_general3A_39 : vector<512x128xf32> to vector<1x512x128xf32>
    %reduce_max3A_60 = arith.constant dense<0xFF800000> : vector<1xf32>
    %reduce_max3A_61 = vector.multi_reduction <maximumf>, %reduce_max3A, %reduce_max3A_60 [1, 2] : vector<1x512x128xf32> to vector<1xf32>
    %reduce_max3A_62 = vector.shape_cast %reduce_max3A_61 : vector<1xf32> to vector<1x1x1xf32>
    %reduce_max3A_63 = vector.extract %reduce_max3A_62[0, 0, 0] : f32 from vector<1x1x1xf32>
    %max3A = vector.broadcast %reduce_max3A_63 : f32 to vector<8x128xf32>
    %max3A_64 = arith.maximumf %get3A_59, %max3A : vector<8x128xf32>
    %swap3A_65 = arith.constant 0 : index
    %swap3A_66 = arith.constant 0 : index
    %swap3A_67 = vector.load %arg10[%swap3A_65, %swap3A_66] : memref<8x128xf32, #tpu.memory_space<vmem>>, vector<8x128xf32>
    tpu.vector_store %arg10[%swap3A_65, %swap3A_66], %max3A_64 {strides = array<i32>} : memref<8x128xf32, #tpu.memory_space<vmem>>, vector<8x128xf32>,
    %get3A_68 = arith.constant 0 : index
    %get3A_69 = arith.constant 0 : index
    %get3A_70 = vector.load %arg11[%get3A_68, %get3A_69] : memref<8x128xf32, #tpu.memory_space<vmem>>, vector<8x128xf32>
    %reduce_max3A_71 = vector.shape_cast %dot_general3A_49 : vector<512x128xf32> to vector<1x512x128xf32>
    %reduce_max3A_72 = arith.constant dense<0xFF800000> : vector<1xf32>
    %reduce_max3A_73 = vector.multi_reduction <maximumf>, %reduce_max3A_71, %reduce_max3A_72 [1, 2] : vector<1x512x128xf32> to vector<1xf32>
    %reduce_max3A_74 = vector.shape_cast %reduce_max3A_73 : vector<1xf32> to vector<1x1x1xf32>
    %reduce_max3A_75 = vector.extract %reduce_max3A_74[0, 0, 0] : f32 from vector<1x1x1xf32>
    %max3A_76 = vector.broadcast %reduce_max3A_75 : f32 to vector<8x128xf32>
    %max3A_77 = arith.maximumf %get3A_70, %max3A_76 : vector<8x128xf32>
    %swap3A_78 = arith.constant 0 : index
    %swap3A_79 = arith.constant 0 : index
    %swap3A_80 = vector.load %arg11[%swap3A_78, %swap3A_79] : memref<8x128xf32, #tpu.memory_space<vmem>>, vector<8x128xf32>
    tpu.vector_store %arg11[%swap3A_78, %swap3A_79], %max3A_77 {strides = array<i32>} : memref<8x128xf32, #tpu.memory_space<vmem>>, vector<8x128xf32>,
    %eq3A_81 = arith.constant 19 : i32
    %eq3A_82 = arith.cmpi eq, %arg0, %eq3A_81 : i32
    %convert_element_type3A_83 = arith.extui %eq3A_82 : i1 to i32
    %cond3A_84 = arith.constant 0 : i32
    %cond3A_85 = arith.cmpi ne, %convert_element_type3A_83, %cond3A_84 : i32
    scf.if %cond3A_85 {
      %get3A_86 = arith.constant 0 : index
      %get3A_87 = arith.constant 0 : index
      %get3A_88 = vector.load %arg10[%get3A_86, %get3A_87] : memref<8x128xf32, #tpu.memory_space<vmem>>, vector<8x128xf32>
      %get3A_89 = arith.constant 0 : index
      %get3A_90 = arith.constant 0 : index
      %get3A_91 = vector.load %arg11[%get3A_89, %get3A_90] : memref<8x128xf32, #tpu.memory_space<vmem>>, vector<8x128xf32>
      %add3A_92 = arith.addf %get3A_88, %get3A_91 : vector<8x128xf32>
      %max3A_93 = arith.constant 0.000000e+00 : f32
      %max3A_94 = vector.broadcast %max3A_93 : f32 to vector<8x128xf32>
      %max3A_95 = arith.maximumf %add3A_92, %max3A_94 : vector<8x128xf32>
      %swap3A_96 = arith.constant 0 : index
      %swap3A_97 = arith.constant 0 : index
      %swap3A_98 = vector.load %arg12[%swap3A_96, %swap3A_97] : memref<8x128xf32, #tpu.memory_space<vmem>>, vector<8x128xf32>
      tpu.vector_store %arg12[%swap3A_96, %swap3A_97], %max3A_95 {strides = array<i32>} : memref<8x128xf32, #tpu.memory_space<vmem>>, vector<8x128xf32>,
    } else {
    }
    return
  }
  func.func @transform_0(%arg0: i32) -> (i32, i32) {
    %c0_i32 = arith.constant 0 : i32
    %c0_i32_0 = arith.constant 0 : i32
    return %arg0, %c0_i32 : i32, i32
  }
  func.func @transform_1(%arg0: i32) -> (i32, i32) {
    %c0_i32 = arith.constant 0 : i32
    %c0_i32_0 = arith.constant 0 : i32
    %c0_i32_1 = arith.constant 0 : i32
    return %c0_i32, %c0_i32_0 : i32, i32
  }
  func.func @transform_2(%arg0: i32) -> (i32, i32) {
    %c0_i32 = arith.constant 0 : i32
    %c0_i32_0 = arith.constant 0 : i32
    %c0_i32_1 = arith.constant 0 : i32
    return %c0_i32, %c0_i32_0 : i32, i32
  }
  func.func @transform_3(%arg0: i32) -> (i32, i32) {
    %c0_i32 = arith.constant 0 : i32
    %c0_i32_0 = arith.constant 0 : i32
    %c0_i32_1 = arith.constant 0 : i32
    return %c0_i32, %c0_i32_0 : i32, i32
  }
  func.func @transform_4(%arg0: i32) -> (i32, i32) {
    %c0_i32 = arith.constant 0 : i32
    %c0_i32_0 = arith.constant 0 : i32
    %c0_i32_1 = arith.constant 0 : i32
    return %c0_i32, %c0_i32_0 : i32, i32
  }
  func.func @transform_5(%arg0: i32) -> (i32, i32) {
    %c0_i32 = arith.constant 0 : i32
    %c0_i32_0 = arith.constant 0 : i32
    %c0_i32_1 = arith.constant 0 : i32
    return %c0_i32, %c0_i32_0 : i32, i32
  }
  func.func @transform_6(%arg0: i32) -> (i32, i32) {
    %c0_i32 = arith.constant 0 : i32
    %c0_i32_0 = arith.constant 0 : i32
    %c0_i32_1 = arith.constant 0 : i32
    return %c0_i32, %c0_i32_0 : i32, i32
  }
  func.func @transform_7(%arg0: i32) -> (i32, i32) {
    %c0_i32 = arith.constant 0 : i32
    %c0_i32_0 = arith.constant 0 : i32
    return %arg0, %c0_i32 : i32, i32
  }
  func.func @transform_8(%arg0: i32) -> (i32, i32) {
    %c0_i32 = arith.constant 0 : i32
    %c0_i32_0 = arith.constant 0 : i32
    return %arg0, %c0_i32 : i32, i32
  }
  func.func @transform_9(%arg0: i32) -> (i32, i32) {
    %c0_i32 = arith.constant 0 : i32
    %c0_i32_0 = arith.constant 0 : i32
    %c0_i32_1 = arith.constant 0 : i32
    return %c0_i32, %c0_i32_0 : i32, i32
  }
  func.func @transform_10(%arg0: i32) -> (i32, i32) {
    %c0_i32 = arith.constant 0 : i32
    %c0_i32_0 = arith.constant 0 : i32
    %c0_i32_1 = arith.constant 0 : i32
    return %c0_i32, %c0_i32_0 : i32, i32
  }
  func.func @transform_11(%arg0: i32) -> (i32, i32) {
    %c0_i32 = arith.constant 0 : i32
    %c0_i32_0 = arith.constant 0 : i32
    %c0_i32_1 = arith.constant 0 : i32
    return %c0_i32, %c0_i32_0 : i32, i32
  }
}

module attributes {stable_mosaic.version = 14 : i64} {
  func.func @_ffn_body(%arg0: i32, %arg1: memref<512x128xf32, #tpu.memory_space<vmem>>, %arg2: memref<512x128xf32, #tpu.memory_space<vmem>>, %arg3: memref<512x16xf32, #tpu.memory_space<vmem>>, %arg4: memref<16x128xf32, #tpu.memory_space<vmem>>, %arg5: memref<1x128xf32, #tpu.memory_space<vmem>>, %arg6: memref<1x128xf32, #tpu.memory_space<vmem>>, %arg7: memref<1x128xf32, #tpu.memory_space<vmem>>, %arg8: memref<128x512xf32, #tpu.memory_space<vmem>>, %arg9: memref<1x512xf32, #tpu.memory_space<vmem>>, %arg10: memref<512x128xf32, #tpu.memory_space<vmem>>, %arg11: memref<1x128xf32, #tpu.memory_space<vmem>>, %arg12: memref<512x128xf32, #tpu.memory_space<vmem>>) attributes {dimension_semantics = [#tpu.dimension_semantics<arbitrary>], iteration_bounds = array<i64: 20>, scalar_prefetch = 0 : i64, scratch_operands = 0 : i64, tpu.core_type = #tpu.core_type<tc>, window_params = [{transform_indices = @transform_0, window_bounds = array<i64: 512, 128>}, {transform_indices = @transform_1, window_bounds = array<i64: 512, 128>}, {transform_indices = @transform_2, window_bounds = array<i64: 512, 16>}, {pipeline_mode = #tpu.pipeline_mode<synchronous>, transform_indices = @transform_3, window_bounds = array<i64: 16, 128>}, {pipeline_mode = #tpu.pipeline_mode<synchronous>, transform_indices = @transform_4, window_bounds = array<i64: 1, 128>}, {pipeline_mode = #tpu.pipeline_mode<synchronous>, transform_indices = @transform_5, window_bounds = array<i64: 1, 128>}, {pipeline_mode = #tpu.pipeline_mode<synchronous>, transform_indices = @transform_6, window_bounds = array<i64: 1, 128>}, {pipeline_mode = #tpu.pipeline_mode<synchronous>, transform_indices = @transform_7, window_bounds = array<i64: 128, 512>}, {pipeline_mode = #tpu.pipeline_mode<synchronous>, transform_indices = @transform_8, window_bounds = array<i64: 1, 512>}, {pipeline_mode = #tpu.pipeline_mode<synchronous>, transform_indices = @transform_9, window_bounds = array<i64: 512, 128>}, {pipeline_mode = #tpu.pipeline_mode<synchronous>, transform_indices = @transform_10, window_bounds = array<i64: 1, 128>}, {transform_indices = @transform_11, window_bounds = array<i64: 512, 128>}]} {
    %get3A = arith.constant 0 : index
    %get3A_0 = arith.constant 0 : index
    %get3A_1 = vector.load %arg2[%get3A, %get3A_0] : memref<512x128xf32, #tpu.memory_space<vmem>>, vector<512x128xf32>
    %get3A_2 = arith.constant 0 : index
    %get3A_3 = arith.constant 0 : index
    %get3A_4 = vector.load %arg3[%get3A_2, %get3A_3] : memref<512x16xf32, #tpu.memory_space<vmem>>, vector<512x16xf32>
    %get3A_5 = arith.constant 0 : index
    %get3A_6 = arith.constant 0 : index
    %get3A_7 = vector.load %arg4[%get3A_5, %get3A_6] : memref<16x128xf32, #tpu.memory_space<vmem>>, vector<16x128xf32>
    %dot_general3A = arith.constant dense<0.000000e+00> : vector<512x128xf32>
    %dot_general3A_8 = tpu.matmul %get3A_4, %get3A_7, %dot_general3A {dimension_numbers = #tpu.dot_dimension_numbers<[1], [0], [0], [1], [0, 0, 1, 1], [], []>, transpose_lhs_hint = false} : vector<512x16xf32>, vector<16x128xf32>, vector<512x128xf32> -> vector<512x128xf32>
    %get3A_9 = arith.constant 0 : index
    %get3A_10 = arith.constant 0 : index
    %get3A_11 = vector.load %arg1[%get3A_9, %get3A_10] : memref<512x128xf32, #tpu.memory_space<vmem>>, vector<512x128xf32>
    %add3A = arith.constant 1.000000e-16 : f32
    %add3A_12 = vector.broadcast %add3A : f32 to vector<512x128xf32>
    %add3A_13 = arith.addf %dot_general3A_8, %add3A_12 : vector<512x128xf32>
    %div3A = arith.divf %get3A_1, %add3A_13 : vector<512x128xf32>
    %add3A_14 = arith.addf %get3A_11, %div3A : vector<512x128xf32>
    %get3A_15 = arith.constant 0 : index
    %get3A_16 = arith.constant 0 : index
    %get3A_17 = vector.load %arg5[%get3A_15, %get3A_16] : memref<1x128xf32, #tpu.memory_space<vmem>>, vector<1x128xf32>
    %add3A_18 = vector.broadcast %get3A_17 : vector<1x128xf32> to vector<512x128xf32>
    %add3A_19 = arith.addf %add3A_14, %add3A_18 : vector<512x128xf32>
    %reduce_sum3A = arith.constant dense<0.000000e+00> : vector<512xf32>
    %reduce_sum3A_20 = vector.multi_reduction <add>, %add3A_19, %reduce_sum3A [1] : vector<512x128xf32> to vector<512xf32>
    %broadcast_in_dim3A = vector.shape_cast %reduce_sum3A_20 : vector<512xf32> to vector<512x1xf32>
    %div3A_21 = arith.constant 1.280000e+02 : f32
    %div3A_22 = vector.broadcast %div3A_21 : f32 to vector<512x1xf32>
    %div3A_23 = arith.divf %broadcast_in_dim3A, %div3A_22 : vector<512x1xf32>
    %sub3A = vector.broadcast %div3A_23 : vector<512x1xf32> to vector<512x128xf32>
    %sub3A_24 = arith.subf %add3A_19, %sub3A : vector<512x128xf32>
    %mul3A = arith.mulf %sub3A_24, %sub3A_24 : vector<512x128xf32>
    %reduce_sum3A_25 = arith.constant dense<0.000000e+00> : vector<512xf32>
    %reduce_sum3A_26 = vector.multi_reduction <add>, %mul3A, %reduce_sum3A_25 [1] : vector<512x128xf32> to vector<512xf32>
    %broadcast_in_dim3A_27 = vector.shape_cast %reduce_sum3A_26 : vector<512xf32> to vector<512x1xf32>
    %div3A_28 = arith.constant 1.270000e+02 : f32
    %div3A_29 = vector.broadcast %div3A_28 : f32 to vector<512x1xf32>
    %div3A_30 = arith.divf %broadcast_in_dim3A_27, %div3A_29 : vector<512x1xf32>
    %get3A_31 = arith.constant 0 : index
    %get3A_32 = arith.constant 0 : index
    %get3A_33 = vector.load %arg6[%get3A_31, %get3A_32] : memref<1x128xf32, #tpu.memory_space<vmem>>, vector<1x128xf32>
    %mul3A_34 = vector.broadcast %get3A_33 : vector<1x128xf32> to vector<512x128xf32>
    %mul3A_35 = arith.mulf %mul3A_34, %sub3A_24 : vector<512x128xf32>
    %sqrt3A = math.sqrt %div3A_30 : vector<512x1xf32>
    %add3A_36 = arith.constant 9.99999997E-7 : f32
    %add3A_37 = vector.broadcast %add3A_36 : f32 to vector<512x1xf32>
    %add3A_38 = arith.addf %sqrt3A, %add3A_37 : vector<512x1xf32>
    %div3A_39 = vector.broadcast %add3A_38 : vector<512x1xf32> to vector<512x128xf32>
    %div3A_40 = arith.divf %mul3A_35, %div3A_39 : vector<512x128xf32>
    %get3A_41 = arith.constant 0 : index
    %get3A_42 = arith.constant 0 : index
    %get3A_43 = vector.load %arg7[%get3A_41, %get3A_42] : memref<1x128xf32, #tpu.memory_space<vmem>>, vector<1x128xf32>
    %add3A_44 = vector.broadcast %get3A_43 : vector<1x128xf32> to vector<512x128xf32>
    %add3A_45 = arith.addf %div3A_40, %add3A_44 : vector<512x128xf32>
    %get3A_46 = arith.constant 0 : index
    %get3A_47 = arith.constant 0 : index
    %get3A_48 = vector.load %arg8[%get3A_46, %get3A_47] : memref<128x512xf32, #tpu.memory_space<vmem>>, vector<128x512xf32>
    %dot_general3A_49 = arith.constant dense<0.000000e+00> : vector<512x512xf32>
    %dot_general3A_50 = tpu.matmul %add3A_45, %get3A_48, %dot_general3A_49 {dimension_numbers = #tpu.dot_dimension_numbers<[1], [0], [0], [1], [0, 0, 1, 1], [], []>, transpose_lhs_hint = false} : vector<512x128xf32>, vector<128x512xf32>, vector<512x512xf32> -> vector<512x512xf32>
    %get3A_51 = arith.constant 0 : index
    %get3A_52 = arith.constant 0 : index
    %get3A_53 = vector.load %arg9[%get3A_51, %get3A_52] : memref<1x512xf32, #tpu.memory_space<vmem>>, vector<1x512xf32>
    %add3A_54 = vector.broadcast %get3A_53 : vector<1x512xf32> to vector<512x512xf32>
    %add3A_55 = arith.addf %dot_general3A_50, %add3A_54 : vector<512x512xf32>
    %max3A = arith.constant 0.000000e+00 : f32
    %max3A_56 = vector.broadcast %max3A : f32 to vector<512x512xf32>
    %max3A_57 = arith.maximumf %add3A_55, %max3A_56 : vector<512x512xf32>
    %get3A_58 = arith.constant 0 : index
    %get3A_59 = arith.constant 0 : index
    %get3A_60 = vector.load %arg10[%get3A_58, %get3A_59] : memref<512x128xf32, #tpu.memory_space<vmem>>, vector<512x128xf32>
    %dot_general3A_61 = arith.constant dense<0.000000e+00> : vector<512x128xf32>
    %dot_general3A_62 = tpu.matmul %max3A_57, %get3A_60, %dot_general3A_61 {dimension_numbers = #tpu.dot_dimension_numbers<[1], [0], [0], [1], [0, 0, 1, 1], [], []>, transpose_lhs_hint = false} : vector<512x512xf32>, vector<512x128xf32>, vector<512x128xf32> -> vector<512x128xf32>
    %get3A_63 = arith.constant 0 : index
    %get3A_64 = arith.constant 0 : index
    %get3A_65 = vector.load %arg11[%get3A_63, %get3A_64] : memref<1x128xf32, #tpu.memory_space<vmem>>, vector<1x128xf32>
    %add3A_66 = vector.broadcast %get3A_65 : vector<1x128xf32> to vector<512x128xf32>
    %add3A_67 = arith.addf %dot_general3A_62, %add3A_66 : vector<512x128xf32>
    %add3A_68 = arith.addf %add3A_19, %add3A_67 : vector<512x128xf32>
    %swap3A = arith.constant 0 : index
    %swap3A_69 = arith.constant 0 : index
    %swap3A_70 = vector.load %arg12[%swap3A, %swap3A_69] : memref<512x128xf32, #tpu.memory_space<vmem>>, vector<512x128xf32>
    tpu.vector_store %arg12[%swap3A, %swap3A_69], %add3A_68 {strides = array<i32>} : memref<512x128xf32, #tpu.memory_space<vmem>>, vector<512x128xf32>,
    return
  }
  func.func @transform_0(%arg0: i32) -> (i32, i32) {
    %c0_i32 = arith.constant 0 : i32
    %c0_i32_0 = arith.constant 0 : i32
    return %arg0, %c0_i32 : i32, i32
  }
  func.func @transform_1(%arg0: i32) -> (i32, i32) {
    %c0_i32 = arith.constant 0 : i32
    %c0_i32_0 = arith.constant 0 : i32
    return %arg0, %c0_i32 : i32, i32
  }
  func.func @transform_2(%arg0: i32) -> (i32, i32) {
    %c0_i32 = arith.constant 0 : i32
    %c0_i32_0 = arith.constant 0 : i32
    return %arg0, %c0_i32 : i32, i32
  }
  func.func @transform_3(%arg0: i32) -> (i32, i32) {
    %c0_i32 = arith.constant 0 : i32
    %c0_i32_0 = arith.constant 0 : i32
    %c0_i32_1 = arith.constant 0 : i32
    return %c0_i32, %c0_i32_0 : i32, i32
  }
  func.func @transform_4(%arg0: i32) -> (i32, i32) {
    %c0_i32 = arith.constant 0 : i32
    %c0_i32_0 = arith.constant 0 : i32
    %c0_i32_1 = arith.constant 0 : i32
    return %c0_i32, %c0_i32_0 : i32, i32
  }
  func.func @transform_5(%arg0: i32) -> (i32, i32) {
    %c0_i32 = arith.constant 0 : i32
    %c0_i32_0 = arith.constant 0 : i32
    %c0_i32_1 = arith.constant 0 : i32
    return %c0_i32, %c0_i32_0 : i32, i32
  }
  func.func @transform_6(%arg0: i32) -> (i32, i32) {
    %c0_i32 = arith.constant 0 : i32
    %c0_i32_0 = arith.constant 0 : i32
    %c0_i32_1 = arith.constant 0 : i32
    return %c0_i32, %c0_i32_0 : i32, i32
  }
  func.func @transform_7(%arg0: i32) -> (i32, i32) {
    %c0_i32 = arith.constant 0 : i32
    %c0_i32_0 = arith.constant 0 : i32
    %c0_i32_1 = arith.constant 0 : i32
    return %c0_i32, %c0_i32_0 : i32, i32
  }
  func.func @transform_8(%arg0: i32) -> (i32, i32) {
    %c0_i32 = arith.constant 0 : i32
    %c0_i32_0 = arith.constant 0 : i32
    %c0_i32_1 = arith.constant 0 : i32
    return %c0_i32, %c0_i32_0 : i32, i32
  }
  func.func @transform_9(%arg0: i32) -> (i32, i32) {
    %c0_i32 = arith.constant 0 : i32
    %c0_i32_0 = arith.constant 0 : i32
    %c0_i32_1 = arith.constant 0 : i32
    return %c0_i32, %c0_i32_0 : i32, i32
  }
  func.func @transform_10(%arg0: i32) -> (i32, i32) {
    %c0_i32 = arith.constant 0 : i32
    %c0_i32_0 = arith.constant 0 : i32
    %c0_i32_1 = arith.constant 0 : i32
    return %c0_i32, %c0_i32_0 : i32, i32
  }
  func.func @transform_11(%arg0: i32) -> (i32, i32) {
    %c0_i32 = arith.constant 0 : i32
    %c0_i32_0 = arith.constant 0 : i32
    return %arg0, %c0_i32 : i32, i32
  }
}

</mosaic_0001>

<sc_bundles>
// kernel: kernel.5.cloned.1.call-start
scs
__scs_entry_jumppad:
0x0: {  	(pc) =	sbr.rel $0x88, $3  }
0x1: {  	(tag) =	ssettag $0x0;
	lr =	simm.s32 $0x1  }
0x2: {  	[smem:$0x3F93] =	sst lr;
	_ =	strace $0xD0000000  }
0x3: {  	_ = 	snop  }
0x4: {  	_ = 	snop  }
0x5: {  	_ = 	snop  }
0x6: {  	_ = 	snop  }
0x7: {  	_ = 	snop  }
__scs_overlays_trampoline_lowered:
0x8: {  	[smem:$0x3FA2] =	sst s0  }
0x9: {  	[smem:$0x3FA3] =	sst s1  }
0xa: {  	[smem:$0x3FA4] =	sst s2  }
0xb: {  	[smem:$0x3FA5] =	sst s3  }
0xc: {  	[smem:$0x3FA6] =	sst s4  }
0xd: {  	[smem:$0x3FA7] =	sst s5  }
0xe: {  	[smem:$0x3FA8] =	sst s6  }
0xf: {  	[smem:$0x3FA9] =	sst s7  }
0x10: {  	[smem:$0x3FAA] =	sst s8  }
0x11: {  	[smem:$0x3FAB] =	sst s9;
	s0 =	simm.s32 @!p0 $0x0  }
0x12: {  	s1 =	sld [smem:$0x3F91];
	s0 =	simm.s32 @p0 $0x1  }
0x13: {  	[smem:$0x3FAC] =	sst s0;
	s0 =	simm.s32 @!p1 $0x0  }
0x14: {  	s2 =	sld [smem:$0x3F90];
	s0 =	simm.s32 @p1 $0x1  }
0x15: {  	[smem:$0x3FAD] =	sst s0;
	s0 =	simm.s32 @!p2 $0x0  }
0x16: {  	s3 =	sld [smem:$0x3FDB];
	s0 =	simm.s32 @p2 $0x1  }
0x17: {  	s4 =	simm.s32 $0x1BF5;
	[smem:$0x3FAF] =	sst s0  }
0x18: {  	s0 =	sld [smem:$0x3F92];
	_ =	swait.ge [sflag:s4], $0x0  }
0x19: {  	s7 =	sld [smem:$0x3F93]  }
0x1a: {  	s8 =	sadd.s32 $0xFFFFE003, lr  }
0x1b: {  	s9 =	sadd.s32 $0xFFFFFEF7, lr;
	s5 =	simm.s32 $0xFFFFFFFF;
	p2 =	slt.u32 s8, $0xFFFFF086  }
0x1c: {  	p1 =	slt.u32 s9, $0xF7A;
	s5 =	simm.s32 @!p2 $0x0  }
0x1d: {  	s5 =	simm.s32 @p1 $0x1;
	p0 =	seq.s32 s7, s2  }
0x1e: {  	s7 =	smul.u32 @!p0 $0xF7A, s2;
	p2 =	seq.s32 @!p0 s5, $0x0  }
0x1f: {  	s9 =	smul.u32 $0xF7A, s1;
	s8 =	simm.s32 @!p0 $0x1BF5;
	p2 =	por !p2, p0  }
0x20: {  	[sflag:s8] =	ssyncset.s32 @!p0 $0xFFFFF086;
	s6 =	sadd.s32 @!p0 s3, s7;
	s7 =	simm.s32 @!p0 $0x108  }
0x21: {  	s3 =	sadd.s32 s3, s9;
	s6 =	sadd.s32 @!p0 $0x88, s6;
	s7 =	simm.s32 @p2 $0x1082  }
0x22: {  	[simem:s7], [sflag:s8] =	dma.local @!p0 [hbm:s6], $0xF7A  }
0x23: {  	s9 =	sor.u32 $0xD0000000, s2;
	s6 =	simm.s32 $0x108;
	_ =	swait.ge @!p0 [sflag:s8], $0x0  }
0x24: {  	s3 =	sadd.s32 $0x88, s3;
	s6 =	simm.s32 @!p1 $0x1082;
	[sflag:s4] =	ssyncset.s32 $0xFFFFF086  }
0x25: {  	[simem:s6], [sflag:s4] =	dma.local [hbm:s3], $0xF7A  }
0x26: {  	[smem:$0x3F93] =	sst s1;
	(tag) =	ssettag s2;
	_ =	strace s9  }
0x27: {  	s1 =	sld [smem:$0x3FA3]  }
0x28: {  	s2 =	sld [smem:$0x3FA4]  }
0x29: {  	s4 =	sld [smem:$0x3FA6]  }
0x2a: {  	p0 =	seq.s32 s5, $0x0;
	s5 =	sld [smem:$0x3FA7]  }
0x2b: {  	s6 =	sld [smem:$0x3FA8]  }
0x2c: {  	s7 =	sld [smem:$0x3FA9]  }
0x2d: {  	s3 =	simm.s32 $0x108;
	s8 =	sld [smem:$0x3FAA]  }
0x2e: {  	s3 =	simm.s32 @!p0 $0x1082;
	s9 =	sld [smem:$0x3FAB]  }
0x2f: {  	lr =	sadd.s32 s0, s3;
	s0 =	sld [smem:$0x3FA2]  }
0x30: {  	s3 =	sld [smem:$0x3FA5]  }
0x31: {  	[smem:$0x3FAE] =	sst s10  }
0x32: {  	s10 =	sld [smem:$0x3FAC];
	_ =	sdelay $0x3  }
0x33: {  	p0 =	seq.s32 s10, $0x1;
	s10 =	sld [smem:$0x3FAE];
	_ =	sdelay $0x3  }
0x34: {  	[smem:$0x3FAE] =	sst s10  }
0x35: {  	s10 =	sld [smem:$0x3FAD];
	_ =	sdelay $0x3  }
0x36: {  	p1 =	seq.s32 s10, $0x1;
	s10 =	sld [smem:$0x3FAE];
	_ =	sdelay $0x3  }
0x37: {  	[smem:$0x3FAE] =	sst s10  }
0x38: {  	s10 =	sld [smem:$0x3FAF]  }
0x39: {  	_ = 	snop;
	(pc) =	sbr.ind lr, $3  }
0x3a: {  	_ = 	snop  }
0x3b: {  	_ = 	snop  }
0x3c: {  	p2 =	seq.s32 s10, $0x1;
	s10 =	sld [smem:$0x3FAE]  }
0x3d: {  	_ =	shalt  }
0x3e: {  	_ =	shalt  }
0x3f: {  	_ =	shalt  }
0x40: {  	_ =	shalt  }
0x41: {  	_ =	shalt  }
0x42: {  	_ =	shalt  }
0x43: {  	_ =	shalt  }
0x44: {  	_ =	shalt  }
0x45: {  	_ =	shalt  }
0x46: {  	_ =	shalt  }
0x47: {  	_ =	shalt  }
0x48: {  	_ =	shalt  }
0x49: {  	_ =	shalt  }
0x4a: {  	_ =	shalt  }
0x4b: {  	_ =	shalt  }
0x4c: {  	_ =	shalt  }
0x4d: {  	_ =	shalt  }
0x4e: {  	_ =	shalt  }
0x4f: {  	_ =	shalt  }
0x50: {  	_ =	shalt  }
0x51: {  	_ =	shalt  }
0x52: {  	_ =	shalt  }
0x53: {  	_ =	shalt  }
0x54: {  	_ =	shalt  }
0x55: {  	_ =	shalt  }
0x56: {  	_ =	shalt  }
0x57: {  	_ =	shalt  }
0x58: {  	_ =	shalt  }
0x59: {  	_ =	shalt  }
0x5a: {  	_ =	shalt  }
0x5b: {  	_ =	shalt  }
0x5c: {  	_ =	shalt  }
0x5d: {  	_ =	shalt  }
0x5e: {  	_ =	shalt  }
0x5f: {  	_ =	shalt  }
0x60: {  	_ =	shalt  }
0x61: {  	_ =	shalt  }
0x62: {  	_ =	shalt  }
0x63: {  	_ =	shalt  }
0x64: {  	_ =	shalt  }
0x65: {  	_ =	shalt  }
0x66: {  	_ =	shalt  }
0x67: {  	_ =	shalt  }
0x68: {  	_ =	shalt  }
0x69: {  	_ =	shalt  }
0x6a: {  	_ =	shalt  }
0x6b: {  	_ =	shalt  }
0x6c: {  	_ =	shalt  }
0x6d: {  	_ =	shalt  }
0x6e: {  	_ =	shalt  }
0x6f: {  	_ =	shalt  }
0x70: {  	_ =	shalt  }
0x71: {  	_ =	shalt  }
0x72: {  	_ =	shalt  }
0x73: {  	_ =	shalt  }
0x74: {  	_ =	shalt  }
0x75: {  	_ =	shalt  }
0x76: {  	_ =	shalt  }
0x77: {  	_ =	shalt  }
0x78: {  	_ =	shalt  }
0x79: {  	_ =	shalt  }
0x7a: {  	_ =	shalt  }
0x7b: {  	_ =	shalt  }
0x7c: {  	_ =	shalt  }
0x7d: {  	_ =	shalt  }
0x7e: {  	_ =	shalt  }
0x7f: {  	_ =	shalt  }
0x80: {  	_ =	shalt  }
0x81: {  	_ =	shalt  }
0x82: {  	_ =	shalt  }
0x83: {  	_ =	shalt  }
0x84: {  	_ =	shalt  }
0x85: {  	_ =	shalt  }
0x86: {  	_ =	shalt  }
0x87: {  	_ =	shalt  }
.Lfunc_end0:
.L_simem_size_0:
called_computation_lowered:
.L_overlay_start_0:
0x88: {  	s0 =	sld [smem:$0x3FD9]  }
0x89: {  	s1 =	sld [smem:$0x3FFE];
	_ =	sdelay $0x3  }
0x8a: {  	s0 =	sadd.s32 s1, s0  }
0x8b: {  	[smem:$0x3FBA] =	sst s0  }
0x8c: {  	_ = 	snop  }
0x8d: {  	s0 =	sld [smem:$0x3FD0];
	(tm) =	ssettm $0x1  }
0x8e: {  	s16 =	sld [smem:$0x3FFB];
	_ =	sdelay $0x3  }
0x8f: {  	_ =	strace s16  }
0x90: {  	s1 =	sld [smem:$0x3FFC];
	_ =	sdelay $0x3  }
0x91: {  	_ =	strace s1  }
0x92: {  	s1 =	sld [smem:$0x3FFD];
	_ =	sdelay $0x3  }
0x93: {  	_ =	strace s1  }
0x94: {  	_ =	strace $0x8FFFFFFF  }
0x95: {  	s17 =	sld [smem:$0x3FDB];
	_ =	sdelay $0x1  }
0x96: {  	s2 =	simm.s32 $_scs_section_size  }
0x97: {  	s3 =	simm.s32 $_size__tile_overlayer_lowered;
	s4 =	simm.s32 $_tile_overlayer_lowered  }
0x98: {  	s20 =	simm.s32 $0x1BFF;
	s19 =	sshll.u32 s4, $0x1;
	s1 =	sadd.s32 s2, s17  }
0x99: {  	s5 =	simm.s32 $0x0;
	s18 =	sshll.u32 s3, $0x1;
	s3 =	sadd.s32 s19, s1  }
0x9a: {  	[timem:s5], [sflag:s20] =	dma.local [hbm:s3], s18  }
0x9b: {  	_ =	swait.ge [sflag:s20], s18  }
0x9c: {  	s2 =	ssub.s32 $0x0, s18;
	[sflag:s20] =	ssyncset.done $0x0  }
0x9d: {  	[sflag:s20] =	ssyncadd.s32 s2;
	_ =	sdelay $0x1  }
0x9e: {  	s21 =	simm.s32 $0x1B8B  }
0x9f: {  	_ =	swait.ge [sflag:s21], $0x1  }
0xa0: {  	[sflag:s21] =	ssyncset.done $0x0  }
0xa1: {  	s23 =	simm.s32 $0x1B8E;
	s22 =	sld [smem:$0x3FFE];
	[sflag:s21] =	ssyncadd.s32 $0xFFFFFFFF  }
0xa2: {  	s24 =	simm.s32 $execute0_lowered;
	[smem:$0x3FD2] =	sst s23  }
0xa3: {  	s3 =	sshll.u32 s24, $0x1;
	_ =	strace $0x80000046;
	[dreg:$0x1] =	wrdreg $0xFFFFFFFF  }
0xa4: {  	s25 =	simm.s32 $_size_execute0_lowered;
	s1 =	sadd.s32 s1, s3;
	[dreg:$0x0] =	wrdreg $0x0  }
0xa5: {  	s3 =	sshll.u32 s25, $0x1;
	[dreg:$0x2] =	wrdreg s1  }
0xa6: {  	[dreg:$0x3] =	wrdreg s3  }
0xa7: {  	[dreg:$0x4] =	wrdreg $0xC0  }
0xa8: {  	_ =	task [dreg:s5], $0x5FFFF  }
0xa9: {  	[dreg:$0x1] =	wrdreg $0xFFFFFFFF  }
0xaa: {  	[dreg:$0x0] =	wrdreg $0x60  }
0xab: {  	[dreg:$0x2] =	wrdreg s0  }
0xac: {  	[dreg:$0x3] =	wrdreg s22  }
0xad: {  	[dreg:$0x4] =	wrdreg $0x143800  }
0xae: {  	[dreg:$0x5] =	wrdreg $0x1E7800  }
0xaf: {  	[dreg:$0x6] =	wrdreg $0x9  }
0xb0: {  	_ =	task.clear_ibuf [dreg:s5], $0x7FFFF;
	_ =	strace $0x90000046  }
0xb1: {  	s26 =	simm.s32 $0x9;
	_ =	strace $0x80000048  }
0xb2: {  	_ =	swait.ge [sflag:s26], $0x1  }
0xb3: {  	[sflag:s26] =	ssyncadd.s32 $0xFFFFFFFF  }
0xb4: {  	_ =	strace $0x90000048  }
0xb5: {  	_ =	sfence  }
0xb6: {  	s28 =	sld [smem:$0x0];
	_ =	sdelay $0x1  }
0xb7: {  	s29 =	srdreg.scid  }
0xb8: {  	s30 =	sshll.u32 s29, $0xD;
	s31 =	sshrl.u32 s29, $0x2  }
0xb9: {  	s2 =	sand.u32 $0x4000, s30;
	s1 =	sand.u32 $0x1, s29;
	s0 =	sadd.s32 s31, s28  }
0xba: {  	s1 =	sor.u32 s2, s1;
	s0 =	sshll.u32 s0, $0x11  }
0xbb: {  	s0 =	sor.u32 s0, s1  }
0xbc: {  	s0 =	sadd.s32 $0x8F2B, s0  }
0xbd: {  	[sflag:s0] =	ssyncadd.remote.s32 $0x1  }
0xbe: {  	_ =	sfence.sel $0xFFFF  }
0xbf: {  	[dreg:$0x0] =	wrdreg $0xFFFFFFFF;
	(pc) =	sbr.abs _section_cstart, $3  }
0xc0: {  	[dreg:$0x1] =	wrdreg $0xFFFFFFFF  }
0xc1: {  	_ =	task.clear_ibuf [dreg:s5], $0x2FFFF;
	_ =	strace $0x9FFFFFFF  }
0xc2: {  	(tm) =	ssettm $0x7FFFFFFF  }
0xc3: {  	_ =	shalt  }
tec
execute0_lowered:
.L_overlay_start_1:
0x0: {  	(tag) =	ssettag $0x1  }
0x1: {  	s1 =	rddreg [dreg:$0x1]  }
0x2: {  	s0 =	simm.s32 $0x0;
	s3 =	simm.s32 $0x14280;
	s26 =	simm.s32 $0x3  }
0x3: {  	[smem:$0x7FF] =	sst s0;
	s2 =	sadd.s32 $0x84800, s1;
	s28 =	sadd.s32 $0x89A00, s1  }
0x4: {  	s7 =	sadd.s32 $0x2400, s1;
	_ =	strace $0x80000047;
	[dreg:$0x6] =	wrdreg s28  }
0x5: {  	[tilespmem:s3], [sflag:$0x3] =	stream.linear.gather [hbm4b:s2+s0], $0x10, $0x38;
	[tilespmem:$0x1FC00] =	vst v63  }
0x6: {  	s8 =	sadd.s32 $0xC800, s1;
	s9 =	sadd.s32 $0x5C800, s1;
	_ =	swait.ge [sflag:s26], $0x10  }
0x7: {  	s1 =	sadd.s32 $0x84A00, s1;
	s29 =	sand.u32 $0xFE00, s0;
	[sflag:s26] =	ssyncset.done $0x0  }
0x8: {  	s30 =	sand.u32 $0x70, s0;
	s31 =	sshrl.u32 s29, $0x2;
	[sflag:s26] =	ssyncadd.s32 $0xFFFFFFF0  }
0x9: {  	v1 =	vimm.f32 $0.0e+00;
	s2 =	sor.u32 s30, s31;
	[dreg:$0x5] =	wrdreg s1;
	s1 =	simm.s32 $0x40;
	v0 =	vld [tilespmem:$0x14280]  }
.LBB2_1:
0xa: {  	p0 =	sne.s32 s1, $0xFFC0  }
0xb: {  	[tilespmem:s2+$0x10280] =	vst v1;
	s0 =	sadd.s32 $0x10, s0;
	s2 =	smov.u32 s1;
	s1 =	sadd.s32 $0x40, s1  }
.Ltmp0:
0xc: {  	(pc) =	sbr.rel @p0 .LBB2_1-.Ltmp0, $4  }
0xd: {  	_ = 	snop  }
0xe: {  	s2 =	sand.u32 $0xFE00, s2  }
0xf: {  	s3 =	sand.u32 $0x70, s0;
	s2 =	sshrl.u32 s2, $0x2  }
0x10: {  	s2 =	sor.u32 s3, s2  }
0x11: {  	s1 =	stileid.u32  }
0x12: {  	s0 =	smul.u32 $0x29000, s1;
	_ =	sdelay $0x1  }
0x13: {  	s23 =	rddreg [dreg:$0x2];
	s0 =	sshrl.u32 s0, $0x2  }
0x14: {  	[tilespmem:s2+$0x10280] =	vst v1;
	s11 =	simm.s32 $0x10280;
	s16 =	simm.s32 $0x3;
	s0 =	sadd.s32 s0, s23  }
0x15: {  	[spmem:s0] =	stream.linear.scatter [tilespmem:s11], [sflag:$0x3], $0x4000, $0x38;
	[tilespmem:$0x1FC00] =	vst v63  }
0x16: {  	_ =	swait.ge [sflag:s16], $0x4000  }
0x17: {  	s2 =	sadd.s32 $0x4000, s0;
	[sflag:s16] =	ssyncset.done $0x0  }
0x18: {  	[dreg:$0x9] =	wrdreg s2;
	[sflag:s16] =	ssyncadd.s32 $0xFFFFC000  }
0x19: {  	[spmem:s2] =	stream.linear.scatter [tilespmem:s11], [sflag:$0x3], $0x4000, $0x38;
	[tilespmem:$0x1FC00] =	vst v63  }
0x1a: {  	_ =	swait.ge [sflag:s16], $0x4000  }
0x1b: {  	s24 =	sadd.s32 $0x8000, s0;
	[dreg:$0x8] =	wrdreg s0;
	[sflag:s16] =	ssyncset.done $0x0  }
0x1c: {  	[dreg:$0xa] =	wrdreg s24;
	[sflag:s16] =	ssyncadd.s32 $0xFFFFC000  }
0x1d: {  	[spmem:s24] =	stream.linear.scatter [tilespmem:s11], [sflag:$0x3], $0x2400, $0x38;
	[tilespmem:$0x1FC00] =	vst v63  }
0x1e: {  	s25 =	smul.u32 $0x5200, s1;
	_ =	swait.ge [sflag:s16], $0x2400  }
0x1f: {  	[sflag:s16] =	ssyncset.done $0x0  }
0x20: {  	s0 =	sshrl.u32 s25, $0x2;
	s26 =	rddreg [dreg:$0x3]  }
0x21: {  	s28 =	simm.s32 $0x7280;
	s29 =	simm.s32 $0x7A80;
	s0 =	sadd.s32 s0, s26  }
0x22: {  	s30 =	simm.s32 $0x1;
	[sflag:s16] =	ssyncadd.s32 $0xFFFFDC00;
	[dreg:$0xb] =	wrdreg s0  }
0x23: {  	v3 =	vlaneseq.u32;
	vm0 =	vmmov $0xffff;
	[spmem:s0] =	stream.linear.scatter [tilespmem:s11], [sflag:$0x3], $0x1480, $0x38;
	[tilespmem:$0x1FC00] =	vst v63  }
0x24: {  	v4 =	vimm.s32 $0x0;
	v5 =	vimm.s32 $0x1;
	v6 =	vimm.s32 $0x2;
	s31 =	simm.s32 $0x2;
	s13 =	simm.s32 $0x180;
	_ =	swait.ge [sflag:s16], $0x1480  }
0x25: {  	v7 =	vimm.s32 $0x3;
	v8 =	vimm.s32 $0x4;
	v9 =	vimm.s32 $0x5;
	s14 =	simm.s32 $0x200;
	s15 =	simm.s32 $0xC280;
	[sflag:s16] =	ssyncset.done $0x0  }
0x26: {  	v10 =	vimm.s32 $0x6;
	v11 =	vimm.s32 $0x7;
	s12 =	simm.s32 $0x0;
	s10 =	smul.u32 $0xA4, s1;
	v2 =	vshrl.u32 v3, $0x3;
	[sflag:s16] =	ssyncadd.s32 $0xFFFFEB80  }
0x27: {  	s1 =	simm.s32 $0x80;
	v1 =	vand.u32 $0x7, v3;
	v3 =	vor.u32 $0x8, v3;
	v2 =	vmul.u32 $0x8, v2;
	s0 =	simm.s32 $0x0;
	[bflag:$0x0] =	sbarrier.arrive $0xFFFF  }
.LBB2_3:
0x28: {  	s2 =	sadd.s32 s10, s12  }
0x29: {  	s3 =	rddreg [dreg:$0x0];
	s2 =	sshll.u32 s2, $0x4  }
0x2a: {  	s3 =	sadd.s32 s3, s2  }
0x2b: {  	[tilespmem:s0], [sflag:$0x3] =	stream.linear.gather [hbm4b:s3+s0], $0x80, $0x38;
	[tilespmem:$0x1FC00] =	vst v63  }
0x2c: {  	_ =	swait.ge [sflag:s16], $0x80  }
0x2d: {  	[sflag:s16] =	ssyncset.done $0x0  }
0x2e: {  	s2 =	sadd.s32 s7, s2;
	[sflag:s16] =	ssyncadd.s32 $0xFFFFFF80  }
0x2f: {  	[tilespmem:s1], [sflag:$0x3] =	stream.linear.gather [hbm4b:s2+s0], $0x80, $0x38;
	[tilespmem:$0x1FC00] =	vst v63  }
0x30: {  	_ =	swait.ge [sflag:s16], $0x80  }
0x31: {  	[sflag:s16] =	ssyncset.done $0x0  }
0x32: {  	[sflag:s16] =	ssyncadd.s32 $0xFFFFFF80  }
0x33: {  	v12 =	vld [tilespmem:$0x0];
	_ =	sdelay $0x4  }
0x34: {  	v13 =	vshll.u32 v12, $0x1  }
0x35: {  	v12 =	vand.u32 $0x7, v12;
	v13 =	vand.u32 $0xFFFFFFF0, v13  }
0x36: {  	v12 =	vor.u32 v12, v13  }
0x37: {  	v13 =	vperm.xlane v12, v1;
	_ =	sdelay $0x1  }
0x38: {  	v12 =	vperm.xlane v12, v3;
	v13 =	vadd.s32 v2, v13;
	_ =	sdelay $0x1  }
0x39: {  	v12 =	vadd.s32 v2, v12;
	_ =	sdelay $0x1  }
0x3a: {  	s3 =	simm.s32 $0x280  }
0x3b: {  	[tilespmem:s3], [sflag:$0x1] =	stream.indirect_vreg.gather [hbm4b:s8+s0], $0x80, v13, vm0, $0xb8;
	[tilespmem:$0x1FC00] =	vst v63  }
0x3c: {  	s4 =	simm.s32 $0xA80  }
0x3d: {  	[tilespmem:s4], [sflag:$0x1] =	stream.indirect_vreg.gather [hbm4b:s8+s0], $0x80, v12, vm0, $0xb8;
	[tilespmem:$0x1FC00] =	vst v63  }
0x3e: {  	v12 =	vld [tilespmem:$0x10];
	_ =	sdelay $0x4  }
0x3f: {  	v24 =	vshll.u32 v12, $0x1  }
0x40: {  	v12 =	vand.u32 $0x7, v12;
	v13 =	vand.u32 $0xFFFFFFF0, v24  }
0x41: {  	v12 =	vor.u32 v12, v13  }
0x42: {  	v13 =	vperm.xlane v12, v1;
	_ =	sdelay $0x1  }
0x43: {  	v12 =	vperm.xlane v12, v3;
	v13 =	vadd.s32 v2, v13;
	_ =	sdelay $0x1  }
0x44: {  	v12 =	vadd.s32 v2, v12;
	_ =	sdelay $0x1  }
0x45: {  	s5 =	simm.s32 $0x1280  }
0x46: {  	[tilespmem:s5], [sflag:$0x1] =	stream.indirect_vreg.gather [hbm4b:s8+s0], $0x80, v13, vm0, $0xb8;
	[tilespmem:$0x1FC00] =	vst v63  }
0x47: {  	s6 =	simm.s32 $0x1A80  }
0x48: {  	[tilespmem:s6], [sflag:$0x1] =	stream.indirect_vreg.gather [hbm4b:s8+s0], $0x80, v12, vm0, $0xb8;
	[tilespmem:$0x1FC00] =	vst v63  }
0x49: {  	v12 =	vld [tilespmem:$0x20];
	_ =	sdelay $0x4  }
0x4a: {  	v25 =	vshll.u32 v12, $0x1  }
0x4b: {  	v12 =	vand.u32 $0x7, v12;
	v13 =	vand.u32 $0xFFFFFFF0, v25  }
0x4c: {  	v12 =	vor.u32 v12, v13  }
0x4d: {  	v13 =	vperm.xlane v12, v1;
	_ =	sdelay $0x1  }
0x4e: {  	v12 =	vperm.xlane v12, v3;
	v13 =	vadd.s32 v2, v13;
	_ =	sdelay $0x1  }
0x4f: {  	v12 =	vadd.s32 v2, v12;
	_ =	sdelay $0x1  }
0x50: {  	s17 =	simm.s32 $0x2280  }
0x51: {  	[tilespmem:s17], [sflag:$0x1] =	stream.indirect_vreg.gather [hbm4b:s8+s0], $0x80, v13, vm0, $0xb8;
	[tilespmem:$0x1FC00] =	vst v63  }
0x52: {  	s18 =	simm.s32 $0x2A80  }
0x53: {  	[tilespmem:s18], [sflag:$0x1] =	stream.indirect_vreg.gather [hbm4b:s8+s0], $0x80, v12, vm0, $0xb8;
	[tilespmem:$0x1FC00] =	vst v63  }
0x54: {  	v12 =	vld [tilespmem:$0x30];
	_ =	sdelay $0x4  }
0x55: {  	v26 =	vshll.u32 v12, $0x1  }
0x56: {  	v12 =	vand.u32 $0x7, v12;
	v13 =	vand.u32 $0xFFFFFFF0, v26  }
0x57: {  	v12 =	vor.u32 v12, v13  }
0x58: {  	v13 =	vperm.xlane v12, v1;
	_ =	sdelay $0x1  }
0x59: {  	v12 =	vperm.xlane v12, v3;
	v13 =	vadd.s32 v2, v13;
	_ =	sdelay $0x1  }
0x5a: {  	v12 =	vadd.s32 v2, v12;
	_ =	sdelay $0x1  }
0x5b: {  	s19 =	simm.s32 $0x3280  }
0x5c: {  	[tilespmem:s19], [sflag:$0x1] =	stream.indirect_vreg.gather [hbm4b:s8+s0], $0x80, v13, vm0, $0xb8;
	[tilespmem:$0x1FC00] =	vst v63  }
0x5d: {  	s20 =	simm.s32 $0x3A80  }
0x5e: {  	[tilespmem:s20], [sflag:$0x1] =	stream.indirect_vreg.gather [hbm4b:s8+s0], $0x80, v12, vm0, $0xb8;
	[tilespmem:$0x1FC00] =	vst v63  }
0x5f: {  	v12 =	vld [tilespmem:$0x40];
	_ =	sdelay $0x4  }
0x60: {  	v27 =	vshll.u32 v12, $0x1  }
0x61: {  	v12 =	vand.u32 $0x7, v12;
	v13 =	vand.u32 $0xFFFFFFF0, v27  }
0x62: {  	v12 =	vor.u32 v12, v13  }
0x63: {  	v13 =	vperm.xlane v12, v1;
	_ =	sdelay $0x1  }
0x64: {  	v12 =	vperm.xlane v12, v3;
	v13 =	vadd.s32 v2, v13;
	_ =	sdelay $0x1  }
0x65: {  	v12 =	vadd.s32 v2, v12;
	_ =	sdelay $0x1  }
0x66: {  	s21 =	simm.s32 $0x4280  }
0x67: {  	[tilespmem:s21], [sflag:$0x1] =	stream.indirect_vreg.gather [hbm4b:s8+s0], $0x80, v13, vm0, $0xb8;
	[tilespmem:$0x1FC00] =	vst v63  }
0x68: {  	s22 =	simm.s32 $0x4A80  }
0x69: {  	[tilespmem:s22], [sflag:$0x1] =	stream.indirect_vreg.gather [hbm4b:s8+s0], $0x80, v12, vm0, $0xb8;
	[tilespmem:$0x1FC00] =	vst v63  }
0x6a: {  	v12 =	vld [tilespmem:$0x50];
	_ =	sdelay $0x4  }
0x6b: {  	v28 =	vshll.u32 v12, $0x1  }
0x6c: {  	v12 =	vand.u32 $0x7, v12;
	v13 =	vand.u32 $0xFFFFFFF0, v28  }
0x6d: {  	v12 =	vor.u32 v12, v13  }
0x6e: {  	v13 =	vperm.xlane v12, v1;
	_ =	sdelay $0x1  }
0x6f: {  	v12 =	vperm.xlane v12, v3;
	v13 =	vadd.s32 v2, v13;
	_ =	sdelay $0x1  }
0x70: {  	v12 =	vadd.s32 v2, v12;
	_ =	sdelay $0x1  }
0x71: {  	s23 =	simm.s32 $0x5280  }
0x72: {  	[tilespmem:s23], [sflag:$0x1] =	stream.indirect_vreg.gather [hbm4b:s8+s0], $0x80, v13, vm0, $0xb8;
	[tilespmem:$0x1FC00] =	vst v63  }
0x73: {  	s24 =	simm.s32 $0x5A80  }
0x74: {  	[tilespmem:s24], [sflag:$0x1] =	stream.indirect_vreg.gather [hbm4b:s8+s0], $0x80, v12, vm0, $0xb8;
	[tilespmem:$0x1FC00] =	vst v63  }
0x75: {  	v12 =	vld [tilespmem:$0x60];
	_ =	sdelay $0x4  }
0x76: {  	v29 =	vshll.u32 v12, $0x1  }
0x77: {  	v12 =	vand.u32 $0x7, v12;
	v13 =	vand.u32 $0xFFFFFFF0, v29  }
0x78: {  	v12 =	vor.u32 v12, v13  }
0x79: {  	v13 =	vperm.xlane v12, v1;
	_ =	sdelay $0x1  }
0x7a: {  	v12 =	vperm.xlane v12, v3;
	v13 =	vadd.s32 v2, v13;
	_ =	sdelay $0x1  }
0x7b: {  	v12 =	vadd.s32 v2, v12;
	_ =	sdelay $0x1  }
0x7c: {  	s25 =	simm.s32 $0x6280  }
0x7d: {  	[tilespmem:s25], [sflag:$0x1] =	stream.indirect_vreg.gather [hbm4b:s8+s0], $0x80, v13, vm0, $0xb8;
	[tilespmem:$0x1FC00] =	vst v63  }
0x7e: {  	s26 =	simm.s32 $0x6A80  }
0x7f: {  	[tilespmem:s26], [sflag:$0x1] =	stream.indirect_vreg.gather [hbm4b:s8+s0], $0x80, v12, vm0, $0xb8;
	[tilespmem:$0x1FC00] =	vst v63  }
0x80: {  	v12 =	vld [tilespmem:$0x70];
	_ =	sdelay $0x4  }
0x81: {  	v30 =	vshll.u32 v12, $0x1  }
0x82: {  	v12 =	vand.u32 $0x7, v12;
	v13 =	vand.u32 $0xFFFFFFF0, v30  }
0x83: {  	v12 =	vor.u32 v12, v13  }
0x84: {  	v13 =	vperm.xlane v12, v1;
	_ =	sdelay $0x1  }
0x85: {  	v12 =	vperm.xlane v12, v3;
	v13 =	vadd.s32 v2, v13;
	_ =	sdelay $0x1  }
0x86: {  	v12 =	vadd.s32 v2, v12;
	_ =	sdelay $0x2  }
0x87: {  	[tilespmem:s28], [sflag:$0x1] =	stream.indirect_vreg.gather [hbm4b:s8+s0], $0x80, v13, vm0, $0xb8;
	[tilespmem:$0x1FC00] =	vst v63  }
0x88: {  	_ = 	snop  }
0x89: {  	[tilespmem:s29], [sflag:$0x1] =	stream.indirect_vreg.gather [hbm4b:s8+s0], $0x80, v12, vm0, $0xb8;
	[tilespmem:$0x1FC00] =	vst v63  }
0x8a: {  	s6 =	simm.s32 $0x8280  }
0x8b: {  	[tilespmem:s6], [sflag:$0x2] =	stream.indirect.gather [hbm4b:s9+s1], $0x80, s1, s1, $0xb8;
	[tilespmem:$0x1FC00] =	vst v63  }
0x8c: {  	v12 =	vld [tilespmem:$0x80]  }
0x8d: {  	v13 =	vld [tilespmem:$0x80]  }
0x8e: {  	v18 =	vld [tilespmem:$0x90]  }
0x8f: {  	v42 =	vld [tilespmem:$0xB0];
	_ =	sdelay $0x2  }
0x90: {  	v14 =	vcvt.s32.f32 v12  }
0x91: {  	v18 =	vcvt.s32.f32 v18  }
0x92: {  	v35 =	vld [tilespmem:$0xA0];
	v12 =	vshrl.u32 v13, $0x3;
	v29 =	vcvt.s32.f32 v42;
	v31 =	vadd.f32 $1.000000000e+00, v14  }
0x93: {  	v16 =	vcvt.s32.f32 v12;
	v15 =	vsub.f32 $5.120000000e+03, v14;
	v36 =	vadd.f32 $1.000000000e+00, v18  }
0x94: {  	v21 =	vsub.f32 $5.120000000e+03, v18;
	v49 =	vadd.f32 $1.000000000e+00, v29  }
0x95: {  	v17 =	vsub.f32 $6.400000000e+02, v16;
	v32 =	vadd.f32 $1.000000000e+00, v16  }
0x96: {  	v48 =	vld [tilespmem:$0xC0];
	v13 =	vmax.f32 v31, $0.0e+00;
	v15 =	vmax.f32 v15, $0.0e+00;
	v37 =	vmax.f32 v36, $0.0e+00  }
0x97: {  	v38 =	vmax.f32 v21, $0.0e+00;
	v21 =	vcvt.s32.f32 v35;
	v31 =	vsub.f32 $5.120000000e+03, v29  }
0x98: {  	v50 =	vmax.f32 v49, $0.0e+00;
	v13 =	vmin.f32 v13, $1.000000000e+00;
	v15 =	vmin.f32 v15, $1.000000000e+00  }
0x99: {  	v17 =	vmax.f32 v17, $0.0e+00;
	v53 =	vmin.f32 v50, $1.000000000e+00;
	v13 =	vmul.f32 v15, v13  }
0x9a: {  	v15 =	vmin.f32 v32, $1.000000000e+00;
	v17 =	vmin.f32 v17, $1.000000000e+00;
	v45 =	vadd.f32 $1.000000000e+00, v21  }
0x9b: {  	v20 =	vld [tilespmem:$0x90];
	v51 =	vmax.f32 v31, $0.0e+00;
	v31 =	vcvt.s32.f32 v48;
	v15 =	vmul.f32 v17, v15  }
0x9c: {  	v46 =	vsub.f32 $5.120000000e+03, v21;
	v54 =	vmin.f32 v51, $1.000000000e+00;
	v19 =	vsub.f32 $1.000000000e+00, v13  }
0x9d: {  	v13 =	vmul.f32 v14, v13;
	v58 =	vsub.f32 $5.120000000e+03, v31;
	v17 =	vsub.f32 $1.000000000e+00, v15  }
0x9e: {  	v35 =	vmul.f32 v54, v53;
	v57 =	vadd.f32 $1.000000000e+00, v31;
	v33 =	vmul.f32 $5.120000000e+03, v19  }
0x9f: {  	v23 =	vld [tilespmem:$0xA0];
	v15 =	vmul.f32 v16, v15;
	v60 =	vmax.f32 v58, $0.0e+00;
	v34 =	vmul.f32 $6.400000000e+02, v17  }
0xa0: {  	v17 =	vmax.f32 v45, $0.0e+00;
	v14 =	vadd.f32 v33, v13;
	v13 =	vshrl.u32 v20, $0x3  }
0xa1: {  	v17 =	vmin.f32 v17, $1.000000000e+00;
	v22 =	vcvt.s32.f32 v13;
	v19 =	vadd.f32 v34, v15  }
0xa2: {  	v33 =	vld [tilespmem:$0xC0];
	v15 =	vmin.f32 v38, $1.000000000e+00;
	v24 =	vtrunc.f32 v14;
	v14 =	vmin.f32 v37, $1.000000000e+00  }
0xa3: {  	v25 =	vld [tilespmem:$0xB0];
	v39 =	vsub.f32 $6.400000000e+02, v22;
	v40 =	vadd.f32 $1.000000000e+00, v22;
	v15 =	vmul.f32 v15, v14  }
0xa4: {  	v34 =	vld [tilespmem:$0xD0];
	v14 =	vshrl.u32 v23, $0x3;
	v24 =	vcvt.f32.s32 v24;
	v19 =	vtrunc.f32 v19  }
0xa5: {  	v23 =	vcvt.s32.f32 v14;
	v19 =	vcvt.f32.s32 v19;
	v41 =	vmax.f32 v39, $0.0e+00  }
0xa6: {  	v36 =	vld [tilespmem:$0xD0];
	v43 =	vmin.f32 v40, $1.000000000e+00;
	v26 =	vmul.f32 v18, v15;
	v27 =	vsub.f32 $1.000000000e+00, v15  }
0xa7: {  	v63 =	vld [tilespmem:$0xE0];
	v15 =	vmax.f32 v46, $0.0e+00;
	v16 =	vshrl.u32 v33, $0x3;
	v44 =	vmin.f32 v41, $1.000000000e+00  }
0xa8: {  	v47 =	vadd.f32 $1.000000000e+00, v23;
	v28 =	vsub.f32 $6.400000000e+02, v23;
	v30 =	vmin.f32 v15, $1.000000000e+00  }
0xa9: {  	v15 =	vshrl.u32 v25, $0x3;
	v37 =	vcvt.s32.f32 v16;
	v33 =	vcvt.s32.f32 v34  }
0xaa: {  	v25 =	vmax.f32 v57, $0.0e+00;
	v20 =	vmul.f32 v44, v43;
	v32 =	vcvt.s32.f32 v15  }
0xab: {  	v30 =	vmul.f32 v30, v17;
	v59 =	vmin.f32 v25, $1.000000000e+00;
	v17 =	vshrl.u32 v36, $0x3  }
0xac: {  	v36 =	vcvt.s32.f32 v63;
	v27 =	vmul.f32 $5.120000000e+03, v27;
	v18 =	vmin.f32 v47, $1.000000000e+00  }
0xad: {  	v28 =	vmax.f32 v28, $0.0e+00;
	v61 =	vsub.f32 $6.400000000e+02, v37;
	v62 =	vadd.f32 $1.000000000e+00, v37  }
0xae: {  	v39 =	vadd.f32 $1.000000000e+00, v33;
	v40 =	vcvt.s32.f32 v17;
	v42 =	vsub.f32 $5.120000000e+03, v33  }
0xaf: {  	v22 =	vmul.f32 v22, v20;
	v52 =	vadd.f32 $1.000000000e+00, v32;
	v55 =	vsub.f32 $6.400000000e+02, v32  }
0xb0: {  	v28 =	vmin.f32 v28, $1.000000000e+00;
	v53 =	vadd.f32 $1.000000000e+00, v36;
	v46 =	vsub.f32 $5.120000000e+03, v36  }
0xb1: {  	v20 =	vsub.f32 $1.000000000e+00, v20;
	v21 =	vmul.f32 v21, v30;
	v30 =	vsub.f32 $1.000000000e+00, v30  }
0xb2: {  	v26 =	vadd.f32 v27, v26;
	v28 =	vmul.f32 v28, v18;
	v25 =	vmax.f32 v61, $0.0e+00  }
0xb3: {  	v47 =	vmax.f32 v39, $0.0e+00;
	v48 =	vsub.f32 $6.400000000e+02, v40;
	v49 =	vmax.f32 v42, $0.0e+00  }
0xb4: {  	v50 =	vadd.f32 $1.000000000e+00, v40;
	v56 =	vmin.f32 v52, $1.000000000e+00;
	v18 =	vmax.f32 v55, $0.0e+00  }
0xb5: {  	v25 =	vmin.f32 v25, $1.000000000e+00;
	v43 =	vmin.f32 v47, $1.000000000e+00;
	v44 =	vmin.f32 v49, $1.000000000e+00  }
0xb6: {  	v54 =	vmax.f32 v46, $0.0e+00;
	v20 =	vmul.f32 $6.400000000e+02, v20;
	v26 =	vtrunc.f32 v26  }
0xb7: {  	v18 =	vmin.f32 v18, $1.000000000e+00;
	v51 =	vmax.f32 v48, $0.0e+00;
	v42 =	vmin.f32 v50, $1.000000000e+00  }
0xb8: {  	v41 =	vld [tilespmem:$0xE0];
	v43 =	vmul.f32 v44, v43;
	v44 =	vmin.f32 v54, $1.000000000e+00;
	v23 =	vmul.f32 v23, v28  }
0xb9: {  	v28 =	vsub.f32 $1.000000000e+00, v28;
	v63 =	vcvt.f32.s32 v26;
	v38 =	vmul.f32 v18, v56  }
0xba: {  	v52 =	vld [tilespmem:$0xF0];
	v18 =	vmin.f32 v60, $1.000000000e+00;
	v45 =	vmin.f32 v51, $1.000000000e+00;
	v20 =	vadd.f32 v20, v22  }
0xbb: {  	v51 =	vsub.f32 $1.000000000e+00, v35;
	v34 =	vmul.f32 v18, v59;
	v18 =	vmin.f32 v62, $1.000000000e+00  }
0xbc: {  	v48 =	vld [tilespmem:$0xF0];
	v42 =	vmul.f32 v45, v42;
	v62 =	vmul.f32 $5.120000000e+03, v30;
	v30 =	vsub.f32 $1.000000000e+00, v43  }
0xbd: {  	v25 =	vmul.f32 v25, v18;
	v18 =	vshrl.u32 v41, $0x3;
	v41 =	vmax.f32 v53, $0.0e+00  }
0xbe: {  	v20 =	vtrunc.f32 v20;
	v53 =	vsub.f32 $1.000000000e+00, v38;
	v54 =	vmul.f32 $5.120000000e+03, v51  }
0xbf: {  	v47 =	vcvt.s32.f32 v18;
	v41 =	vmin.f32 v41, $1.000000000e+00;
	v39 =	vcvt.s32.f32 v52  }
0xc0: {  	v21 =	vadd.f32 v62, v21;
	v52 =	vmul.f32 v32, v38;
	v20 =	vcvt.f32.s32 v20  }
0xc1: {  	v32 =	vsub.f32 $1.000000000e+00, v42;
	v41 =	vmul.f32 v44, v41;
	v46 =	vshrl.u32 v48, $0x3  }
0xc2: {  	v62 =	vmul.f32 v37, v25;
	v25 =	vsub.f32 $1.000000000e+00, v25;
	v55 =	vsub.f32 $6.400000000e+02, v47  }
0xc3: {  	v56 =	vadd.f32 $1.000000000e+00, v47;
	v57 =	vadd.f32 $1.000000000e+00, v39;
	v21 =	vtrunc.f32 v21  }
0xc4: {  	v49 =	vsub.f32 $5.120000000e+03, v39;
	v50 =	vcvt.s32.f32 v46;
	v21 =	vcvt.f32.s32 v21  }
0xc5: {  	v37 =	vmul.f32 v36, v41;
	v45 =	vmax.f32 v55, $0.0e+00;
	v44 =	vmin.f32 v56, $1.000000000e+00  }
0xc6: {  	v58 =	vmax.f32 v57, $0.0e+00;
	v59 =	vmax.f32 v49, $0.0e+00;
	v60 =	vsub.f32 $6.400000000e+02, v50  }
0xc7: {  	v61 =	vadd.f32 $1.000000000e+00, v50;
	v55 =	vmul.f32 $6.400000000e+02, v53;
	v56 =	vmul.f32 v31, v34  }
0xc8: {  	[tilespmem:$0x100] =	vst v12;
	v57 =	vsub.f32 $1.000000000e+00, v34;
	v31 =	vmul.f32 v40, v42;
	v45 =	vmin.f32 v45, $1.000000000e+00  }
0xc9: {  	[tilespmem:$0x110] =	vst v13;
	v34 =	vmul.f32 $5.120000000e+03, v30;
	v48 =	vmin.f32 v59, $1.000000000e+00;
	v44 =	vmul.f32 v45, v44  }
0xca: {  	[tilespmem:$0x120] =	vst v14;
	v45 =	vmin.f32 v58, $1.000000000e+00;
	v49 =	vmax.f32 v60, $0.0e+00;
	v60 =	vmul.f32 $5.120000000e+03, v57  }
0xcb: {  	[tilespmem:$0x180] =	vst v24;
	v45 =	vmul.f32 v48, v45;
	v48 =	vmin.f32 v61, $1.000000000e+00;
	v49 =	vmin.f32 v49, $1.000000000e+00  }
0xcc: {  	[tilespmem:$0x200] =	vst v19;
	v12 =	vadd.f32 v55, v52;
	v27 =	vmul.f32 v49, v48;
	v48 =	vmul.f32 $6.400000000e+02, v28  }
0xcd: {  	[tilespmem:$0x140] =	vst v16;
	v38 =	vsub.f32 $1.000000000e+00, v41;
	v49 =	vmul.f32 v29, v35;
	v28 =	vmul.f32 $6.400000000e+02, v25  }
0xce: {  	[tilespmem:$0x190] =	vst v63;
	v63 =	vadd.f32 v60, v56;
	v29 =	vmul.f32 v33, v43;
	v12 =	vtrunc.f32 v12  }
0xcf: {  	[tilespmem:$0x130] =	vst v15;
	v35 =	vmul.f32 $6.400000000e+02, v32;
	v43 =	vmul.f32 $5.120000000e+03, v38;
	v51 =	vsub.f32 $1.000000000e+00, v44  }
0xd0: {  	[tilespmem:$0x150] =	vst v17;
	v12 =	vcvt.f32.s32 v12;
	v23 =	vadd.f32 v48, v23;
	v33 =	vtrunc.f32 v63  }
0xd1: {  	[tilespmem:$0x160] =	vst v18;
	v58 =	vadd.f32 v54, v49;
	v49 =	vmul.f32 v47, v44;
	v53 =	vmul.f32 $6.400000000e+02, v51  }
0xd2: {  	[tilespmem:$0x210] =	vst v20;
	v20 =	vadd.f32 v28, v62;
	v54 =	vmul.f32 v39, v45;
	v56 =	vmul.f32 v50, v27  }
0xd3: {  	[tilespmem:$0x1A0] =	vst v21;
	v40 =	vadd.f32 v34, v29;
	v21 =	vcvt.f32.s32 v33;
	v59 =	vtrunc.f32 v23  }
0xd4: {  	[tilespmem:$0x170] =	vst v46;
	v55 =	vsub.f32 $1.000000000e+00, v45;
	v61 =	vtrunc.f32 v58;
	v42 =	vtrunc.f32 v20  }
0xd5: {  	v57 =	vsub.f32 $1.000000000e+00, v27;
	[tilespmem:$0x230] =	vst v12;
	v48 =	vtrunc.f32 v40;
	v19 =	vcvt.f32.s32 v59  }
0xd6: {  	v52 =	vadd.f32 v43, v37;
	v58 =	vmul.f32 $5.120000000e+03, v55;
	v13 =	vcvt.f32.s32 v61;
	[tilespmem:$0x1C0] =	vst v21  }
0xd7: {  	v15 =	vadd.f32 v53, v49;
	v60 =	vmul.f32 $6.400000000e+02, v57;
	v12 =	vcvt.f32.s32 v48;
	[tilespmem:$0x220] =	vst v19  }
0xd8: {  	v41 =	vadd.f32 v35, v31;
	v14 =	vcvt.f32.s32 v42;
	v59 =	vtrunc.f32 v52;
	[tilespmem:$0x1B0] =	vst v13  }
0xd9: {  	v61 =	vadd.f32 v58, v54;
	v15 =	vtrunc.f32 v15;
	[tilespmem:$0x1D0] =	vst v12;
	v12 =	vcvt.f32.s32 v59  }
0xda: {  	[tilespmem:$0x240] =	vst v14;
	v13 =	vtrunc.f32 v41;
	v14 =	vadd.f32 v60, v56;
	v15 =	vcvt.f32.s32 v15  }
0xdb: {  	v13 =	vcvt.f32.s32 v13;
	v62 =	vtrunc.f32 v61;
	[tilespmem:$0x1E0] =	vst v12  }
0xdc: {  	[tilespmem:$0x260] =	vst v15;
	v12 =	vcvt.f32.s32 v62;
	v63 =	vtrunc.f32 v14  }
0xdd: {  	[tilespmem:$0x250] =	vst v13;
	v13 =	vcvt.f32.s32 v63  }
0xde: {  	[tilespmem:$0x1F0] =	vst v12  }
0xdf: {  	[tilespmem:$0x270] =	vst v13  }
0xe0: {  	_ =	swait.ge [sflag:s30], $0x8000  }
0xe1: {  	[sflag:s30] =	ssyncset.done $0x0  }
0xe2: {  	[sflag:s30] =	ssyncadd.s32 $0xFFFF8000  }
0xe3: {  	_ =	swait.ge [sflag:s31], $0x4000  }
0xe4: {  	s4 =	simm.s32 $0x0;
	s17 =	simm.s32 $0x102C0;
	[sflag:s31] =	ssyncset.done $0x0  }
0xe5: {  	s19 =	simm.s32 $0x0;
	s21 =	simm.s32 $0xC2C0;
	[sflag:s31] =	ssyncadd.s32 $0xFFFFC000  }
.LBB2_4:
0xe6: {  	s20 =	simm.s32 $0x0  }
0xe7: {  	s2 =	sand.u32 $0x7800, s4;
	s3 =	sand.u32 $0x380, s20  }
0xe8: {  	v12 =	vld [tilespmem:s6+$0x0];
	s2 =	sor.u32 s3, s2  }
0xe9: {  	v13 =	vld [tilespmem:s2+$0x680];
	_ =	sdelay $0x4  }
0xea: {  	v12 =	vadd.f32 v12, v13;
	_ =	sdelay $0x1  }
0xeb: {  	v13 =	vmul.f32 $2.000000030e-01, v12  }
0xec: {  	vm1 =	vge.f32 v12, $0.0e+00  }
0xed: {  	v12 =	vsel vm1, v12, v13  }
0xee: {  	v12 =	vsub.f32 v12, v0;
	_ =	sdelay $0x1  }
0xef: {  	v12 =	vmul.f32 $1.442695020e+00, v12;
	_ =	sdelay $0x1  }
0xf0: {  	(erf) = vpow2.f32 v12;
	_ =	sdelay $0x6  }
0xf1: {  	v12 =	vld [tilespmem:s2+$0x280];
	_ =	sdelay $0x1  }
0xf2: {  	v13 =	vpop (erf)  }
0xf3: {  	v14 =	vperm.xlane v13, v4;
	_ =	sdelay $0x1  }
0xf4: {  	v12 =	vmul.f32 v12, v14  }
0xf5: {  	s26 =	sshll.u32 s19, $0x4  }
0xf6: {  	v14 =	vld [tilespmem:s26+$0x80];
	[tilespmem:s17+$0xFFFFFFC0] =	vst v12  }
0xf7: {  	v12 =	vld [tilespmem:s2+$0x290];
	_ =	sdelay $0x2  }
0xf8: {  	v15 =	vperm.xlane v13, v5;
	_ =	sdelay $0x1  }
0xf9: {  	v12 =	vmul.f32 v12, v15;
	_ =	sdelay $0x1  }
0xfa: {  	[tilespmem:s17+$0xFFFFFFD0] =	vst v12  }
0xfb: {  	v12 =	vld [tilespmem:s2+$0x2A0];
	_ =	sdelay $0x2  }
0xfc: {  	v15 =	vperm.xlane v13, v6;
	_ =	sdelay $0x1  }
0xfd: {  	v12 =	vmul.f32 v12, v15;
	_ =	sdelay $0x1  }
0xfe: {  	[tilespmem:s17+$0xFFFFFFE0] =	vst v12  }
0xff: {  	v12 =	vld [tilespmem:s2+$0x2B0];
	_ =	sdelay $0x2  }
0x100: {  	v15 =	vperm.xlane v13, v7;
	_ =	sdelay $0x1  }
0x101: {  	v12 =	vmul.f32 v12, v15;
	_ =	sdelay $0x1  }
0x102: {  	[tilespmem:s17+$0xFFFFFFF0] =	vst v12  }
0x103: {  	v12 =	vld [tilespmem:s2+$0x2C0];
	_ =	sdelay $0x2  }
0x104: {  	v15 =	vperm.xlane v13, v8;
	_ =	sdelay $0x1  }
0x105: {  	v12 =	vmul.f32 v12, v15;
	_ =	sdelay $0x1  }
0x106: {  	[tilespmem:s17+$0x0] =	vst v12  }
0x107: {  	v12 =	vld [tilespmem:s2+$0x2D0];
	_ =	sdelay $0x2  }
0x108: {  	v15 =	vperm.xlane v13, v9;
	_ =	sdelay $0x1  }
0x109: {  	v15 =	vmul.f32 v12, v15  }
0x10a: {  	v14 =	vand.u32 $0x7, v14  }
0x10b: {  	v12 =	vcvt.s32.f32 v14;
	[tilespmem:s17+$0x10] =	vst v15  }
0x10c: {  	v14 =	vmov s20;
	v15 =	vld [tilespmem:s2+$0x2E0]  }
0x10d: {  	v14 =	vperm.xlane v12, v14;
	_ =	sdelay $0x1  }
0x10e: {  	v18 =	vperm.xlane v13, v10;
	v16 =	vadd.f32 $-5.000000000e+00, v14;
	v17 =	vadd.f32 $-6.000000000e+00, v14  }
0x10f: {  	v25 =	vperm.xlane v13, v11;
	v19 =	vadd.f32 $-2.000000000e+00, v14;
	v20 =	vadd.f32 $-4.000000000e+00, v14  }
0x110: {  	v21 =	vadd.f32 $-7.000000000e+00, v14;
	v22 =	vand.u32 $0x7FFFFFFF, v14;
	v15 =	vmul.f32 v15, v18  }
0x111: {  	v16 =	vand.u32 $0x7FFFFFFF, v16;
	v17 =	vand.u32 $0x7FFFFFFF, v17;
	v19 =	vand.u32 $0x7FFFFFFF, v19  }
0x112: {  	v16 =	vsub.f32 $1.000000000e+00, v16;
	v19 =	vsub.f32 $1.000000000e+00, v19;
	v18 =	vand.u32 $0x7FFFFFFF, v20;
	[tilespmem:s17+$0x20] =	vst v15  }
0x113: {  	v20 =	vsub.f32 $1.000000000e+00, v17;
	v15 =	vand.u32 $0x7FFFFFFF, v21;
	v21 =	vadd.f32 $-1.000000000e+00, v14;
	v23 =	vld [tilespmem:s2+$0x2F0]  }
0x114: {  	v17 =	vadd.f32 $-3.000000000e+00, v14;
	v18 =	vsub.f32 $1.000000000e+00, v18;
	v14 =	vmax.f32 v16, $0.0e+00  }
0x115: {  	v20 =	vmax.f32 v20, $0.0e+00;
	v24 =	vsub.f32 $1.000000000e+00, v15;
	v16 =	vand.u32 $0x7FFFFFFF, v21  }
0x116: {  	v14 =	vmul.f32 v13, v14;
	v18 =	vmax.f32 v18, $0.0e+00;
	v21 =	vsub.f32 $1.000000000e+00, v16  }
0x117: {  	v15 =	vand.u32 $0x7FFFFFFF, v17;
	v20 =	vmul.f32 v13, v20;
	v16 =	vmul.f32 v13, v18  }
0x118: {  	v18 =	vmax.f32 v21, $0.0e+00;
	v21 =	vmax.f32 v24, $0.0e+00;
	v23 =	vmul.f32 v23, v25  }
0x119: {  	s22 =	simm.s32 $0x1;
	s23 =	sadd.s32 $0x80, s21;
	s18 =	smov.u32 s4;
	v17 =	vsub.f32 $1.000000000e+00, v15;
	v15 =	vmax.f32 v19, $0.0e+00;
	v21 =	vmul.f32 v13, v21  }
0x11a: {  	s5 =	smov.u32 s6;
	s3 =	sadd.s32 $0x80, s17;
	s2 =	smov.u32 s21;
	v19 =	vsub.f32 $1.000000000e+00, v22;
	v15 =	vmul.f32 v13, v15;
	v18 =	vmul.f32 v13, v18;
	[tilespmem:s17+$0x30] =	vst v23  }
.LBB2_5:
0x11b: {  	[tilespmem:s2+$0x30] =	vst v21;
	s20 =	sadd.s32 $0x80, s20;
	s18 =	sadd.s32 $0x100, s18;
	s5 =	sadd.s32 $0x80, s5  }
0x11c: {  	p0 =	sne.s32 s22, $0xF;
	v17 =	vmax.f32 v17, $0.0e+00;
	s25 =	smov.u32 s22;
	s22 =	sadd.s32 $0x1, s22;
	[tilespmem:s2+$0x20] =	vst v20  }
0x11d: {  	v17 =	vmul.f32 v13, v17;
	[tilespmem:s2+$0x10] =	vst v14  }
0x11e: {  	[tilespmem:s2+$0x0] =	vst v16  }
0x11f: {  	v14 =	vmax.f32 v19, $0.0e+00;
	[tilespmem:s2+$0xFFFFFFF0] =	vst v17  }
0x120: {  	v13 =	vmul.f32 v13, v14;
	[tilespmem:s2+$0xFFFFFFE0] =	vst v15  }
0x121: {  	[tilespmem:s2+$0xFFFFFFD0] =	vst v18  }
0x122: {  	s24 =	sand.u32 $0x7800, s18;
	s26 =	sand.u32 $0x380, s20;
	[tilespmem:s2+$0xFFFFFFC0] =	vst v13;
	s2 =	smov.u32 s23  }
0x123: {  	s24 =	sor.u32 s26, s24;
	v13 =	vld [tilespmem:s5+$0x0]  }
0x124: {  	v14 =	vld [tilespmem:s24+$0x680];
	_ =	sdelay $0x4  }
0x125: {  	v13 =	vadd.f32 v13, v14;
	_ =	sdelay $0x1  }
0x126: {  	v14 =	vmul.f32 $2.000000030e-01, v13  }
0x127: {  	vm1 =	vge.f32 v13, $0.0e+00  }
0x128: {  	v13 =	vsel vm1, v13, v14  }
0x129: {  	v13 =	vsub.f32 v13, v0;
	_ =	sdelay $0x1  }
0x12a: {  	v13 =	vmul.f32 $1.442695020e+00, v13;
	_ =	sdelay $0x1  }
0x12b: {  	(erf) = vpow2.f32 v13  }
0x12c: {  	v13 =	vmov s25  }
0x12d: {  	v15 =	vperm.xlane v12, v13;
	_ =	sdelay $0x1  }
0x12e: {  	v18 =	vand.u32 $0x7FFFFFFF, v15;
	v13 =	vadd.f32 $-5.000000000e+00, v15;
	v14 =	vadd.f32 $-6.000000000e+00, v15  }
0x12f: {  	v16 =	vadd.f32 $-2.000000000e+00, v15;
	v17 =	vadd.f32 $-4.000000000e+00, v15  }
0x130: {  	v19 =	vadd.f32 $-7.000000000e+00, v15;
	v13 =	vand.u32 $0x7FFFFFFF, v13;
	v14 =	vand.u32 $0x7FFFFFFF, v14  }
0x131: {  	v17 =	vand.u32 $0x7FFFFFFF, v17;
	v24 =	vsub.f32 $1.000000000e+00, v13;
	v21 =	vsub.f32 $1.000000000e+00, v14;
	v20 =	vld [tilespmem:s24+$0x280]  }
0x132: {  	v14 =	vadd.f32 $-3.000000000e+00, v15;
	v22 =	vsub.f32 $1.000000000e+00, v17;
	v17 =	vand.u32 $0x7FFFFFFF, v19  }
0x133: {  	v16 =	vand.u32 $0x7FFFFFFF, v16;
	v23 =	vsub.f32 $1.000000000e+00, v17;
	v19 =	vmax.f32 v24, $0.0e+00;
	v13 =	vpop (erf)  }
0x134: {  	v17 =	vand.u32 $0x7FFFFFFF, v14;
	v24 =	vperm.xlane v13, v4;
	v14 =	vmul.f32 v13, v19  }
0x135: {  	v25 =	vsub.f32 $1.000000000e+00, v16;
	v16 =	vmax.f32 v22, $0.0e+00;
	v17 =	vsub.f32 $1.000000000e+00, v17  }
0x136: {  	v15 =	vadd.f32 $-1.000000000e+00, v15;
	v16 =	vmul.f32 v13, v16;
	v20 =	vmul.f32 v20, v24  }
0x137: {  	v19 =	vsub.f32 $1.000000000e+00, v18;
	v18 =	vmax.f32 v25, $0.0e+00  }
0x138: {  	[tilespmem:s3+$0xFFFFFFC0] =	vst v20;
	v20 =	vand.u32 $0x7FFFFFFF, v15;
	v15 =	vmul.f32 v13, v18  }
0x139: {  	v22 =	vld [tilespmem:s24+$0x290];
	v18 =	vsub.f32 $1.000000000e+00, v20;
	_ =	sdelay $0x1  }
0x13a: {  	v18 =	vmax.f32 v18, $0.0e+00  }
0x13b: {  	v20 =	vperm.xlane v13, v5;
	v18 =	vmul.f32 v13, v18;
	_ =	sdelay $0x1  }
0x13c: {  	v20 =	vmul.f32 v22, v20;
	_ =	sdelay $0x1  }
0x13d: {  	[tilespmem:s3+$0xFFFFFFD0] =	vst v20  }
0x13e: {  	v20 =	vld [tilespmem:s24+$0x2A0];
	_ =	sdelay $0x2  }
0x13f: {  	v22 =	vperm.xlane v13, v6;
	_ =	sdelay $0x1  }
0x140: {  	v20 =	vmul.f32 v20, v22;
	_ =	sdelay $0x1  }
0x141: {  	[tilespmem:s3+$0xFFFFFFE0] =	vst v20  }
0x142: {  	v20 =	vld [tilespmem:s24+$0x2B0];
	_ =	sdelay $0x2  }
0x143: {  	v22 =	vperm.xlane v13, v7;
	_ =	sdelay $0x1  }
0x144: {  	v20 =	vmul.f32 v20, v22;
	_ =	sdelay $0x1  }
0x145: {  	[tilespmem:s3+$0xFFFFFFF0] =	vst v20  }
0x146: {  	v20 =	vld [tilespmem:s24+$0x2C0];
	_ =	sdelay $0x2  }
0x147: {  	v22 =	vperm.xlane v13, v8;
	_ =	sdelay $0x1  }
0x148: {  	v20 =	vmul.f32 v20, v22;
	_ =	sdelay $0x1  }
0x149: {  	[tilespmem:s3+$0x0] =	vst v20  }
0x14a: {  	v20 =	vld [tilespmem:s24+$0x2D0];
	_ =	sdelay $0x2  }
0x14b: {  	v22 =	vperm.xlane v13, v9;
	_ =	sdelay $0x1  }
0x14c: {  	v20 =	vmul.f32 v20, v22;
	_ =	sdelay $0x1  }
0x14d: {  	[tilespmem:s3+$0x10] =	vst v20  }
0x14e: {  	v20 =	vld [tilespmem:s24+$0x2E0];
	_ =	sdelay $0x2  }
0x14f: {  	v22 =	vperm.xlane v13, v10;
	_ =	sdelay $0x1  }
0x150: {  	v20 =	vmul.f32 v20, v22;
	_ =	sdelay $0x1  }
0x151: {  	[tilespmem:s3+$0x20] =	vst v20  }
0x152: {  	v20 =	vld [tilespmem:s24+$0x2F0];
	_ =	sdelay $0x2  }
.Ltmp1:
0x153: {  	v22 =	vperm.xlane v13, v11;
	(pc) =	sbr.rel @p0 .LBB2_5-.Ltmp1, $4  }
0x154: {  	_ = 	snop  }
0x155: {  	v20 =	vmul.f32 v20, v22;
	v22 =	vmax.f32 v23, $0.0e+00  }
0x156: {  	v23 =	vmax.f32 v21, $0.0e+00;
	v21 =	vmul.f32 v13, v22  }
0x157: {  	s23 =	sadd.s32 $0x80, s23;
	[tilespmem:s3+$0x30] =	vst v20;
	v20 =	vmul.f32 v13, v23;
	s3 =	sadd.s32 $0x80, s3  }
0x158: {  	[tilespmem:s2+$0x30] =	vst v21  }
0x159: {  	[tilespmem:s2+$0x10] =	vst v14;
	s19 =	sadd.s32 $0x1, s19  }
0x15a: {  	[tilespmem:s2+$0x0] =	vst v16;
	p0 =	sne.s32 s19, $0x8  }
.Ltmp2:
0x15b: {  	v12 =	vmax.f32 v17, $0.0e+00;
	[tilespmem:s2+$0xFFFFFFE0] =	vst v15;
	(pc) =	sbr.rel @p0 .LBB2_4-.Ltmp2, $4  }
0x15c: {  	v62 =	vmax.f32 v19, $0.0e+00;
	[tilespmem:s2+$0xFFFFFFD0] =	vst v18;
	v12 =	vmul.f32 v13, v12  }
0x15d: {  	[tilespmem:s2+$0x20] =	vst v20;
	v63 =	vmul.f32 v13, v62  }
0x15e: {  	s4 =	sadd.s32 $0x1000, s4;
	[tilespmem:s2+$0xFFFFFFF0] =	vst v12  }
0x15f: {  	s6 =	sadd.s32 $0x800, s6;
	s21 =	sadd.s32 $0x800, s21;
	s17 =	sadd.s32 $0x800, s17;
	[tilespmem:s2+$0xFFFFFFC0] =	vst v63  }
0x160: {  	s2 =	rddreg [dreg:$0x2]  }
0x161: {  	[spmem:s2] =	stream.indirect.scatter.add.f32 [tilespmem:s11], [sflag:$0x3], $0x80, s13, s1, $0xb8;
	[tilespmem:$0x1FC00] =	vst v63  }
0x162: {  	_ =	swait.ge [sflag:s16], $0x4000  }
0x163: {  	s12 =	sadd.s32 $0x1, s12;
	[sflag:s16] =	ssyncset.done $0x0  }
0x164: {  	p0 =	sne.s32 s12, $0xA4;
	[sflag:s16] =	ssyncadd.s32 $0xFFFFC000  }
.Ltmp3:
0x165: {  	s26 =	rddreg [dreg:$0x3];
	(pc) =	sbr.rel @p0 .LBB2_3-.Ltmp3, $4  }
0x166: {  	[spmem:s26] =	stream.indirect.scatter.add.f32 [tilespmem:s15], [sflag:$0x3], $0x80, s14, s1, $0xb8;
	[tilespmem:$0x1FC00] =	vst v63  }
0x167: {  	_ =	swait.ge [sflag:s16], $0x4000  }
0x168: {  	[sflag:s16] =	ssyncset.done $0x0  }
0x169: {  	[sflag:s16] =	ssyncadd.s32 $0xFFFFC000  }
0x16a: {  	s12 =	stileid.u32  }
0x16b: {  	s0 =	smul.u32 $0x140, s12  }
0x16c: {  	v4 =	vlaneseq.u32  }
0x16d: {  	[bflag:$0x0] =	sbarrier.arrive $0xFFFF;
	s2 =	smul.u32 $0x28000, s12;
	v1 =	vor.u32 s0, v4;
	s1 =	sor.u32 $0x10, s0  }
0x16e: {  	s18 =	sor.u32 $0x20, s0;
	v2 =	vor.u32 s1, v4;
	[tilespmem:$0x14300] =	vst v1  }
0x16f: {  	s14 =	rddreg [dreg:$0x2];
	s19 =	sor.u32 $0x30, s0;
	s20 =	sshrl.u32 s2, $0x2;
	v1 =	vor.u32 s18, v4;
	[tilespmem:$0x14310] =	vst v2  }
0x170: {  	s2 =	sadd.s32 s20, s14;
	v2 =	vor.u32 s19, v4;
	[tilespmem:$0x14320] =	vst v1  }
0x171: {  	s21 =	simm.s32 $0x10280;
	s22 =	simm.s32 $0x3;
	[dreg:$0x7] =	wrdreg s2;
	[tilespmem:$0x14330] =	vst v2  }
0x172: {  	[tilespmem:s21], [sflag:$0x3] =	stream.linear.gather [spmem:s2], $0x2000, $0x38;
	[tilespmem:$0x1FC00] =	vst v63  }
0x173: {  	_ =	swait.ge [sflag:s22], $0x2000  }
0x174: {  	s4 =	simm.s32 $0x40;
	s5 =	simm.s32 $0x14300;
	[sflag:s22] =	ssyncset.done $0x0  }
0x175: {  	s3 =	simm.s32 $0x1;
	s13 =	rddreg [dreg:$0x6];
	[sflag:s22] =	ssyncadd.s32 $0xFFFFE000  }
0x176: {  	[hbm4b:s13+s4] =	stream.indirect.scatter [tilespmem:s21], [sflag:$0x1], $0x80, s5, s4, $0xb8;
	[tilespmem:$0x1FC00] =	vst v63  }
0x177: {  	_ =	swait.ge [sflag:s3], $0x2000  }
0x178: {  	s6 =	sadd.s32 $0x40, s0;
	[sflag:s3] =	ssyncset.done $0x0  }
0x179: {  	s11 =	sadd.s32 $0x50, s0;
	v1 =	vor.u32 s6, v4;
	[sflag:s3] =	ssyncadd.s32 $0xFFFFE000  }
0x17a: {  	s23 =	sadd.s32 $0x60, s0;
	v2 =	vor.u32 s11, v4;
	[tilespmem:$0x14300] =	vst v1  }
0x17b: {  	s24 =	sadd.s32 $0x70, s0;
	s6 =	sshll.u32 s6, $0x7;
	v1 =	vor.u32 s23, v4;
	[tilespmem:$0x14310] =	vst v2  }
0x17c: {  	s6 =	sadd.s32 s6, s14;
	v2 =	vor.u32 s24, v4;
	[tilespmem:$0x14320] =	vst v1  }
0x17d: {  	[dreg:$0xc] =	wrdreg s6;
	[tilespmem:$0x14330] =	vst v2  }
0x17e: {  	[tilespmem:s21], [sflag:$0x3] =	stream.linear.gather [spmem:s6], $0x2000, $0x38;
	[tilespmem:$0x1FC00] =	vst v63  }
0x17f: {  	_ =	swait.ge [sflag:s22], $0x2000  }
0x180: {  	[sflag:s22] =	ssyncset.done $0x0  }
0x181: {  	[sflag:s22] =	ssyncadd.s32 $0xFFFFE000  }
0x182: {  	[hbm4b:s13+s4] =	stream.indirect.scatter [tilespmem:s21], [sflag:$0x1], $0x80, s5, s4, $0xb8;
	[tilespmem:$0x1FC00] =	vst v63  }
0x183: {  	_ =	swait.ge [sflag:s3], $0x2000  }
0x184: {  	s25 =	sadd.s32 $0x80, s0;
	[sflag:s3] =	ssyncset.done $0x0  }
0x185: {  	s26 =	sadd.s32 $0x90, s0;
	v1 =	vor.u32 s25, v4;
	[sflag:s3] =	ssyncadd.s32 $0xFFFFE000  }
0x186: {  	s28 =	sadd.s32 $0xA0, s0;
	v2 =	vor.u32 s26, v4;
	[tilespmem:$0x14300] =	vst v1  }
0x187: {  	s29 =	sadd.s32 $0xB0, s0;
	s6 =	sshll.u32 s25, $0x7;
	v1 =	vor.u32 s28, v4;
	[tilespmem:$0x14310] =	vst v2  }
0x188: {  	s6 =	sadd.s32 s6, s14;
	v2 =	vor.u32 s29, v4;
	[tilespmem:$0x14320] =	vst v1  }
0x189: {  	[dreg:$0xd] =	wrdreg s6;
	[tilespmem:$0x14330] =	vst v2  }
0x18a: {  	[tilespmem:s21], [sflag:$0x3] =	stream.linear.gather [spmem:s6], $0x2000, $0x38;
	[tilespmem:$0x1FC00] =	vst v63  }
0x18b: {  	_ =	swait.ge [sflag:s22], $0x2000  }
0x18c: {  	[sflag:s22] =	ssyncset.done $0x0  }
0x18d: {  	[sflag:s22] =	ssyncadd.s32 $0xFFFFE000  }
0x18e: {  	[hbm4b:s13+s4] =	stream.indirect.scatter [tilespmem:s21], [sflag:$0x1], $0x80, s5, s4, $0xb8;
	[tilespmem:$0x1FC00] =	vst v63  }
0x18f: {  	_ =	swait.ge [sflag:s3], $0x2000  }
0x190: {  	s30 =	sadd.s32 $0xC0, s0;
	[sflag:s3] =	ssyncset.done $0x0  }
0x191: {  	s31 =	sadd.s32 $0xD0, s0;
	v1 =	vor.u32 s30, v4;
	[sflag:s3] =	ssyncadd.s32 $0xFFFFE000  }
0x192: {  	s15 =	sadd.s32 $0xE0, s0;
	v2 =	vor.u32 s31, v4;
	[tilespmem:$0x14300] =	vst v1  }
0x193: {  	s16 =	sadd.s32 $0xF0, s0;
	s6 =	sshll.u32 s30, $0x7;
	v1 =	vor.u32 s15, v4;
	[tilespmem:$0x14310] =	vst v2  }
0x194: {  	s6 =	sadd.s32 s6, s14;
	v2 =	vor.u32 s16, v4;
	[tilespmem:$0x14320] =	vst v1  }
0x195: {  	[dreg:$0xe] =	wrdreg s6;
	[tilespmem:$0x14330] =	vst v2  }
0x196: {  	[tilespmem:s21], [sflag:$0x3] =	stream.linear.gather [spmem:s6], $0x2000, $0x38;
	[tilespmem:$0x1FC00] =	vst v63  }
0x197: {  	_ =	swait.ge [sflag:s22], $0x2000  }
0x198: {  	[sflag:s22] =	ssyncset.done $0x0  }
0x199: {  	[sflag:s22] =	ssyncadd.s32 $0xFFFFE000  }
0x19a: {  	[hbm4b:s13+s4] =	stream.indirect.scatter [tilespmem:s21], [sflag:$0x1], $0x80, s5, s4, $0xb8;
	[tilespmem:$0x1FC00] =	vst v63  }
0x19b: {  	_ =	swait.ge [sflag:s3], $0x2000  }
0x19c: {  	s17 =	sadd.s32 $0x100, s0;
	[sflag:s3] =	ssyncset.done $0x0  }
0x19d: {  	s18 =	sadd.s32 $0x110, s0;
	v1 =	vor.u32 s17, v4;
	[sflag:s3] =	ssyncadd.s32 $0xFFFFE000  }
0x19e: {  	s19 =	sadd.s32 $0x120, s0;
	v2 =	vor.u32 s18, v4;
	[tilespmem:$0x14300] =	vst v1  }
0x19f: {  	s20 =	sadd.s32 $0x130, s0;
	s6 =	sshll.u32 s17, $0x7;
	v1 =	vor.u32 s19, v4;
	[tilespmem:$0x14310] =	vst v2  }
0x1a0: {  	s6 =	sadd.s32 s6, s14;
	v2 =	vor.u32 s20, v4;
	[tilespmem:$0x14320] =	vst v1  }
0x1a1: {  	[dreg:$0xf] =	wrdreg s6;
	[tilespmem:$0x14330] =	vst v2  }
0x1a2: {  	[tilespmem:s21], [sflag:$0x3] =	stream.linear.gather [spmem:s6], $0x2000, $0x38;
	[tilespmem:$0x1FC00] =	vst v63  }
0x1a3: {  	_ =	swait.ge [sflag:s22], $0x2000  }
0x1a4: {  	[sflag:s22] =	ssyncset.done $0x0  }
0x1a5: {  	[sflag:s22] =	ssyncadd.s32 $0xFFFFE000  }
0x1a6: {  	[hbm4b:s13+s4] =	stream.indirect.scatter [tilespmem:s21], [sflag:$0x1], $0x80, s5, s4, $0xb8;
	[tilespmem:$0x1FC00] =	vst v63  }
0x1a7: {  	p0 =	sgt.u32 s12, $0x9;
	_ =	swait.ge [sflag:s3], $0x2000  }
0x1a8: {  	s1 =	sshll.u32 s12, $0x6;
	v1 =	vlaneseq.u32 @!p0;
	[sflag:s3] =	ssyncset.done $0x0  }
0x1a9: {  	s2 =	sor.u32 @!p0 $0x10, s1;
	v2 =	vor.u32 @!p0 s1, v1;
	[sflag:s3] =	ssyncadd.s32 $0xFFFFE000  }
0x1aa: {  	v3 =	vor.u32 @!p0 s2, v1;
	s3 =	sor.u32 @!p0 $0x20, s1;
	[tilespmem:$0x14300] =	vst @!p0 v2  }
0x1ab: {  	s2 =	sor.u32 @!p0 $0x30, s1;
	s21 =	sshll.u32 s12, $0xD;
	v2 =	vor.u32 @!p0 s3, v1;
	[tilespmem:$0x14310] =	vst @!p0 v3;
	s22 =	rddreg [dreg:$0x3]  }
0x1ac: {  	s18 =	sadd.s32 $0x14C0, s0;
	v1 =	vor.u32 @!p0 s2, v1;
	[tilespmem:$0x14320] =	vst @!p0 v2;
	s3 =	sadd.s32 s21, s22  }
0x1ad: {  	s4 =	simm.s32 @!p0 $0x3;
	s2 =	simm.s32 @!p0 $0x10280;
	[tilespmem:$0x14330] =	vst @!p0 v1;
	[dreg:$0x10] =	wrdreg s3  }
0x1ae: {  	[tilespmem:s2], [sflag:$0x3] =	stream.linear.gather @!p0 [spmem:s3], $0x2000, $0x38;
	[tilespmem:$0x1FC00] =	vst v63  }
0x1af: {  	s19 =	sadd.s32 $0x14D0, s0;
	s20 =	sadd.s32 $0x14E0, s0;
	v1 =	vor.u32 s18, v4;
	_ =	swait.ge @!p0 [sflag:s4], $0x2000  }
0x1b0: {  	s13 =	simm.s32 @!p0 $0x14300;
	s21 =	sadd.s32 $0x14F0, s0;
	[sflag:s4] =	ssyncset.done @!p0 $0x0;
	[tilespmem:$0x1FF40] =	vst v1;
	v1 =	vor.u32 s19, v4  }
0x1b1: {  	s14 =	rddreg [dreg:$0x5];
	[sflag:s4] =	ssyncadd.s32 @!p0 $0xFFFFE000;
	s4 =	simm.s32 @!p0 $0x40;
	[tilespmem:$0x1FF50] =	vst v1  }
0x1b2: {  	v1 =	vor.u32 s20, v4;
	[hbm4b:s14+s4] =	stream.indirect.scatter @!p0 [tilespmem:s2], [sflag:$0x1], $0x80, s13, s4, $0xb8;
	[tilespmem:$0x1FC00] =	vst v63  }
0x1b3: {  	s15 =	sadd.s32 $0x14A0, s0;
	[tilespmem:$0x1FF60] =	vst v1;
	v1 =	vor.u32 s21, v4  }
0x1b4: {  	s23 =	sadd.s32 $0x1400, s0;
	v15 =	vor.u32 s15, v4;
	s15 =	simm.s32 @!p0 $0x1;
	s22 =	sadd.s32 $0x1500, s0;
	[tilespmem:$0x1FF70] =	vst v1  }
0x1b5: {  	s24 =	sadd.s32 $0x1410, s0;
	v21 =	vor.u32 s23, v4;
	s23 =	sadd.s32 $0x1510, s0;
	v1 =	vor.u32 s22, v4;
	_ =	swait.ge @!p0 [sflag:s15], $0x2000  }
0x1b6: {  	v22 =	vor.u32 s24, v4;
	s24 =	sadd.s32 $0x1520, s0;
	s25 =	sadd.s32 $0x1420, s0;
	[tilespmem:$0x1FF80] =	vst v1;
	v1 =	vor.u32 s23, v4  }
0x1b7: {  	s26 =	sadd.s32 $0x1430, s0;
	v23 =	vor.u32 s25, v4;
	s25 =	sadd.s32 $0x1530, s0;
	[tilespmem:$0x1FF90] =	vst v1;
	v1 =	vor.u32 s24, v4  }
0x1b8: {  	v24 =	vor.u32 s26, v4;
	s26 =	sadd.s32 $0x280, s1;
	s28 =	sadd.s32 $0x1440, s0;
	s29 =	sadd.s32 $0x1450, s0;
	[tilespmem:$0x1FFA0] =	vst v1;
	v1 =	vor.u32 s25, v4  }
0x1b9: {  	s31 =	sadd.s32 $0x1470, s0;
	v17 =	vor.u32 s28, v4;
	v18 =	vor.u32 s29, v4;
	s28 =	sadd.s32 $0x290, s1;
	s29 =	sadd.s32 $0x2A0, s1;
	[tilespmem:$0x1FFB0] =	vst v1;
	v1 =	vor.u32 s26, v4  }
0x1ba: {  	s30 =	sadd.s32 $0x1460, s0;
	s16 =	sadd.s32 $0x1490, s0;
	s17 =	sadd.s32 $0x14B0, s0;
	[tilespmem:$0x1FFC0] =	vst v1;
	v1 =	vor.u32 s28, v4  }
0x1bb: {  	s1 =	sadd.s32 $0x2B0, s1;
	s14 =	sadd.s32 $0x1480, s0;
	s0 =	simm.s32 $0x0;
	[tilespmem:$0x1FFD0] =	vst v1;
	v1 =	vor.u32 s29, v4  }
0x1bc: {  	v19 =	vor.u32 s30, v4;
	s30 =	sand.u32 $0xFE00, s0;
	[sflag:s15] =	ssyncset.done @!p0 $0x0;
	[tilespmem:$0x1FFE0] =	vst v1;
	v1 =	vor.u32 s1, v4  }
0x1bd: {  	v25 =	vimm.f32 $0.0e+00;
	v20 =	vor.u32 s31, v4;
	s31 =	sand.u32 $0x70, s0;
	s3 =	sshrl.u32 s30, $0x2;
	[sflag:s15] =	ssyncadd.s32 @!p0 $0xFFFFE000;
	[tilespmem:$0x1FFF0] =	vst v1  }
0x1be: {  	v14 =	vor.u32 s16, v4;
	v16 =	vor.u32 s17, v4;
	v13 =	vor.u32 s14, v4;
	s2 =	sor.u32 s31, s3;
	s1 =	simm.s32 $0x40;
	[bflag:$0x0] =	sbarrier.arrive $0xFFFF  }
.LBB2_9:
0x1bf: {  	p1 =	sne.s32 s1, $0xFFC0  }
0x1c0: {  	[tilespmem:s2+$0x10280] =	vst v25;
	s0 =	sadd.s32 $0x10, s0;
	s2 =	smov.u32 s1;
	s1 =	sadd.s32 $0x40, s1  }
.Ltmp4:
0x1c1: {  	(pc) =	sbr.rel @p1 .LBB2_9-.Ltmp4, $4  }
0x1c2: {  	_ = 	snop  }
0x1c3: {  	s2 =	sand.u32 $0xFE00, s2  }
0x1c4: {  	s3 =	sand.u32 $0x70, s0;
	s2 =	sshrl.u32 s2, $0x2  }
0x1c5: {  	s2 =	sor.u32 s3, s2  }
0x1c6: {  	[tilespmem:s2+$0x10280] =	vst v25;
	s21 =	simm.s32 $0x10280;
	s0 =	rddreg [dreg:$0x8];
	s12 =	simm.s32 $0x3  }
0x1c7: {  	[spmem:s0] =	stream.linear.scatter [tilespmem:s21], [sflag:$0x3], $0x4000, $0x38;
	[tilespmem:$0x1FC00] =	vst v63  }
0x1c8: {  	_ =	swait.ge [sflag:s12], $0x4000  }
0x1c9: {  	[sflag:s12] =	ssyncset.done $0x0  }
0x1ca: {  	s29 =	rddreg [dreg:$0x9];
	[sflag:s12] =	ssyncadd.s32 $0xFFFFC000  }
0x1cb: {  	[spmem:s29] =	stream.linear.scatter [tilespmem:s21], [sflag:$0x3], $0x4000, $0x38;
	[tilespmem:$0x1FC00] =	vst v63  }
0x1cc: {  	_ =	swait.ge [sflag:s12], $0x4000  }
0x1cd: {  	[sflag:s12] =	ssyncset.done $0x0  }
0x1ce: {  	s30 =	rddreg [dreg:$0xa];
	[sflag:s12] =	ssyncadd.s32 $0xFFFFC000  }
0x1cf: {  	[spmem:s30] =	stream.linear.scatter [tilespmem:s21], [sflag:$0x3], $0x2400, $0x38;
	[tilespmem:$0x1FC00] =	vst v63  }
0x1d0: {  	_ =	swait.ge [sflag:s12], $0x2400  }
0x1d1: {  	s13 =	simm.s32 $0x0;
	[sflag:s12] =	ssyncset.done $0x0  }
0x1d2: {  	s14 =	simm.s32 $0x80;
	s31 =	rddreg [dreg:$0xb];
	[sflag:s12] =	ssyncadd.s32 $0xFFFFDC00  }
0x1d3: {  	v27 =	vlaneseq.u32;
	[spmem:s31] =	stream.linear.scatter [tilespmem:s21], [sflag:$0x3], $0x1480, $0x38;
	[tilespmem:$0x1FC00] =	vst v63  }
0x1d4: {  	s16 =	simm.s32 $0x7280;
	s17 =	simm.s32 $0x7A80;
	v28 =	vimm.s32 $0x0;
	v29 =	vimm.s32 $0x1;
	v30 =	vimm.s32 $0x2;
	_ =	swait.ge [sflag:s12], $0x1480  }
0x1d5: {  	s18 =	simm.s32 $0x1;
	s19 =	simm.s32 $0x2;
	v31 =	vimm.s32 $0x3;
	v32 =	vimm.s32 $0x4;
	v33 =	vimm.s32 $0x5;
	[sflag:s12] =	ssyncset.done $0x0  }
0x1d6: {  	s20 =	simm.s32 $0x180;
	v34 =	vimm.s32 $0x6;
	v35 =	vimm.s32 $0x7;
	s3 =	simm.s32 $0x200;
	v26 =	vshrl.u32 v27, $0x3;
	[sflag:s12] =	ssyncadd.s32 $0xFFFFEB80  }
0x1d7: {  	s4 =	simm.s32 $0xC280;
	s6 =	simm.s32 $0x0;
	v25 =	vand.u32 $0x7, v27;
	v27 =	vor.u32 $0x8, v27;
	v26 =	vmul.u32 $0x8, v26;
	[bflag:$0x0] =	sbarrier.arrive $0xFFFF  }
.LBB2_11:
0x1d8: {  	s0 =	sadd.s32 s10, s6  }
0x1d9: {  	s1 =	rddreg [dreg:$0x0];
	s0 =	sshll.u32 s0, $0x4  }
0x1da: {  	s2 =	sadd.s32 s1, s0  }
0x1db: {  	[tilespmem:s13], [sflag:$0x3] =	stream.linear.gather [hbm4b:s2+s13], $0x80, $0x38;
	[tilespmem:$0x1FC00] =	vst v63  }
0x1dc: {  	_ =	swait.ge [sflag:s12], $0x80  }
0x1dd: {  	[sflag:s12] =	ssyncset.done $0x0  }
0x1de: {  	s0 =	sadd.s32 s7, s0;
	[sflag:s12] =	ssyncadd.s32 $0xFFFFFF80  }
0x1df: {  	[tilespmem:s14], [sflag:$0x3] =	stream.linear.gather [hbm4b:s0+s13], $0x80, $0x38;
	[tilespmem:$0x1FC00] =	vst v63  }
0x1e0: {  	_ =	swait.ge [sflag:s12], $0x80  }
0x1e1: {  	[sflag:s12] =	ssyncset.done $0x0  }
0x1e2: {  	[sflag:s12] =	ssyncadd.s32 $0xFFFFFF80  }
0x1e3: {  	v36 =	vld [tilespmem:$0x0];
	_ =	sdelay $0x4  }
0x1e4: {  	v37 =	vshll.u32 v36, $0x1  }
0x1e5: {  	v36 =	vand.u32 $0x7, v36;
	v37 =	vand.u32 $0xFFFFFFF0, v37  }
0x1e6: {  	v36 =	vor.u32 v36, v37  }
0x1e7: {  	v37 =	vperm.xlane v36, v25;
	_ =	sdelay $0x1  }
0x1e8: {  	v36 =	vperm.xlane v36, v27;
	v37 =	vadd.s32 v26, v37;
	_ =	sdelay $0x1  }
0x1e9: {  	v36 =	vadd.s32 v26, v36;
	_ =	sdelay $0x1  }
0x1ea: {  	s30 =	simm.s32 $0x280  }
0x1eb: {  	[tilespmem:s30], [sflag:$0x1] =	stream.indirect_vreg.gather [hbm4b:s8+s13], $0x80, v37, vm0, $0xb8;
	[tilespmem:$0x1FC00] =	vst v63  }
0x1ec: {  	s1 =	simm.s32 $0xA80  }
0x1ed: {  	[tilespmem:s1], [sflag:$0x1] =	stream.indirect_vreg.gather [hbm4b:s8+s13], $0x80, v36, vm0, $0xb8;
	[tilespmem:$0x1FC00] =	vst v63  }
0x1ee: {  	v36 =	vld [tilespmem:$0x10];
	_ =	sdelay $0x4  }
0x1ef: {  	v52 =	vshll.u32 v36, $0x1  }
0x1f0: {  	v36 =	vand.u32 $0x7, v36;
	v37 =	vand.u32 $0xFFFFFFF0, v52  }
0x1f1: {  	v36 =	vor.u32 v36, v37  }
0x1f2: {  	v37 =	vperm.xlane v36, v25;
	_ =	sdelay $0x1  }
0x1f3: {  	v36 =	vperm.xlane v36, v27;
	v37 =	vadd.s32 v26, v37;
	_ =	sdelay $0x1  }
0x1f4: {  	v36 =	vadd.s32 v26, v36;
	_ =	sdelay $0x1  }
0x1f5: {  	s2 =	simm.s32 $0x1280  }
0x1f6: {  	[tilespmem:s2], [sflag:$0x1] =	stream.indirect_vreg.gather [hbm4b:s8+s13], $0x80, v37, vm0, $0xb8;
	[tilespmem:$0x1FC00] =	vst v63  }
0x1f7: {  	s5 =	simm.s32 $0x1A80  }
0x1f8: {  	[tilespmem:s5], [sflag:$0x1] =	stream.indirect_vreg.gather [hbm4b:s8+s13], $0x80, v36, vm0, $0xb8;
	[tilespmem:$0x1FC00] =	vst v63  }
0x1f9: {  	v36 =	vld [tilespmem:$0x20];
	_ =	sdelay $0x4  }
0x1fa: {  	v53 =	vshll.u32 v36, $0x1  }
0x1fb: {  	v36 =	vand.u32 $0x7, v36;
	v37 =	vand.u32 $0xFFFFFFF0, v53  }
0x1fc: {  	v36 =	vor.u32 v36, v37  }
0x1fd: {  	v37 =	vperm.xlane v36, v25;
	_ =	sdelay $0x1  }
0x1fe: {  	v36 =	vperm.xlane v36, v27;
	v37 =	vadd.s32 v26, v37;
	_ =	sdelay $0x1  }
0x1ff: {  	v36 =	vadd.s32 v26, v36;
	_ =	sdelay $0x1  }
0x200: {  	s11 =	simm.s32 $0x2280  }
0x201: {  	[tilespmem:s11], [sflag:$0x1] =	stream.indirect_vreg.gather [hbm4b:s8+s13], $0x80, v37, vm0, $0xb8;
	[tilespmem:$0x1FC00] =	vst v63  }
0x202: {  	s15 =	simm.s32 $0x2A80  }
0x203: {  	[tilespmem:s15], [sflag:$0x1] =	stream.indirect_vreg.gather [hbm4b:s8+s13], $0x80, v36, vm0, $0xb8;
	[tilespmem:$0x1FC00] =	vst v63  }
0x204: {  	v36 =	vld [tilespmem:$0x30];
	_ =	sdelay $0x4  }
0x205: {  	v54 =	vshll.u32 v36, $0x1  }
0x206: {  	v36 =	vand.u32 $0x7, v36;
	v37 =	vand.u32 $0xFFFFFFF0, v54  }
0x207: {  	v36 =	vor.u32 v36, v37  }
0x208: {  	v37 =	vperm.xlane v36, v25;
	_ =	sdelay $0x1  }
0x209: {  	v36 =	vperm.xlane v36, v27;
	v37 =	vadd.s32 v26, v37;
	_ =	sdelay $0x1  }
0x20a: {  	v36 =	vadd.s32 v26, v36;
	_ =	sdelay $0x1  }
0x20b: {  	s22 =	simm.s32 $0x3280  }
0x20c: {  	[tilespmem:s22], [sflag:$0x1] =	stream.indirect_vreg.gather [hbm4b:s8+s13], $0x80, v37, vm0, $0xb8;
	[tilespmem:$0x1FC00] =	vst v63  }
0x20d: {  	s23 =	simm.s32 $0x3A80  }
0x20e: {  	[tilespmem:s23], [sflag:$0x1] =	stream.indirect_vreg.gather [hbm4b:s8+s13], $0x80, v36, vm0, $0xb8;
	[tilespmem:$0x1FC00] =	vst v63  }
0x20f: {  	v36 =	vld [tilespmem:$0x40];
	_ =	sdelay $0x4  }
0x210: {  	v55 =	vshll.u32 v36, $0x1  }
0x211: {  	v36 =	vand.u32 $0x7, v36;
	v37 =	vand.u32 $0xFFFFFFF0, v55  }
0x212: {  	v36 =	vor.u32 v36, v37  }
0x213: {  	v37 =	vperm.xlane v36, v25;
	_ =	sdelay $0x1  }
0x214: {  	v36 =	vperm.xlane v36, v27;
	v37 =	vadd.s32 v26, v37;
	_ =	sdelay $0x1  }
0x215: {  	v36 =	vadd.s32 v26, v36;
	_ =	sdelay $0x1  }
0x216: {  	s24 =	simm.s32 $0x4280  }
0x217: {  	[tilespmem:s24], [sflag:$0x1] =	stream.indirect_vreg.gather [hbm4b:s8+s13], $0x80, v37, vm0, $0xb8;
	[tilespmem:$0x1FC00] =	vst v63  }
0x218: {  	s25 =	simm.s32 $0x4A80  }
0x219: {  	[tilespmem:s25], [sflag:$0x1] =	stream.indirect_vreg.gather [hbm4b:s8+s13], $0x80, v36, vm0, $0xb8;
	[tilespmem:$0x1FC00] =	vst v63  }
0x21a: {  	v36 =	vld [tilespmem:$0x50];
	_ =	sdelay $0x4  }
0x21b: {  	v56 =	vshll.u32 v36, $0x1  }
0x21c: {  	v36 =	vand.u32 $0x7, v36;
	v37 =	vand.u32 $0xFFFFFFF0, v56  }
0x21d: {  	v36 =	vor.u32 v36, v37  }
0x21e: {  	v37 =	vperm.xlane v36, v25;
	_ =	sdelay $0x1  }
0x21f: {  	v36 =	vperm.xlane v36, v27;
	v37 =	vadd.s32 v26, v37;
	_ =	sdelay $0x1  }
0x220: {  	v36 =	vadd.s32 v26, v36;
	_ =	sdelay $0x1  }
0x221: {  	s26 =	simm.s32 $0x5280  }
0x222: {  	[tilespmem:s26], [sflag:$0x1] =	stream.indirect_vreg.gather [hbm4b:s8+s13], $0x80, v37, vm0, $0xb8;
	[tilespmem:$0x1FC00] =	vst v63  }
0x223: {  	s28 =	simm.s32 $0x5A80  }
0x224: {  	[tilespmem:s28], [sflag:$0x1] =	stream.indirect_vreg.gather [hbm4b:s8+s13], $0x80, v36, vm0, $0xb8;
	[tilespmem:$0x1FC00] =	vst v63  }
0x225: {  	v36 =	vld [tilespmem:$0x60];
	_ =	sdelay $0x4  }
0x226: {  	v57 =	vshll.u32 v36, $0x1  }
0x227: {  	v36 =	vand.u32 $0x7, v36;
	v37 =	vand.u32 $0xFFFFFFF0, v57  }
0x228: {  	v36 =	vor.u32 v36, v37  }
0x229: {  	v37 =	vperm.xlane v36, v25;
	_ =	sdelay $0x1  }
0x22a: {  	v36 =	vperm.xlane v36, v27;
	v37 =	vadd.s32 v26, v37;
	_ =	sdelay $0x1  }
0x22b: {  	v36 =	vadd.s32 v26, v36;
	_ =	sdelay $0x1  }
0x22c: {  	s29 =	simm.s32 $0x6280  }
0x22d: {  	[tilespmem:s29], [sflag:$0x1] =	stream.indirect_vreg.gather [hbm4b:s8+s13], $0x80, v37, vm0, $0xb8;
	[tilespmem:$0x1FC00] =	vst v63  }
0x22e: {  	s30 =	simm.s32 $0x6A80  }
0x22f: {  	[tilespmem:s30], [sflag:$0x1] =	stream.indirect_vreg.gather [hbm4b:s8+s13], $0x80, v36, vm0, $0xb8;
	[tilespmem:$0x1FC00] =	vst v63  }
0x230: {  	v36 =	vld [tilespmem:$0x70];
	_ =	sdelay $0x4  }
0x231: {  	v58 =	vshll.u32 v36, $0x1  }
0x232: {  	v36 =	vand.u32 $0x7, v36;
	v37 =	vand.u32 $0xFFFFFFF0, v58  }
0x233: {  	v36 =	vor.u32 v36, v37  }
0x234: {  	v37 =	vperm.xlane v36, v25;
	_ =	sdelay $0x1  }
0x235: {  	v36 =	vperm.xlane v36, v27;
	v37 =	vadd.s32 v26, v37;
	_ =	sdelay $0x1  }
0x236: {  	v36 =	vadd.s32 v26, v36;
	_ =	sdelay $0x2  }
0x237: {  	[tilespmem:s16], [sflag:$0x1] =	stream.indirect_vreg.gather [hbm4b:s8+s13], $0x80, v37, vm0, $0xb8;
	[tilespmem:$0x1FC00] =	vst v63  }
0x238: {  	_ = 	snop  }
0x239: {  	[tilespmem:s17], [sflag:$0x1] =	stream.indirect_vreg.gather [hbm4b:s8+s13], $0x80, v36, vm0, $0xb8;
	[tilespmem:$0x1FC00] =	vst v63  }
0x23a: {  	s0 =	simm.s32 $0x8280  }
0x23b: {  	[tilespmem:s0], [sflag:$0x2] =	stream.indirect.gather [hbm4b:s9+s14], $0x80, s14, s14, $0xb8;
	[tilespmem:$0x1FC00] =	vst v63  }
0x23c: {  	v36 =	vld [tilespmem:$0x80];
	_ =	sdelay $0x2  }
0x23d: {  	v60 =	vld [tilespmem:$0x80];
	_ =	sdelay $0x1  }
0x23e: {  	v36 =	vadd.s32 $0xFFFFEC00, v36  }
0x23f: {  	v59 =	vcvt.s32.f32 v36  }
0x240: {  	v61 =	vld [tilespmem:$0x90]  }
0x241: {  	v46 =	vld [tilespmem:$0xA0];
	v36 =	vshrl.u32 v60, $0x3;
	v38 =	vadd.f32 $1.000000000e+00, v59;
	v39 =	vsub.f32 $5.120000000e+03, v59  }
0x242: {  	v50 =	vld [tilespmem:$0xB0];
	v41 =	vadd.s32 $0xFFFFFD80, v36  }
0x243: {  	v42 =	vcvt.s32.f32 v41;
	v38 =	vmax.f32 v38, $0.0e+00;
	v39 =	vmax.f32 v39, $0.0e+00  }
0x244: {  	v38 =	vmin.f32 v38, $1.000000000e+00;
	v39 =	vmin.f32 v39, $1.000000000e+00  }
0x245: {  	v5 =	vadd.s32 $0xFFFFEC00, v61;
	v4 =	vadd.f32 $1.000000000e+00, v42;
	v38 =	vmul.f32 v39, v38  }
0x246: {  	v62 =	vld [tilespmem:$0x90];
	v46 =	vadd.s32 $0xFFFFEC00, v46;
	v44 =	vcvt.s32.f32 v5;
	v43 =	vsub.f32 $6.400000000e+02, v42  }
0x247: {  	v50 =	vadd.s32 $0xFFFFEC00, v50;
	v6 =	vmax.f32 v4, $0.0e+00;
	v40 =	vsub.f32 $1.000000000e+00, v38  }
0x248: {  	v8 =	vadd.f32 $1.000000000e+00, v44;
	v7 =	vmax.f32 v43, $0.0e+00;
	v39 =	vmin.f32 v6, $1.000000000e+00  }
0x249: {  	v37 =	vmul.f32 v59, v38;
	v63 =	vmul.f32 $5.120000000e+03, v40;
	v40 =	vmin.f32 v7, $1.000000000e+00  }
0x24a: {  	v50 =	vcvt.s32.f32 v50;
	v10 =	vsub.f32 $5.120000000e+03, v44;
	v39 =	vmul.f32 v40, v39  }
0x24b: {  	v11 =	vld [tilespmem:$0xA0];
	v40 =	vmax.f32 v8, $0.0e+00;
	v38 =	vadd.f32 v63, v37;
	v37 =	vshrl.u32 v62, $0x3  }
0x24c: {  	v9 =	vadd.s32 $0xFFFFFD80, v37;
	v43 =	vmul.f32 v42, v39;
	v39 =	vsub.f32 $1.000000000e+00, v39  }
0x24d: {  	v4 =	vadd.f32 $1.000000000e+00, v50;
	v54 =	vmin.f32 v40, $1.000000000e+00;
	v47 =	vcvt.s32.f32 v9  }
0x24e: {  	v41 =	vtrunc.f32 v38;
	v38 =	vmax.f32 v10, $0.0e+00;
	v45 =	vmul.f32 $6.400000000e+02, v39  }
0x24f: {  	v38 =	vmin.f32 v38, $1.000000000e+00;
	v41 =	vcvt.f32.s32 v41;
	v48 =	vadd.f32 $1.000000000e+00, v47  }
0x250: {  	v9 =	vld [tilespmem:$0xD0];
	v49 =	vsub.f32 $6.400000000e+02, v47;
	v51 =	vmul.f32 v38, v54;
	v38 =	vshrl.u32 v11, $0x3  }
0x251: {  	v42 =	vadd.s32 $0xFFFFFD80, v38;
	v43 =	vadd.f32 v45, v43;
	v55 =	vmax.f32 v48, $0.0e+00  }
0x252: {  	v56 =	vmax.f32 v49, $0.0e+00;
	v49 =	vcvt.s32.f32 v46;
	v52 =	vmul.f32 v44, v51  }
0x253: {  	v46 =	vcvt.s32.f32 v42;
	v42 =	vmax.f32 v4, $0.0e+00;
	v51 =	vsub.f32 $1.000000000e+00, v51  }
0x254: {  	v40 =	vmin.f32 v55, $1.000000000e+00;
	v48 =	vmin.f32 v56, $1.000000000e+00;
	v55 =	vsub.f32 $5.120000000e+03, v50  }
0x255: {  	v5 =	vmin.f32 v42, $1.000000000e+00;
	v42 =	vadd.s32 $0xFFFFEC00, v9;
	v43 =	vtrunc.f32 v43  }
0x256: {  	v63 =	vld [tilespmem:$0xC0];
	v48 =	vmul.f32 v48, v40;
	v57 =	vadd.f32 $1.000000000e+00, v49;
	v58 =	vsub.f32 $5.120000000e+03, v49  }
0x257: {  	v60 =	vadd.f32 $1.000000000e+00, v46;
	v53 =	vsub.f32 $6.400000000e+02, v46;
	v1 =	vcvt.s32.f32 v42  }
0x258: {  	v45 =	vmul.f32 $5.120000000e+03, v51;
	v43 =	vcvt.f32.s32 v43;
	v55 =	vmax.f32 v55, $0.0e+00  }
0x259: {  	v59 =	vld [tilespmem:$0xB0];
	v47 =	vmul.f32 v47, v48;
	v39 =	vmax.f32 v57, $0.0e+00;
	v40 =	vmax.f32 v58, $0.0e+00  }
0x25a: {  	v61 =	vmax.f32 v60, $0.0e+00;
	v62 =	vmax.f32 v53, $0.0e+00;
	v6 =	vmin.f32 v55, $1.000000000e+00  }
0x25b: {  	v53 =	vadd.s32 $0xFFFFEC00, v63;
	v9 =	vadd.f32 $1.000000000e+00, v1;
	v2 =	vsub.f32 $5.120000000e+03, v1  }
0x25c: {  	v48 =	vsub.f32 $1.000000000e+00, v48;
	v45 =	vadd.f32 v45, v52;
	v39 =	vmin.f32 v39, $1.000000000e+00  }
0x25d: {  	v40 =	vmin.f32 v40, $1.000000000e+00;
	v44 =	vmin.f32 v62, $1.000000000e+00;
	v53 =	vcvt.s32.f32 v53  }
0x25e: {  	v54 =	vmul.f32 v40, v39;
	v39 =	vshrl.u32 v59, $0x3;
	v40 =	vmin.f32 v61, $1.000000000e+00  }
0x25f: {  	v57 =	vld [tilespmem:$0xC0];
	v59 =	vmul.f32 v6, v5;
	v2 =	vmax.f32 v2, $0.0e+00;
	v48 =	vmul.f32 $6.400000000e+02, v48  }
0x260: {  	v45 =	vtrunc.f32 v45;
	v56 =	vadd.s32 $0xFFFFFD80, v39;
	v58 =	vmul.f32 v44, v40  }
0x261: {  	v62 =	vld [tilespmem:$0xD0];
	v10 =	vadd.f32 $1.000000000e+00, v53;
	v60 =	vsub.f32 $5.120000000e+03, v53;
	v45 =	vcvt.f32.s32 v45  }
0x262: {  	v2 =	vmin.f32 v2, $1.000000000e+00;
	v56 =	vcvt.s32.f32 v56;
	v49 =	vmul.f32 v49, v54  }
0x263: {  	v54 =	vsub.f32 $1.000000000e+00, v54;
	v47 =	vadd.f32 v48, v47;
	v50 =	vmul.f32 v50, v59  }
0x264: {  	v40 =	vshrl.u32 v57, $0x3;
	v11 =	vmax.f32 v10, $0.0e+00;
	v4 =	vmax.f32 v60, $0.0e+00  }
0x265: {  	v46 =	vmul.f32 v46, v58;
	v7 =	vadd.f32 $1.000000000e+00, v56;
	v8 =	vsub.f32 $6.400000000e+02, v56  }
0x266: {  	v61 =	vadd.s32 $0xFFFFFD80, v40;
	v57 =	vmin.f32 v4, $1.000000000e+00;
	v42 =	vshrl.u32 v62, $0x3  }
0x267: {  	v62 =	vmax.f32 v9, $0.0e+00;
	v47 =	vtrunc.f32 v47;
	v61 =	vcvt.s32.f32 v61  }
0x268: {  	v3 =	vadd.s32 $0xFFFFFD80, v42;
	v10 =	vmin.f32 v62, $1.000000000e+00;
	v47 =	vcvt.f32.s32 v47  }
0x269: {  	v9 =	vld [tilespmem:$0xF0];
	v44 =	vmax.f32 v7, $0.0e+00;
	v55 =	vmax.f32 v8, $0.0e+00;
	v3 =	vcvt.s32.f32 v3  }
0x26a: {  	v2 =	vmul.f32 v2, v10;
	v44 =	vmin.f32 v44, $1.000000000e+00;
	v55 =	vmin.f32 v55, $1.000000000e+00  }
0x26b: {  	v4 =	vld [tilespmem:$0xE0];
	v5 =	vadd.f32 $1.000000000e+00, v61;
	v63 =	vsub.f32 $6.400000000e+02, v61;
	v55 =	vmul.f32 v55, v44  }
0x26c: {  	v8 =	vld [tilespmem:$0xE0];
	v44 =	vmin.f32 v11, $1.000000000e+00;
	v11 =	vadd.f32 $1.000000000e+00, v3;
	v1 =	vmul.f32 v1, v2  }
0x26d: {  	v2 =	vsub.f32 $1.000000000e+00, v2;
	v57 =	vmul.f32 v57, v44;
	v6 =	vmax.f32 v5, $0.0e+00  }
0x26e: {  	v7 =	vmax.f32 v63, $0.0e+00;
	v5 =	vsub.f32 $6.400000000e+02, v3;
	v9 =	vshrl.u32 v9, $0x3  }
0x26f: {  	v44 =	vmin.f32 v6, $1.000000000e+00;
	v60 =	vmin.f32 v7, $1.000000000e+00;
	v62 =	vmax.f32 v11, $0.0e+00  }
0x270: {  	v12 =	vadd.s32 $0xFFFFFD80, v9;
	v52 =	vmul.f32 v56, v55;
	v2 =	vmul.f32 $5.120000000e+03, v2  }
0x271: {  	v6 =	vld [tilespmem:$0xF0];
	v60 =	vmul.f32 v60, v44;
	v63 =	vadd.s32 $0xFFFFEC00, v8;
	v44 =	vshrl.u32 v4, $0x3  }
0x272: {  	v5 =	vmax.f32 v5, $0.0e+00;
	v63 =	vcvt.s32.f32 v63;
	v8 =	vadd.s32 $0xFFFFFD80, v44  }
0x273: {  	v62 =	vmin.f32 v62, $1.000000000e+00;
	v12 =	vcvt.s32.f32 v12;
	v8 =	vcvt.s32.f32 v8  }
0x274: {  	v5 =	vmin.f32 v5, $1.000000000e+00;
	v4 =	vadd.f32 $1.000000000e+00, v63;
	v7 =	vsub.f32 $5.120000000e+03, v63  }
0x275: {  	v5 =	vmul.f32 v5, v62;
	v62 =	vadd.f32 $1.000000000e+00, v8;
	v10 =	vsub.f32 $6.400000000e+02, v8  }
0x276: {  	v6 =	vadd.s32 $0xFFFFEC00, v6;
	v4 =	vmax.f32 v4, $0.0e+00;
	v7 =	vmax.f32 v7, $0.0e+00  }
0x277: {  	v6 =	vcvt.s32.f32 v6;
	v4 =	vmin.f32 v4, $1.000000000e+00;
	v7 =	vmin.f32 v7, $1.000000000e+00  }
0x278: {  	v3 =	vmul.f32 v3, v5;
	v5 =	vsub.f32 $1.000000000e+00, v5;
	v4 =	vmul.f32 v7, v4  }
0x279: {  	v7 =	vmax.f32 v62, $0.0e+00;
	v62 =	vadd.f32 $1.000000000e+00, v6;
	v11 =	vsub.f32 $5.120000000e+03, v6  }
0x27a: {  	v1 =	vadd.f32 v2, v1;
	v10 =	vmax.f32 v10, $0.0e+00;
	v5 =	vmul.f32 $6.400000000e+02, v5  }
0x27b: {  	v10 =	vmin.f32 v10, $1.000000000e+00;
	v62 =	vmax.f32 v62, $0.0e+00;
	v11 =	vmax.f32 v11, $0.0e+00  }
0x27c: {  	v7 =	vmin.f32 v7, $1.000000000e+00;
	v62 =	vmin.f32 v62, $1.000000000e+00;
	v11 =	vmin.f32 v11, $1.000000000e+00  }
0x27d: {  	v7 =	vmul.f32 v10, v7;
	v10 =	vmul.f32 v11, v62;
	v62 =	vsub.f32 $6.400000000e+02, v12  }
0x27e: {  	v59 =	vsub.f32 $1.000000000e+00, v59;
	v61 =	vmul.f32 v61, v60;
	v1 =	vtrunc.f32 v1  }
0x27f: {  	v3 =	vadd.f32 v5, v3;
	v11 =	vadd.f32 $1.000000000e+00, v12;
	v62 =	vmax.f32 v62, $0.0e+00  }
0x280: {  	[tilespmem:$0x100] =	vst v36;
	v51 =	vmin.f32 v62, $1.000000000e+00;
	v62 =	vmul.f32 $5.120000000e+03, v54;
	v54 =	vsub.f32 $1.000000000e+00, v58  }
0x281: {  	[tilespmem:$0x110] =	vst v37;
	v1 =	vcvt.f32.s32 v1;
	v3 =	vtrunc.f32 v3;
	v11 =	vmax.f32 v11, $0.0e+00  }
0x282: {  	[tilespmem:$0x180] =	vst v41;
	v48 =	vadd.f32 v62, v49;
	v58 =	vmul.f32 $6.400000000e+02, v54;
	v62 =	vsub.f32 $1.000000000e+00, v55  }
0x283: {  	[tilespmem:$0x120] =	vst v38;
	v3 =	vcvt.f32.s32 v3;
	v6 =	vmul.f32 v6, v10;
	v11 =	vmin.f32 v11, $1.000000000e+00  }
0x284: {  	[tilespmem:$0x200] =	vst v43;
	v46 =	vadd.f32 v58, v46;
	v58 =	vmul.f32 $5.120000000e+03, v59;
	v59 =	vmul.f32 $6.400000000e+02, v62  }
0x285: {  	[tilespmem:$0x130] =	vst v39;
	v11 =	vmul.f32 v51, v11;
	v48 =	vtrunc.f32 v48;
	v62 =	vsub.f32 $1.000000000e+00, v57  }
0x286: {  	[tilespmem:$0x190] =	vst v45;
	v51 =	vmul.f32 v53, v57;
	v48 =	vcvt.f32.s32 v48;
	v36 =	vadd.f32 v59, v52  }
0x287: {  	[tilespmem:$0x140] =	vst v40;
	v56 =	vadd.f32 v58, v50;
	v57 =	vtrunc.f32 v46;
	v58 =	vmul.f32 $5.120000000e+03, v62  }
0x288: {  	[tilespmem:$0x150] =	vst v42;
	v62 =	vsub.f32 $1.000000000e+00, v60;
	v60 =	vmul.f32 v12, v11;
	v36 =	vtrunc.f32 v36  }
0x289: {  	[tilespmem:$0x210] =	vst v47;
	v43 =	vcvt.f32.s32 v57;
	v2 =	vcvt.f32.s32 v36  }
0x28a: {  	[tilespmem:$0x170] =	vst v9;
	v59 =	vtrunc.f32 v56;
	v56 =	vmul.f32 v63, v4;
	v4 =	vsub.f32 $1.000000000e+00, v4  }
0x28b: {  	v53 =	vmul.f32 $6.400000000e+02, v62;
	[tilespmem:$0x230] =	vst v2;
	v2 =	vmul.f32 v8, v7;
	v7 =	vsub.f32 $1.000000000e+00, v7  }
0x28c: {  	[tilespmem:$0x160] =	vst v44;
	v52 =	vadd.f32 v58, v51;
	v37 =	vcvt.f32.s32 v59;
	v4 =	vmul.f32 $5.120000000e+03, v4  }
0x28d: {  	[tilespmem:$0x1D0] =	vst v1;
	v59 =	vsub.f32 $1.000000000e+00, v10;
	v54 =	vadd.f32 v53, v61;
	v7 =	vmul.f32 $6.400000000e+02, v7  }
0x28e: {  	[tilespmem:$0x250] =	vst v3;
	v55 =	vtrunc.f32 v52;
	v61 =	vsub.f32 $1.000000000e+00, v11;
	v4 =	vadd.f32 v4, v56  }
0x28f: {  	[tilespmem:$0x1A0] =	vst v48;
	v57 =	vcvt.f32.s32 v55;
	v62 =	vmul.f32 $5.120000000e+03, v59;
	v2 =	vadd.f32 v7, v2  }
0x290: {  	[tilespmem:$0x220] =	vst v43;
	v63 =	vmul.f32 $6.400000000e+02, v61;
	v1 =	vtrunc.f32 v4  }
0x291: {  	[tilespmem:$0x1B0] =	vst v37;
	v3 =	vadd.f32 v62, v6;
	v1 =	vcvt.f32.s32 v1;
	v2 =	vtrunc.f32 v2  }
0x292: {  	v58 =	vtrunc.f32 v54;
	[tilespmem:$0x1C0] =	vst v57;
	v4 =	vadd.f32 v63, v60;
	v2 =	vcvt.f32.s32 v2  }
0x293: {  	v5 =	vcvt.f32.s32 v58;
	[tilespmem:$0x1E0] =	vst v1;
	v1 =	vtrunc.f32 v3  }
0x294: {  	v1 =	vcvt.f32.s32 v1;
	[tilespmem:$0x260] =	vst v2;
	v2 =	vtrunc.f32 v4  }
0x295: {  	[tilespmem:$0x240] =	vst v5;
	v2 =	vcvt.f32.s32 v2  }
0x296: {  	[tilespmem:$0x1F0] =	vst v1  }
0x297: {  	[tilespmem:$0x270] =	vst v2  }
0x298: {  	_ =	swait.ge [sflag:s18], $0x8000  }
0x299: {  	[sflag:s18] =	ssyncset.done $0x0  }
0x29a: {  	[sflag:s18] =	ssyncadd.s32 $0xFFFF8000  }
0x29b: {  	_ =	swait.ge [sflag:s19], $0x4000  }
0x29c: {  	s31 =	simm.s32 $0x0;
	s22 =	simm.s32 $0x102C0;
	[sflag:s19] =	ssyncset.done $0x0  }
0x29d: {  	s24 =	simm.s32 $0x0;
	s26 =	simm.s32 $0xC2C0;
	[sflag:s19] =	ssyncadd.s32 $0xFFFFC000  }
.LBB2_12:
0x29e: {  	s25 =	simm.s32 $0x0  }
0x29f: {  	s2 =	sand.u32 $0x7800, s31;
	s5 =	sand.u32 $0x380, s25  }
0x2a0: {  	v1 =	vld [tilespmem:s0+$0x0];
	s2 =	sor.u32 s5, s2  }
0x2a1: {  	v2 =	vld [tilespmem:s2+$0x680];
	_ =	sdelay $0x4  }
0x2a2: {  	v1 =	vadd.f32 v1, v2;
	_ =	sdelay $0x1  }
0x2a3: {  	v2 =	vmul.f32 $2.000000030e-01, v1  }
0x2a4: {  	vm1 =	vge.f32 v1, $0.0e+00  }
0x2a5: {  	v1 =	vsel vm1, v1, v2  }
0x2a6: {  	v1 =	vsub.f32 v1, v0;
	_ =	sdelay $0x1  }
0x2a7: {  	v1 =	vmul.f32 $1.442695020e+00, v1;
	_ =	sdelay $0x1  }
0x2a8: {  	(erf) = vpow2.f32 v1;
	_ =	sdelay $0x6  }
0x2a9: {  	v1 =	vld [tilespmem:s2+$0x280];
	_ =	sdelay $0x1  }
0x2aa: {  	v37 =	vpop (erf)  }
0x2ab: {  	v2 =	vperm.xlane v37, v28;
	_ =	sdelay $0x1  }
0x2ac: {  	v1 =	vmul.f32 v1, v2  }
0x2ad: {  	s23 =	sshll.u32 s24, $0x4  }
0x2ae: {  	v2 =	vld [tilespmem:s23+$0x80];
	[tilespmem:s22+$0xFFFFFFC0] =	vst v1  }
0x2af: {  	v1 =	vld [tilespmem:s2+$0x290];
	_ =	sdelay $0x2  }
0x2b0: {  	v3 =	vperm.xlane v37, v29;
	_ =	sdelay $0x1  }
0x2b1: {  	v1 =	vmul.f32 v1, v3;
	_ =	sdelay $0x1  }
0x2b2: {  	[tilespmem:s22+$0xFFFFFFD0] =	vst v1  }
0x2b3: {  	v1 =	vld [tilespmem:s2+$0x2A0];
	_ =	sdelay $0x2  }
0x2b4: {  	v3 =	vperm.xlane v37, v30;
	_ =	sdelay $0x1  }
0x2b5: {  	v1 =	vmul.f32 v1, v3;
	_ =	sdelay $0x1  }
0x2b6: {  	[tilespmem:s22+$0xFFFFFFE0] =	vst v1  }
0x2b7: {  	v1 =	vld [tilespmem:s2+$0x2B0];
	_ =	sdelay $0x2  }
0x2b8: {  	v3 =	vperm.xlane v37, v31;
	_ =	sdelay $0x1  }
0x2b9: {  	v1 =	vmul.f32 v1, v3;
	_ =	sdelay $0x1  }
0x2ba: {  	[tilespmem:s22+$0xFFFFFFF0] =	vst v1  }
0x2bb: {  	v1 =	vld [tilespmem:s2+$0x2C0];
	_ =	sdelay $0x2  }
0x2bc: {  	v3 =	vperm.xlane v37, v32;
	_ =	sdelay $0x1  }
0x2bd: {  	v1 =	vmul.f32 v1, v3;
	_ =	sdelay $0x1  }
0x2be: {  	[tilespmem:s22+$0x0] =	vst v1  }
0x2bf: {  	v1 =	vld [tilespmem:s2+$0x2D0];
	_ =	sdelay $0x2  }
0x2c0: {  	v3 =	vperm.xlane v37, v33;
	_ =	sdelay $0x1  }
0x2c1: {  	v2 =	vand.u32 $0x7, v2;
	v1 =	vmul.f32 v1, v3  }
0x2c2: {  	v36 =	vcvt.s32.f32 v2  }
0x2c3: {  	v2 =	vmov s25;
	[tilespmem:s22+$0x10] =	vst v1  }
0x2c4: {  	v1 =	vperm.xlane v36, v2;
	v2 =	vld [tilespmem:s2+$0x2E0];
	_ =	sdelay $0x2  }
0x2c5: {  	v5 =	vperm.xlane v37, v34;
	v3 =	vadd.f32 $-5.000000000e+00, v1;
	v4 =	vadd.f32 $-6.000000000e+00, v1  }
0x2c6: {  	v63 =	vperm.xlane v37, v35;
	v6 =	vadd.f32 $-2.000000000e+00, v1;
	v7 =	vadd.f32 $-4.000000000e+00, v1  }
0x2c7: {  	v8 =	vadd.f32 $-7.000000000e+00, v1;
	v61 =	vand.u32 $0x7FFFFFFF, v1;
	v2 =	vmul.f32 v2, v5  }
0x2c8: {  	v9 =	vadd.f32 $-3.000000000e+00, v1;
	v1 =	vadd.f32 $-1.000000000e+00, v1;
	v3 =	vand.u32 $0x7FFFFFFF, v3  }
0x2c9: {  	v43 =	vsub.f32 $1.000000000e+00, v61;
	v4 =	vand.u32 $0x7FFFFFFF, v4;
	v3 =	vsub.f32 $1.000000000e+00, v3;
	[tilespmem:s22+$0x20] =	vst v2  }
0x2ca: {  	v60 =	vand.u32 $0x7FFFFFFF, v7;
	v6 =	vand.u32 $0x7FFFFFFF, v6;
	v1 =	vand.u32 $0x7FFFFFFF, v1;
	v62 =	vld [tilespmem:s2+$0x2F0]  }
0x2cb: {  	v9 =	vand.u32 $0x7FFFFFFF, v9;
	v1 =	vsub.f32 $1.000000000e+00, v1;
	v3 =	vmax.f32 v3, $0.0e+00  }
0x2cc: {  	v2 =	vand.u32 $0x7FFFFFFF, v8;
	v38 =	vmul.f32 v37, v3;
	v3 =	vsub.f32 $1.000000000e+00, v6  }
0x2cd: {  	v4 =	vsub.f32 $1.000000000e+00, v4;
	v1 =	vmax.f32 v1, $0.0e+00;
	v2 =	vsub.f32 $1.000000000e+00, v2  }
0x2ce: {  	v5 =	vsub.f32 $1.000000000e+00, v60;
	v42 =	vmul.f32 v37, v1;
	v3 =	vmax.f32 v3, $0.0e+00  }
0x2cf: {  	v39 =	vmul.f32 v37, v3;
	v1 =	vmax.f32 v2, $0.0e+00;
	v3 =	vmul.f32 v62, v63  }
0x2d0: {  	s28 =	simm.s32 $0x1;
	s29 =	sadd.s32 $0x80, s26;
	s30 =	sadd.s32 $0x80, s22;
	v5 =	vmax.f32 v5, $0.0e+00;
	v2 =	vmax.f32 v4, $0.0e+00;
	v45 =	vmul.f32 v37, v1  }
0x2d1: {  	s15 =	smov.u32 s26;
	s5 =	smov.u32 s0;
	s23 =	smov.u32 s31;
	v41 =	vsub.f32 $1.000000000e+00, v9;
	v40 =	vmul.f32 v37, v5;
	v44 =	vmul.f32 v37, v2;
	[tilespmem:s22+$0x30] =	vst v3  }
.LBB2_13:
0x2d2: {  	[tilespmem:s15+$0x30] =	vst v45;
	s25 =	sadd.s32 $0x80, s25;
	s23 =	sadd.s32 $0x100, s23;
	s5 =	sadd.s32 $0x80, s5  }
0x2d3: {  	p1 =	sne.s32 s28, $0xF;
	v1 =	vmax.f32 v41, $0.0e+00;
	s1 =	smov.u32 s28;
	s28 =	sadd.s32 $0x1, s28;
	[tilespmem:s15+$0x20] =	vst v44  }
0x2d4: {  	v1 =	vmul.f32 v37, v1;
	[tilespmem:s15+$0x10] =	vst v38  }
0x2d5: {  	[tilespmem:s15+$0x0] =	vst v40  }
0x2d6: {  	v2 =	vmax.f32 v43, $0.0e+00;
	[tilespmem:s15+$0xFFFFFFF0] =	vst v1  }
0x2d7: {  	v1 =	vmul.f32 v37, v2;
	[tilespmem:s15+$0xFFFFFFE0] =	vst v39  }
0x2d8: {  	[tilespmem:s15+$0xFFFFFFD0] =	vst v42  }
0x2d9: {  	s2 =	sand.u32 $0x7800, s23;
	s11 =	sand.u32 $0x380, s25;
	[tilespmem:s15+$0xFFFFFFC0] =	vst v1;
	s15 =	smov.u32 s29  }
0x2da: {  	s2 =	sor.u32 s11, s2;
	v1 =	vld [tilespmem:s5+$0x0]  }
0x2db: {  	v2 =	vld [tilespmem:s2+$0x680];
	_ =	sdelay $0x4  }
0x2dc: {  	v1 =	vadd.f32 v1, v2;
	_ =	sdelay $0x1  }
0x2dd: {  	v2 =	vmul.f32 $2.000000030e-01, v1  }
0x2de: {  	vm1 =	vge.f32 v1, $0.0e+00  }
0x2df: {  	v1 =	vsel vm1, v1, v2  }
0x2e0: {  	v1 =	vsub.f32 v1, v0;
	_ =	sdelay $0x1  }
0x2e1: {  	v1 =	vmul.f32 $1.442695020e+00, v1;
	_ =	sdelay $0x1  }
0x2e2: {  	(erf) = vpow2.f32 v1  }
0x2e3: {  	v1 =	vmov s1  }
0x2e4: {  	v1 =	vperm.xlane v36, v1;
	_ =	sdelay $0x1  }
0x2e5: {  	v2 =	vand.u32 $0x7FFFFFFF, v1;
	v3 =	vadd.f32 $-5.000000000e+00, v1;
	v4 =	vadd.f32 $-6.000000000e+00, v1  }
0x2e6: {  	v5 =	vadd.f32 $-2.000000000e+00, v1;
	v6 =	vadd.f32 $-4.000000000e+00, v1  }
0x2e7: {  	v7 =	vadd.f32 $-7.000000000e+00, v1;
	v3 =	vand.u32 $0x7FFFFFFF, v3;
	v4 =	vand.u32 $0x7FFFFFFF, v4  }
0x2e8: {  	v6 =	vand.u32 $0x7FFFFFFF, v6;
	v3 =	vsub.f32 $1.000000000e+00, v3;
	v4 =	vsub.f32 $1.000000000e+00, v4;
	v8 =	vld [tilespmem:s2+$0x280]  }
0x2e9: {  	v9 =	vadd.f32 $-3.000000000e+00, v1;
	v7 =	vand.u32 $0x7FFFFFFF, v7;
	v6 =	vsub.f32 $1.000000000e+00, v6  }
0x2ea: {  	v5 =	vand.u32 $0x7FFFFFFF, v5;
	v7 =	vsub.f32 $1.000000000e+00, v7;
	v3 =	vmax.f32 v3, $0.0e+00;
	v37 =	vpop (erf)  }
0x2eb: {  	v9 =	vand.u32 $0x7FFFFFFF, v9;
	v10 =	vperm.xlane v37, v28;
	v38 =	vmul.f32 v37, v3  }
0x2ec: {  	v41 =	vsub.f32 $1.000000000e+00, v9;
	v3 =	vsub.f32 $1.000000000e+00, v5;
	v5 =	vmax.f32 v6, $0.0e+00  }
0x2ed: {  	v1 =	vadd.f32 $-1.000000000e+00, v1;
	v40 =	vmul.f32 v37, v5;
	v6 =	vmul.f32 v8, v10  }
0x2ee: {  	v43 =	vsub.f32 $1.000000000e+00, v2;
	v2 =	vmax.f32 v3, $0.0e+00  }
0x2ef: {  	v1 =	vand.u32 $0x7FFFFFFF, v1;
	v39 =	vmul.f32 v37, v2;
	[tilespmem:s30+$0xFFFFFFC0] =	vst v6  }
0x2f0: {  	v1 =	vsub.f32 $1.000000000e+00, v1;
	v2 =	vld [tilespmem:s2+$0x290];
	_ =	sdelay $0x1  }
0x2f1: {  	v1 =	vmax.f32 v1, $0.0e+00  }
0x2f2: {  	v42 =	vmul.f32 v37, v1;
	v3 =	vperm.xlane v37, v29;
	_ =	sdelay $0x1  }
0x2f3: {  	v1 =	vmul.f32 v2, v3;
	_ =	sdelay $0x1  }
0x2f4: {  	[tilespmem:s30+$0xFFFFFFD0] =	vst v1  }
0x2f5: {  	v1 =	vld [tilespmem:s2+$0x2A0];
	_ =	sdelay $0x2  }
0x2f6: {  	v2 =	vperm.xlane v37, v30;
	_ =	sdelay $0x1  }
0x2f7: {  	v1 =	vmul.f32 v1, v2;
	_ =	sdelay $0x1  }
0x2f8: {  	[tilespmem:s30+$0xFFFFFFE0] =	vst v1  }
0x2f9: {  	v1 =	vld [tilespmem:s2+$0x2B0];
	_ =	sdelay $0x2  }
0x2fa: {  	v2 =	vperm.xlane v37, v31;
	_ =	sdelay $0x1  }
0x2fb: {  	v1 =	vmul.f32 v1, v2;
	_ =	sdelay $0x1  }
0x2fc: {  	[tilespmem:s30+$0xFFFFFFF0] =	vst v1  }
0x2fd: {  	v1 =	vld [tilespmem:s2+$0x2C0];
	_ =	sdelay $0x2  }
0x2fe: {  	v2 =	vperm.xlane v37, v32;
	_ =	sdelay $0x1  }
0x2ff: {  	v1 =	vmul.f32 v1, v2;
	_ =	sdelay $0x1  }
0x300: {  	[tilespmem:s30+$0x0] =	vst v1  }
0x301: {  	v1 =	vld [tilespmem:s2+$0x2D0];
	_ =	sdelay $0x2  }
0x302: {  	v2 =	vperm.xlane v37, v33;
	_ =	sdelay $0x1  }
0x303: {  	v1 =	vmul.f32 v1, v2;
	_ =	sdelay $0x1  }
0x304: {  	[tilespmem:s30+$0x10] =	vst v1  }
0x305: {  	v1 =	vld [tilespmem:s2+$0x2E0];
	_ =	sdelay $0x2  }
0x306: {  	v2 =	vperm.xlane v37, v34;
	_ =	sdelay $0x1  }
0x307: {  	v1 =	vmul.f32 v1, v2;
	_ =	sdelay $0x1  }
0x308: {  	[tilespmem:s30+$0x20] =	vst v1  }
0x309: {  	v1 =	vld [tilespmem:s2+$0x2F0];
	_ =	sdelay $0x2  }
.Ltmp5:
0x30a: {  	v2 =	vperm.xlane v37, v35;
	(pc) =	sbr.rel @p1 .LBB2_13-.Ltmp5, $4  }
0x30b: {  	_ = 	snop  }
0x30c: {  	v1 =	vmul.f32 v1, v2;
	v2 =	vmax.f32 v7, $0.0e+00  }
0x30d: {  	v3 =	vmax.f32 v4, $0.0e+00;
	v45 =	vmul.f32 v37, v2  }
0x30e: {  	s29 =	sadd.s32 $0x80, s29;
	v44 =	vmul.f32 v37, v3;
	[tilespmem:s30+$0x30] =	vst v1;
	s30 =	sadd.s32 $0x80, s30  }
0x30f: {  	[tilespmem:s15+$0x30] =	vst v45  }
0x310: {  	[tilespmem:s15+$0x10] =	vst v38;
	s24 =	sadd.s32 $0x1, s24  }
0x311: {  	v1 =	vmax.f32 v41, $0.0e+00;
	[tilespmem:s15+$0x0] =	vst v40;
	p1 =	sne.s32 s24, $0x8  }
.Ltmp6:
0x312: {  	[tilespmem:s15+$0xFFFFFFE0] =	vst v39;
	v1 =	vmul.f32 v37, v1;
	(pc) =	sbr.rel @p1 .LBB2_12-.Ltmp6, $4  }
0x313: {  	v2 =	vmax.f32 v43, $0.0e+00;
	[tilespmem:s15+$0xFFFFFFD0] =	vst v42  }
0x314: {  	[tilespmem:s15+$0xFFFFFFF0] =	vst v1;
	v1 =	vmul.f32 v37, v2  }
0x315: {  	s31 =	sadd.s32 $0x1000, s31;
	[tilespmem:s15+$0x20] =	vst v44  }
0x316: {  	s0 =	sadd.s32 $0x800, s0;
	s26 =	sadd.s32 $0x800, s26;
	s22 =	sadd.s32 $0x800, s22;
	[tilespmem:s15+$0xFFFFFFC0] =	vst v1  }
0x317: {  	s0 =	rddreg [dreg:$0x2]  }
0x318: {  	[spmem:s0] =	stream.indirect.scatter.add.f32 [tilespmem:s21], [sflag:$0x3], $0x80, s20, s14, $0xb8;
	[tilespmem:$0x1FC00] =	vst v63  }
0x319: {  	_ =	swait.ge [sflag:s12], $0x4000  }
0x31a: {  	s6 =	sadd.s32 $0x1, s6;
	[sflag:s12] =	ssyncset.done $0x0  }
0x31b: {  	p1 =	sne.s32 s6, $0xA4;
	[sflag:s12] =	ssyncadd.s32 $0xFFFFC000  }
.Ltmp7:
0x31c: {  	s31 =	rddreg [dreg:$0x3];
	(pc) =	sbr.rel @p1 .LBB2_11-.Ltmp7, $4  }
0x31d: {  	[spmem:s31] =	stream.indirect.scatter.add.f32 [tilespmem:s4], [sflag:$0x3], $0x80, s3, s14, $0xb8;
	[tilespmem:$0x1FC00] =	vst v63  }
0x31e: {  	_ =	swait.ge [sflag:s12], $0x4000  }
0x31f: {  	[sflag:s12] =	ssyncset.done $0x0  }
0x320: {  	[sflag:s12] =	ssyncadd.s32 $0xFFFFC000  }
0x321: {  	[bflag:$0x0] =	sbarrier.arrive $0xFFFF  }
0x322: {  	[tilespmem:$0x14300] =	vst v21  }
0x323: {  	[tilespmem:$0x14310] =	vst v22  }
0x324: {  	[tilespmem:$0x14320] =	vst v23  }
0x325: {  	s0 =	simm.s32 $0x10280;
	s26 =	simm.s32 $0x3;
	[tilespmem:$0x14330] =	vst v24;
	s1 =	rddreg [dreg:$0x7]  }
0x326: {  	[tilespmem:s0], [sflag:$0x3] =	stream.linear.gather [spmem:s1], $0x2000, $0x38;
	[tilespmem:$0x1FC00] =	vst v63  }
0x327: {  	_ =	swait.ge [sflag:s26], $0x2000  }
0x328: {  	s2 =	simm.s32 $0x40;
	s3 =	simm.s32 $0x14300;
	[sflag:s26] =	ssyncset.done $0x0  }
0x329: {  	s4 =	simm.s32 $0x1;
	s5 =	rddreg [dreg:$0x6];
	[sflag:s26] =	ssyncadd.s32 $0xFFFFE000  }
0x32a: {  	[hbm4b:s5+s2] =	stream.indirect.scatter [tilespmem:s0], [sflag:$0x1], $0x80, s3, s2, $0xb8;
	[tilespmem:$0x1FC00] =	vst v63  }
0x32b: {  	_ =	swait.ge [sflag:s4], $0x2000  }
0x32c: {  	[sflag:s4] =	ssyncset.done $0x0  }
0x32d: {  	[sflag:s4] =	ssyncadd.s32 $0xFFFFE000  }
0x32e: {  	[tilespmem:$0x14300] =	vst v17  }
0x32f: {  	[tilespmem:$0x14310] =	vst v18  }
0x330: {  	[tilespmem:$0x14320] =	vst v19  }
0x331: {  	s6 =	rddreg [dreg:$0xc];
	[tilespmem:$0x14330] =	vst v20  }
0x332: {  	[tilespmem:s0], [sflag:$0x3] =	stream.linear.gather [spmem:s6], $0x2000, $0x38;
	[tilespmem:$0x1FC00] =	vst v63  }
0x333: {  	_ =	swait.ge [sflag:s26], $0x2000  }
0x334: {  	[sflag:s26] =	ssyncset.done $0x0  }
0x335: {  	[sflag:s26] =	ssyncadd.s32 $0xFFFFE000  }
0x336: {  	[hbm4b:s5+s2] =	stream.indirect.scatter [tilespmem:s0], [sflag:$0x1], $0x80, s3, s2, $0xb8;
	[tilespmem:$0x1FC00] =	vst v63  }
0x337: {  	_ =	swait.ge [sflag:s4], $0x2000  }
0x338: {  	[sflag:s4] =	ssyncset.done $0x0  }
0x339: {  	[sflag:s4] =	ssyncadd.s32 $0xFFFFE000  }
0x33a: {  	[tilespmem:$0x14300] =	vst v13  }
0x33b: {  	[tilespmem:$0x14310] =	vst v14  }
0x33c: {  	[tilespmem:$0x14320] =	vst v15  }
0x33d: {  	s28 =	rddreg [dreg:$0xd];
	[tilespmem:$0x14330] =	vst v16  }
0x33e: {  	[tilespmem:s0], [sflag:$0x3] =	stream.linear.gather [spmem:s28], $0x2000, $0x38;
	[tilespmem:$0x1FC00] =	vst v63  }
0x33f: {  	_ =	swait.ge [sflag:s26], $0x2000  }
0x340: {  	[sflag:s26] =	ssyncset.done $0x0  }
0x341: {  	[sflag:s26] =	ssyncadd.s32 $0xFFFFE000  }
0x342: {  	[hbm4b:s5+s2] =	stream.indirect.scatter [tilespmem:s0], [sflag:$0x1], $0x80, s3, s2, $0xb8;
	[tilespmem:$0x1FC00] =	vst v63  }
0x343: {  	_ =	swait.ge [sflag:s4], $0x2000  }
0x344: {  	v0 =	vld [tilespmem:$0x1FF40]  }
0x345: {  	v57 =	vld [tilespmem:$0x1FF50]  }
0x346: {  	v58 =	vld [tilespmem:$0x1FF60]  }
0x347: {  	[sflag:s4] =	ssyncset.done $0x0;
	v59 =	vld [tilespmem:$0x1FF70]  }
0x348: {  	[sflag:s4] =	ssyncadd.s32 $0xFFFFE000  }
0x349: {  	[tilespmem:$0x14300] =	vst v0  }
0x34a: {  	[tilespmem:$0x14310] =	vst v57  }
0x34b: {  	[tilespmem:$0x14320] =	vst v58  }
0x34c: {  	s29 =	rddreg [dreg:$0xe];
	[tilespmem:$0x14330] =	vst v59  }
0x34d: {  	[tilespmem:s0], [sflag:$0x3] =	stream.linear.gather [spmem:s29], $0x2000, $0x38;
	[tilespmem:$0x1FC00] =	vst v63  }
0x34e: {  	_ =	swait.ge [sflag:s26], $0x2000  }
0x34f: {  	[sflag:s26] =	ssyncset.done $0x0  }
0x350: {  	[sflag:s26] =	ssyncadd.s32 $0xFFFFE000  }
0x351: {  	[hbm4b:s5+s2] =	stream.indirect.scatter [tilespmem:s0], [sflag:$0x1], $0x80, s3, s2, $0xb8;
	[tilespmem:$0x1FC00] =	vst v63  }
0x352: {  	_ =	swait.ge [sflag:s4], $0x2000  }
0x353: {  	v60 =	vld [tilespmem:$0x1FF80]  }
0x354: {  	v61 =	vld [tilespmem:$0x1FF90]  }
0x355: {  	v62 =	vld [tilespmem:$0x1FFA0]  }
0x356: {  	[sflag:s4] =	ssyncset.done $0x0;
	v63 =	vld [tilespmem:$0x1FFB0]  }
0x357: {  	[sflag:s4] =	ssyncadd.s32 $0xFFFFE000  }
0x358: {  	[tilespmem:$0x14300] =	vst v60  }
0x359: {  	[tilespmem:$0x14310] =	vst v61  }
0x35a: {  	[tilespmem:$0x14320] =	vst v62  }
0x35b: {  	s30 =	rddreg [dreg:$0xf];
	[tilespmem:$0x14330] =	vst v63  }
0x35c: {  	[tilespmem:s0], [sflag:$0x3] =	stream.linear.gather [spmem:s30], $0x2000, $0x38;
	[tilespmem:$0x1FC00] =	vst v63  }
0x35d: {  	_ =	swait.ge [sflag:s26], $0x2000  }
0x35e: {  	[sflag:s26] =	ssyncset.done $0x0  }
0x35f: {  	[sflag:s26] =	ssyncadd.s32 $0xFFFFE000  }
0x360: {  	[hbm4b:s5+s2] =	stream.indirect.scatter [tilespmem:s0], [sflag:$0x1], $0x80, s3, s2, $0xb8;
	[tilespmem:$0x1FC00] =	vst v63  }
0x361: {  	_ =	swait.ge [sflag:s4], $0x2000  }
0x362: {  	v0 =	vld [tilespmem:$0x1FFC0];
	_ =	sdelay $0x2  }
0x363: {  	[sflag:s4] =	ssyncset.done $0x0  }
0x364: {  	[sflag:s4] =	ssyncadd.s32 $0xFFFFE000  }
0x365: {  	[tilespmem:$0x14300] =	vst @!p0 v0;
	v0 =	vld [tilespmem:$0x1FFD0];
	_ =	sdelay $0x4  }
0x366: {  	[tilespmem:$0x14310] =	vst @!p0 v0;
	v0 =	vld [tilespmem:$0x1FFE0];
	_ =	sdelay $0x4  }
0x367: {  	[tilespmem:$0x14320] =	vst @!p0 v0;
	v0 =	vld [tilespmem:$0x1FFF0];
	_ =	sdelay $0x4  }
0x368: {  	s0 =	simm.s32 @!p0 $0x10280;
	s1 =	rddreg [dreg:$0x10];
	[tilespmem:$0x14330] =	vst @!p0 v0  }
0x369: {  	[tilespmem:s0], [sflag:$0x3] =	stream.linear.gather @!p0 [spmem:s1], $0x2000, $0x38;
	[tilespmem:$0x1FC00] =	vst v63  }
0x36a: {  	s1 =	simm.s32 @!p0 $0x3  }
0x36b: {  	_ =	swait.ge @!p0 [sflag:s1], $0x2000  }
0x36c: {  	s2 =	simm.s32 @!p0 $0x14300;
	[sflag:s1] =	ssyncset.done @!p0 $0x0  }
0x36d: {  	s3 =	rddreg [dreg:$0x5];
	[sflag:s1] =	ssyncadd.s32 @!p0 $0xFFFFE000;
	s1 =	simm.s32 @!p0 $0x40  }
0x36e: {  	[hbm4b:s3+s1] =	stream.indirect.scatter @!p0 [tilespmem:s0], [sflag:$0x1], $0x80, s2, s1, $0xb8;
	[tilespmem:$0x1FC00] =	vst v63  }
0x36f: {  	s0 =	simm.s32 @!p0 $0x1  }
0x370: {  	_ =	swait.ge @!p0 [sflag:s0], $0x2000  }
0x371: {  	[sflag:s0] =	ssyncset.done @!p0 $0x0  }
0x372: {  	[sflag:s0] =	ssyncadd.s32 @!p0 $0xFFFFE000  }
0x373: {  	[bflag:$0x0] =	sbarrier.arrive $0xFFFF  }
0x374: {  	_ =	sfence.sel $0x180000  }
0x375: {  	[bflag:$0x0] =	sbarrier.arrive $0xFFFF  }
0x376: {  	_ =	strace $0x90000047  }
0x377: {  	s31 =	stileid.u32;
	[bflag:$0x2] =	sbarrier.arrive $0xFFFF  }
0x378: {  	p0 =	sne.s32 s31, $0x0;
	s0 =	rddreg [dreg:$0x4]  }
0x379: {  	s0 =	sadd.s32 @!p0 $0x100000, s0  }
0x37a: {  	[sflag:s0] =	ssyncadd.tile.s32 @!p0 $0x1;
	_ =	shalt  }
.Lfunc_end2:
_tile_overlayer_lowered:
.L_overlay_start_2:
0x37b: {  	(tag) =	ssettag $0x2  }
0x37c: {  	s0 =	rddreg [dreg:$0x0];
	s2 =	stileid.u32  }
0x37d: {  	s1 =	rddreg [dreg:$0x1];
	p0 =	sne.s32 s2, $0x0  }
0x37e: {  	s3 =	rddreg [dreg:$0x2];
	[bflag:$0x3] =	sbarrier.arrive $0xFFFF;
	s2 =	simm.s32 @!p0 $0x1C03  }
0x37f: {  	[timem:s3], [sflag:s2] =	dma.local @!p0 [hbm:s0], s1  }
0x380: {  	s0 =	simm.s32 @!p0 $0x3  }
0x381: {  	_ =	swait.ge @!p0 [sflag:s0], s1  }
0x382: {  	s1 =	ssub.s32 @!p0 $0x0, s1;
	[sflag:s0] =	ssyncset.done @!p0 $0x0  }
0x383: {  	[sflag:s0] =	ssyncadd.s32 @!p0 s1  }
0x384: {  	[bflag:$0x3] =	sbarrier.arrive $0xFFFF  }
0x385: {  	_ =	shalt  }

</sc_bundles>
